<compile_context>
chip_gen: v7x
topology: tpu7x:2x2x1
jax: 0.10.2.dev20260603
libtpu: 0.0.44.dev20260713+nightly
codegen_flags: <defaults>
</compile_context>

<pallas_src>
import jax
import jax.numpy as jnp
from jax import lax
from jax.experimental import pallas as pl
from jax.experimental.pallas import tpu as pltpu
from jax.experimental.pallas import tpu_sc as plsc

_B = 16384
_F = 26
_V = 100000
_D = 32
_GRP = _B // (16 * 8)


def _body(x_hbm, tab_hbm, out_hbm, row_v, buf_v, rsem, osem):
    d = lax.axis_index("c") * 16 + lax.axis_index("s")

    row_cp = pltpu.async_copy(tab_hbm.at[0, d], row_v, rsem)
    out_cp = None
    for f in range(_F):
        if out_cp is not None:
            out_cp.wait()
        pltpu.sync_copy(x_hbm.at[f], buf_v)
        row_cp.wait()

        @plsc.parallel_loop(0, _B, step=16, unroll=8)
        def gather16(i):
            sl = pl.ds(i, 16)
            iv = plsc.bitcast(buf_v[sl], jnp.int32)
            buf_v[sl] = plsc.load_gather(row_v, [iv])

        if f + 1 < _F:
            row_cp = pltpu.async_copy(tab_hbm.at[f + 1, d], row_v, rsem)
        out_cp = pltpu.async_copy(buf_v, out_hbm.at[f, d], osem)
    out_cp.wait()


@jax.jit
def kernel(x_cat, tables):
    x_t = jax.lax.bitcast_convert_type(x_cat.T, jnp.float32)
    tab_t = jnp.transpose(tables, (0, 2, 1))
    mesh = plsc.VectorSubcoreMesh(core_axis_name="c", subcore_axis_name="s")
    out = pl.kernel(
        _body,
        mesh=mesh,
        out_type=jax.ShapeDtypeStruct((_F, _D, _B), jnp.float32),
        scratch_types=[
            pltpu.VMEM((_V,), jnp.float32),
            pltpu.VMEM((_B,), jnp.float32),
            pltpu.SemaphoreType.DMA,
            pltpu.SemaphoreType.DMA,
        ],
        compiler_params=pltpu.CompilerParams(
            use_tc_tiling_on_sc=True, needs_layout_passes=False
        ),
    )(x_t, tab_t)
    return jnp.transpose(out, (2, 0, 1))

# --- scband reference (transcript-rebuilt; emitter-appended) ---
"""Pipeline reference for scband-flat-cat-embedding-model-18021682774099 (READ-ONLY COPY).

The authoritative reference and input builder live on the scoring server;
editing this copy changes nothing except your own understanding.
"""

import jax, jax.numpy as jnp
import numpy as np

B = 16384
F = 26
V = 100000
D = 32


def setup_inputs(seed: int = 0) -> dict:
    key = jax.random.key(seed)
    k1, k2 = jax.random.split(key)
    x_cat = jax.random.randint(k1, (B, F), 0, V, dtype=jnp.int32)
    # 26 embedding tables, each (V, D), stacked into one array [F, V, D]
    tables = jax.random.normal(k2, (F, V, D), dtype=jnp.float32) * 0.02
    return {"x_cat": x_cat, "tables": tables}


def reference(x_cat, tables):
    # For each field i, look up tables[i][x_cat[:, i]]; stack along dim=1.
    # Equivalent fused gather: index tables with (field_idx, x_cat).
    F_ = tables.shape[0]
    field_idx = jnp.arange(F_)[None, :]  # [1, F]
    out = tables[field_idx, x_cat]       # [B, F, D]
    return out

if __name__ == "__main__":
    import jax
    _d = setup_inputs()
    print(jax.jit(kernel)(*tuple(_d.values())))

</pallas_src>

<mosaic_0001>
#map = affine_map<(d0, d1) -> (0, 0)>
#map1 = affine_map<(d0, d1) -> (0, 0, 0)>
module attributes {stable_mosaic.version = 14 : i64} {
  func.func @_body(%arg0: i32, %arg1: i32, %arg2: memref<26x16384xf32, #tpu.memory_space<hbm>>, %arg3: memref<26x32x100000xf32, #tpu.memory_space<hbm>>, %arg4: memref<26x32x16384xf32, #tpu.memory_space<hbm>>, %arg5: memref<100000xf32, #tpu.memory_space<vmem>>, %arg6: memref<16384xf32, #tpu.memory_space<vmem>>, %arg7: memref<!tpu.dma_semaphore, #tpu.memory_space<semaphore_mem>>, %arg8: memref<!tpu.dma_semaphore, #tpu.memory_space<semaphore_mem>>) attributes {dimension_semantics = [#tpu.dimension_semantics<core_parallel>, #tpu.dimension_semantics<subcore_parallel>], iteration_bounds = array<i64: 2, 16>, scalar_prefetch = 0 : i64, scratch_operands = 4 : i64, tpu.core_type = #tpu.core_type<sc_vector_subcore>, window_params = [{transform_indices = #map}, {transform_indices = #map1}, {transform_indices = #map1}]} {
    %mul3A = arith.constant 16 : i32
    %mul3A_0 = arith.muli %arg0, %mul3A : i32
    %add3A = arith.addi %mul3A_0, %arg1 : i32
    %dma_start3A = arith.constant 0 : i32
    %dma_start3A_1 = arith.constant 0 : i32
    %dma_start3A_2 = tpu.memref_slice %arg3[%dma_start3A, %add3A, %dma_start3A_1] : memref<26x32x100000xf32, #tpu.memory_space<hbm>> -> memref<1x1x100000xf32, #tpu.memory_space<hbm>>
    %dma_start3A_3 = tpu.memref_squeeze %dma_start3A_2 : memref<1x1x100000xf32, #tpu.memory_space<hbm>> -> memref<100000xf32, #tpu.memory_space<hbm>>
    %dma_start3A_4 = arith.constant 0 : i32
    %dma_start3A_5 = tpu.memref_slice %arg3[%dma_start3A, %add3A, %dma_start3A_4] : memref<26x32x100000xf32, #tpu.memory_space<hbm>> -> memref<1x1x100000xf32, #tpu.memory_space<hbm>>
    %dma_start3A_6 = tpu.memref_squeeze %dma_start3A_5 : memref<1x1x100000xf32, #tpu.memory_space<hbm>> -> memref<100000xf32, #tpu.memory_space<hbm>>
    tpu.enqueue_dma source(%dma_start3A_6 : memref<100000xf32, #tpu.memory_space<hbm>>) target(%arg5 : memref<100000xf32, #tpu.memory_space<vmem>>) target_semaphore(%arg7 : memref<!tpu.dma_semaphore, #tpu.memory_space<semaphore_mem>>)
    %run_scoped3A = arith.constant 0 : i32
    "tpu.region"() ({
      %run_scoped3A_829 = tpu.sem_alloc : memref<!tpu.dma_semaphore, #tpu.memory_space<semaphore_mem>>
      %dma_start3A_830 = arith.constant 0 : i32
      %dma_start3A_831 = tpu.memref_slice %arg2[%run_scoped3A, %dma_start3A_830] : memref<26x16384xf32, #tpu.memory_space<hbm>> -> memref<1x16384xf32, #tpu.memory_space<hbm>>
      %dma_start3A_832 = tpu.memref_squeeze %dma_start3A_831 : memref<1x16384xf32, #tpu.memory_space<hbm>> -> memref<16384xf32, #tpu.memory_space<hbm>>
      %dma_start3A_833 = arith.constant 0 : i32
      %dma_start3A_834 = tpu.memref_slice %arg2[%run_scoped3A, %dma_start3A_833] : memref<26x16384xf32, #tpu.memory_space<hbm>> -> memref<1x16384xf32, #tpu.memory_space<hbm>>
      %dma_start3A_835 = tpu.memref_squeeze %dma_start3A_834 : memref<1x16384xf32, #tpu.memory_space<hbm>> -> memref<16384xf32, #tpu.memory_space<hbm>>
      tpu.enqueue_dma source(%dma_start3A_835 : memref<16384xf32, #tpu.memory_space<hbm>>) target(%arg6 : memref<16384xf32, #tpu.memory_space<vmem>>) target_semaphore(%run_scoped3A_829 : memref<!tpu.dma_semaphore, #tpu.memory_space<semaphore_mem>>)
      %dma_wait3A_836 = arith.constant 0 : i32
      %dma_wait3A_837 = tpu.memref_slice %arg2[%run_scoped3A, %dma_wait3A_836] : memref<26x16384xf32, #tpu.memory_space<hbm>> -> memref<1x16384xf32, #tpu.memory_space<hbm>>
      %dma_wait3A_838 = tpu.memref_squeeze %dma_wait3A_837 : memref<1x16384xf32, #tpu.memory_space<hbm>> -> memref<16384xf32, #tpu.memory_space<hbm>>
      %dma_wait3A_839 = arith.constant 0 : i32
      %dma_wait3A_840 = tpu.memref_slice %arg2[%run_scoped3A, %dma_wait3A_839] : memref<26x16384xf32, #tpu.memory_space<hbm>> -> memref<1x16384xf32, #tpu.memory_space<hbm>>
      %dma_wait3A_841 = tpu.memref_squeeze %dma_wait3A_840 : memref<1x16384xf32, #tpu.memory_space<hbm>> -> memref<16384xf32, #tpu.memory_space<hbm>>
      tpu.wait_dma2 semaphore(%run_scoped3A_829 : memref<!tpu.dma_semaphore, #tpu.memory_space<semaphore_mem>>) src(%dma_wait3A_841 : memref<16384xf32, #tpu.memory_space<hbm>>) dst(%arg6 : memref<16384xf32, #tpu.memory_space<vmem>>)
      tpu.yield
    }) : () -> ()
    %dma_wait3A = arith.constant 0 : i32
    %dma_wait3A_7 = arith.constant 0 : i32
    %dma_wait3A_8 = tpu.memref_slice %arg3[%dma_wait3A, %add3A, %dma_wait3A_7] : memref<26x32x100000xf32, #tpu.memory_space<hbm>> -> memref<1x1x100000xf32, #tpu.memory_space<hbm>>
    %dma_wait3A_9 = tpu.memref_squeeze %dma_wait3A_8 : memref<1x1x100000xf32, #tpu.memory_space<hbm>> -> memref<100000xf32, #tpu.memory_space<hbm>>
    %dma_wait3A_10 = arith.constant 0 : i32
    %dma_wait3A_11 = tpu.memref_slice %arg3[%dma_wait3A, %add3A, %dma_wait3A_10] : memref<26x32x100000xf32, #tpu.memory_space<hbm>> -> memref<1x1x100000xf32, #tpu.memory_space<hbm>>
    %dma_wait3A_12 = tpu.memref_squeeze %dma_wait3A_11 : memref<1x1x100000xf32, #tpu.memory_space<hbm>> -> memref<100000xf32, #tpu.memory_space<hbm>>
    tpu.wait_dma2 semaphore(%arg7 : memref<!tpu.dma_semaphore, #tpu.memory_space<semaphore_mem>>) src(%dma_wait3A_12 : memref<100000xf32, #tpu.memory_space<hbm>>) dst(%arg5 : memref<100000xf32, #tpu.memory_space<vmem>>)
    %parallel_loop3A = arith.constant 0 : i32
    %parallel_loop3A_13 = arith.constant 16384 : i32
    %parallel_loop3A_14 = arith.constant 16 : i32
    scf.for %parallel_loop3A_829 = %parallel_loop3A to %parallel_loop3A_13 step %parallel_loop3A_14  : i32 {
      %parallel_loop3A_830 = arith.index_cast %parallel_loop3A_829 : i32 to index
      %parallel_loop3A_831 = tpu.vector_load %arg6[%parallel_loop3A_830] {strides = array<i32>} : memref<16384xf32, #tpu.memory_space<vmem>>, vector<16xf32>,
      %parallel_loop3A_832 = vector.bitcast %parallel_loop3A_831 : vector<16xf32> to vector<16xi32>
      %parallel_loop3A_833 = tpu.vector_load_idx %arg5[%parallel_loop3A_832] : memref<100000xf32, #tpu.memory_space<vmem>>[vector<16xi32>], vector<16xf32>,
      %parallel_loop3A_834 = arith.index_cast %parallel_loop3A_829 : i32 to index
      %parallel_loop3A_835 = tpu.vector_load %arg6[%parallel_loop3A_834] {strides = array<i32>} : memref<16384xf32, #tpu.memory_space<vmem>>, vector<16xf32>,
      tpu.vector_store %arg6[%parallel_loop3A_834], %parallel_loop3A_833 {strides = array<i32>} : memref<16384xf32, #tpu.memory_space<vmem>>, vector<16xf32>,
    } {sc.loop_unroll_factor = 8 : i64, sc.parallel_access}
    %dma_start3A_15 = arith.constant 1 : i32
    %dma_start3A_16 = arith.constant 0 : i32
    %dma_start3A_17 = tpu.memref_slice %arg3[%dma_start3A_15, %add3A, %dma_start3A_16] : memref<26x32x100000xf32, #tpu.memory_space<hbm>> -> memref<1x1x100000xf32, #tpu.memory_space<hbm>>
    %dma_start3A_18 = tpu.memref_squeeze %dma_start3A_17 : memref<1x1x100000xf32, #tpu.memory_space<hbm>> -> memref<100000xf32, #tpu.memory_space<hbm>>
    %dma_start3A_19 = arith.constant 0 : i32
    %dma_start3A_20 = tpu.memref_slice %arg3[%dma_start3A_15, %add3A, %dma_start3A_19] : memref<26x32x100000xf32, #tpu.memory_space<hbm>> -> memref<1x1x100000xf32, #tpu.memory_space<hbm>>
    %dma_start3A_21 = tpu.memref_squeeze %dma_start3A_20 : memref<1x1x100000xf32, #tpu.memory_space<hbm>> -> memref<100000xf32, #tpu.memory_space<hbm>>
    tpu.enqueue_dma source(%dma_start3A_21 : memref<100000xf32, #tpu.memory_space<hbm>>) target(%arg5 : memref<100000xf32, #tpu.memory_space<vmem>>) target_semaphore(%arg7 : memref<!tpu.dma_semaphore, #tpu.memory_space<semaphore_mem>>)
    %dma_start3A_22 = arith.constant 0 : i32
    %dma_start3A_23 = arith.constant 0 : i32
    %dma_start3A_24 = tpu.memref_slice %arg4[%dma_start3A_22, %add3A, %dma_start3A_23] : memref<26x32x16384xf32, #tpu.memory_space<hbm>> -> memref<1x1x16384xf32, #tpu.memory_space<hbm>>
    %dma_start3A_25 = tpu.memref_squeeze %dma_start3A_24 : memref<1x1x16384xf32, #tpu.memory_space<hbm>> -> memref<16384xf32, #tpu.memory_space<hbm>>
    %dma_start3A_26 = arith.constant 0 : i32
    %dma_start3A_27 = tpu.memref_slice %arg4[%dma_start3A_22, %add3A, %dma_start3A_26] : memref<26x32x16384xf32, #tpu.memory_space<hbm>> -> memref<1x1x16384xf32, #tpu.memory_space<hbm>>
    %dma_start3A_28 = tpu.memref_squeeze %dma_start3A_27 : memref<1x1x16384xf32, #tpu.memory_space<hbm>> -> memref<16384xf32, #tpu.memory_space<hbm>>
    tpu.enqueue_dma source(%arg6 : memref<16384xf32, #tpu.memory_space<vmem>>) target(%dma_start3A_28 : memref<16384xf32, #tpu.memory_space<hbm>>) target_semaphore(%arg8 : memref<!tpu.dma_semaphore, #tpu.memory_space<semaphore_mem>>)
    %dma_wait3A_29 = arith.constant 0 : i32
    %dma_wait3A_30 = arith.constant 0 : i32
    %dma_wait3A_31 = tpu.memref_slice %arg4[%dma_wait3A_29, %add3A, %dma_wait3A_30] : memref<26x32x16384xf32, #tpu.memory_space<hbm>> -> memref<1x1x16384xf32, #tpu.memory_space<hbm>>
    %dma_wait3A_32 = tpu.memref_squeeze %dma_wait3A_31 : memref<1x1x16384xf32, #tpu.memory_space<hbm>> -> memref<16384xf32, #tpu.memory_space<hbm>>
    %dma_wait3A_33 = arith.constant 0 : i32
    %dma_wait3A_34 = tpu.memref_slice %arg4[%dma_wait3A_29, %add3A, %dma_wait3A_33] : memref<26x32x16384xf32, #tpu.memory_space<hbm>> -> memref<1x1x16384xf32, #tpu.memory_space<hbm>>
    %dma_wait3A_35 = tpu.memref_squeeze %dma_wait3A_34 : memref<1x1x16384xf32, #tpu.memory_space<hbm>> -> memref<16384xf32, #tpu.memory_space<hbm>>
    tpu.wait_dma2 semaphore(%arg8 : memref<!tpu.dma_semaphore, #tpu.memory_space<semaphore_mem>>) src(%arg6 : memref<16384xf32, #tpu.memory_space<vmem>>) dst(%dma_wait3A_35 : memref<16384xf32, #tpu.memory_space<hbm>>)
    %run_scoped3A_36 = arith.constant 1 : i32
    "tpu.region"() ({
      %run_scoped3A_829 = tpu.sem_alloc : memref<!tpu.dma_semaphore, #tpu.memory_space<semaphore_mem>>
      %dma_start3A_830 = arith.constant 0 : i32
      %dma_start3A_831 = tpu.memref_slice %arg2[%run_scoped3A_36, %dma_start3A_830] : memref<26x16384xf32, #tpu.memory_space<hbm>> -> memref<1x16384xf32, #tpu.memory_space<hbm>>
      %dma_start3A_832 = tpu.memref_squeeze %dma_start3A_831 : memref<1x16384xf32, #tpu.memory_space<hbm>> -> memref<16384xf32, #tpu.memory_space<hbm>>
      %dma_start3A_833 = arith.constant 0 : i32
      %dma_start3A_834 = tpu.memref_slice %arg2[%run_scoped3A_36, %dma_start3A_833] : memref<26x16384xf32, #tpu.memory_space<hbm>> -> memref<1x16384xf32, #tpu.memory_space<hbm>>
      %dma_start3A_835 = tpu.memref_squeeze %dma_start3A_834 : memref<1x16384xf32, #tpu.memory_space<hbm>> -> memref<16384xf32, #tpu.memory_space<hbm>>
      tpu.enqueue_dma source(%dma_start3A_835 : memref<16384xf32, #tpu.memory_space<hbm>>) target(%arg6 : memref<16384xf32, #tpu.memory_space<vmem>>) target_semaphore(%run_scoped3A_829 : memref<!tpu.dma_semaphore, #tpu.memory_space<semaphore_mem>>)
      %dma_wait3A_836 = arith.constant 0 : i32
      %dma_wait3A_837 = tpu.memref_slice %arg2[%run_scoped3A_36, %dma_wait3A_836] : memref<26x16384xf32, #tpu.memory_space<hbm>> -> memref<1x16384xf32, #tpu.memory_space<hbm>>
      %dma_wait3A_838 = tpu.memref_squeeze %dma_wait3A_837 : memref<1x16384xf32, #tpu.memory_space<hbm>> -> memref<16384xf32, #tpu.memory_space<hbm>>
      %dma_wait3A_839 = arith.constant 0 : i32
      %dma_wait3A_840 = tpu.memref_slice %arg2[%run_scoped3A_36, %dma_wait3A_839] : memref<26x16384xf32, #tpu.memory_space<hbm>> -> memref<1x16384xf32, #tpu.memory_space<hbm>>
      %dma_wait3A_841 = tpu.memref_squeeze %dma_wait3A_840 : memref<1x16384xf32, #tpu.memory_space<hbm>> -> memref<16384xf32, #tpu.memory_space<hbm>>
      tpu.wait_dma2 semaphore(%run_scoped3A_829 : memref<!tpu.dma_semaphore, #tpu.memory_space<semaphore_mem>>) src(%dma_wait3A_841 : memref<16384xf32, #tpu.memory_space<hbm>>) dst(%arg6 : memref<16384xf32, #tpu.memory_space<vmem>>)
      tpu.yield
    }) : () -> ()
    %dma_wait3A_37 = arith.constant 1 : i32
    %dma_wait3A_38 = arith.constant 0 : i32
    %dma_wait3A_39 = tpu.memref_slice %arg3[%dma_wait3A_37, %add3A, %dma_wait3A_38] : memref<26x32x100000xf32, #tpu.memory_space<hbm>> -> memref<1x1x100000xf32, #tpu.memory_space<hbm>>
    %dma_wait3A_40 = tpu.memref_squeeze %dma_wait3A_39 : memref<1x1x100000xf32, #tpu.memory_space<hbm>> -> memref<100000xf32, #tpu.memory_space<hbm>>
    %dma_wait3A_41 = arith.constant 0 : i32
    %dma_wait3A_42 = tpu.memref_slice %arg3[%dma_wait3A_37, %add3A, %dma_wait3A_41] : memref<26x32x100000xf32, #tpu.memory_space<hbm>> -> memref<1x1x100000xf32, #tpu.memory_space<hbm>>
    %dma_wait3A_43 = tpu.memref_squeeze %dma_wait3A_42 : memref<1x1x100000xf32, #tpu.memory_space<hbm>> -> memref<100000xf32, #tpu.memory_space<hbm>>
    tpu.wait_dma2 semaphore(%arg7 : memref<!tpu.dma_semaphore, #tpu.memory_space<semaphore_mem>>) src(%dma_wait3A_43 : memref<100000xf32, #tpu.memory_space<hbm>>) dst(%arg5 : memref<100000xf32, #tpu.memory_space<vmem>>)
    %parallel_loop3A_44 = arith.constant 0 : i32
    %parallel_loop3A_45 = arith.constant 16384 : i32
    %parallel_loop3A_46 = arith.constant 16 : i32
    scf.for %parallel_loop3A_829 = %parallel_loop3A_44 to %parallel_loop3A_45 step %parallel_loop3A_46  : i32 {
      %parallel_loop3A_830 = arith.index_cast %parallel_loop3A_829 : i32 to index
      %parallel_loop3A_831 = tpu.vector_load %arg6[%parallel_loop3A_830] {strides = array<i32>} : memref<16384xf32, #tpu.memory_space<vmem>>, vector<16xf32>,
      %parallel_loop3A_832 = vector.bitcast %parallel_loop3A_831 : vector<16xf32> to vector<16xi32>
      %parallel_loop3A_833 = tpu.vector_load_idx %arg5[%parallel_loop3A_832] : memref<100000xf32, #tpu.memory_space<vmem>>[vector<16xi32>], vector<16xf32>,
      %parallel_loop3A_834 = arith.index_cast %parallel_loop3A_829 : i32 to index
      %parallel_loop3A_835 = tpu.vector_load %arg6[%parallel_loop3A_834] {strides = array<i32>} : memref<16384xf32, #tpu.memory_space<vmem>>, vector<16xf32>,
      tpu.vector_store %arg6[%parallel_loop3A_834], %parallel_loop3A_833 {strides = array<i32>} : memref<16384xf32, #tpu.memory_space<vmem>>, vector<16xf32>,
    } {sc.loop_unroll_factor = 8 : i64, sc.parallel_access}
    %dma_start3A_47 = arith.constant 2 : i32
    %dma_start3A_48 = arith.constant 0 : i32
    %dma_start3A_49 = tpu.memref_slice %arg3[%dma_start3A_47, %add3A, %dma_start3A_48] : memref<26x32x100000xf32, #tpu.memory_space<hbm>> -> memref<1x1x100000xf32, #tpu.memory_space<hbm>>
    %dma_start3A_50 = tpu.memref_squeeze %dma_start3A_49 : memref<1x1x100000xf32, #tpu.memory_space<hbm>> -> memref<100000xf32, #tpu.memory_space<hbm>>
    %dma_start3A_51 = arith.constant 0 : i32
    %dma_start3A_52 = tpu.memref_slice %arg3[%dma_start3A_47, %add3A, %dma_start3A_51] : memref<26x32x100000xf32, #tpu.memory_space<hbm>> -> memref<1x1x100000xf32, #tpu.memory_space<hbm>>
    %dma_start3A_53 = tpu.memref_squeeze %dma_start3A_52 : memref<1x1x100000xf32, #tpu.memory_space<hbm>> -> memref<100000xf32, #tpu.memory_space<hbm>>
    tpu.enqueue_dma source(%dma_start3A_53 : memref<100000xf32, #tpu.memory_space<hbm>>) target(%arg5 : memref<100000xf32, #tpu.memory_space<vmem>>) target_semaphore(%arg7 : memref<!tpu.dma_semaphore, #tpu.memory_space<semaphore_mem>>)
    %dma_start3A_54 = arith.constant 1 : i32
    %dma_start3A_55 = arith.constant 0 : i32
    %dma_start3A_56 = tpu.memref_slice %arg4[%dma_start3A_54, %add3A, %dma_start3A_55] : memref<26x32x16384xf32, #tpu.memory_space<hbm>> -> memref<1x1x16384xf32, #tpu.memory_space<hbm>>
    %dma_start3A_57 = tpu.memref_squeeze %dma_start3A_56 : memref<1x1x16384xf32, #tpu.memory_space<hbm>> -> memref<16384xf32, #tpu.memory_space<hbm>>
    %dma_start3A_58 = arith.constant 0 : i32
    %dma_start3A_59 = tpu.memref_slice %arg4[%dma_start3A_54, %add3A, %dma_start3A_58] : memref<26x32x16384xf32, #tpu.memory_space<hbm>> -> memref<1x1x16384xf32, #tpu.memory_space<hbm>>
    %dma_start3A_60 = tpu.memref_squeeze %dma_start3A_59 : memref<1x1x16384xf32, #tpu.memory_space<hbm>> -> memref<16384xf32, #tpu.memory_space<hbm>>
    tpu.enqueue_dma source(%arg6 : memref<16384xf32, #tpu.memory_space<vmem>>) target(%dma_start3A_60 : memref<16384xf32, #tpu.memory_space<hbm>>) target_semaphore(%arg8 : memref<!tpu.dma_semaphore, #tpu.memory_space<semaphore_mem>>)
    %dma_wait3A_61 = arith.constant 1 : i32
    %dma_wait3A_62 = arith.constant 0 : i32
    %dma_wait3A_63 = tpu.memref_slice %arg4[%dma_wait3A_61, %add3A, %dma_wait3A_62] : memref<26x32x16384xf32, #tpu.memory_space<hbm>> -> memref<1x1x16384xf32, #tpu.memory_space<hbm>>
    %dma_wait3A_64 = tpu.memref_squeeze %dma_wait3A_63 : memref<1x1x16384xf32, #tpu.memory_space<hbm>> -> memref<16384xf32, #tpu.memory_space<hbm>>
    %dma_wait3A_65 = arith.constant 0 : i32
    %dma_wait3A_66 = tpu.memref_slice %arg4[%dma_wait3A_61, %add3A, %dma_wait3A_65] : memref<26x32x16384xf32, #tpu.memory_space<hbm>> -> memref<1x1x16384xf32, #tpu.memory_space<hbm>>
    %dma_wait3A_67 = tpu.memref_squeeze %dma_wait3A_66 : memref<1x1x16384xf32, #tpu.memory_space<hbm>> -> memref<16384xf32, #tpu.memory_space<hbm>>
    tpu.wait_dma2 semaphore(%arg8 : memref<!tpu.dma_semaphore, #tpu.memory_space<semaphore_mem>>) src(%arg6 : memref<16384xf32, #tpu.memory_space<vmem>>) dst(%dma_wait3A_67 : memref<16384xf32, #tpu.memory_space<hbm>>)
    %run_scoped3A_68 = arith.constant 2 : i32
    "tpu.region"() ({
      %run_scoped3A_829 = tpu.sem_alloc : memref<!tpu.dma_semaphore, #tpu.memory_space<semaphore_mem>>
      %dma_start3A_830 = arith.constant 0 : i32
      %dma_start3A_831 = tpu.memref_slice %arg2[%run_scoped3A_68, %dma_start3A_830] : memref<26x16384xf32, #tpu.memory_space<hbm>> -> memref<1x16384xf32, #tpu.memory_space<hbm>>
      %dma_start3A_832 = tpu.memref_squeeze %dma_start3A_831 : memref<1x16384xf32, #tpu.memory_space<hbm>> -> memref<16384xf32, #tpu.memory_space<hbm>>
      %dma_start3A_833 = arith.constant 0 : i32
      %dma_start3A_834 = tpu.memref_slice %arg2[%run_scoped3A_68, %dma_start3A_833] : memref<26x16384xf32, #tpu.memory_space<hbm>> -> memref<1x16384xf32, #tpu.memory_space<hbm>>
      %dma_start3A_835 = tpu.memref_squeeze %dma_start3A_834 : memref<1x16384xf32, #tpu.memory_space<hbm>> -> memref<16384xf32, #tpu.memory_space<hbm>>
      tpu.enqueue_dma source(%dma_start3A_835 : memref<16384xf32, #tpu.memory_space<hbm>>) target(%arg6 : memref<16384xf32, #tpu.memory_space<vmem>>) target_semaphore(%run_scoped3A_829 : memref<!tpu.dma_semaphore, #tpu.memory_space<semaphore_mem>>)
      %dma_wait3A_836 = arith.constant 0 : i32
      %dma_wait3A_837 = tpu.memref_slice %arg2[%run_scoped3A_68, %dma_wait3A_836] : memref<26x16384xf32, #tpu.memory_space<hbm>> -> memref<1x16384xf32, #tpu.memory_space<hbm>>
      %dma_wait3A_838 = tpu.memref_squeeze %dma_wait3A_837 : memref<1x16384xf32, #tpu.memory_space<hbm>> -> memref<16384xf32, #tpu.memory_space<hbm>>
      %dma_wait3A_839 = arith.constant 0 : i32
      %dma_wait3A_840 = tpu.memref_slice %arg2[%run_scoped3A_68, %dma_wait3A_839] : memref<26x16384xf32, #tpu.memory_space<hbm>> -> memref<1x16384xf32, #tpu.memory_space<hbm>>
      %dma_wait3A_841 = tpu.memref_squeeze %dma_wait3A_840 : memref<1x16384xf32, #tpu.memory_space<hbm>> -> memref<16384xf32, #tpu.memory_space<hbm>>
      tpu.wait_dma2 semaphore(%run_scoped3A_829 : memref<!tpu.dma_semaphore, #tpu.memory_space<semaphore_mem>>) src(%dma_wait3A_841 : memref<16384xf32, #tpu.memory_space<hbm>>) dst(%arg6 : memref<16384xf32, #tpu.memory_space<vmem>>)
      tpu.yield
    }) : () -> ()
    %dma_wait3A_69 = arith.constant 2 : i32
    %dma_wait3A_70 = arith.constant 0 : i32
    %dma_wait3A_71 = tpu.memref_slice %arg3[%dma_wait3A_69, %add3A, %dma_wait3A_70] : memref<26x32x100000xf32, #tpu.memory_space<hbm>> -> memref<1x1x100000xf32, #tpu.memory_space<hbm>>
    %dma_wait3A_72 = tpu.memref_squeeze %dma_wait3A_71 : memref<1x1x100000xf32, #tpu.memory_space<hbm>> -> memref<100000xf32, #tpu.memory_space<hbm>>
    %dma_wait3A_73 = arith.constant 0 : i32
    %dma_wait3A_74 = tpu.memref_slice %arg3[%dma_wait3A_69, %add3A, %dma_wait3A_73] : memref<26x32x100000xf32, #tpu.memory_space<hbm>> -> memref<1x1x100000xf32, #tpu.memory_space<hbm>>
    %dma_wait3A_75 = tpu.memref_squeeze %dma_wait3A_74 : memref<1x1x100000xf32, #tpu.memory_space<hbm>> -> memref<100000xf32, #tpu.memory_space<hbm>>
    tpu.wait_dma2 semaphore(%arg7 : memref<!tpu.dma_semaphore, #tpu.memory_space<semaphore_mem>>) src(%dma_wait3A_75 : memref<100000xf32, #tpu.memory_space<hbm>>) dst(%arg5 : memref<100000xf32, #tpu.memory_space<vmem>>)
    %parallel_loop3A_76 = arith.constant 0 : i32
    %parallel_loop3A_77 = arith.constant 16384 : i32
    %parallel_loop3A_78 = arith.constant 16 : i32
    scf.for %parallel_loop3A_829 = %parallel_loop3A_76 to %parallel_loop3A_77 step %parallel_loop3A_78  : i32 {
      %parallel_loop3A_830 = arith.index_cast %parallel_loop3A_829 : i32 to index
      %parallel_loop3A_831 = tpu.vector_load %arg6[%parallel_loop3A_830] {strides = array<i32>} : memref<16384xf32, #tpu.memory_space<vmem>>, vector<16xf32>,
      %parallel_loop3A_832 = vector.bitcast %parallel_loop3A_831 : vector<16xf32> to vector<16xi32>
      %parallel_loop3A_833 = tpu.vector_load_idx %arg5[%parallel_loop3A_832] : memref<100000xf32, #tpu.memory_space<vmem>>[vector<16xi32>], vector<16xf32>,
      %parallel_loop3A_834 = arith.index_cast %parallel_loop3A_829 : i32 to index
      %parallel_loop3A_835 = tpu.vector_load %arg6[%parallel_loop3A_834] {strides = array<i32>} : memref<16384xf32, #tpu.memory_space<vmem>>, vector<16xf32>,
      tpu.vector_store %arg6[%parallel_loop3A_834], %parallel_loop3A_833 {strides = array<i32>} : memref<16384xf32, #tpu.memory_space<vmem>>, vector<16xf32>,
    } {sc.loop_unroll_factor = 8 : i64, sc.parallel_access}
    %dma_start3A_79 = arith.constant 3 : i32
    %dma_start3A_80 = arith.constant 0 : i32
    %dma_start3A_81 = tpu.memref_slice %arg3[%dma_start3A_79, %add3A, %dma_start3A_80] : memref<26x32x100000xf32, #tpu.memory_space<hbm>> -> memref<1x1x100000xf32, #tpu.memory_space<hbm>>
    %dma_start3A_82 = tpu.memref_squeeze %dma_start3A_81 : memref<1x1x100000xf32, #tpu.memory_space<hbm>> -> memref<100000xf32, #tpu.memory_space<hbm>>
    %dma_start3A_83 = arith.constant 0 : i32
    %dma_start3A_84 = tpu.memref_slice %arg3[%dma_start3A_79, %add3A, %dma_start3A_83] : memref<26x32x100000xf32, #tpu.memory_space<hbm>> -> memref<1x1x100000xf32, #tpu.memory_space<hbm>>
    %dma_start3A_85 = tpu.memref_squeeze %dma_start3A_84 : memref<1x1x100000xf32, #tpu.memory_space<hbm>> -> memref<100000xf32, #tpu.memory_space<hbm>>
    tpu.enqueue_dma source(%dma_start3A_85 : memref<100000xf32, #tpu.memory_space<hbm>>) target(%arg5 : memref<100000xf32, #tpu.memory_space<vmem>>) target_semaphore(%arg7 : memref<!tpu.dma_semaphore, #tpu.memory_space<semaphore_mem>>)
    %dma_start3A_86 = arith.constant 2 : i32
    %dma_start3A_87 = arith.constant 0 : i32
    %dma_start3A_88 = tpu.memref_slice %arg4[%dma_start3A_86, %add3A, %dma_start3A_87] : memref<26x32x16384xf32, #tpu.memory_space<hbm>> -> memref<1x1x16384xf32, #tpu.memory_space<hbm>>
    %dma_start3A_89 = tpu.memref_squeeze %dma_start3A_88 : memref<1x1x16384xf32, #tpu.memory_space<hbm>> -> memref<16384xf32, #tpu.memory_space<hbm>>
    %dma_start3A_90 = arith.constant 0 : i32
    %dma_start3A_91 = tpu.memref_slice %arg4[%dma_start3A_86, %add3A, %dma_start3A_90] : memref<26x32x16384xf32, #tpu.memory_space<hbm>> -> memref<1x1x16384xf32, #tpu.memory_space<hbm>>
    %dma_start3A_92 = tpu.memref_squeeze %dma_start3A_91 : memref<1x1x16384xf32, #tpu.memory_space<hbm>> -> memref<16384xf32, #tpu.memory_space<hbm>>
    tpu.enqueue_dma source(%arg6 : memref<16384xf32, #tpu.memory_space<vmem>>) target(%dma_start3A_92 : memref<16384xf32, #tpu.memory_space<hbm>>) target_semaphore(%arg8 : memref<!tpu.dma_semaphore, #tpu.memory_space<semaphore_mem>>)
    %dma_wait3A_93 = arith.constant 2 : i32
    %dma_wait3A_94 = arith.constant 0 : i32
    %dma_wait3A_95 = tpu.memref_slice %arg4[%dma_wait3A_93, %add3A, %dma_wait3A_94] : memref<26x32x16384xf32, #tpu.memory_space<hbm>> -> memref<1x1x16384xf32, #tpu.memory_space<hbm>>
    %dma_wait3A_96 = tpu.memref_squeeze %dma_wait3A_95 : memref<1x1x16384xf32, #tpu.memory_space<hbm>> -> memref<16384xf32, #tpu.memory_space<hbm>>
    %dma_wait3A_97 = arith.constant 0 : i32
    %dma_wait3A_98 = tpu.memref_slice %arg4[%dma_wait3A_93, %add3A, %dma_wait3A_97] : memref<26x32x16384xf32, #tpu.memory_space<hbm>> -> memref<1x1x16384xf32, #tpu.memory_space<hbm>>
    %dma_wait3A_99 = tpu.memref_squeeze %dma_wait3A_98 : memref<1x1x16384xf32, #tpu.memory_space<hbm>> -> memref<16384xf32, #tpu.memory_space<hbm>>
    tpu.wait_dma2 semaphore(%arg8 : memref<!tpu.dma_semaphore, #tpu.memory_space<semaphore_mem>>) src(%arg6 : memref<16384xf32, #tpu.memory_space<vmem>>) dst(%dma_wait3A_99 : memref<16384xf32, #tpu.memory_space<hbm>>)
    %run_scoped3A_100 = arith.constant 3 : i32
    "tpu.region"() ({
      %run_scoped3A_829 = tpu.sem_alloc : memref<!tpu.dma_semaphore, #tpu.memory_space<semaphore_mem>>
      %dma_start3A_830 = arith.constant 0 : i32
      %dma_start3A_831 = tpu.memref_slice %arg2[%run_scoped3A_100, %dma_start3A_830] : memref<26x16384xf32, #tpu.memory_space<hbm>> -> memref<1x16384xf32, #tpu.memory_space<hbm>>
      %dma_start3A_832 = tpu.memref_squeeze %dma_start3A_831 : memref<1x16384xf32, #tpu.memory_space<hbm>> -> memref<16384xf32, #tpu.memory_space<hbm>>
      %dma_start3A_833 = arith.constant 0 : i32
      %dma_start3A_834 = tpu.memref_slice %arg2[%run_scoped3A_100, %dma_start3A_833] : memref<26x16384xf32, #tpu.memory_space<hbm>> -> memref<1x16384xf32, #tpu.memory_space<hbm>>
      %dma_start3A_835 = tpu.memref_squeeze %dma_start3A_834 : memref<1x16384xf32, #tpu.memory_space<hbm>> -> memref<16384xf32, #tpu.memory_space<hbm>>
      tpu.enqueue_dma source(%dma_start3A_835 : memref<16384xf32, #tpu.memory_space<hbm>>) target(%arg6 : memref<16384xf32, #tpu.memory_space<vmem>>) target_semaphore(%run_scoped3A_829 : memref<!tpu.dma_semaphore, #tpu.memory_space<semaphore_mem>>)
      %dma_wait3A_836 = arith.constant 0 : i32
      %dma_wait3A_837 = tpu.memref_slice %arg2[%run_scoped3A_100, %dma_wait3A_836] : memref<26x16384xf32, #tpu.memory_space<hbm>> -> memref<1x16384xf32, #tpu.memory_space<hbm>>
      %dma_wait3A_838 = tpu.memref_squeeze %dma_wait3A_837 : memref<1x16384xf32, #tpu.memory_space<hbm>> -> memref<16384xf32, #tpu.memory_space<hbm>>
      %dma_wait3A_839 = arith.constant 0 : i32
      %dma_wait3A_840 = tpu.memref_slice %arg2[%run_scoped3A_100, %dma_wait3A_839] : memref<26x16384xf32, #tpu.memory_space<hbm>> -> memref<1x16384xf32, #tpu.memory_space<hbm>>
      %dma_wait3A_841 = tpu.memref_squeeze %dma_wait3A_840 : memref<1x16384xf32, #tpu.memory_space<hbm>> -> memref<16384xf32, #tpu.memory_space<hbm>>
      tpu.wait_dma2 semaphore(%run_scoped3A_829 : memref<!tpu.dma_semaphore, #tpu.memory_space<semaphore_mem>>) src(%dma_wait3A_841 : memref<16384xf32, #tpu.memory_space<hbm>>) dst(%arg6 : memref<16384xf32, #tpu.memory_space<vmem>>)
      tpu.yield
    }) : () -> ()
    %dma_wait3A_101 = arith.constant 3 : i32
    %dma_wait3A_102 = arith.constant 0 : i32
    %dma_wait3A_103 = tpu.memref_slice %arg3[%dma_wait3A_101, %add3A, %dma_wait3A_102] : memref<26x32x100000xf32, #tpu.memory_space<hbm>> -> memref<1x1x100000xf32, #tpu.memory_space<hbm>>
    %dma_wait3A_104 = tpu.memref_squeeze %dma_wait3A_103 : memref<1x1x100000xf32, #tpu.memory_space<hbm>> -> memref<100000xf32, #tpu.memory_space<hbm>>
    %dma_wait3A_105 = arith.constant 0 : i32
    %dma_wait3A_106 = tpu.memref_slice %arg3[%dma_wait3A_101, %add3A, %dma_wait3A_105] : memref<26x32x100000xf32, #tpu.memory_space<hbm>> -> memref<1x1x100000xf32, #tpu.memory_space<hbm>>
    %dma_wait3A_107 = tpu.memref_squeeze %dma_wait3A_106 : memref<1x1x100000xf32, #tpu.memory_space<hbm>> -> memref<100000xf32, #tpu.memory_space<hbm>>
    tpu.wait_dma2 semaphore(%arg7 : memref<!tpu.dma_semaphore, #tpu.memory_space<semaphore_mem>>) src(%dma_wait3A_107 : memref<100000xf32, #tpu.memory_space<hbm>>) dst(%arg5 : memref<100000xf32, #tpu.memory_space<vmem>>)
    %parallel_loop3A_108 = arith.constant 0 : i32
    %parallel_loop3A_109 = arith.constant 16384 : i32
    %parallel_loop3A_110 = arith.constant 16 : i32
    scf.for %parallel_loop3A_829 = %parallel_loop3A_108 to %parallel_loop3A_109 step %parallel_loop3A_110  : i32 {
      %parallel_loop3A_830 = arith.index_cast %parallel_loop3A_829 : i32 to index
      %parallel_loop3A_831 = tpu.vector_load %arg6[%parallel_loop3A_830] {strides = array<i32>} : memref<16384xf32, #tpu.memory_space<vmem>>, vector<16xf32>,
      %parallel_loop3A_832 = vector.bitcast %parallel_loop3A_831 : vector<16xf32> to vector<16xi32>
      %parallel_loop3A_833 = tpu.vector_load_idx %arg5[%parallel_loop3A_832] : memref<100000xf32, #tpu.memory_space<vmem>>[vector<16xi32>], vector<16xf32>,
      %parallel_loop3A_834 = arith.index_cast %parallel_loop3A_829 : i32 to index
      %parallel_loop3A_835 = tpu.vector_load %arg6[%parallel_loop3A_834] {strides = array<i32>} : memref<16384xf32, #tpu.memory_space<vmem>>, vector<16xf32>,
      tpu.vector_store %arg6[%parallel_loop3A_834], %parallel_loop3A_833 {strides = array<i32>} : memref<16384xf32, #tpu.memory_space<vmem>>, vector<16xf32>,
    } {sc.loop_unroll_factor = 8 : i64, sc.parallel_access}
    %dma_start3A_111 = arith.constant 4 : i32
    %dma_start3A_112 = arith.constant 0 : i32
    %dma_start3A_113 = tpu.memref_slice %arg3[%dma_start3A_111, %add3A, %dma_start3A_112] : memref<26x32x100000xf32, #tpu.memory_space<hbm>> -> memref<1x1x100000xf32, #tpu.memory_space<hbm>>
    %dma_start3A_114 = tpu.memref_squeeze %dma_start3A_113 : memref<1x1x100000xf32, #tpu.memory_space<hbm>> -> memref<100000xf32, #tpu.memory_space<hbm>>
    %dma_start3A_115 = arith.constant 0 : i32
    %dma_start3A_116 = tpu.memref_slice %arg3[%dma_start3A_111, %add3A, %dma_start3A_115] : memref<26x32x100000xf32, #tpu.memory_space<hbm>> -> memref<1x1x100000xf32, #tpu.memory_space<hbm>>
    %dma_start3A_117 = tpu.memref_squeeze %dma_start3A_116 : memref<1x1x100000xf32, #tpu.memory_space<hbm>> -> memref<100000xf32, #tpu.memory_space<hbm>>
    tpu.enqueue_dma source(%dma_start3A_117 : memref<100000xf32, #tpu.memory_space<hbm>>) target(%arg5 : memref<100000xf32, #tpu.memory_space<vmem>>) target_semaphore(%arg7 : memref<!tpu.dma_semaphore, #tpu.memory_space<semaphore_mem>>)
    %dma_start3A_118 = arith.constant 3 : i32
    %dma_start3A_119 = arith.constant 0 : i32
    %dma_start3A_120 = tpu.memref_slice %arg4[%dma_start3A_118, %add3A, %dma_start3A_119] : memref<26x32x16384xf32, #tpu.memory_space<hbm>> -> memref<1x1x16384xf32, #tpu.memory_space<hbm>>
    %dma_start3A_121 = tpu.memref_squeeze %dma_start3A_120 : memref<1x1x16384xf32, #tpu.memory_space<hbm>> -> memref<16384xf32, #tpu.memory_space<hbm>>
    %dma_start3A_122 = arith.constant 0 : i32
    %dma_start3A_123 = tpu.memref_slice %arg4[%dma_start3A_118, %add3A, %dma_start3A_122] : memref<26x32x16384xf32, #tpu.memory_space<hbm>> -> memref<1x1x16384xf32, #tpu.memory_space<hbm>>
    %dma_start3A_124 = tpu.memref_squeeze %dma_start3A_123 : memref<1x1x16384xf32, #tpu.memory_space<hbm>> -> memref<16384xf32, #tpu.memory_space<hbm>>
    tpu.enqueue_dma source(%arg6 : memref<16384xf32, #tpu.memory_space<vmem>>) target(%dma_start3A_124 : memref<16384xf32, #tpu.memory_space<hbm>>) target_semaphore(%arg8 : memref<!tpu.dma_semaphore, #tpu.memory_space<semaphore_mem>>)
    %dma_wait3A_125 = arith.constant 3 : i32
    %dma_wait3A_126 = arith.constant 0 : i32
    %dma_wait3A_127 = tpu.memref_slice %arg4[%dma_wait3A_125, %add3A, %dma_wait3A_126] : memref<26x32x16384xf32, #tpu.memory_space<hbm>> -> memref<1x1x16384xf32, #tpu.memory_space<hbm>>
    %dma_wait3A_128 = tpu.memref_squeeze %dma_wait3A_127 : memref<1x1x16384xf32, #tpu.memory_space<hbm>> -> memref<16384xf32, #tpu.memory_space<hbm>>
    %dma_wait3A_129 = arith.constant 0 : i32
    %dma_wait3A_130 = tpu.memref_slice %arg4[%dma_wait3A_125, %add3A, %dma_wait3A_129] : memref<26x32x16384xf32, #tpu.memory_space<hbm>> -> memref<1x1x16384xf32, #tpu.memory_space<hbm>>
    %dma_wait3A_131 = tpu.memref_squeeze %dma_wait3A_130 : memref<1x1x16384xf32, #tpu.memory_space<hbm>> -> memref<16384xf32, #tpu.memory_space<hbm>>
    tpu.wait_dma2 semaphore(%arg8 : memref<!tpu.dma_semaphore, #tpu.memory_space<semaphore_mem>>) src(%arg6 : memref<16384xf32, #tpu.memory_space<vmem>>) dst(%dma_wait3A_131 : memref<16384xf32, #tpu.memory_space<hbm>>)
    %run_scoped3A_132 = arith.constant 4 : i32
    "tpu.region"() ({
      %run_scoped3A_829 = tpu.sem_alloc : memref<!tpu.dma_semaphore, #tpu.memory_space<semaphore_mem>>
      %dma_start3A_830 = arith.constant 0 : i32
      %dma_start3A_831 = tpu.memref_slice %arg2[%run_scoped3A_132, %dma_start3A_830] : memref<26x16384xf32, #tpu.memory_space<hbm>> -> memref<1x16384xf32, #tpu.memory_space<hbm>>
      %dma_start3A_832 = tpu.memref_squeeze %dma_start3A_831 : memref<1x16384xf32, #tpu.memory_space<hbm>> -> memref<16384xf32, #tpu.memory_space<hbm>>
      %dma_start3A_833 = arith.constant 0 : i32
      %dma_start3A_834 = tpu.memref_slice %arg2[%run_scoped3A_132, %dma_start3A_833] : memref<26x16384xf32, #tpu.memory_space<hbm>> -> memref<1x16384xf32, #tpu.memory_space<hbm>>
      %dma_start3A_835 = tpu.memref_squeeze %dma_start3A_834 : memref<1x16384xf32, #tpu.memory_space<hbm>> -> memref<16384xf32, #tpu.memory_space<hbm>>
      tpu.enqueue_dma source(%dma_start3A_835 : memref<16384xf32, #tpu.memory_space<hbm>>) target(%arg6 : memref<16384xf32, #tpu.memory_space<vmem>>) target_semaphore(%run_scoped3A_829 : memref<!tpu.dma_semaphore, #tpu.memory_space<semaphore_mem>>)
      %dma_wait3A_836 = arith.constant 0 : i32
      %dma_wait3A_837 = tpu.memref_slice %arg2[%run_scoped3A_132, %dma_wait3A_836] : memref<26x16384xf32, #tpu.memory_space<hbm>> -> memref<1x16384xf32, #tpu.memory_space<hbm>>
      %dma_wait3A_838 = tpu.memref_squeeze %dma_wait3A_837 : memref<1x16384xf32, #tpu.memory_space<hbm>> -> memref<16384xf32, #tpu.memory_space<hbm>>
      %dma_wait3A_839 = arith.constant 0 : i32
      %dma_wait3A_840 = tpu.memref_slice %arg2[%run_scoped3A_132, %dma_wait3A_839] : memref<26x16384xf32, #tpu.memory_space<hbm>> -> memref<1x16384xf32, #tpu.memory_space<hbm>>
      %dma_wait3A_841 = tpu.memref_squeeze %dma_wait3A_840 : memref<1x16384xf32, #tpu.memory_space<hbm>> -> memref<16384xf32, #tpu.memory_space<hbm>>
      tpu.wait_dma2 semaphore(%run_scoped3A_829 : memref<!tpu.dma_semaphore, #tpu.memory_space<semaphore_mem>>) src(%dma_wait3A_841 : memref<16384xf32, #tpu.memory_space<hbm>>) dst(%arg6 : memref<16384xf32, #tpu.memory_space<vmem>>)
      tpu.yield
    }) : () -> ()
    %dma_wait3A_133 = arith.constant 4 : i32
    %dma_wait3A_134 = arith.constant 0 : i32
    %dma_wait3A_135 = tpu.memref_slice %arg3[%dma_wait3A_133, %add3A, %dma_wait3A_134] : memref<26x32x100000xf32, #tpu.memory_space<hbm>> -> memref<1x1x100000xf32, #tpu.memory_space<hbm>>
    %dma_wait3A_136 = tpu.memref_squeeze %dma_wait3A_135 : memref<1x1x100000xf32, #tpu.memory_space<hbm>> -> memref<100000xf32, #tpu.memory_space<hbm>>
    %dma_wait3A_137 = arith.constant 0 : i32
    %dma_wait3A_138 = tpu.memref_slice %arg3[%dma_wait3A_133, %add3A, %dma_wait3A_137] : memref<26x32x100000xf32, #tpu.memory_space<hbm>> -> memref<1x1x100000xf32, #tpu.memory_space<hbm>>
    %dma_wait3A_139 = tpu.memref_squeeze %dma_wait3A_138 : memref<1x1x100000xf32, #tpu.memory_space<hbm>> -> memref<100000xf32, #tpu.memory_space<hbm>>
    tpu.wait_dma2 semaphore(%arg7 : memref<!tpu.dma_semaphore, #tpu.memory_space<semaphore_mem>>) src(%dma_wait3A_139 : memref<100000xf32, #tpu.memory_space<hbm>>) dst(%arg5 : memref<100000xf32, #tpu.memory_space<vmem>>)
    %parallel_loop3A_140 = arith.constant 0 : i32
    %parallel_loop3A_141 = arith.constant 16384 : i32
    %parallel_loop3A_142 = arith.constant 16 : i32
    scf.for %parallel_loop3A_829 = %parallel_loop3A_140 to %parallel_loop3A_141 step %parallel_loop3A_142  : i32 {
      %parallel_loop3A_830 = arith.index_cast %parallel_loop3A_829 : i32 to index
      %parallel_loop3A_831 = tpu.vector_load %arg6[%parallel_loop3A_830] {strides = array<i32>} : memref<16384xf32, #tpu.memory_space<vmem>>, vector<16xf32>,
      %parallel_loop3A_832 = vector.bitcast %parallel_loop3A_831 : vector<16xf32> to vector<16xi32>
      %parallel_loop3A_833 = tpu.vector_load_idx %arg5[%parallel_loop3A_832] : memref<100000xf32, #tpu.memory_space<vmem>>[vector<16xi32>], vector<16xf32>,
      %parallel_loop3A_834 = arith.index_cast %parallel_loop3A_829 : i32 to index
      %parallel_loop3A_835 = tpu.vector_load %arg6[%parallel_loop3A_834] {strides = array<i32>} : memref<16384xf32, #tpu.memory_space<vmem>>, vector<16xf32>,
      tpu.vector_store %arg6[%parallel_loop3A_834], %parallel_loop3A_833 {strides = array<i32>} : memref<16384xf32, #tpu.memory_space<vmem>>, vector<16xf32>,
    } {sc.loop_unroll_factor = 8 : i64, sc.parallel_access}
    %dma_start3A_143 = arith.constant 5 : i32
    %dma_start3A_144 = arith.constant 0 : i32
    %dma_start3A_145 = tpu.memref_slice %arg3[%dma_start3A_143, %add3A, %dma_start3A_144] : memref<26x32x100000xf32, #tpu.memory_space<hbm>> -> memref<1x1x100000xf32, #tpu.memory_space<hbm>>
    %dma_start3A_146 = tpu.memref_squeeze %dma_start3A_145 : memref<1x1x100000xf32, #tpu.memory_space<hbm>> -> memref<100000xf32, #tpu.memory_space<hbm>>
    %dma_start3A_147 = arith.constant 0 : i32
    %dma_start3A_148 = tpu.memref_slice %arg3[%dma_start3A_143, %add3A, %dma_start3A_147] : memref<26x32x100000xf32, #tpu.memory_space<hbm>> -> memref<1x1x100000xf32, #tpu.memory_space<hbm>>
    %dma_start3A_149 = tpu.memref_squeeze %dma_start3A_148 : memref<1x1x100000xf32, #tpu.memory_space<hbm>> -> memref<100000xf32, #tpu.memory_space<hbm>>
    tpu.enqueue_dma source(%dma_start3A_149 : memref<100000xf32, #tpu.memory_space<hbm>>) target(%arg5 : memref<100000xf32, #tpu.memory_space<vmem>>) target_semaphore(%arg7 : memref<!tpu.dma_semaphore, #tpu.memory_space<semaphore_mem>>)
    %dma_start3A_150 = arith.constant 4 : i32
    %dma_start3A_151 = arith.constant 0 : i32
    %dma_start3A_152 = tpu.memref_slice %arg4[%dma_start3A_150, %add3A, %dma_start3A_151] : memref<26x32x16384xf32, #tpu.memory_space<hbm>> -> memref<1x1x16384xf32, #tpu.memory_space<hbm>>
    %dma_start3A_153 = tpu.memref_squeeze %dma_start3A_152 : memref<1x1x16384xf32, #tpu.memory_space<hbm>> -> memref<16384xf32, #tpu.memory_space<hbm>>
    %dma_start3A_154 = arith.constant 0 : i32
    %dma_start3A_155 = tpu.memref_slice %arg4[%dma_start3A_150, %add3A, %dma_start3A_154] : memref<26x32x16384xf32, #tpu.memory_space<hbm>> -> memref<1x1x16384xf32, #tpu.memory_space<hbm>>
    %dma_start3A_156 = tpu.memref_squeeze %dma_start3A_155 : memref<1x1x16384xf32, #tpu.memory_space<hbm>> -> memref<16384xf32, #tpu.memory_space<hbm>>
    tpu.enqueue_dma source(%arg6 : memref<16384xf32, #tpu.memory_space<vmem>>) target(%dma_start3A_156 : memref<16384xf32, #tpu.memory_space<hbm>>) target_semaphore(%arg8 : memref<!tpu.dma_semaphore, #tpu.memory_space<semaphore_mem>>)
    %dma_wait3A_157 = arith.constant 4 : i32
    %dma_wait3A_158 = arith.constant 0 : i32
    %dma_wait3A_159 = tpu.memref_slice %arg4[%dma_wait3A_157, %add3A, %dma_wait3A_158] : memref<26x32x16384xf32, #tpu.memory_space<hbm>> -> memref<1x1x16384xf32, #tpu.memory_space<hbm>>
    %dma_wait3A_160 = tpu.memref_squeeze %dma_wait3A_159 : memref<1x1x16384xf32, #tpu.memory_space<hbm>> -> memref<16384xf32, #tpu.memory_space<hbm>>
    %dma_wait3A_161 = arith.constant 0 : i32
    %dma_wait3A_162 = tpu.memref_slice %arg4[%dma_wait3A_157, %add3A, %dma_wait3A_161] : memref<26x32x16384xf32, #tpu.memory_space<hbm>> -> memref<1x1x16384xf32, #tpu.memory_space<hbm>>
    %dma_wait3A_163 = tpu.memref_squeeze %dma_wait3A_162 : memref<1x1x16384xf32, #tpu.memory_space<hbm>> -> memref<16384xf32, #tpu.memory_space<hbm>>
    tpu.wait_dma2 semaphore(%arg8 : memref<!tpu.dma_semaphore, #tpu.memory_space<semaphore_mem>>) src(%arg6 : memref<16384xf32, #tpu.memory_space<vmem>>) dst(%dma_wait3A_163 : memref<16384xf32, #tpu.memory_space<hbm>>)
    %run_scoped3A_164 = arith.constant 5 : i32
    "tpu.region"() ({
      %run_scoped3A_829 = tpu.sem_alloc : memref<!tpu.dma_semaphore, #tpu.memory_space<semaphore_mem>>
      %dma_start3A_830 = arith.constant 0 : i32
      %dma_start3A_831 = tpu.memref_slice %arg2[%run_scoped3A_164, %dma_start3A_830] : memref<26x16384xf32, #tpu.memory_space<hbm>> -> memref<1x16384xf32, #tpu.memory_space<hbm>>
      %dma_start3A_832 = tpu.memref_squeeze %dma_start3A_831 : memref<1x16384xf32, #tpu.memory_space<hbm>> -> memref<16384xf32, #tpu.memory_space<hbm>>
      %dma_start3A_833 = arith.constant 0 : i32
      %dma_start3A_834 = tpu.memref_slice %arg2[%run_scoped3A_164, %dma_start3A_833] : memref<26x16384xf32, #tpu.memory_space<hbm>> -> memref<1x16384xf32, #tpu.memory_space<hbm>>
      %dma_start3A_835 = tpu.memref_squeeze %dma_start3A_834 : memref<1x16384xf32, #tpu.memory_space<hbm>> -> memref<16384xf32, #tpu.memory_space<hbm>>
      tpu.enqueue_dma source(%dma_start3A_835 : memref<16384xf32, #tpu.memory_space<hbm>>) target(%arg6 : memref<16384xf32, #tpu.memory_space<vmem>>) target_semaphore(%run_scoped3A_829 : memref<!tpu.dma_semaphore, #tpu.memory_space<semaphore_mem>>)
      %dma_wait3A_836 = arith.constant 0 : i32
      %dma_wait3A_837 = tpu.memref_slice %arg2[%run_scoped3A_164, %dma_wait3A_836] : memref<26x16384xf32, #tpu.memory_space<hbm>> -> memref<1x16384xf32, #tpu.memory_space<hbm>>
      %dma_wait3A_838 = tpu.memref_squeeze %dma_wait3A_837 : memref<1x16384xf32, #tpu.memory_space<hbm>> -> memref<16384xf32, #tpu.memory_space<hbm>>
      %dma_wait3A_839 = arith.constant 0 : i32
      %dma_wait3A_840 = tpu.memref_slice %arg2[%run_scoped3A_164, %dma_wait3A_839] : memref<26x16384xf32, #tpu.memory_space<hbm>> -> memref<1x16384xf32, #tpu.memory_space<hbm>>
      %dma_wait3A_841 = tpu.memref_squeeze %dma_wait3A_840 : memref<1x16384xf32, #tpu.memory_space<hbm>> -> memref<16384xf32, #tpu.memory_space<hbm>>
      tpu.wait_dma2 semaphore(%run_scoped3A_829 : memref<!tpu.dma_semaphore, #tpu.memory_space<semaphore_mem>>) src(%dma_wait3A_841 : memref<16384xf32, #tpu.memory_space<hbm>>) dst(%arg6 : memref<16384xf32, #tpu.memory_space<vmem>>)
      tpu.yield
    }) : () -> ()
    %dma_wait3A_165 = arith.constant 5 : i32
    %dma_wait3A_166 = arith.constant 0 : i32
    %dma_wait3A_167 = tpu.memref_slice %arg3[%dma_wait3A_165, %add3A, %dma_wait3A_166] : memref<26x32x100000xf32, #tpu.memory_space<hbm>> -> memref<1x1x100000xf32, #tpu.memory_space<hbm>>
    %dma_wait3A_168 = tpu.memref_squeeze %dma_wait3A_167 : memref<1x1x100000xf32, #tpu.memory_space<hbm>> -> memref<100000xf32, #tpu.memory_space<hbm>>
    %dma_wait3A_169 = arith.constant 0 : i32
    %dma_wait3A_170 = tpu.memref_slice %arg3[%dma_wait3A_165, %add3A, %dma_wait3A_169] : memref<26x32x100000xf32, #tpu.memory_space<hbm>> -> memref<1x1x100000xf32, #tpu.memory_space<hbm>>
    %dma_wait3A_171 = tpu.memref_squeeze %dma_wait3A_170 : memref<1x1x100000xf32, #tpu.memory_space<hbm>> -> memref<100000xf32, #tpu.memory_space<hbm>>
    tpu.wait_dma2 semaphore(%arg7 : memref<!tpu.dma_semaphore, #tpu.memory_space<semaphore_mem>>) src(%dma_wait3A_171 : memref<100000xf32, #tpu.memory_space<hbm>>) dst(%arg5 : memref<100000xf32, #tpu.memory_space<vmem>>)
    %parallel_loop3A_172 = arith.constant 0 : i32
    %parallel_loop3A_173 = arith.constant 16384 : i32
    %parallel_loop3A_174 = arith.constant 16 : i32
    scf.for %parallel_loop3A_829 = %parallel_loop3A_172 to %parallel_loop3A_173 step %parallel_loop3A_174  : i32 {
      %parallel_loop3A_830 = arith.index_cast %parallel_loop3A_829 : i32 to index
      %parallel_loop3A_831 = tpu.vector_load %arg6[%parallel_loop3A_830] {strides = array<i32>} : memref<16384xf32, #tpu.memory_space<vmem>>, vector<16xf32>,
      %parallel_loop3A_832 = vector.bitcast %parallel_loop3A_831 : vector<16xf32> to vector<16xi32>
      %parallel_loop3A_833 = tpu.vector_load_idx %arg5[%parallel_loop3A_832] : memref<100000xf32, #tpu.memory_space<vmem>>[vector<16xi32>], vector<16xf32>,
      %parallel_loop3A_834 = arith.index_cast %parallel_loop3A_829 : i32 to index
      %parallel_loop3A_835 = tpu.vector_load %arg6[%parallel_loop3A_834] {strides = array<i32>} : memref<16384xf32, #tpu.memory_space<vmem>>, vector<16xf32>,
      tpu.vector_store %arg6[%parallel_loop3A_834], %parallel_loop3A_833 {strides = array<i32>} : memref<16384xf32, #tpu.memory_space<vmem>>, vector<16xf32>,
    } {sc.loop_unroll_factor = 8 : i64, sc.parallel_access}
    %dma_start3A_175 = arith.constant 6 : i32
    %dma_start3A_176 = arith.constant 0 : i32
    %dma_start3A_177 = tpu.memref_slice %arg3[%dma_start3A_175, %add3A, %dma_start3A_176] : memref<26x32x100000xf32, #tpu.memory_space<hbm>> -> memref<1x1x100000xf32, #tpu.memory_space<hbm>>
    %dma_start3A_178 = tpu.memref_squeeze %dma_start3A_177 : memref<1x1x100000xf32, #tpu.memory_space<hbm>> -> memref<100000xf32, #tpu.memory_space<hbm>>
    %dma_start3A_179 = arith.constant 0 : i32
    %dma_start3A_180 = tpu.memref_slice %arg3[%dma_start3A_175, %add3A, %dma_start3A_179] : memref<26x32x100000xf32, #tpu.memory_space<hbm>> -> memref<1x1x100000xf32, #tpu.memory_space<hbm>>
    %dma_start3A_181 = tpu.memref_squeeze %dma_start3A_180 : memref<1x1x100000xf32, #tpu.memory_space<hbm>> -> memref<100000xf32, #tpu.memory_space<hbm>>
    tpu.enqueue_dma source(%dma_start3A_181 : memref<100000xf32, #tpu.memory_space<hbm>>) target(%arg5 : memref<100000xf32, #tpu.memory_space<vmem>>) target_semaphore(%arg7 : memref<!tpu.dma_semaphore, #tpu.memory_space<semaphore_mem>>)
    %dma_start3A_182 = arith.constant 5 : i32
    %dma_start3A_183 = arith.constant 0 : i32
    %dma_start3A_184 = tpu.memref_slice %arg4[%dma_start3A_182, %add3A, %dma_start3A_183] : memref<26x32x16384xf32, #tpu.memory_space<hbm>> -> memref<1x1x16384xf32, #tpu.memory_space<hbm>>
    %dma_start3A_185 = tpu.memref_squeeze %dma_start3A_184 : memref<1x1x16384xf32, #tpu.memory_space<hbm>> -> memref<16384xf32, #tpu.memory_space<hbm>>
    %dma_start3A_186 = arith.constant 0 : i32
    %dma_start3A_187 = tpu.memref_slice %arg4[%dma_start3A_182, %add3A, %dma_start3A_186] : memref<26x32x16384xf32, #tpu.memory_space<hbm>> -> memref<1x1x16384xf32, #tpu.memory_space<hbm>>
    %dma_start3A_188 = tpu.memref_squeeze %dma_start3A_187 : memref<1x1x16384xf32, #tpu.memory_space<hbm>> -> memref<16384xf32, #tpu.memory_space<hbm>>
    tpu.enqueue_dma source(%arg6 : memref<16384xf32, #tpu.memory_space<vmem>>) target(%dma_start3A_188 : memref<16384xf32, #tpu.memory_space<hbm>>) target_semaphore(%arg8 : memref<!tpu.dma_semaphore, #tpu.memory_space<semaphore_mem>>)
    %dma_wait3A_189 = arith.constant 5 : i32
    %dma_wait3A_190 = arith.constant 0 : i32
    %dma_wait3A_191 = tpu.memref_slice %arg4[%dma_wait3A_189, %add3A, %dma_wait3A_190] : memref<26x32x16384xf32, #tpu.memory_space<hbm>> -> memref<1x1x16384xf32, #tpu.memory_space<hbm>>
    %dma_wait3A_192 = tpu.memref_squeeze %dma_wait3A_191 : memref<1x1x16384xf32, #tpu.memory_space<hbm>> -> memref<16384xf32, #tpu.memory_space<hbm>>
    %dma_wait3A_193 = arith.constant 0 : i32
    %dma_wait3A_194 = tpu.memref_slice %arg4[%dma_wait3A_189, %add3A, %dma_wait3A_193] : memref<26x32x16384xf32, #tpu.memory_space<hbm>> -> memref<1x1x16384xf32, #tpu.memory_space<hbm>>
    %dma_wait3A_195 = tpu.memref_squeeze %dma_wait3A_194 : memref<1x1x16384xf32, #tpu.memory_space<hbm>> -> memref<16384xf32, #tpu.memory_space<hbm>>
    tpu.wait_dma2 semaphore(%arg8 : memref<!tpu.dma_semaphore, #tpu.memory_space<semaphore_mem>>) src(%arg6 : memref<16384xf32, #tpu.memory_space<vmem>>) dst(%dma_wait3A_195 : memref<16384xf32, #tpu.memory_space<hbm>>)
    %run_scoped3A_196 = arith.constant 6 : i32
    "tpu.region"() ({
      %run_scoped3A_829 = tpu.sem_alloc : memref<!tpu.dma_semaphore, #tpu.memory_space<semaphore_mem>>
      %dma_start3A_830 = arith.constant 0 : i32
      %dma_start3A_831 = tpu.memref_slice %arg2[%run_scoped3A_196, %dma_start3A_830] : memref<26x16384xf32, #tpu.memory_space<hbm>> -> memref<1x16384xf32, #tpu.memory_space<hbm>>
      %dma_start3A_832 = tpu.memref_squeeze %dma_start3A_831 : memref<1x16384xf32, #tpu.memory_space<hbm>> -> memref<16384xf32, #tpu.memory_space<hbm>>
      %dma_start3A_833 = arith.constant 0 : i32
      %dma_start3A_834 = tpu.memref_slice %arg2[%run_scoped3A_196, %dma_start3A_833] : memref<26x16384xf32, #tpu.memory_space<hbm>> -> memref<1x16384xf32, #tpu.memory_space<hbm>>
      %dma_start3A_835 = tpu.memref_squeeze %dma_start3A_834 : memref<1x16384xf32, #tpu.memory_space<hbm>> -> memref<16384xf32, #tpu.memory_space<hbm>>
      tpu.enqueue_dma source(%dma_start3A_835 : memref<16384xf32, #tpu.memory_space<hbm>>) target(%arg6 : memref<16384xf32, #tpu.memory_space<vmem>>) target_semaphore(%run_scoped3A_829 : memref<!tpu.dma_semaphore, #tpu.memory_space<semaphore_mem>>)
      %dma_wait3A_836 = arith.constant 0 : i32
      %dma_wait3A_837 = tpu.memref_slice %arg2[%run_scoped3A_196, %dma_wait3A_836] : memref<26x16384xf32, #tpu.memory_space<hbm>> -> memref<1x16384xf32, #tpu.memory_space<hbm>>
      %dma_wait3A_838 = tpu.memref_squeeze %dma_wait3A_837 : memref<1x16384xf32, #tpu.memory_space<hbm>> -> memref<16384xf32, #tpu.memory_space<hbm>>
      %dma_wait3A_839 = arith.constant 0 : i32
      %dma_wait3A_840 = tpu.memref_slice %arg2[%run_scoped3A_196, %dma_wait3A_839] : memref<26x16384xf32, #tpu.memory_space<hbm>> -> memref<1x16384xf32, #tpu.memory_space<hbm>>
      %dma_wait3A_841 = tpu.memref_squeeze %dma_wait3A_840 : memref<1x16384xf32, #tpu.memory_space<hbm>> -> memref<16384xf32, #tpu.memory_space<hbm>>
      tpu.wait_dma2 semaphore(%run_scoped3A_829 : memref<!tpu.dma_semaphore, #tpu.memory_space<semaphore_mem>>) src(%dma_wait3A_841 : memref<16384xf32, #tpu.memory_space<hbm>>) dst(%arg6 : memref<16384xf32, #tpu.memory_space<vmem>>)
      tpu.yield
    }) : () -> ()
    %dma_wait3A_197 = arith.constant 6 : i32
    %dma_wait3A_198 = arith.constant 0 : i32
    %dma_wait3A_199 = tpu.memref_slice %arg3[%dma_wait3A_197, %add3A, %dma_wait3A_198] : memref<26x32x100000xf32, #tpu.memory_space<hbm>> -> memref<1x1x100000xf32, #tpu.memory_space<hbm>>
    %dma_wait3A_200 = tpu.memref_squeeze %dma_wait3A_199 : memref<1x1x100000xf32, #tpu.memory_space<hbm>> -> memref<100000xf32, #tpu.memory_space<hbm>>
    %dma_wait3A_201 = arith.constant 0 : i32
    %dma_wait3A_202 = tpu.memref_slice %arg3[%dma_wait3A_197, %add3A, %dma_wait3A_201] : memref<26x32x100000xf32, #tpu.memory_space<hbm>> -> memref<1x1x100000xf32, #tpu.memory_space<hbm>>
    %dma_wait3A_203 = tpu.memref_squeeze %dma_wait3A_202 : memref<1x1x100000xf32, #tpu.memory_space<hbm>> -> memref<100000xf32, #tpu.memory_space<hbm>>
    tpu.wait_dma2 semaphore(%arg7 : memref<!tpu.dma_semaphore, #tpu.memory_space<semaphore_mem>>) src(%dma_wait3A_203 : memref<100000xf32, #tpu.memory_space<hbm>>) dst(%arg5 : memref<100000xf32, #tpu.memory_space<vmem>>)
    %parallel_loop3A_204 = arith.constant 0 : i32
    %parallel_loop3A_205 = arith.constant 16384 : i32
    %parallel_loop3A_206 = arith.constant 16 : i32
    scf.for %parallel_loop3A_829 = %parallel_loop3A_204 to %parallel_loop3A_205 step %parallel_loop3A_206  : i32 {
      %parallel_loop3A_830 = arith.index_cast %parallel_loop3A_829 : i32 to index
      %parallel_loop3A_831 = tpu.vector_load %arg6[%parallel_loop3A_830] {strides = array<i32>} : memref<16384xf32, #tpu.memory_space<vmem>>, vector<16xf32>,
      %parallel_loop3A_832 = vector.bitcast %parallel_loop3A_831 : vector<16xf32> to vector<16xi32>
      %parallel_loop3A_833 = tpu.vector_load_idx %arg5[%parallel_loop3A_832] : memref<100000xf32, #tpu.memory_space<vmem>>[vector<16xi32>], vector<16xf32>,
      %parallel_loop3A_834 = arith.index_cast %parallel_loop3A_829 : i32 to index
      %parallel_loop3A_835 = tpu.vector_load %arg6[%parallel_loop3A_834] {strides = array<i32>} : memref<16384xf32, #tpu.memory_space<vmem>>, vector<16xf32>,
      tpu.vector_store %arg6[%parallel_loop3A_834], %parallel_loop3A_833 {strides = array<i32>} : memref<16384xf32, #tpu.memory_space<vmem>>, vector<16xf32>,
    } {sc.loop_unroll_factor = 8 : i64, sc.parallel_access}
    %dma_start3A_207 = arith.constant 7 : i32
    %dma_start3A_208 = arith.constant 0 : i32
    %dma_start3A_209 = tpu.memref_slice %arg3[%dma_start3A_207, %add3A, %dma_start3A_208] : memref<26x32x100000xf32, #tpu.memory_space<hbm>> -> memref<1x1x100000xf32, #tpu.memory_space<hbm>>
    %dma_start3A_210 = tpu.memref_squeeze %dma_start3A_209 : memref<1x1x100000xf32, #tpu.memory_space<hbm>> -> memref<100000xf32, #tpu.memory_space<hbm>>
    %dma_start3A_211 = arith.constant 0 : i32
    %dma_start3A_212 = tpu.memref_slice %arg3[%dma_start3A_207, %add3A, %dma_start3A_211] : memref<26x32x100000xf32, #tpu.memory_space<hbm>> -> memref<1x1x100000xf32, #tpu.memory_space<hbm>>
    %dma_start3A_213 = tpu.memref_squeeze %dma_start3A_212 : memref<1x1x100000xf32, #tpu.memory_space<hbm>> -> memref<100000xf32, #tpu.memory_space<hbm>>
    tpu.enqueue_dma source(%dma_start3A_213 : memref<100000xf32, #tpu.memory_space<hbm>>) target(%arg5 : memref<100000xf32, #tpu.memory_space<vmem>>) target_semaphore(%arg7 : memref<!tpu.dma_semaphore, #tpu.memory_space<semaphore_mem>>)
    %dma_start3A_214 = arith.constant 6 : i32
    %dma_start3A_215 = arith.constant 0 : i32
    %dma_start3A_216 = tpu.memref_slice %arg4[%dma_start3A_214, %add3A, %dma_start3A_215] : memref<26x32x16384xf32, #tpu.memory_space<hbm>> -> memref<1x1x16384xf32, #tpu.memory_space<hbm>>
    %dma_start3A_217 = tpu.memref_squeeze %dma_start3A_216 : memref<1x1x16384xf32, #tpu.memory_space<hbm>> -> memref<16384xf32, #tpu.memory_space<hbm>>
    %dma_start3A_218 = arith.constant 0 : i32
    %dma_start3A_219 = tpu.memref_slice %arg4[%dma_start3A_214, %add3A, %dma_start3A_218] : memref<26x32x16384xf32, #tpu.memory_space<hbm>> -> memref<1x1x16384xf32, #tpu.memory_space<hbm>>
    %dma_start3A_220 = tpu.memref_squeeze %dma_start3A_219 : memref<1x1x16384xf32, #tpu.memory_space<hbm>> -> memref<16384xf32, #tpu.memory_space<hbm>>
    tpu.enqueue_dma source(%arg6 : memref<16384xf32, #tpu.memory_space<vmem>>) target(%dma_start3A_220 : memref<16384xf32, #tpu.memory_space<hbm>>) target_semaphore(%arg8 : memref<!tpu.dma_semaphore, #tpu.memory_space<semaphore_mem>>)
    %dma_wait3A_221 = arith.constant 6 : i32
    %dma_wait3A_222 = arith.constant 0 : i32
    %dma_wait3A_223 = tpu.memref_slice %arg4[%dma_wait3A_221, %add3A, %dma_wait3A_222] : memref<26x32x16384xf32, #tpu.memory_space<hbm>> -> memref<1x1x16384xf32, #tpu.memory_space<hbm>>
    %dma_wait3A_224 = tpu.memref_squeeze %dma_wait3A_223 : memref<1x1x16384xf32, #tpu.memory_space<hbm>> -> memref<16384xf32, #tpu.memory_space<hbm>>
    %dma_wait3A_225 = arith.constant 0 : i32
    %dma_wait3A_226 = tpu.memref_slice %arg4[%dma_wait3A_221, %add3A, %dma_wait3A_225] : memref<26x32x16384xf32, #tpu.memory_space<hbm>> -> memref<1x1x16384xf32, #tpu.memory_space<hbm>>
    %dma_wait3A_227 = tpu.memref_squeeze %dma_wait3A_226 : memref<1x1x16384xf32, #tpu.memory_space<hbm>> -> memref<16384xf32, #tpu.memory_space<hbm>>
    tpu.wait_dma2 semaphore(%arg8 : memref<!tpu.dma_semaphore, #tpu.memory_space<semaphore_mem>>) src(%arg6 : memref<16384xf32, #tpu.memory_space<vmem>>) dst(%dma_wait3A_227 : memref<16384xf32, #tpu.memory_space<hbm>>)
    %run_scoped3A_228 = arith.constant 7 : i32
    "tpu.region"() ({
      %run_scoped3A_829 = tpu.sem_alloc : memref<!tpu.dma_semaphore, #tpu.memory_space<semaphore_mem>>
      %dma_start3A_830 = arith.constant 0 : i32
      %dma_start3A_831 = tpu.memref_slice %arg2[%run_scoped3A_228, %dma_start3A_830] : memref<26x16384xf32, #tpu.memory_space<hbm>> -> memref<1x16384xf32, #tpu.memory_space<hbm>>
      %dma_start3A_832 = tpu.memref_squeeze %dma_start3A_831 : memref<1x16384xf32, #tpu.memory_space<hbm>> -> memref<16384xf32, #tpu.memory_space<hbm>>
      %dma_start3A_833 = arith.constant 0 : i32
      %dma_start3A_834 = tpu.memref_slice %arg2[%run_scoped3A_228, %dma_start3A_833] : memref<26x16384xf32, #tpu.memory_space<hbm>> -> memref<1x16384xf32, #tpu.memory_space<hbm>>
      %dma_start3A_835 = tpu.memref_squeeze %dma_start3A_834 : memref<1x16384xf32, #tpu.memory_space<hbm>> -> memref<16384xf32, #tpu.memory_space<hbm>>
      tpu.enqueue_dma source(%dma_start3A_835 : memref<16384xf32, #tpu.memory_space<hbm>>) target(%arg6 : memref<16384xf32, #tpu.memory_space<vmem>>) target_semaphore(%run_scoped3A_829 : memref<!tpu.dma_semaphore, #tpu.memory_space<semaphore_mem>>)
      %dma_wait3A_836 = arith.constant 0 : i32
      %dma_wait3A_837 = tpu.memref_slice %arg2[%run_scoped3A_228, %dma_wait3A_836] : memref<26x16384xf32, #tpu.memory_space<hbm>> -> memref<1x16384xf32, #tpu.memory_space<hbm>>
      %dma_wait3A_838 = tpu.memref_squeeze %dma_wait3A_837 : memref<1x16384xf32, #tpu.memory_space<hbm>> -> memref<16384xf32, #tpu.memory_space<hbm>>
      %dma_wait3A_839 = arith.constant 0 : i32
      %dma_wait3A_840 = tpu.memref_slice %arg2[%run_scoped3A_228, %dma_wait3A_839] : memref<26x16384xf32, #tpu.memory_space<hbm>> -> memref<1x16384xf32, #tpu.memory_space<hbm>>
      %dma_wait3A_841 = tpu.memref_squeeze %dma_wait3A_840 : memref<1x16384xf32, #tpu.memory_space<hbm>> -> memref<16384xf32, #tpu.memory_space<hbm>>
      tpu.wait_dma2 semaphore(%run_scoped3A_829 : memref<!tpu.dma_semaphore, #tpu.memory_space<semaphore_mem>>) src(%dma_wait3A_841 : memref<16384xf32, #tpu.memory_space<hbm>>) dst(%arg6 : memref<16384xf32, #tpu.memory_space<vmem>>)
      tpu.yield
    }) : () -> ()
    %dma_wait3A_229 = arith.constant 7 : i32
    %dma_wait3A_230 = arith.constant 0 : i32
    %dma_wait3A_231 = tpu.memref_slice %arg3[%dma_wait3A_229, %add3A, %dma_wait3A_230] : memref<26x32x100000xf32, #tpu.memory_space<hbm>> -> memref<1x1x100000xf32, #tpu.memory_space<hbm>>
    %dma_wait3A_232 = tpu.memref_squeeze %dma_wait3A_231 : memref<1x1x100000xf32, #tpu.memory_space<hbm>> -> memref<100000xf32, #tpu.memory_space<hbm>>
    %dma_wait3A_233 = arith.constant 0 : i32
    %dma_wait3A_234 = tpu.memref_slice %arg3[%dma_wait3A_229, %add3A, %dma_wait3A_233] : memref<26x32x100000xf32, #tpu.memory_space<hbm>> -> memref<1x1x100000xf32, #tpu.memory_space<hbm>>
    %dma_wait3A_235 = tpu.memref_squeeze %dma_wait3A_234 : memref<1x1x100000xf32, #tpu.memory_space<hbm>> -> memref<100000xf32, #tpu.memory_space<hbm>>
    tpu.wait_dma2 semaphore(%arg7 : memref<!tpu.dma_semaphore, #tpu.memory_space<semaphore_mem>>) src(%dma_wait3A_235 : memref<100000xf32, #tpu.memory_space<hbm>>) dst(%arg5 : memref<100000xf32, #tpu.memory_space<vmem>>)
    %parallel_loop3A_236 = arith.constant 0 : i32
    %parallel_loop3A_237 = arith.constant 16384 : i32
    %parallel_loop3A_238 = arith.constant 16 : i32
    scf.for %parallel_loop3A_829 = %parallel_loop3A_236 to %parallel_loop3A_237 step %parallel_loop3A_238  : i32 {
      %parallel_loop3A_830 = arith.index_cast %parallel_loop3A_829 : i32 to index
      %parallel_loop3A_831 = tpu.vector_load %arg6[%parallel_loop3A_830] {strides = array<i32>} : memref<16384xf32, #tpu.memory_space<vmem>>, vector<16xf32>,
      %parallel_loop3A_832 = vector.bitcast %parallel_loop3A_831 : vector<16xf32> to vector<16xi32>
      %parallel_loop3A_833 = tpu.vector_load_idx %arg5[%parallel_loop3A_832] : memref<100000xf32, #tpu.memory_space<vmem>>[vector<16xi32>], vector<16xf32>,
      %parallel_loop3A_834 = arith.index_cast %parallel_loop3A_829 : i32 to index
      %parallel_loop3A_835 = tpu.vector_load %arg6[%parallel_loop3A_834] {strides = array<i32>} : memref<16384xf32, #tpu.memory_space<vmem>>, vector<16xf32>,
      tpu.vector_store %arg6[%parallel_loop3A_834], %parallel_loop3A_833 {strides = array<i32>} : memref<16384xf32, #tpu.memory_space<vmem>>, vector<16xf32>,
    } {sc.loop_unroll_factor = 8 : i64, sc.parallel_access}
    %dma_start3A_239 = arith.constant 8 : i32
    %dma_start3A_240 = arith.constant 0 : i32
    %dma_start3A_241 = tpu.memref_slice %arg3[%dma_start3A_239, %add3A, %dma_start3A_240] : memref<26x32x100000xf32, #tpu.memory_space<hbm>> -> memref<1x1x100000xf32, #tpu.memory_space<hbm>>
    %dma_start3A_242 = tpu.memref_squeeze %dma_start3A_241 : memref<1x1x100000xf32, #tpu.memory_space<hbm>> -> memref<100000xf32, #tpu.memory_space<hbm>>
    %dma_start3A_243 = arith.constant 0 : i32
    %dma_start3A_244 = tpu.memref_slice %arg3[%dma_start3A_239, %add3A, %dma_start3A_243] : memref<26x32x100000xf32, #tpu.memory_space<hbm>> -> memref<1x1x100000xf32, #tpu.memory_space<hbm>>
    %dma_start3A_245 = tpu.memref_squeeze %dma_start3A_244 : memref<1x1x100000xf32, #tpu.memory_space<hbm>> -> memref<100000xf32, #tpu.memory_space<hbm>>
    tpu.enqueue_dma source(%dma_start3A_245 : memref<100000xf32, #tpu.memory_space<hbm>>) target(%arg5 : memref<100000xf32, #tpu.memory_space<vmem>>) target_semaphore(%arg7 : memref<!tpu.dma_semaphore, #tpu.memory_space<semaphore_mem>>)
    %dma_start3A_246 = arith.constant 7 : i32
    %dma_start3A_247 = arith.constant 0 : i32
    %dma_start3A_248 = tpu.memref_slice %arg4[%dma_start3A_246, %add3A, %dma_start3A_247] : memref<26x32x16384xf32, #tpu.memory_space<hbm>> -> memref<1x1x16384xf32, #tpu.memory_space<hbm>>
    %dma_start3A_249 = tpu.memref_squeeze %dma_start3A_248 : memref<1x1x16384xf32, #tpu.memory_space<hbm>> -> memref<16384xf32, #tpu.memory_space<hbm>>
    %dma_start3A_250 = arith.constant 0 : i32
    %dma_start3A_251 = tpu.memref_slice %arg4[%dma_start3A_246, %add3A, %dma_start3A_250] : memref<26x32x16384xf32, #tpu.memory_space<hbm>> -> memref<1x1x16384xf32, #tpu.memory_space<hbm>>
    %dma_start3A_252 = tpu.memref_squeeze %dma_start3A_251 : memref<1x1x16384xf32, #tpu.memory_space<hbm>> -> memref<16384xf32, #tpu.memory_space<hbm>>
    tpu.enqueue_dma source(%arg6 : memref<16384xf32, #tpu.memory_space<vmem>>) target(%dma_start3A_252 : memref<16384xf32, #tpu.memory_space<hbm>>) target_semaphore(%arg8 : memref<!tpu.dma_semaphore, #tpu.memory_space<semaphore_mem>>)
    %dma_wait3A_253 = arith.constant 7 : i32
    %dma_wait3A_254 = arith.constant 0 : i32
    %dma_wait3A_255 = tpu.memref_slice %arg4[%dma_wait3A_253, %add3A, %dma_wait3A_254] : memref<26x32x16384xf32, #tpu.memory_space<hbm>> -> memref<1x1x16384xf32, #tpu.memory_space<hbm>>
    %dma_wait3A_256 = tpu.memref_squeeze %dma_wait3A_255 : memref<1x1x16384xf32, #tpu.memory_space<hbm>> -> memref<16384xf32, #tpu.memory_space<hbm>>
    %dma_wait3A_257 = arith.constant 0 : i32
    %dma_wait3A_258 = tpu.memref_slice %arg4[%dma_wait3A_253, %add3A, %dma_wait3A_257] : memref<26x32x16384xf32, #tpu.memory_space<hbm>> -> memref<1x1x16384xf32, #tpu.memory_space<hbm>>
    %dma_wait3A_259 = tpu.memref_squeeze %dma_wait3A_258 : memref<1x1x16384xf32, #tpu.memory_space<hbm>> -> memref<16384xf32, #tpu.memory_space<hbm>>
    tpu.wait_dma2 semaphore(%arg8 : memref<!tpu.dma_semaphore, #tpu.memory_space<semaphore_mem>>) src(%arg6 : memref<16384xf32, #tpu.memory_space<vmem>>) dst(%dma_wait3A_259 : memref<16384xf32, #tpu.memory_space<hbm>>)
    %run_scoped3A_260 = arith.constant 8 : i32
    "tpu.region"() ({
      %run_scoped3A_829 = tpu.sem_alloc : memref<!tpu.dma_semaphore, #tpu.memory_space<semaphore_mem>>
      %dma_start3A_830 = arith.constant 0 : i32
      %dma_start3A_831 = tpu.memref_slice %arg2[%run_scoped3A_260, %dma_start3A_830] : memref<26x16384xf32, #tpu.memory_space<hbm>> -> memref<1x16384xf32, #tpu.memory_space<hbm>>
      %dma_start3A_832 = tpu.memref_squeeze %dma_start3A_831 : memref<1x16384xf32, #tpu.memory_space<hbm>> -> memref<16384xf32, #tpu.memory_space<hbm>>
      %dma_start3A_833 = arith.constant 0 : i32
      %dma_start3A_834 = tpu.memref_slice %arg2[%run_scoped3A_260, %dma_start3A_833] : memref<26x16384xf32, #tpu.memory_space<hbm>> -> memref<1x16384xf32, #tpu.memory_space<hbm>>
      %dma_start3A_835 = tpu.memref_squeeze %dma_start3A_834 : memref<1x16384xf32, #tpu.memory_space<hbm>> -> memref<16384xf32, #tpu.memory_space<hbm>>
      tpu.enqueue_dma source(%dma_start3A_835 : memref<16384xf32, #tpu.memory_space<hbm>>) target(%arg6 : memref<16384xf32, #tpu.memory_space<vmem>>) target_semaphore(%run_scoped3A_829 : memref<!tpu.dma_semaphore, #tpu.memory_space<semaphore_mem>>)
      %dma_wait3A_836 = arith.constant 0 : i32
      %dma_wait3A_837 = tpu.memref_slice %arg2[%run_scoped3A_260, %dma_wait3A_836] : memref<26x16384xf32, #tpu.memory_space<hbm>> -> memref<1x16384xf32, #tpu.memory_space<hbm>>
      %dma_wait3A_838 = tpu.memref_squeeze %dma_wait3A_837 : memref<1x16384xf32, #tpu.memory_space<hbm>> -> memref<16384xf32, #tpu.memory_space<hbm>>
      %dma_wait3A_839 = arith.constant 0 : i32
      %dma_wait3A_840 = tpu.memref_slice %arg2[%run_scoped3A_260, %dma_wait3A_839] : memref<26x16384xf32, #tpu.memory_space<hbm>> -> memref<1x16384xf32, #tpu.memory_space<hbm>>
      %dma_wait3A_841 = tpu.memref_squeeze %dma_wait3A_840 : memref<1x16384xf32, #tpu.memory_space<hbm>> -> memref<16384xf32, #tpu.memory_space<hbm>>
      tpu.wait_dma2 semaphore(%run_scoped3A_829 : memref<!tpu.dma_semaphore, #tpu.memory_space<semaphore_mem>>) src(%dma_wait3A_841 : memref<16384xf32, #tpu.memory_space<hbm>>) dst(%arg6 : memref<16384xf32, #tpu.memory_space<vmem>>)
      tpu.yield
    }) : () -> ()
    %dma_wait3A_261 = arith.constant 8 : i32
    %dma_wait3A_262 = arith.constant 0 : i32
    %dma_wait3A_263 = tpu.memref_slice %arg3[%dma_wait3A_261, %add3A, %dma_wait3A_262] : memref<26x32x100000xf32, #tpu.memory_space<hbm>> -> memref<1x1x100000xf32, #tpu.memory_space<hbm>>
    %dma_wait3A_264 = tpu.memref_squeeze %dma_wait3A_263 : memref<1x1x100000xf32, #tpu.memory_space<hbm>> -> memref<100000xf32, #tpu.memory_space<hbm>>
    %dma_wait3A_265 = arith.constant 0 : i32
    %dma_wait3A_266 = tpu.memref_slice %arg3[%dma_wait3A_261, %add3A, %dma_wait3A_265] : memref<26x32x100000xf32, #tpu.memory_space<hbm>> -> memref<1x1x100000xf32, #tpu.memory_space<hbm>>
    %dma_wait3A_267 = tpu.memref_squeeze %dma_wait3A_266 : memref<1x1x100000xf32, #tpu.memory_space<hbm>> -> memref<100000xf32, #tpu.memory_space<hbm>>
    tpu.wait_dma2 semaphore(%arg7 : memref<!tpu.dma_semaphore, #tpu.memory_space<semaphore_mem>>) src(%dma_wait3A_267 : memref<100000xf32, #tpu.memory_space<hbm>>) dst(%arg5 : memref<100000xf32, #tpu.memory_space<vmem>>)
    %parallel_loop3A_268 = arith.constant 0 : i32
    %parallel_loop3A_269 = arith.constant 16384 : i32
    %parallel_loop3A_270 = arith.constant 16 : i32
    scf.for %parallel_loop3A_829 = %parallel_loop3A_268 to %parallel_loop3A_269 step %parallel_loop3A_270  : i32 {
      %parallel_loop3A_830 = arith.index_cast %parallel_loop3A_829 : i32 to index
      %parallel_loop3A_831 = tpu.vector_load %arg6[%parallel_loop3A_830] {strides = array<i32>} : memref<16384xf32, #tpu.memory_space<vmem>>, vector<16xf32>,
      %parallel_loop3A_832 = vector.bitcast %parallel_loop3A_831 : vector<16xf32> to vector<16xi32>
      %parallel_loop3A_833 = tpu.vector_load_idx %arg5[%parallel_loop3A_832] : memref<100000xf32, #tpu.memory_space<vmem>>[vector<16xi32>], vector<16xf32>,
      %parallel_loop3A_834 = arith.index_cast %parallel_loop3A_829 : i32 to index
      %parallel_loop3A_835 = tpu.vector_load %arg6[%parallel_loop3A_834] {strides = array<i32>} : memref<16384xf32, #tpu.memory_space<vmem>>, vector<16xf32>,
      tpu.vector_store %arg6[%parallel_loop3A_834], %parallel_loop3A_833 {strides = array<i32>} : memref<16384xf32, #tpu.memory_space<vmem>>, vector<16xf32>,
    } {sc.loop_unroll_factor = 8 : i64, sc.parallel_access}
    %dma_start3A_271 = arith.constant 9 : i32
    %dma_start3A_272 = arith.constant 0 : i32
    %dma_start3A_273 = tpu.memref_slice %arg3[%dma_start3A_271, %add3A, %dma_start3A_272] : memref<26x32x100000xf32, #tpu.memory_space<hbm>> -> memref<1x1x100000xf32, #tpu.memory_space<hbm>>
    %dma_start3A_274 = tpu.memref_squeeze %dma_start3A_273 : memref<1x1x100000xf32, #tpu.memory_space<hbm>> -> memref<100000xf32, #tpu.memory_space<hbm>>
    %dma_start3A_275 = arith.constant 0 : i32
    %dma_start3A_276 = tpu.memref_slice %arg3[%dma_start3A_271, %add3A, %dma_start3A_275] : memref<26x32x100000xf32, #tpu.memory_space<hbm>> -> memref<1x1x100000xf32, #tpu.memory_space<hbm>>
    %dma_start3A_277 = tpu.memref_squeeze %dma_start3A_276 : memref<1x1x100000xf32, #tpu.memory_space<hbm>> -> memref<100000xf32, #tpu.memory_space<hbm>>
    tpu.enqueue_dma source(%dma_start3A_277 : memref<100000xf32, #tpu.memory_space<hbm>>) target(%arg5 : memref<100000xf32, #tpu.memory_space<vmem>>) target_semaphore(%arg7 : memref<!tpu.dma_semaphore, #tpu.memory_space<semaphore_mem>>)
    %dma_start3A_278 = arith.constant 8 : i32
    %dma_start3A_279 = arith.constant 0 : i32
    %dma_start3A_280 = tpu.memref_slice %arg4[%dma_start3A_278, %add3A, %dma_start3A_279] : memref<26x32x16384xf32, #tpu.memory_space<hbm>> -> memref<1x1x16384xf32, #tpu.memory_space<hbm>>
    %dma_start3A_281 = tpu.memref_squeeze %dma_start3A_280 : memref<1x1x16384xf32, #tpu.memory_space<hbm>> -> memref<16384xf32, #tpu.memory_space<hbm>>
    %dma_start3A_282 = arith.constant 0 : i32
    %dma_start3A_283 = tpu.memref_slice %arg4[%dma_start3A_278, %add3A, %dma_start3A_282] : memref<26x32x16384xf32, #tpu.memory_space<hbm>> -> memref<1x1x16384xf32, #tpu.memory_space<hbm>>
    %dma_start3A_284 = tpu.memref_squeeze %dma_start3A_283 : memref<1x1x16384xf32, #tpu.memory_space<hbm>> -> memref<16384xf32, #tpu.memory_space<hbm>>
    tpu.enqueue_dma source(%arg6 : memref<16384xf32, #tpu.memory_space<vmem>>) target(%dma_start3A_284 : memref<16384xf32, #tpu.memory_space<hbm>>) target_semaphore(%arg8 : memref<!tpu.dma_semaphore, #tpu.memory_space<semaphore_mem>>)
    %dma_wait3A_285 = arith.constant 8 : i32
    %dma_wait3A_286 = arith.constant 0 : i32
    %dma_wait3A_287 = tpu.memref_slice %arg4[%dma_wait3A_285, %add3A, %dma_wait3A_286] : memref<26x32x16384xf32, #tpu.memory_space<hbm>> -> memref<1x1x16384xf32, #tpu.memory_space<hbm>>
    %dma_wait3A_288 = tpu.memref_squeeze %dma_wait3A_287 : memref<1x1x16384xf32, #tpu.memory_space<hbm>> -> memref<16384xf32, #tpu.memory_space<hbm>>
    %dma_wait3A_289 = arith.constant 0 : i32
    %dma_wait3A_290 = tpu.memref_slice %arg4[%dma_wait3A_285, %add3A, %dma_wait3A_289] : memref<26x32x16384xf32, #tpu.memory_space<hbm>> -> memref<1x1x16384xf32, #tpu.memory_space<hbm>>
    %dma_wait3A_291 = tpu.memref_squeeze %dma_wait3A_290 : memref<1x1x16384xf32, #tpu.memory_space<hbm>> -> memref<16384xf32, #tpu.memory_space<hbm>>
    tpu.wait_dma2 semaphore(%arg8 : memref<!tpu.dma_semaphore, #tpu.memory_space<semaphore_mem>>) src(%arg6 : memref<16384xf32, #tpu.memory_space<vmem>>) dst(%dma_wait3A_291 : memref<16384xf32, #tpu.memory_space<hbm>>)
    %run_scoped3A_292 = arith.constant 9 : i32
    "tpu.region"() ({
      %run_scoped3A_829 = tpu.sem_alloc : memref<!tpu.dma_semaphore, #tpu.memory_space<semaphore_mem>>
      %dma_start3A_830 = arith.constant 0 : i32
      %dma_start3A_831 = tpu.memref_slice %arg2[%run_scoped3A_292, %dma_start3A_830] : memref<26x16384xf32, #tpu.memory_space<hbm>> -> memref<1x16384xf32, #tpu.memory_space<hbm>>
      %dma_start3A_832 = tpu.memref_squeeze %dma_start3A_831 : memref<1x16384xf32, #tpu.memory_space<hbm>> -> memref<16384xf32, #tpu.memory_space<hbm>>
      %dma_start3A_833 = arith.constant 0 : i32
      %dma_start3A_834 = tpu.memref_slice %arg2[%run_scoped3A_292, %dma_start3A_833] : memref<26x16384xf32, #tpu.memory_space<hbm>> -> memref<1x16384xf32, #tpu.memory_space<hbm>>
      %dma_start3A_835 = tpu.memref_squeeze %dma_start3A_834 : memref<1x16384xf32, #tpu.memory_space<hbm>> -> memref<16384xf32, #tpu.memory_space<hbm>>
      tpu.enqueue_dma source(%dma_start3A_835 : memref<16384xf32, #tpu.memory_space<hbm>>) target(%arg6 : memref<16384xf32, #tpu.memory_space<vmem>>) target_semaphore(%run_scoped3A_829 : memref<!tpu.dma_semaphore, #tpu.memory_space<semaphore_mem>>)
      %dma_wait3A_836 = arith.constant 0 : i32
      %dma_wait3A_837 = tpu.memref_slice %arg2[%run_scoped3A_292, %dma_wait3A_836] : memref<26x16384xf32, #tpu.memory_space<hbm>> -> memref<1x16384xf32, #tpu.memory_space<hbm>>
      %dma_wait3A_838 = tpu.memref_squeeze %dma_wait3A_837 : memref<1x16384xf32, #tpu.memory_space<hbm>> -> memref<16384xf32, #tpu.memory_space<hbm>>
      %dma_wait3A_839 = arith.constant 0 : i32
      %dma_wait3A_840 = tpu.memref_slice %arg2[%run_scoped3A_292, %dma_wait3A_839] : memref<26x16384xf32, #tpu.memory_space<hbm>> -> memref<1x16384xf32, #tpu.memory_space<hbm>>
      %dma_wait3A_841 = tpu.memref_squeeze %dma_wait3A_840 : memref<1x16384xf32, #tpu.memory_space<hbm>> -> memref<16384xf32, #tpu.memory_space<hbm>>
      tpu.wait_dma2 semaphore(%run_scoped3A_829 : memref<!tpu.dma_semaphore, #tpu.memory_space<semaphore_mem>>) src(%dma_wait3A_841 : memref<16384xf32, #tpu.memory_space<hbm>>) dst(%arg6 : memref<16384xf32, #tpu.memory_space<vmem>>)
      tpu.yield
    }) : () -> ()
    %dma_wait3A_293 = arith.constant 9 : i32
    %dma_wait3A_294 = arith.constant 0 : i32
    %dma_wait3A_295 = tpu.memref_slice %arg3[%dma_wait3A_293, %add3A, %dma_wait3A_294] : memref<26x32x100000xf32, #tpu.memory_space<hbm>> -> memref<1x1x100000xf32, #tpu.memory_space<hbm>>
    %dma_wait3A_296 = tpu.memref_squeeze %dma_wait3A_295 : memref<1x1x100000xf32, #tpu.memory_space<hbm>> -> memref<100000xf32, #tpu.memory_space<hbm>>
    %dma_wait3A_297 = arith.constant 0 : i32
    %dma_wait3A_298 = tpu.memref_slice %arg3[%dma_wait3A_293, %add3A, %dma_wait3A_297] : memref<26x32x100000xf32, #tpu.memory_space<hbm>> -> memref<1x1x100000xf32, #tpu.memory_space<hbm>>
    %dma_wait3A_299 = tpu.memref_squeeze %dma_wait3A_298 : memref<1x1x100000xf32, #tpu.memory_space<hbm>> -> memref<100000xf32, #tpu.memory_space<hbm>>
    tpu.wait_dma2 semaphore(%arg7 : memref<!tpu.dma_semaphore, #tpu.memory_space<semaphore_mem>>) src(%dma_wait3A_299 : memref<100000xf32, #tpu.memory_space<hbm>>) dst(%arg5 : memref<100000xf32, #tpu.memory_space<vmem>>)
    %parallel_loop3A_300 = arith.constant 0 : i32
    %parallel_loop3A_301 = arith.constant 16384 : i32
    %parallel_loop3A_302 = arith.constant 16 : i32
    scf.for %parallel_loop3A_829 = %parallel_loop3A_300 to %parallel_loop3A_301 step %parallel_loop3A_302  : i32 {
      %parallel_loop3A_830 = arith.index_cast %parallel_loop3A_829 : i32 to index
      %parallel_loop3A_831 = tpu.vector_load %arg6[%parallel_loop3A_830] {strides = array<i32>} : memref<16384xf32, #tpu.memory_space<vmem>>, vector<16xf32>,
      %parallel_loop3A_832 = vector.bitcast %parallel_loop3A_831 : vector<16xf32> to vector<16xi32>
      %parallel_loop3A_833 = tpu.vector_load_idx %arg5[%parallel_loop3A_832] : memref<100000xf32, #tpu.memory_space<vmem>>[vector<16xi32>], vector<16xf32>,
      %parallel_loop3A_834 = arith.index_cast %parallel_loop3A_829 : i32 to index
      %parallel_loop3A_835 = tpu.vector_load %arg6[%parallel_loop3A_834] {strides = array<i32>} : memref<16384xf32, #tpu.memory_space<vmem>>, vector<16xf32>,
      tpu.vector_store %arg6[%parallel_loop3A_834], %parallel_loop3A_833 {strides = array<i32>} : memref<16384xf32, #tpu.memory_space<vmem>>, vector<16xf32>,
    } {sc.loop_unroll_factor = 8 : i64, sc.parallel_access}
    %dma_start3A_303 = arith.constant 10 : i32
    %dma_start3A_304 = arith.constant 0 : i32
    %dma_start3A_305 = tpu.memref_slice %arg3[%dma_start3A_303, %add3A, %dma_start3A_304] : memref<26x32x100000xf32, #tpu.memory_space<hbm>> -> memref<1x1x100000xf32, #tpu.memory_space<hbm>>
    %dma_start3A_306 = tpu.memref_squeeze %dma_start3A_305 : memref<1x1x100000xf32, #tpu.memory_space<hbm>> -> memref<100000xf32, #tpu.memory_space<hbm>>
    %dma_start3A_307 = arith.constant 0 : i32
    %dma_start3A_308 = tpu.memref_slice %arg3[%dma_start3A_303, %add3A, %dma_start3A_307] : memref<26x32x100000xf32, #tpu.memory_space<hbm>> -> memref<1x1x100000xf32, #tpu.memory_space<hbm>>
    %dma_start3A_309 = tpu.memref_squeeze %dma_start3A_308 : memref<1x1x100000xf32, #tpu.memory_space<hbm>> -> memref<100000xf32, #tpu.memory_space<hbm>>
    tpu.enqueue_dma source(%dma_start3A_309 : memref<100000xf32, #tpu.memory_space<hbm>>) target(%arg5 : memref<100000xf32, #tpu.memory_space<vmem>>) target_semaphore(%arg7 : memref<!tpu.dma_semaphore, #tpu.memory_space<semaphore_mem>>)
    %dma_start3A_310 = arith.constant 9 : i32
    %dma_start3A_311 = arith.constant 0 : i32
    %dma_start3A_312 = tpu.memref_slice %arg4[%dma_start3A_310, %add3A, %dma_start3A_311] : memref<26x32x16384xf32, #tpu.memory_space<hbm>> -> memref<1x1x16384xf32, #tpu.memory_space<hbm>>
    %dma_start3A_313 = tpu.memref_squeeze %dma_start3A_312 : memref<1x1x16384xf32, #tpu.memory_space<hbm>> -> memref<16384xf32, #tpu.memory_space<hbm>>
    %dma_start3A_314 = arith.constant 0 : i32
    %dma_start3A_315 = tpu.memref_slice %arg4[%dma_start3A_310, %add3A, %dma_start3A_314] : memref<26x32x16384xf32, #tpu.memory_space<hbm>> -> memref<1x1x16384xf32, #tpu.memory_space<hbm>>
    %dma_start3A_316 = tpu.memref_squeeze %dma_start3A_315 : memref<1x1x16384xf32, #tpu.memory_space<hbm>> -> memref<16384xf32, #tpu.memory_space<hbm>>
    tpu.enqueue_dma source(%arg6 : memref<16384xf32, #tpu.memory_space<vmem>>) target(%dma_start3A_316 : memref<16384xf32, #tpu.memory_space<hbm>>) target_semaphore(%arg8 : memref<!tpu.dma_semaphore, #tpu.memory_space<semaphore_mem>>)
    %dma_wait3A_317 = arith.constant 9 : i32
    %dma_wait3A_318 = arith.constant 0 : i32
    %dma_wait3A_319 = tpu.memref_slice %arg4[%dma_wait3A_317, %add3A, %dma_wait3A_318] : memref<26x32x16384xf32, #tpu.memory_space<hbm>> -> memref<1x1x16384xf32, #tpu.memory_space<hbm>>
    %dma_wait3A_320 = tpu.memref_squeeze %dma_wait3A_319 : memref<1x1x16384xf32, #tpu.memory_space<hbm>> -> memref<16384xf32, #tpu.memory_space<hbm>>
    %dma_wait3A_321 = arith.constant 0 : i32
    %dma_wait3A_322 = tpu.memref_slice %arg4[%dma_wait3A_317, %add3A, %dma_wait3A_321] : memref<26x32x16384xf32, #tpu.memory_space<hbm>> -> memref<1x1x16384xf32, #tpu.memory_space<hbm>>
    %dma_wait3A_323 = tpu.memref_squeeze %dma_wait3A_322 : memref<1x1x16384xf32, #tpu.memory_space<hbm>> -> memref<16384xf32, #tpu.memory_space<hbm>>
    tpu.wait_dma2 semaphore(%arg8 : memref<!tpu.dma_semaphore, #tpu.memory_space<semaphore_mem>>) src(%arg6 : memref<16384xf32, #tpu.memory_space<vmem>>) dst(%dma_wait3A_323 : memref<16384xf32, #tpu.memory_space<hbm>>)
    %run_scoped3A_324 = arith.constant 10 : i32
    "tpu.region"() ({
      %run_scoped3A_829 = tpu.sem_alloc : memref<!tpu.dma_semaphore, #tpu.memory_space<semaphore_mem>>
      %dma_start3A_830 = arith.constant 0 : i32
      %dma_start3A_831 = tpu.memref_slice %arg2[%run_scoped3A_324, %dma_start3A_830] : memref<26x16384xf32, #tpu.memory_space<hbm>> -> memref<1x16384xf32, #tpu.memory_space<hbm>>
      %dma_start3A_832 = tpu.memref_squeeze %dma_start3A_831 : memref<1x16384xf32, #tpu.memory_space<hbm>> -> memref<16384xf32, #tpu.memory_space<hbm>>
      %dma_start3A_833 = arith.constant 0 : i32
      %dma_start3A_834 = tpu.memref_slice %arg2[%run_scoped3A_324, %dma_start3A_833] : memref<26x16384xf32, #tpu.memory_space<hbm>> -> memref<1x16384xf32, #tpu.memory_space<hbm>>
      %dma_start3A_835 = tpu.memref_squeeze %dma_start3A_834 : memref<1x16384xf32, #tpu.memory_space<hbm>> -> memref<16384xf32, #tpu.memory_space<hbm>>
      tpu.enqueue_dma source(%dma_start3A_835 : memref<16384xf32, #tpu.memory_space<hbm>>) target(%arg6 : memref<16384xf32, #tpu.memory_space<vmem>>) target_semaphore(%run_scoped3A_829 : memref<!tpu.dma_semaphore, #tpu.memory_space<semaphore_mem>>)
      %dma_wait3A_836 = arith.constant 0 : i32
      %dma_wait3A_837 = tpu.memref_slice %arg2[%run_scoped3A_324, %dma_wait3A_836] : memref<26x16384xf32, #tpu.memory_space<hbm>> -> memref<1x16384xf32, #tpu.memory_space<hbm>>
      %dma_wait3A_838 = tpu.memref_squeeze %dma_wait3A_837 : memref<1x16384xf32, #tpu.memory_space<hbm>> -> memref<16384xf32, #tpu.memory_space<hbm>>
      %dma_wait3A_839 = arith.constant 0 : i32
      %dma_wait3A_840 = tpu.memref_slice %arg2[%run_scoped3A_324, %dma_wait3A_839] : memref<26x16384xf32, #tpu.memory_space<hbm>> -> memref<1x16384xf32, #tpu.memory_space<hbm>>
      %dma_wait3A_841 = tpu.memref_squeeze %dma_wait3A_840 : memref<1x16384xf32, #tpu.memory_space<hbm>> -> memref<16384xf32, #tpu.memory_space<hbm>>
      tpu.wait_dma2 semaphore(%run_scoped3A_829 : memref<!tpu.dma_semaphore, #tpu.memory_space<semaphore_mem>>) src(%dma_wait3A_841 : memref<16384xf32, #tpu.memory_space<hbm>>) dst(%arg6 : memref<16384xf32, #tpu.memory_space<vmem>>)
      tpu.yield
    }) : () -> ()
    %dma_wait3A_325 = arith.constant 10 : i32
    %dma_wait3A_326 = arith.constant 0 : i32
    %dma_wait3A_327 = tpu.memref_slice %arg3[%dma_wait3A_325, %add3A, %dma_wait3A_326] : memref<26x32x100000xf32, #tpu.memory_space<hbm>> -> memref<1x1x100000xf32, #tpu.memory_space<hbm>>
    %dma_wait3A_328 = tpu.memref_squeeze %dma_wait3A_327 : memref<1x1x100000xf32, #tpu.memory_space<hbm>> -> memref<100000xf32, #tpu.memory_space<hbm>>
    %dma_wait3A_329 = arith.constant 0 : i32
    %dma_wait3A_330 = tpu.memref_slice %arg3[%dma_wait3A_325, %add3A, %dma_wait3A_329] : memref<26x32x100000xf32, #tpu.memory_space<hbm>> -> memref<1x1x100000xf32, #tpu.memory_space<hbm>>
    %dma_wait3A_331 = tpu.memref_squeeze %dma_wait3A_330 : memref<1x1x100000xf32, #tpu.memory_space<hbm>> -> memref<100000xf32, #tpu.memory_space<hbm>>
    tpu.wait_dma2 semaphore(%arg7 : memref<!tpu.dma_semaphore, #tpu.memory_space<semaphore_mem>>) src(%dma_wait3A_331 : memref<100000xf32, #tpu.memory_space<hbm>>) dst(%arg5 : memref<100000xf32, #tpu.memory_space<vmem>>)
    %parallel_loop3A_332 = arith.constant 0 : i32
    %parallel_loop3A_333 = arith.constant 16384 : i32
    %parallel_loop3A_334 = arith.constant 16 : i32
    scf.for %parallel_loop3A_829 = %parallel_loop3A_332 to %parallel_loop3A_333 step %parallel_loop3A_334  : i32 {
      %parallel_loop3A_830 = arith.index_cast %parallel_loop3A_829 : i32 to index
      %parallel_loop3A_831 = tpu.vector_load %arg6[%parallel_loop3A_830] {strides = array<i32>} : memref<16384xf32, #tpu.memory_space<vmem>>, vector<16xf32>,
      %parallel_loop3A_832 = vector.bitcast %parallel_loop3A_831 : vector<16xf32> to vector<16xi32>
      %parallel_loop3A_833 = tpu.vector_load_idx %arg5[%parallel_loop3A_832] : memref<100000xf32, #tpu.memory_space<vmem>>[vector<16xi32>], vector<16xf32>,
      %parallel_loop3A_834 = arith.index_cast %parallel_loop3A_829 : i32 to index
      %parallel_loop3A_835 = tpu.vector_load %arg6[%parallel_loop3A_834] {strides = array<i32>} : memref<16384xf32, #tpu.memory_space<vmem>>, vector<16xf32>,
      tpu.vector_store %arg6[%parallel_loop3A_834], %parallel_loop3A_833 {strides = array<i32>} : memref<16384xf32, #tpu.memory_space<vmem>>, vector<16xf32>,
    } {sc.loop_unroll_factor = 8 : i64, sc.parallel_access}
    %dma_start3A_335 = arith.constant 11 : i32
    %dma_start3A_336 = arith.constant 0 : i32
    %dma_start3A_337 = tpu.memref_slice %arg3[%dma_start3A_335, %add3A, %dma_start3A_336] : memref<26x32x100000xf32, #tpu.memory_space<hbm>> -> memref<1x1x100000xf32, #tpu.memory_space<hbm>>
    %dma_start3A_338 = tpu.memref_squeeze %dma_start3A_337 : memref<1x1x100000xf32, #tpu.memory_space<hbm>> -> memref<100000xf32, #tpu.memory_space<hbm>>
    %dma_start3A_339 = arith.constant 0 : i32
    %dma_start3A_340 = tpu.memref_slice %arg3[%dma_start3A_335, %add3A, %dma_start3A_339] : memref<26x32x100000xf32, #tpu.memory_space<hbm>> -> memref<1x1x100000xf32, #tpu.memory_space<hbm>>
    %dma_start3A_341 = tpu.memref_squeeze %dma_start3A_340 : memref<1x1x100000xf32, #tpu.memory_space<hbm>> -> memref<100000xf32, #tpu.memory_space<hbm>>
    tpu.enqueue_dma source(%dma_start3A_341 : memref<100000xf32, #tpu.memory_space<hbm>>) target(%arg5 : memref<100000xf32, #tpu.memory_space<vmem>>) target_semaphore(%arg7 : memref<!tpu.dma_semaphore, #tpu.memory_space<semaphore_mem>>)
    %dma_start3A_342 = arith.constant 10 : i32
    %dma_start3A_343 = arith.constant 0 : i32
    %dma_start3A_344 = tpu.memref_slice %arg4[%dma_start3A_342, %add3A, %dma_start3A_343] : memref<26x32x16384xf32, #tpu.memory_space<hbm>> -> memref<1x1x16384xf32, #tpu.memory_space<hbm>>
    %dma_start3A_345 = tpu.memref_squeeze %dma_start3A_344 : memref<1x1x16384xf32, #tpu.memory_space<hbm>> -> memref<16384xf32, #tpu.memory_space<hbm>>
    %dma_start3A_346 = arith.constant 0 : i32
    %dma_start3A_347 = tpu.memref_slice %arg4[%dma_start3A_342, %add3A, %dma_start3A_346] : memref<26x32x16384xf32, #tpu.memory_space<hbm>> -> memref<1x1x16384xf32, #tpu.memory_space<hbm>>
    %dma_start3A_348 = tpu.memref_squeeze %dma_start3A_347 : memref<1x1x16384xf32, #tpu.memory_space<hbm>> -> memref<16384xf32, #tpu.memory_space<hbm>>
    tpu.enqueue_dma source(%arg6 : memref<16384xf32, #tpu.memory_space<vmem>>) target(%dma_start3A_348 : memref<16384xf32, #tpu.memory_space<hbm>>) target_semaphore(%arg8 : memref<!tpu.dma_semaphore, #tpu.memory_space<semaphore_mem>>)
    %dma_wait3A_349 = arith.constant 10 : i32
    %dma_wait3A_350 = arith.constant 0 : i32
    %dma_wait3A_351 = tpu.memref_slice %arg4[%dma_wait3A_349, %add3A, %dma_wait3A_350] : memref<26x32x16384xf32, #tpu.memory_space<hbm>> -> memref<1x1x16384xf32, #tpu.memory_space<hbm>>
    %dma_wait3A_352 = tpu.memref_squeeze %dma_wait3A_351 : memref<1x1x16384xf32, #tpu.memory_space<hbm>> -> memref<16384xf32, #tpu.memory_space<hbm>>
    %dma_wait3A_353 = arith.constant 0 : i32
    %dma_wait3A_354 = tpu.memref_slice %arg4[%dma_wait3A_349, %add3A, %dma_wait3A_353] : memref<26x32x16384xf32, #tpu.memory_space<hbm>> -> memref<1x1x16384xf32, #tpu.memory_space<hbm>>
    %dma_wait3A_355 = tpu.memref_squeeze %dma_wait3A_354 : memref<1x1x16384xf32, #tpu.memory_space<hbm>> -> memref<16384xf32, #tpu.memory_space<hbm>>
    tpu.wait_dma2 semaphore(%arg8 : memref<!tpu.dma_semaphore, #tpu.memory_space<semaphore_mem>>) src(%arg6 : memref<16384xf32, #tpu.memory_space<vmem>>) dst(%dma_wait3A_355 : memref<16384xf32, #tpu.memory_space<hbm>>)
    %run_scoped3A_356 = arith.constant 11 : i32
    "tpu.region"() ({
      %run_scoped3A_829 = tpu.sem_alloc : memref<!tpu.dma_semaphore, #tpu.memory_space<semaphore_mem>>
      %dma_start3A_830 = arith.constant 0 : i32
      %dma_start3A_831 = tpu.memref_slice %arg2[%run_scoped3A_356, %dma_start3A_830] : memref<26x16384xf32, #tpu.memory_space<hbm>> -> memref<1x16384xf32, #tpu.memory_space<hbm>>
      %dma_start3A_832 = tpu.memref_squeeze %dma_start3A_831 : memref<1x16384xf32, #tpu.memory_space<hbm>> -> memref<16384xf32, #tpu.memory_space<hbm>>
      %dma_start3A_833 = arith.constant 0 : i32
      %dma_start3A_834 = tpu.memref_slice %arg2[%run_scoped3A_356, %dma_start3A_833] : memref<26x16384xf32, #tpu.memory_space<hbm>> -> memref<1x16384xf32, #tpu.memory_space<hbm>>
      %dma_start3A_835 = tpu.memref_squeeze %dma_start3A_834 : memref<1x16384xf32, #tpu.memory_space<hbm>> -> memref<16384xf32, #tpu.memory_space<hbm>>
      tpu.enqueue_dma source(%dma_start3A_835 : memref<16384xf32, #tpu.memory_space<hbm>>) target(%arg6 : memref<16384xf32, #tpu.memory_space<vmem>>) target_semaphore(%run_scoped3A_829 : memref<!tpu.dma_semaphore, #tpu.memory_space<semaphore_mem>>)
      %dma_wait3A_836 = arith.constant 0 : i32
      %dma_wait3A_837 = tpu.memref_slice %arg2[%run_scoped3A_356, %dma_wait3A_836] : memref<26x16384xf32, #tpu.memory_space<hbm>> -> memref<1x16384xf32, #tpu.memory_space<hbm>>
      %dma_wait3A_838 = tpu.memref_squeeze %dma_wait3A_837 : memref<1x16384xf32, #tpu.memory_space<hbm>> -> memref<16384xf32, #tpu.memory_space<hbm>>
      %dma_wait3A_839 = arith.constant 0 : i32
      %dma_wait3A_840 = tpu.memref_slice %arg2[%run_scoped3A_356, %dma_wait3A_839] : memref<26x16384xf32, #tpu.memory_space<hbm>> -> memref<1x16384xf32, #tpu.memory_space<hbm>>
      %dma_wait3A_841 = tpu.memref_squeeze %dma_wait3A_840 : memref<1x16384xf32, #tpu.memory_space<hbm>> -> memref<16384xf32, #tpu.memory_space<hbm>>
      tpu.wait_dma2 semaphore(%run_scoped3A_829 : memref<!tpu.dma_semaphore, #tpu.memory_space<semaphore_mem>>) src(%dma_wait3A_841 : memref<16384xf32, #tpu.memory_space<hbm>>) dst(%arg6 : memref<16384xf32, #tpu.memory_space<vmem>>)
      tpu.yield
    }) : () -> ()
    %dma_wait3A_357 = arith.constant 11 : i32
    %dma_wait3A_358 = arith.constant 0 : i32
    %dma_wait3A_359 = tpu.memref_slice %arg3[%dma_wait3A_357, %add3A, %dma_wait3A_358] : memref<26x32x100000xf32, #tpu.memory_space<hbm>> -> memref<1x1x100000xf32, #tpu.memory_space<hbm>>
    %dma_wait3A_360 = tpu.memref_squeeze %dma_wait3A_359 : memref<1x1x100000xf32, #tpu.memory_space<hbm>> -> memref<100000xf32, #tpu.memory_space<hbm>>
    %dma_wait3A_361 = arith.constant 0 : i32
    %dma_wait3A_362 = tpu.memref_slice %arg3[%dma_wait3A_357, %add3A, %dma_wait3A_361] : memref<26x32x100000xf32, #tpu.memory_space<hbm>> -> memref<1x1x100000xf32, #tpu.memory_space<hbm>>
    %dma_wait3A_363 = tpu.memref_squeeze %dma_wait3A_362 : memref<1x1x100000xf32, #tpu.memory_space<hbm>> -> memref<100000xf32, #tpu.memory_space<hbm>>
    tpu.wait_dma2 semaphore(%arg7 : memref<!tpu.dma_semaphore, #tpu.memory_space<semaphore_mem>>) src(%dma_wait3A_363 : memref<100000xf32, #tpu.memory_space<hbm>>) dst(%arg5 : memref<100000xf32, #tpu.memory_space<vmem>>)
    %parallel_loop3A_364 = arith.constant 0 : i32
    %parallel_loop3A_365 = arith.constant 16384 : i32
    %parallel_loop3A_366 = arith.constant 16 : i32
    scf.for %parallel_loop3A_829 = %parallel_loop3A_364 to %parallel_loop3A_365 step %parallel_loop3A_366  : i32 {
      %parallel_loop3A_830 = arith.index_cast %parallel_loop3A_829 : i32 to index
      %parallel_loop3A_831 = tpu.vector_load %arg6[%parallel_loop3A_830] {strides = array<i32>} : memref<16384xf32, #tpu.memory_space<vmem>>, vector<16xf32>,
      %parallel_loop3A_832 = vector.bitcast %parallel_loop3A_831 : vector<16xf32> to vector<16xi32>
      %parallel_loop3A_833 = tpu.vector_load_idx %arg5[%parallel_loop3A_832] : memref<100000xf32, #tpu.memory_space<vmem>>[vector<16xi32>], vector<16xf32>,
      %parallel_loop3A_834 = arith.index_cast %parallel_loop3A_829 : i32 to index
      %parallel_loop3A_835 = tpu.vector_load %arg6[%parallel_loop3A_834] {strides = array<i32>} : memref<16384xf32, #tpu.memory_space<vmem>>, vector<16xf32>,
      tpu.vector_store %arg6[%parallel_loop3A_834], %parallel_loop3A_833 {strides = array<i32>} : memref<16384xf32, #tpu.memory_space<vmem>>, vector<16xf32>,
    } {sc.loop_unroll_factor = 8 : i64, sc.parallel_access}
    %dma_start3A_367 = arith.constant 12 : i32
    %dma_start3A_368 = arith.constant 0 : i32
    %dma_start3A_369 = tpu.memref_slice %arg3[%dma_start3A_367, %add3A, %dma_start3A_368] : memref<26x32x100000xf32, #tpu.memory_space<hbm>> -> memref<1x1x100000xf32, #tpu.memory_space<hbm>>
    %dma_start3A_370 = tpu.memref_squeeze %dma_start3A_369 : memref<1x1x100000xf32, #tpu.memory_space<hbm>> -> memref<100000xf32, #tpu.memory_space<hbm>>
    %dma_start3A_371 = arith.constant 0 : i32
    %dma_start3A_372 = tpu.memref_slice %arg3[%dma_start3A_367, %add3A, %dma_start3A_371] : memref<26x32x100000xf32, #tpu.memory_space<hbm>> -> memref<1x1x100000xf32, #tpu.memory_space<hbm>>
    %dma_start3A_373 = tpu.memref_squeeze %dma_start3A_372 : memref<1x1x100000xf32, #tpu.memory_space<hbm>> -> memref<100000xf32, #tpu.memory_space<hbm>>
    tpu.enqueue_dma source(%dma_start3A_373 : memref<100000xf32, #tpu.memory_space<hbm>>) target(%arg5 : memref<100000xf32, #tpu.memory_space<vmem>>) target_semaphore(%arg7 : memref<!tpu.dma_semaphore, #tpu.memory_space<semaphore_mem>>)
    %dma_start3A_374 = arith.constant 11 : i32
    %dma_start3A_375 = arith.constant 0 : i32
    %dma_start3A_376 = tpu.memref_slice %arg4[%dma_start3A_374, %add3A, %dma_start3A_375] : memref<26x32x16384xf32, #tpu.memory_space<hbm>> -> memref<1x1x16384xf32, #tpu.memory_space<hbm>>
    %dma_start3A_377 = tpu.memref_squeeze %dma_start3A_376 : memref<1x1x16384xf32, #tpu.memory_space<hbm>> -> memref<16384xf32, #tpu.memory_space<hbm>>
    %dma_start3A_378 = arith.constant 0 : i32
    %dma_start3A_379 = tpu.memref_slice %arg4[%dma_start3A_374, %add3A, %dma_start3A_378] : memref<26x32x16384xf32, #tpu.memory_space<hbm>> -> memref<1x1x16384xf32, #tpu.memory_space<hbm>>
    %dma_start3A_380 = tpu.memref_squeeze %dma_start3A_379 : memref<1x1x16384xf32, #tpu.memory_space<hbm>> -> memref<16384xf32, #tpu.memory_space<hbm>>
    tpu.enqueue_dma source(%arg6 : memref<16384xf32, #tpu.memory_space<vmem>>) target(%dma_start3A_380 : memref<16384xf32, #tpu.memory_space<hbm>>) target_semaphore(%arg8 : memref<!tpu.dma_semaphore, #tpu.memory_space<semaphore_mem>>)
    %dma_wait3A_381 = arith.constant 11 : i32
    %dma_wait3A_382 = arith.constant 0 : i32
    %dma_wait3A_383 = tpu.memref_slice %arg4[%dma_wait3A_381, %add3A, %dma_wait3A_382] : memref<26x32x16384xf32, #tpu.memory_space<hbm>> -> memref<1x1x16384xf32, #tpu.memory_space<hbm>>
    %dma_wait3A_384 = tpu.memref_squeeze %dma_wait3A_383 : memref<1x1x16384xf32, #tpu.memory_space<hbm>> -> memref<16384xf32, #tpu.memory_space<hbm>>
    %dma_wait3A_385 = arith.constant 0 : i32
    %dma_wait3A_386 = tpu.memref_slice %arg4[%dma_wait3A_381, %add3A, %dma_wait3A_385] : memref<26x32x16384xf32, #tpu.memory_space<hbm>> -> memref<1x1x16384xf32, #tpu.memory_space<hbm>>
    %dma_wait3A_387 = tpu.memref_squeeze %dma_wait3A_386 : memref<1x1x16384xf32, #tpu.memory_space<hbm>> -> memref<16384xf32, #tpu.memory_space<hbm>>
    tpu.wait_dma2 semaphore(%arg8 : memref<!tpu.dma_semaphore, #tpu.memory_space<semaphore_mem>>) src(%arg6 : memref<16384xf32, #tpu.memory_space<vmem>>) dst(%dma_wait3A_387 : memref<16384xf32, #tpu.memory_space<hbm>>)
    %run_scoped3A_388 = arith.constant 12 : i32
    "tpu.region"() ({
      %run_scoped3A_829 = tpu.sem_alloc : memref<!tpu.dma_semaphore, #tpu.memory_space<semaphore_mem>>
      %dma_start3A_830 = arith.constant 0 : i32
      %dma_start3A_831 = tpu.memref_slice %arg2[%run_scoped3A_388, %dma_start3A_830] : memref<26x16384xf32, #tpu.memory_space<hbm>> -> memref<1x16384xf32, #tpu.memory_space<hbm>>
      %dma_start3A_832 = tpu.memref_squeeze %dma_start3A_831 : memref<1x16384xf32, #tpu.memory_space<hbm>> -> memref<16384xf32, #tpu.memory_space<hbm>>
      %dma_start3A_833 = arith.constant 0 : i32
      %dma_start3A_834 = tpu.memref_slice %arg2[%run_scoped3A_388, %dma_start3A_833] : memref<26x16384xf32, #tpu.memory_space<hbm>> -> memref<1x16384xf32, #tpu.memory_space<hbm>>
      %dma_start3A_835 = tpu.memref_squeeze %dma_start3A_834 : memref<1x16384xf32, #tpu.memory_space<hbm>> -> memref<16384xf32, #tpu.memory_space<hbm>>
      tpu.enqueue_dma source(%dma_start3A_835 : memref<16384xf32, #tpu.memory_space<hbm>>) target(%arg6 : memref<16384xf32, #tpu.memory_space<vmem>>) target_semaphore(%run_scoped3A_829 : memref<!tpu.dma_semaphore, #tpu.memory_space<semaphore_mem>>)
      %dma_wait3A_836 = arith.constant 0 : i32
      %dma_wait3A_837 = tpu.memref_slice %arg2[%run_scoped3A_388, %dma_wait3A_836] : memref<26x16384xf32, #tpu.memory_space<hbm>> -> memref<1x16384xf32, #tpu.memory_space<hbm>>
      %dma_wait3A_838 = tpu.memref_squeeze %dma_wait3A_837 : memref<1x16384xf32, #tpu.memory_space<hbm>> -> memref<16384xf32, #tpu.memory_space<hbm>>
      %dma_wait3A_839 = arith.constant 0 : i32
      %dma_wait3A_840 = tpu.memref_slice %arg2[%run_scoped3A_388, %dma_wait3A_839] : memref<26x16384xf32, #tpu.memory_space<hbm>> -> memref<1x16384xf32, #tpu.memory_space<hbm>>
      %dma_wait3A_841 = tpu.memref_squeeze %dma_wait3A_840 : memref<1x16384xf32, #tpu.memory_space<hbm>> -> memref<16384xf32, #tpu.memory_space<hbm>>
      tpu.wait_dma2 semaphore(%run_scoped3A_829 : memref<!tpu.dma_semaphore, #tpu.memory_space<semaphore_mem>>) src(%dma_wait3A_841 : memref<16384xf32, #tpu.memory_space<hbm>>) dst(%arg6 : memref<16384xf32, #tpu.memory_space<vmem>>)
      tpu.yield
    }) : () -> ()
    %dma_wait3A_389 = arith.constant 12 : i32
    %dma_wait3A_390 = arith.constant 0 : i32
    %dma_wait3A_391 = tpu.memref_slice %arg3[%dma_wait3A_389, %add3A, %dma_wait3A_390] : memref<26x32x100000xf32, #tpu.memory_space<hbm>> -> memref<1x1x100000xf32, #tpu.memory_space<hbm>>
    %dma_wait3A_392 = tpu.memref_squeeze %dma_wait3A_391 : memref<1x1x100000xf32, #tpu.memory_space<hbm>> -> memref<100000xf32, #tpu.memory_space<hbm>>
    %dma_wait3A_393 = arith.constant 0 : i32
    %dma_wait3A_394 = tpu.memref_slice %arg3[%dma_wait3A_389, %add3A, %dma_wait3A_393] : memref<26x32x100000xf32, #tpu.memory_space<hbm>> -> memref<1x1x100000xf32, #tpu.memory_space<hbm>>
    %dma_wait3A_395 = tpu.memref_squeeze %dma_wait3A_394 : memref<1x1x100000xf32, #tpu.memory_space<hbm>> -> memref<100000xf32, #tpu.memory_space<hbm>>
    tpu.wait_dma2 semaphore(%arg7 : memref<!tpu.dma_semaphore, #tpu.memory_space<semaphore_mem>>) src(%dma_wait3A_395 : memref<100000xf32, #tpu.memory_space<hbm>>) dst(%arg5 : memref<100000xf32, #tpu.memory_space<vmem>>)
    %parallel_loop3A_396 = arith.constant 0 : i32
    %parallel_loop3A_397 = arith.constant 16384 : i32
    %parallel_loop3A_398 = arith.constant 16 : i32
    scf.for %parallel_loop3A_829 = %parallel_loop3A_396 to %parallel_loop3A_397 step %parallel_loop3A_398  : i32 {
      %parallel_loop3A_830 = arith.index_cast %parallel_loop3A_829 : i32 to index
      %parallel_loop3A_831 = tpu.vector_load %arg6[%parallel_loop3A_830] {strides = array<i32>} : memref<16384xf32, #tpu.memory_space<vmem>>, vector<16xf32>,
      %parallel_loop3A_832 = vector.bitcast %parallel_loop3A_831 : vector<16xf32> to vector<16xi32>
      %parallel_loop3A_833 = tpu.vector_load_idx %arg5[%parallel_loop3A_832] : memref<100000xf32, #tpu.memory_space<vmem>>[vector<16xi32>], vector<16xf32>,
      %parallel_loop3A_834 = arith.index_cast %parallel_loop3A_829 : i32 to index
      %parallel_loop3A_835 = tpu.vector_load %arg6[%parallel_loop3A_834] {strides = array<i32>} : memref<16384xf32, #tpu.memory_space<vmem>>, vector<16xf32>,
      tpu.vector_store %arg6[%parallel_loop3A_834], %parallel_loop3A_833 {strides = array<i32>} : memref<16384xf32, #tpu.memory_space<vmem>>, vector<16xf32>,
    } {sc.loop_unroll_factor = 8 : i64, sc.parallel_access}
    %dma_start3A_399 = arith.constant 13 : i32
    %dma_start3A_400 = arith.constant 0 : i32
    %dma_start3A_401 = tpu.memref_slice %arg3[%dma_start3A_399, %add3A, %dma_start3A_400] : memref<26x32x100000xf32, #tpu.memory_space<hbm>> -> memref<1x1x100000xf32, #tpu.memory_space<hbm>>
    %dma_start3A_402 = tpu.memref_squeeze %dma_start3A_401 : memref<1x1x100000xf32, #tpu.memory_space<hbm>> -> memref<100000xf32, #tpu.memory_space<hbm>>
    %dma_start3A_403 = arith.constant 0 : i32
    %dma_start3A_404 = tpu.memref_slice %arg3[%dma_start3A_399, %add3A, %dma_start3A_403] : memref<26x32x100000xf32, #tpu.memory_space<hbm>> -> memref<1x1x100000xf32, #tpu.memory_space<hbm>>
    %dma_start3A_405 = tpu.memref_squeeze %dma_start3A_404 : memref<1x1x100000xf32, #tpu.memory_space<hbm>> -> memref<100000xf32, #tpu.memory_space<hbm>>
    tpu.enqueue_dma source(%dma_start3A_405 : memref<100000xf32, #tpu.memory_space<hbm>>) target(%arg5 : memref<100000xf32, #tpu.memory_space<vmem>>) target_semaphore(%arg7 : memref<!tpu.dma_semaphore, #tpu.memory_space<semaphore_mem>>)
    %dma_start3A_406 = arith.constant 12 : i32
    %dma_start3A_407 = arith.constant 0 : i32
    %dma_start3A_408 = tpu.memref_slice %arg4[%dma_start3A_406, %add3A, %dma_start3A_407] : memref<26x32x16384xf32, #tpu.memory_space<hbm>> -> memref<1x1x16384xf32, #tpu.memory_space<hbm>>
    %dma_start3A_409 = tpu.memref_squeeze %dma_start3A_408 : memref<1x1x16384xf32, #tpu.memory_space<hbm>> -> memref<16384xf32, #tpu.memory_space<hbm>>
    %dma_start3A_410 = arith.constant 0 : i32
    %dma_start3A_411 = tpu.memref_slice %arg4[%dma_start3A_406, %add3A, %dma_start3A_410] : memref<26x32x16384xf32, #tpu.memory_space<hbm>> -> memref<1x1x16384xf32, #tpu.memory_space<hbm>>
    %dma_start3A_412 = tpu.memref_squeeze %dma_start3A_411 : memref<1x1x16384xf32, #tpu.memory_space<hbm>> -> memref<16384xf32, #tpu.memory_space<hbm>>
    tpu.enqueue_dma source(%arg6 : memref<16384xf32, #tpu.memory_space<vmem>>) target(%dma_start3A_412 : memref<16384xf32, #tpu.memory_space<hbm>>) target_semaphore(%arg8 : memref<!tpu.dma_semaphore, #tpu.memory_space<semaphore_mem>>)
    %dma_wait3A_413 = arith.constant 12 : i32
    %dma_wait3A_414 = arith.constant 0 : i32
    %dma_wait3A_415 = tpu.memref_slice %arg4[%dma_wait3A_413, %add3A, %dma_wait3A_414] : memref<26x32x16384xf32, #tpu.memory_space<hbm>> -> memref<1x1x16384xf32, #tpu.memory_space<hbm>>
    %dma_wait3A_416 = tpu.memref_squeeze %dma_wait3A_415 : memref<1x1x16384xf32, #tpu.memory_space<hbm>> -> memref<16384xf32, #tpu.memory_space<hbm>>
    %dma_wait3A_417 = arith.constant 0 : i32
    %dma_wait3A_418 = tpu.memref_slice %arg4[%dma_wait3A_413, %add3A, %dma_wait3A_417] : memref<26x32x16384xf32, #tpu.memory_space<hbm>> -> memref<1x1x16384xf32, #tpu.memory_space<hbm>>
    %dma_wait3A_419 = tpu.memref_squeeze %dma_wait3A_418 : memref<1x1x16384xf32, #tpu.memory_space<hbm>> -> memref<16384xf32, #tpu.memory_space<hbm>>
    tpu.wait_dma2 semaphore(%arg8 : memref<!tpu.dma_semaphore, #tpu.memory_space<semaphore_mem>>) src(%arg6 : memref<16384xf32, #tpu.memory_space<vmem>>) dst(%dma_wait3A_419 : memref<16384xf32, #tpu.memory_space<hbm>>)
    %run_scoped3A_420 = arith.constant 13 : i32
    "tpu.region"() ({
      %run_scoped3A_829 = tpu.sem_alloc : memref<!tpu.dma_semaphore, #tpu.memory_space<semaphore_mem>>
      %dma_start3A_830 = arith.constant 0 : i32
      %dma_start3A_831 = tpu.memref_slice %arg2[%run_scoped3A_420, %dma_start3A_830] : memref<26x16384xf32, #tpu.memory_space<hbm>> -> memref<1x16384xf32, #tpu.memory_space<hbm>>
      %dma_start3A_832 = tpu.memref_squeeze %dma_start3A_831 : memref<1x16384xf32, #tpu.memory_space<hbm>> -> memref<16384xf32, #tpu.memory_space<hbm>>
      %dma_start3A_833 = arith.constant 0 : i32
      %dma_start3A_834 = tpu.memref_slice %arg2[%run_scoped3A_420, %dma_start3A_833] : memref<26x16384xf32, #tpu.memory_space<hbm>> -> memref<1x16384xf32, #tpu.memory_space<hbm>>
      %dma_start3A_835 = tpu.memref_squeeze %dma_start3A_834 : memref<1x16384xf32, #tpu.memory_space<hbm>> -> memref<16384xf32, #tpu.memory_space<hbm>>
      tpu.enqueue_dma source(%dma_start3A_835 : memref<16384xf32, #tpu.memory_space<hbm>>) target(%arg6 : memref<16384xf32, #tpu.memory_space<vmem>>) target_semaphore(%run_scoped3A_829 : memref<!tpu.dma_semaphore, #tpu.memory_space<semaphore_mem>>)
      %dma_wait3A_836 = arith.constant 0 : i32
      %dma_wait3A_837 = tpu.memref_slice %arg2[%run_scoped3A_420, %dma_wait3A_836] : memref<26x16384xf32, #tpu.memory_space<hbm>> -> memref<1x16384xf32, #tpu.memory_space<hbm>>
      %dma_wait3A_838 = tpu.memref_squeeze %dma_wait3A_837 : memref<1x16384xf32, #tpu.memory_space<hbm>> -> memref<16384xf32, #tpu.memory_space<hbm>>
      %dma_wait3A_839 = arith.constant 0 : i32
      %dma_wait3A_840 = tpu.memref_slice %arg2[%run_scoped3A_420, %dma_wait3A_839] : memref<26x16384xf32, #tpu.memory_space<hbm>> -> memref<1x16384xf32, #tpu.memory_space<hbm>>
      %dma_wait3A_841 = tpu.memref_squeeze %dma_wait3A_840 : memref<1x16384xf32, #tpu.memory_space<hbm>> -> memref<16384xf32, #tpu.memory_space<hbm>>
      tpu.wait_dma2 semaphore(%run_scoped3A_829 : memref<!tpu.dma_semaphore, #tpu.memory_space<semaphore_mem>>) src(%dma_wait3A_841 : memref<16384xf32, #tpu.memory_space<hbm>>) dst(%arg6 : memref<16384xf32, #tpu.memory_space<vmem>>)
      tpu.yield
    }) : () -> ()
    %dma_wait3A_421 = arith.constant 13 : i32
    %dma_wait3A_422 = arith.constant 0 : i32
    %dma_wait3A_423 = tpu.memref_slice %arg3[%dma_wait3A_421, %add3A, %dma_wait3A_422] : memref<26x32x100000xf32, #tpu.memory_space<hbm>> -> memref<1x1x100000xf32, #tpu.memory_space<hbm>>
    %dma_wait3A_424 = tpu.memref_squeeze %dma_wait3A_423 : memref<1x1x100000xf32, #tpu.memory_space<hbm>> -> memref<100000xf32, #tpu.memory_space<hbm>>
    %dma_wait3A_425 = arith.constant 0 : i32
    %dma_wait3A_426 = tpu.memref_slice %arg3[%dma_wait3A_421, %add3A, %dma_wait3A_425] : memref<26x32x100000xf32, #tpu.memory_space<hbm>> -> memref<1x1x100000xf32, #tpu.memory_space<hbm>>
    %dma_wait3A_427 = tpu.memref_squeeze %dma_wait3A_426 : memref<1x1x100000xf32, #tpu.memory_space<hbm>> -> memref<100000xf32, #tpu.memory_space<hbm>>
    tpu.wait_dma2 semaphore(%arg7 : memref<!tpu.dma_semaphore, #tpu.memory_space<semaphore_mem>>) src(%dma_wait3A_427 : memref<100000xf32, #tpu.memory_space<hbm>>) dst(%arg5 : memref<100000xf32, #tpu.memory_space<vmem>>)
    %parallel_loop3A_428 = arith.constant 0 : i32
    %parallel_loop3A_429 = arith.constant 16384 : i32
    %parallel_loop3A_430 = arith.constant 16 : i32
    scf.for %parallel_loop3A_829 = %parallel_loop3A_428 to %parallel_loop3A_429 step %parallel_loop3A_430  : i32 {
      %parallel_loop3A_830 = arith.index_cast %parallel_loop3A_829 : i32 to index
      %parallel_loop3A_831 = tpu.vector_load %arg6[%parallel_loop3A_830] {strides = array<i32>} : memref<16384xf32, #tpu.memory_space<vmem>>, vector<16xf32>,
      %parallel_loop3A_832 = vector.bitcast %parallel_loop3A_831 : vector<16xf32> to vector<16xi32>
      %parallel_loop3A_833 = tpu.vector_load_idx %arg5[%parallel_loop3A_832] : memref<100000xf32, #tpu.memory_space<vmem>>[vector<16xi32>], vector<16xf32>,
      %parallel_loop3A_834 = arith.index_cast %parallel_loop3A_829 : i32 to index
      %parallel_loop3A_835 = tpu.vector_load %arg6[%parallel_loop3A_834] {strides = array<i32>} : memref<16384xf32, #tpu.memory_space<vmem>>, vector<16xf32>,
      tpu.vector_store %arg6[%parallel_loop3A_834], %parallel_loop3A_833 {strides = array<i32>} : memref<16384xf32, #tpu.memory_space<vmem>>, vector<16xf32>,
    } {sc.loop_unroll_factor = 8 : i64, sc.parallel_access}
    %dma_start3A_431 = arith.constant 14 : i32
    %dma_start3A_432 = arith.constant 0 : i32
    %dma_start3A_433 = tpu.memref_slice %arg3[%dma_start3A_431, %add3A, %dma_start3A_432] : memref<26x32x100000xf32, #tpu.memory_space<hbm>> -> memref<1x1x100000xf32, #tpu.memory_space<hbm>>
    %dma_start3A_434 = tpu.memref_squeeze %dma_start3A_433 : memref<1x1x100000xf32, #tpu.memory_space<hbm>> -> memref<100000xf32, #tpu.memory_space<hbm>>
    %dma_start3A_435 = arith.constant 0 : i32
    %dma_start3A_436 = tpu.memref_slice %arg3[%dma_start3A_431, %add3A, %dma_start3A_435] : memref<26x32x100000xf32, #tpu.memory_space<hbm>> -> memref<1x1x100000xf32, #tpu.memory_space<hbm>>
    %dma_start3A_437 = tpu.memref_squeeze %dma_start3A_436 : memref<1x1x100000xf32, #tpu.memory_space<hbm>> -> memref<100000xf32, #tpu.memory_space<hbm>>
    tpu.enqueue_dma source(%dma_start3A_437 : memref<100000xf32, #tpu.memory_space<hbm>>) target(%arg5 : memref<100000xf32, #tpu.memory_space<vmem>>) target_semaphore(%arg7 : memref<!tpu.dma_semaphore, #tpu.memory_space<semaphore_mem>>)
    %dma_start3A_438 = arith.constant 13 : i32
    %dma_start3A_439 = arith.constant 0 : i32
    %dma_start3A_440 = tpu.memref_slice %arg4[%dma_start3A_438, %add3A, %dma_start3A_439] : memref<26x32x16384xf32, #tpu.memory_space<hbm>> -> memref<1x1x16384xf32, #tpu.memory_space<hbm>>
    %dma_start3A_441 = tpu.memref_squeeze %dma_start3A_440 : memref<1x1x16384xf32, #tpu.memory_space<hbm>> -> memref<16384xf32, #tpu.memory_space<hbm>>
    %dma_start3A_442 = arith.constant 0 : i32
    %dma_start3A_443 = tpu.memref_slice %arg4[%dma_start3A_438, %add3A, %dma_start3A_442] : memref<26x32x16384xf32, #tpu.memory_space<hbm>> -> memref<1x1x16384xf32, #tpu.memory_space<hbm>>
    %dma_start3A_444 = tpu.memref_squeeze %dma_start3A_443 : memref<1x1x16384xf32, #tpu.memory_space<hbm>> -> memref<16384xf32, #tpu.memory_space<hbm>>
    tpu.enqueue_dma source(%arg6 : memref<16384xf32, #tpu.memory_space<vmem>>) target(%dma_start3A_444 : memref<16384xf32, #tpu.memory_space<hbm>>) target_semaphore(%arg8 : memref<!tpu.dma_semaphore, #tpu.memory_space<semaphore_mem>>)
    %dma_wait3A_445 = arith.constant 13 : i32
    %dma_wait3A_446 = arith.constant 0 : i32
    %dma_wait3A_447 = tpu.memref_slice %arg4[%dma_wait3A_445, %add3A, %dma_wait3A_446] : memref<26x32x16384xf32, #tpu.memory_space<hbm>> -> memref<1x1x16384xf32, #tpu.memory_space<hbm>>
    %dma_wait3A_448 = tpu.memref_squeeze %dma_wait3A_447 : memref<1x1x16384xf32, #tpu.memory_space<hbm>> -> memref<16384xf32, #tpu.memory_space<hbm>>
    %dma_wait3A_449 = arith.constant 0 : i32
    %dma_wait3A_450 = tpu.memref_slice %arg4[%dma_wait3A_445, %add3A, %dma_wait3A_449] : memref<26x32x16384xf32, #tpu.memory_space<hbm>> -> memref<1x1x16384xf32, #tpu.memory_space<hbm>>
    %dma_wait3A_451 = tpu.memref_squeeze %dma_wait3A_450 : memref<1x1x16384xf32, #tpu.memory_space<hbm>> -> memref<16384xf32, #tpu.memory_space<hbm>>
    tpu.wait_dma2 semaphore(%arg8 : memref<!tpu.dma_semaphore, #tpu.memory_space<semaphore_mem>>) src(%arg6 : memref<16384xf32, #tpu.memory_space<vmem>>) dst(%dma_wait3A_451 : memref<16384xf32, #tpu.memory_space<hbm>>)
    %run_scoped3A_452 = arith.constant 14 : i32
    "tpu.region"() ({
      %run_scoped3A_829 = tpu.sem_alloc : memref<!tpu.dma_semaphore, #tpu.memory_space<semaphore_mem>>
      %dma_start3A_830 = arith.constant 0 : i32
      %dma_start3A_831 = tpu.memref_slice %arg2[%run_scoped3A_452, %dma_start3A_830] : memref<26x16384xf32, #tpu.memory_space<hbm>> -> memref<1x16384xf32, #tpu.memory_space<hbm>>
      %dma_start3A_832 = tpu.memref_squeeze %dma_start3A_831 : memref<1x16384xf32, #tpu.memory_space<hbm>> -> memref<16384xf32, #tpu.memory_space<hbm>>
      %dma_start3A_833 = arith.constant 0 : i32
      %dma_start3A_834 = tpu.memref_slice %arg2[%run_scoped3A_452, %dma_start3A_833] : memref<26x16384xf32, #tpu.memory_space<hbm>> -> memref<1x16384xf32, #tpu.memory_space<hbm>>
      %dma_start3A_835 = tpu.memref_squeeze %dma_start3A_834 : memref<1x16384xf32, #tpu.memory_space<hbm>> -> memref<16384xf32, #tpu.memory_space<hbm>>
      tpu.enqueue_dma source(%dma_start3A_835 : memref<16384xf32, #tpu.memory_space<hbm>>) target(%arg6 : memref<16384xf32, #tpu.memory_space<vmem>>) target_semaphore(%run_scoped3A_829 : memref<!tpu.dma_semaphore, #tpu.memory_space<semaphore_mem>>)
      %dma_wait3A_836 = arith.constant 0 : i32
      %dma_wait3A_837 = tpu.memref_slice %arg2[%run_scoped3A_452, %dma_wait3A_836] : memref<26x16384xf32, #tpu.memory_space<hbm>> -> memref<1x16384xf32, #tpu.memory_space<hbm>>
      %dma_wait3A_838 = tpu.memref_squeeze %dma_wait3A_837 : memref<1x16384xf32, #tpu.memory_space<hbm>> -> memref<16384xf32, #tpu.memory_space<hbm>>
      %dma_wait3A_839 = arith.constant 0 : i32
      %dma_wait3A_840 = tpu.memref_slice %arg2[%run_scoped3A_452, %dma_wait3A_839] : memref<26x16384xf32, #tpu.memory_space<hbm>> -> memref<1x16384xf32, #tpu.memory_space<hbm>>
      %dma_wait3A_841 = tpu.memref_squeeze %dma_wait3A_840 : memref<1x16384xf32, #tpu.memory_space<hbm>> -> memref<16384xf32, #tpu.memory_space<hbm>>
      tpu.wait_dma2 semaphore(%run_scoped3A_829 : memref<!tpu.dma_semaphore, #tpu.memory_space<semaphore_mem>>) src(%dma_wait3A_841 : memref<16384xf32, #tpu.memory_space<hbm>>) dst(%arg6 : memref<16384xf32, #tpu.memory_space<vmem>>)
      tpu.yield
    }) : () -> ()
    %dma_wait3A_453 = arith.constant 14 : i32
    %dma_wait3A_454 = arith.constant 0 : i32
    %dma_wait3A_455 = tpu.memref_slice %arg3[%dma_wait3A_453, %add3A, %dma_wait3A_454] : memref<26x32x100000xf32, #tpu.memory_space<hbm>> -> memref<1x1x100000xf32, #tpu.memory_space<hbm>>
    %dma_wait3A_456 = tpu.memref_squeeze %dma_wait3A_455 : memref<1x1x100000xf32, #tpu.memory_space<hbm>> -> memref<100000xf32, #tpu.memory_space<hbm>>
    %dma_wait3A_457 = arith.constant 0 : i32
    %dma_wait3A_458 = tpu.memref_slice %arg3[%dma_wait3A_453, %add3A, %dma_wait3A_457] : memref<26x32x100000xf32, #tpu.memory_space<hbm>> -> memref<1x1x100000xf32, #tpu.memory_space<hbm>>
    %dma_wait3A_459 = tpu.memref_squeeze %dma_wait3A_458 : memref<1x1x100000xf32, #tpu.memory_space<hbm>> -> memref<100000xf32, #tpu.memory_space<hbm>>
    tpu.wait_dma2 semaphore(%arg7 : memref<!tpu.dma_semaphore, #tpu.memory_space<semaphore_mem>>) src(%dma_wait3A_459 : memref<100000xf32, #tpu.memory_space<hbm>>) dst(%arg5 : memref<100000xf32, #tpu.memory_space<vmem>>)
    %parallel_loop3A_460 = arith.constant 0 : i32
    %parallel_loop3A_461 = arith.constant 16384 : i32
    %parallel_loop3A_462 = arith.constant 16 : i32
    scf.for %parallel_loop3A_829 = %parallel_loop3A_460 to %parallel_loop3A_461 step %parallel_loop3A_462  : i32 {
      %parallel_loop3A_830 = arith.index_cast %parallel_loop3A_829 : i32 to index
      %parallel_loop3A_831 = tpu.vector_load %arg6[%parallel_loop3A_830] {strides = array<i32>} : memref<16384xf32, #tpu.memory_space<vmem>>, vector<16xf32>,
      %parallel_loop3A_832 = vector.bitcast %parallel_loop3A_831 : vector<16xf32> to vector<16xi32>
      %parallel_loop3A_833 = tpu.vector_load_idx %arg5[%parallel_loop3A_832] : memref<100000xf32, #tpu.memory_space<vmem>>[vector<16xi32>], vector<16xf32>,
      %parallel_loop3A_834 = arith.index_cast %parallel_loop3A_829 : i32 to index
      %parallel_loop3A_835 = tpu.vector_load %arg6[%parallel_loop3A_834] {strides = array<i32>} : memref<16384xf32, #tpu.memory_space<vmem>>, vector<16xf32>,
      tpu.vector_store %arg6[%parallel_loop3A_834], %parallel_loop3A_833 {strides = array<i32>} : memref<16384xf32, #tpu.memory_space<vmem>>, vector<16xf32>,
    } {sc.loop_unroll_factor = 8 : i64, sc.parallel_access}
    %dma_start3A_463 = arith.constant 15 : i32
    %dma_start3A_464 = arith.constant 0 : i32
    %dma_start3A_465 = tpu.memref_slice %arg3[%dma_start3A_463, %add3A, %dma_start3A_464] : memref<26x32x100000xf32, #tpu.memory_space<hbm>> -> memref<1x1x100000xf32, #tpu.memory_space<hbm>>
    %dma_start3A_466 = tpu.memref_squeeze %dma_start3A_465 : memref<1x1x100000xf32, #tpu.memory_space<hbm>> -> memref<100000xf32, #tpu.memory_space<hbm>>
    %dma_start3A_467 = arith.constant 0 : i32
    %dma_start3A_468 = tpu.memref_slice %arg3[%dma_start3A_463, %add3A, %dma_start3A_467] : memref<26x32x100000xf32, #tpu.memory_space<hbm>> -> memref<1x1x100000xf32, #tpu.memory_space<hbm>>
    %dma_start3A_469 = tpu.memref_squeeze %dma_start3A_468 : memref<1x1x100000xf32, #tpu.memory_space<hbm>> -> memref<100000xf32, #tpu.memory_space<hbm>>
    tpu.enqueue_dma source(%dma_start3A_469 : memref<100000xf32, #tpu.memory_space<hbm>>) target(%arg5 : memref<100000xf32, #tpu.memory_space<vmem>>) target_semaphore(%arg7 : memref<!tpu.dma_semaphore, #tpu.memory_space<semaphore_mem>>)
    %dma_start3A_470 = arith.constant 14 : i32
    %dma_start3A_471 = arith.constant 0 : i32
    %dma_start3A_472 = tpu.memref_slice %arg4[%dma_start3A_470, %add3A, %dma_start3A_471] : memref<26x32x16384xf32, #tpu.memory_space<hbm>> -> memref<1x1x16384xf32, #tpu.memory_space<hbm>>
    %dma_start3A_473 = tpu.memref_squeeze %dma_start3A_472 : memref<1x1x16384xf32, #tpu.memory_space<hbm>> -> memref<16384xf32, #tpu.memory_space<hbm>>
    %dma_start3A_474 = arith.constant 0 : i32
    %dma_start3A_475 = tpu.memref_slice %arg4[%dma_start3A_470, %add3A, %dma_start3A_474] : memref<26x32x16384xf32, #tpu.memory_space<hbm>> -> memref<1x1x16384xf32, #tpu.memory_space<hbm>>
    %dma_start3A_476 = tpu.memref_squeeze %dma_start3A_475 : memref<1x1x16384xf32, #tpu.memory_space<hbm>> -> memref<16384xf32, #tpu.memory_space<hbm>>
    tpu.enqueue_dma source(%arg6 : memref<16384xf32, #tpu.memory_space<vmem>>) target(%dma_start3A_476 : memref<16384xf32, #tpu.memory_space<hbm>>) target_semaphore(%arg8 : memref<!tpu.dma_semaphore, #tpu.memory_space<semaphore_mem>>)
    %dma_wait3A_477 = arith.constant 14 : i32
    %dma_wait3A_478 = arith.constant 0 : i32
    %dma_wait3A_479 = tpu.memref_slice %arg4[%dma_wait3A_477, %add3A, %dma_wait3A_478] : memref<26x32x16384xf32, #tpu.memory_space<hbm>> -> memref<1x1x16384xf32, #tpu.memory_space<hbm>>
    %dma_wait3A_480 = tpu.memref_squeeze %dma_wait3A_479 : memref<1x1x16384xf32, #tpu.memory_space<hbm>> -> memref<16384xf32, #tpu.memory_space<hbm>>
    %dma_wait3A_481 = arith.constant 0 : i32
    %dma_wait3A_482 = tpu.memref_slice %arg4[%dma_wait3A_477, %add3A, %dma_wait3A_481] : memref<26x32x16384xf32, #tpu.memory_space<hbm>> -> memref<1x1x16384xf32, #tpu.memory_space<hbm>>
    %dma_wait3A_483 = tpu.memref_squeeze %dma_wait3A_482 : memref<1x1x16384xf32, #tpu.memory_space<hbm>> -> memref<16384xf32, #tpu.memory_space<hbm>>
    tpu.wait_dma2 semaphore(%arg8 : memref<!tpu.dma_semaphore, #tpu.memory_space<semaphore_mem>>) src(%arg6 : memref<16384xf32, #tpu.memory_space<vmem>>) dst(%dma_wait3A_483 : memref<16384xf32, #tpu.memory_space<hbm>>)
    %run_scoped3A_484 = arith.constant 15 : i32
    "tpu.region"() ({
      %run_scoped3A_829 = tpu.sem_alloc : memref<!tpu.dma_semaphore, #tpu.memory_space<semaphore_mem>>
      %dma_start3A_830 = arith.constant 0 : i32
      %dma_start3A_831 = tpu.memref_slice %arg2[%run_scoped3A_484, %dma_start3A_830] : memref<26x16384xf32, #tpu.memory_space<hbm>> -> memref<1x16384xf32, #tpu.memory_space<hbm>>
      %dma_start3A_832 = tpu.memref_squeeze %dma_start3A_831 : memref<1x16384xf32, #tpu.memory_space<hbm>> -> memref<16384xf32, #tpu.memory_space<hbm>>
      %dma_start3A_833 = arith.constant 0 : i32
      %dma_start3A_834 = tpu.memref_slice %arg2[%run_scoped3A_484, %dma_start3A_833] : memref<26x16384xf32, #tpu.memory_space<hbm>> -> memref<1x16384xf32, #tpu.memory_space<hbm>>
      %dma_start3A_835 = tpu.memref_squeeze %dma_start3A_834 : memref<1x16384xf32, #tpu.memory_space<hbm>> -> memref<16384xf32, #tpu.memory_space<hbm>>
      tpu.enqueue_dma source(%dma_start3A_835 : memref<16384xf32, #tpu.memory_space<hbm>>) target(%arg6 : memref<16384xf32, #tpu.memory_space<vmem>>) target_semaphore(%run_scoped3A_829 : memref<!tpu.dma_semaphore, #tpu.memory_space<semaphore_mem>>)
      %dma_wait3A_836 = arith.constant 0 : i32
      %dma_wait3A_837 = tpu.memref_slice %arg2[%run_scoped3A_484, %dma_wait3A_836] : memref<26x16384xf32, #tpu.memory_space<hbm>> -> memref<1x16384xf32, #tpu.memory_space<hbm>>
      %dma_wait3A_838 = tpu.memref_squeeze %dma_wait3A_837 : memref<1x16384xf32, #tpu.memory_space<hbm>> -> memref<16384xf32, #tpu.memory_space<hbm>>
      %dma_wait3A_839 = arith.constant 0 : i32
      %dma_wait3A_840 = tpu.memref_slice %arg2[%run_scoped3A_484, %dma_wait3A_839] : memref<26x16384xf32, #tpu.memory_space<hbm>> -> memref<1x16384xf32, #tpu.memory_space<hbm>>
      %dma_wait3A_841 = tpu.memref_squeeze %dma_wait3A_840 : memref<1x16384xf32, #tpu.memory_space<hbm>> -> memref<16384xf32, #tpu.memory_space<hbm>>
      tpu.wait_dma2 semaphore(%run_scoped3A_829 : memref<!tpu.dma_semaphore, #tpu.memory_space<semaphore_mem>>) src(%dma_wait3A_841 : memref<16384xf32, #tpu.memory_space<hbm>>) dst(%arg6 : memref<16384xf32, #tpu.memory_space<vmem>>)
      tpu.yield
    }) : () -> ()
    %dma_wait3A_485 = arith.constant 15 : i32
    %dma_wait3A_486 = arith.constant 0 : i32
    %dma_wait3A_487 = tpu.memref_slice %arg3[%dma_wait3A_485, %add3A, %dma_wait3A_486] : memref<26x32x100000xf32, #tpu.memory_space<hbm>> -> memref<1x1x100000xf32, #tpu.memory_space<hbm>>
    %dma_wait3A_488 = tpu.memref_squeeze %dma_wait3A_487 : memref<1x1x100000xf32, #tpu.memory_space<hbm>> -> memref<100000xf32, #tpu.memory_space<hbm>>
    %dma_wait3A_489 = arith.constant 0 : i32
    %dma_wait3A_490 = tpu.memref_slice %arg3[%dma_wait3A_485, %add3A, %dma_wait3A_489] : memref<26x32x100000xf32, #tpu.memory_space<hbm>> -> memref<1x1x100000xf32, #tpu.memory_space<hbm>>
    %dma_wait3A_491 = tpu.memref_squeeze %dma_wait3A_490 : memref<1x1x100000xf32, #tpu.memory_space<hbm>> -> memref<100000xf32, #tpu.memory_space<hbm>>
    tpu.wait_dma2 semaphore(%arg7 : memref<!tpu.dma_semaphore, #tpu.memory_space<semaphore_mem>>) src(%dma_wait3A_491 : memref<100000xf32, #tpu.memory_space<hbm>>) dst(%arg5 : memref<100000xf32, #tpu.memory_space<vmem>>)
    %parallel_loop3A_492 = arith.constant 0 : i32
    %parallel_loop3A_493 = arith.constant 16384 : i32
    %parallel_loop3A_494 = arith.constant 16 : i32
    scf.for %parallel_loop3A_829 = %parallel_loop3A_492 to %parallel_loop3A_493 step %parallel_loop3A_494  : i32 {
      %parallel_loop3A_830 = arith.index_cast %parallel_loop3A_829 : i32 to index
      %parallel_loop3A_831 = tpu.vector_load %arg6[%parallel_loop3A_830] {strides = array<i32>} : memref<16384xf32, #tpu.memory_space<vmem>>, vector<16xf32>,
      %parallel_loop3A_832 = vector.bitcast %parallel_loop3A_831 : vector<16xf32> to vector<16xi32>
      %parallel_loop3A_833 = tpu.vector_load_idx %arg5[%parallel_loop3A_832] : memref<100000xf32, #tpu.memory_space<vmem>>[vector<16xi32>], vector<16xf32>,
      %parallel_loop3A_834 = arith.index_cast %parallel_loop3A_829 : i32 to index
      %parallel_loop3A_835 = tpu.vector_load %arg6[%parallel_loop3A_834] {strides = array<i32>} : memref<16384xf32, #tpu.memory_space<vmem>>, vector<16xf32>,
      tpu.vector_store %arg6[%parallel_loop3A_834], %parallel_loop3A_833 {strides = array<i32>} : memref<16384xf32, #tpu.memory_space<vmem>>, vector<16xf32>,
    } {sc.loop_unroll_factor = 8 : i64, sc.parallel_access}
    %dma_start3A_495 = arith.constant 16 : i32
    %dma_start3A_496 = arith.constant 0 : i32
    %dma_start3A_497 = tpu.memref_slice %arg3[%dma_start3A_495, %add3A, %dma_start3A_496] : memref<26x32x100000xf32, #tpu.memory_space<hbm>> -> memref<1x1x100000xf32, #tpu.memory_space<hbm>>
    %dma_start3A_498 = tpu.memref_squeeze %dma_start3A_497 : memref<1x1x100000xf32, #tpu.memory_space<hbm>> -> memref<100000xf32, #tpu.memory_space<hbm>>
    %dma_start3A_499 = arith.constant 0 : i32
    %dma_start3A_500 = tpu.memref_slice %arg3[%dma_start3A_495, %add3A, %dma_start3A_499] : memref<26x32x100000xf32, #tpu.memory_space<hbm>> -> memref<1x1x100000xf32, #tpu.memory_space<hbm>>
    %dma_start3A_501 = tpu.memref_squeeze %dma_start3A_500 : memref<1x1x100000xf32, #tpu.memory_space<hbm>> -> memref<100000xf32, #tpu.memory_space<hbm>>
    tpu.enqueue_dma source(%dma_start3A_501 : memref<100000xf32, #tpu.memory_space<hbm>>) target(%arg5 : memref<100000xf32, #tpu.memory_space<vmem>>) target_semaphore(%arg7 : memref<!tpu.dma_semaphore, #tpu.memory_space<semaphore_mem>>)
    %dma_start3A_502 = arith.constant 15 : i32
    %dma_start3A_503 = arith.constant 0 : i32
    %dma_start3A_504 = tpu.memref_slice %arg4[%dma_start3A_502, %add3A, %dma_start3A_503] : memref<26x32x16384xf32, #tpu.memory_space<hbm>> -> memref<1x1x16384xf32, #tpu.memory_space<hbm>>
    %dma_start3A_505 = tpu.memref_squeeze %dma_start3A_504 : memref<1x1x16384xf32, #tpu.memory_space<hbm>> -> memref<16384xf32, #tpu.memory_space<hbm>>
    %dma_start3A_506 = arith.constant 0 : i32
    %dma_start3A_507 = tpu.memref_slice %arg4[%dma_start3A_502, %add3A, %dma_start3A_506] : memref<26x32x16384xf32, #tpu.memory_space<hbm>> -> memref<1x1x16384xf32, #tpu.memory_space<hbm>>
    %dma_start3A_508 = tpu.memref_squeeze %dma_start3A_507 : memref<1x1x16384xf32, #tpu.memory_space<hbm>> -> memref<16384xf32, #tpu.memory_space<hbm>>
    tpu.enqueue_dma source(%arg6 : memref<16384xf32, #tpu.memory_space<vmem>>) target(%dma_start3A_508 : memref<16384xf32, #tpu.memory_space<hbm>>) target_semaphore(%arg8 : memref<!tpu.dma_semaphore, #tpu.memory_space<semaphore_mem>>)
    %dma_wait3A_509 = arith.constant 15 : i32
    %dma_wait3A_510 = arith.constant 0 : i32
    %dma_wait3A_511 = tpu.memref_slice %arg4[%dma_wait3A_509, %add3A, %dma_wait3A_510] : memref<26x32x16384xf32, #tpu.memory_space<hbm>> -> memref<1x1x16384xf32, #tpu.memory_space<hbm>>
    %dma_wait3A_512 = tpu.memref_squeeze %dma_wait3A_511 : memref<1x1x16384xf32, #tpu.memory_space<hbm>> -> memref<16384xf32, #tpu.memory_space<hbm>>
    %dma_wait3A_513 = arith.constant 0 : i32
    %dma_wait3A_514 = tpu.memref_slice %arg4[%dma_wait3A_509, %add3A, %dma_wait3A_513] : memref<26x32x16384xf32, #tpu.memory_space<hbm>> -> memref<1x1x16384xf32, #tpu.memory_space<hbm>>
    %dma_wait3A_515 = tpu.memref_squeeze %dma_wait3A_514 : memref<1x1x16384xf32, #tpu.memory_space<hbm>> -> memref<16384xf32, #tpu.memory_space<hbm>>
    tpu.wait_dma2 semaphore(%arg8 : memref<!tpu.dma_semaphore, #tpu.memory_space<semaphore_mem>>) src(%arg6 : memref<16384xf32, #tpu.memory_space<vmem>>) dst(%dma_wait3A_515 : memref<16384xf32, #tpu.memory_space<hbm>>)
    %run_scoped3A_516 = arith.constant 16 : i32
    "tpu.region"() ({
      %run_scoped3A_829 = tpu.sem_alloc : memref<!tpu.dma_semaphore, #tpu.memory_space<semaphore_mem>>
      %dma_start3A_830 = arith.constant 0 : i32
      %dma_start3A_831 = tpu.memref_slice %arg2[%run_scoped3A_516, %dma_start3A_830] : memref<26x16384xf32, #tpu.memory_space<hbm>> -> memref<1x16384xf32, #tpu.memory_space<hbm>>
      %dma_start3A_832 = tpu.memref_squeeze %dma_start3A_831 : memref<1x16384xf32, #tpu.memory_space<hbm>> -> memref<16384xf32, #tpu.memory_space<hbm>>
      %dma_start3A_833 = arith.constant 0 : i32
      %dma_start3A_834 = tpu.memref_slice %arg2[%run_scoped3A_516, %dma_start3A_833] : memref<26x16384xf32, #tpu.memory_space<hbm>> -> memref<1x16384xf32, #tpu.memory_space<hbm>>
      %dma_start3A_835 = tpu.memref_squeeze %dma_start3A_834 : memref<1x16384xf32, #tpu.memory_space<hbm>> -> memref<16384xf32, #tpu.memory_space<hbm>>
      tpu.enqueue_dma source(%dma_start3A_835 : memref<16384xf32, #tpu.memory_space<hbm>>) target(%arg6 : memref<16384xf32, #tpu.memory_space<vmem>>) target_semaphore(%run_scoped3A_829 : memref<!tpu.dma_semaphore, #tpu.memory_space<semaphore_mem>>)
      %dma_wait3A_836 = arith.constant 0 : i32
      %dma_wait3A_837 = tpu.memref_slice %arg2[%run_scoped3A_516, %dma_wait3A_836] : memref<26x16384xf32, #tpu.memory_space<hbm>> -> memref<1x16384xf32, #tpu.memory_space<hbm>>
      %dma_wait3A_838 = tpu.memref_squeeze %dma_wait3A_837 : memref<1x16384xf32, #tpu.memory_space<hbm>> -> memref<16384xf32, #tpu.memory_space<hbm>>
      %dma_wait3A_839 = arith.constant 0 : i32
      %dma_wait3A_840 = tpu.memref_slice %arg2[%run_scoped3A_516, %dma_wait3A_839] : memref<26x16384xf32, #tpu.memory_space<hbm>> -> memref<1x16384xf32, #tpu.memory_space<hbm>>
      %dma_wait3A_841 = tpu.memref_squeeze %dma_wait3A_840 : memref<1x16384xf32, #tpu.memory_space<hbm>> -> memref<16384xf32, #tpu.memory_space<hbm>>
      tpu.wait_dma2 semaphore(%run_scoped3A_829 : memref<!tpu.dma_semaphore, #tpu.memory_space<semaphore_mem>>) src(%dma_wait3A_841 : memref<16384xf32, #tpu.memory_space<hbm>>) dst(%arg6 : memref<16384xf32, #tpu.memory_space<vmem>>)
      tpu.yield
    }) : () -> ()
    %dma_wait3A_517 = arith.constant 16 : i32
    %dma_wait3A_518 = arith.constant 0 : i32
    %dma_wait3A_519 = tpu.memref_slice %arg3[%dma_wait3A_517, %add3A, %dma_wait3A_518] : memref<26x32x100000xf32, #tpu.memory_space<hbm>> -> memref<1x1x100000xf32, #tpu.memory_space<hbm>>
    %dma_wait3A_520 = tpu.memref_squeeze %dma_wait3A_519 : memref<1x1x100000xf32, #tpu.memory_space<hbm>> -> memref<100000xf32, #tpu.memory_space<hbm>>
    %dma_wait3A_521 = arith.constant 0 : i32
    %dma_wait3A_522 = tpu.memref_slice %arg3[%dma_wait3A_517, %add3A, %dma_wait3A_521] : memref<26x32x100000xf32, #tpu.memory_space<hbm>> -> memref<1x1x100000xf32, #tpu.memory_space<hbm>>
    %dma_wait3A_523 = tpu.memref_squeeze %dma_wait3A_522 : memref<1x1x100000xf32, #tpu.memory_space<hbm>> -> memref<100000xf32, #tpu.memory_space<hbm>>
    tpu.wait_dma2 semaphore(%arg7 : memref<!tpu.dma_semaphore, #tpu.memory_space<semaphore_mem>>) src(%dma_wait3A_523 : memref<100000xf32, #tpu.memory_space<hbm>>) dst(%arg5 : memref<100000xf32, #tpu.memory_space<vmem>>)
    %parallel_loop3A_524 = arith.constant 0 : i32
    %parallel_loop3A_525 = arith.constant 16384 : i32
    %parallel_loop3A_526 = arith.constant 16 : i32
    scf.for %parallel_loop3A_829 = %parallel_loop3A_524 to %parallel_loop3A_525 step %parallel_loop3A_526  : i32 {
      %parallel_loop3A_830 = arith.index_cast %parallel_loop3A_829 : i32 to index
      %parallel_loop3A_831 = tpu.vector_load %arg6[%parallel_loop3A_830] {strides = array<i32>} : memref<16384xf32, #tpu.memory_space<vmem>>, vector<16xf32>,
      %parallel_loop3A_832 = vector.bitcast %parallel_loop3A_831 : vector<16xf32> to vector<16xi32>
      %parallel_loop3A_833 = tpu.vector_load_idx %arg5[%parallel_loop3A_832] : memref<100000xf32, #tpu.memory_space<vmem>>[vector<16xi32>], vector<16xf32>,
      %parallel_loop3A_834 = arith.index_cast %parallel_loop3A_829 : i32 to index
      %parallel_loop3A_835 = tpu.vector_load %arg6[%parallel_loop3A_834] {strides = array<i32>} : memref<16384xf32, #tpu.memory_space<vmem>>, vector<16xf32>,
      tpu.vector_store %arg6[%parallel_loop3A_834], %parallel_loop3A_833 {strides = array<i32>} : memref<16384xf32, #tpu.memory_space<vmem>>, vector<16xf32>,
    } {sc.loop_unroll_factor = 8 : i64, sc.parallel_access}
    %dma_start3A_527 = arith.constant 17 : i32
    %dma_start3A_528 = arith.constant 0 : i32
    %dma_start3A_529 = tpu.memref_slice %arg3[%dma_start3A_527, %add3A, %dma_start3A_528] : memref<26x32x100000xf32, #tpu.memory_space<hbm>> -> memref<1x1x100000xf32, #tpu.memory_space<hbm>>
    %dma_start3A_530 = tpu.memref_squeeze %dma_start3A_529 : memref<1x1x100000xf32, #tpu.memory_space<hbm>> -> memref<100000xf32, #tpu.memory_space<hbm>>
    %dma_start3A_531 = arith.constant 0 : i32
    %dma_start3A_532 = tpu.memref_slice %arg3[%dma_start3A_527, %add3A, %dma_start3A_531] : memref<26x32x100000xf32, #tpu.memory_space<hbm>> -> memref<1x1x100000xf32, #tpu.memory_space<hbm>>
    %dma_start3A_533 = tpu.memref_squeeze %dma_start3A_532 : memref<1x1x100000xf32, #tpu.memory_space<hbm>> -> memref<100000xf32, #tpu.memory_space<hbm>>
    tpu.enqueue_dma source(%dma_start3A_533 : memref<100000xf32, #tpu.memory_space<hbm>>) target(%arg5 : memref<100000xf32, #tpu.memory_space<vmem>>) target_semaphore(%arg7 : memref<!tpu.dma_semaphore, #tpu.memory_space<semaphore_mem>>)
    %dma_start3A_534 = arith.constant 16 : i32
    %dma_start3A_535 = arith.constant 0 : i32
    %dma_start3A_536 = tpu.memref_slice %arg4[%dma_start3A_534, %add3A, %dma_start3A_535] : memref<26x32x16384xf32, #tpu.memory_space<hbm>> -> memref<1x1x16384xf32, #tpu.memory_space<hbm>>
    %dma_start3A_537 = tpu.memref_squeeze %dma_start3A_536 : memref<1x1x16384xf32, #tpu.memory_space<hbm>> -> memref<16384xf32, #tpu.memory_space<hbm>>
    %dma_start3A_538 = arith.constant 0 : i32
    %dma_start3A_539 = tpu.memref_slice %arg4[%dma_start3A_534, %add3A, %dma_start3A_538] : memref<26x32x16384xf32, #tpu.memory_space<hbm>> -> memref<1x1x16384xf32, #tpu.memory_space<hbm>>
    %dma_start3A_540 = tpu.memref_squeeze %dma_start3A_539 : memref<1x1x16384xf32, #tpu.memory_space<hbm>> -> memref<16384xf32, #tpu.memory_space<hbm>>
    tpu.enqueue_dma source(%arg6 : memref<16384xf32, #tpu.memory_space<vmem>>) target(%dma_start3A_540 : memref<16384xf32, #tpu.memory_space<hbm>>) target_semaphore(%arg8 : memref<!tpu.dma_semaphore, #tpu.memory_space<semaphore_mem>>)
    %dma_wait3A_541 = arith.constant 16 : i32
    %dma_wait3A_542 = arith.constant 0 : i32
    %dma_wait3A_543 = tpu.memref_slice %arg4[%dma_wait3A_541, %add3A, %dma_wait3A_542] : memref<26x32x16384xf32, #tpu.memory_space<hbm>> -> memref<1x1x16384xf32, #tpu.memory_space<hbm>>
    %dma_wait3A_544 = tpu.memref_squeeze %dma_wait3A_543 : memref<1x1x16384xf32, #tpu.memory_space<hbm>> -> memref<16384xf32, #tpu.memory_space<hbm>>
    %dma_wait3A_545 = arith.constant 0 : i32
    %dma_wait3A_546 = tpu.memref_slice %arg4[%dma_wait3A_541, %add3A, %dma_wait3A_545] : memref<26x32x16384xf32, #tpu.memory_space<hbm>> -> memref<1x1x16384xf32, #tpu.memory_space<hbm>>
    %dma_wait3A_547 = tpu.memref_squeeze %dma_wait3A_546 : memref<1x1x16384xf32, #tpu.memory_space<hbm>> -> memref<16384xf32, #tpu.memory_space<hbm>>
    tpu.wait_dma2 semaphore(%arg8 : memref<!tpu.dma_semaphore, #tpu.memory_space<semaphore_mem>>) src(%arg6 : memref<16384xf32, #tpu.memory_space<vmem>>) dst(%dma_wait3A_547 : memref<16384xf32, #tpu.memory_space<hbm>>)
    %run_scoped3A_548 = arith.constant 17 : i32
    "tpu.region"() ({
      %run_scoped3A_829 = tpu.sem_alloc : memref<!tpu.dma_semaphore, #tpu.memory_space<semaphore_mem>>
      %dma_start3A_830 = arith.constant 0 : i32
      %dma_start3A_831 = tpu.memref_slice %arg2[%run_scoped3A_548, %dma_start3A_830] : memref<26x16384xf32, #tpu.memory_space<hbm>> -> memref<1x16384xf32, #tpu.memory_space<hbm>>
      %dma_start3A_832 = tpu.memref_squeeze %dma_start3A_831 : memref<1x16384xf32, #tpu.memory_space<hbm>> -> memref<16384xf32, #tpu.memory_space<hbm>>
      %dma_start3A_833 = arith.constant 0 : i32
      %dma_start3A_834 = tpu.memref_slice %arg2[%run_scoped3A_548, %dma_start3A_833] : memref<26x16384xf32, #tpu.memory_space<hbm>> -> memref<1x16384xf32, #tpu.memory_space<hbm>>
      %dma_start3A_835 = tpu.memref_squeeze %dma_start3A_834 : memref<1x16384xf32, #tpu.memory_space<hbm>> -> memref<16384xf32, #tpu.memory_space<hbm>>
      tpu.enqueue_dma source(%dma_start3A_835 : memref<16384xf32, #tpu.memory_space<hbm>>) target(%arg6 : memref<16384xf32, #tpu.memory_space<vmem>>) target_semaphore(%run_scoped3A_829 : memref<!tpu.dma_semaphore, #tpu.memory_space<semaphore_mem>>)
      %dma_wait3A_836 = arith.constant 0 : i32
      %dma_wait3A_837 = tpu.memref_slice %arg2[%run_scoped3A_548, %dma_wait3A_836] : memref<26x16384xf32, #tpu.memory_space<hbm>> -> memref<1x16384xf32, #tpu.memory_space<hbm>>
      %dma_wait3A_838 = tpu.memref_squeeze %dma_wait3A_837 : memref<1x16384xf32, #tpu.memory_space<hbm>> -> memref<16384xf32, #tpu.memory_space<hbm>>
      %dma_wait3A_839 = arith.constant 0 : i32
      %dma_wait3A_840 = tpu.memref_slice %arg2[%run_scoped3A_548, %dma_wait3A_839] : memref<26x16384xf32, #tpu.memory_space<hbm>> -> memref<1x16384xf32, #tpu.memory_space<hbm>>
      %dma_wait3A_841 = tpu.memref_squeeze %dma_wait3A_840 : memref<1x16384xf32, #tpu.memory_space<hbm>> -> memref<16384xf32, #tpu.memory_space<hbm>>
      tpu.wait_dma2 semaphore(%run_scoped3A_829 : memref<!tpu.dma_semaphore, #tpu.memory_space<semaphore_mem>>) src(%dma_wait3A_841 : memref<16384xf32, #tpu.memory_space<hbm>>) dst(%arg6 : memref<16384xf32, #tpu.memory_space<vmem>>)
      tpu.yield
    }) : () -> ()
    %dma_wait3A_549 = arith.constant 17 : i32
    %dma_wait3A_550 = arith.constant 0 : i32
    %dma_wait3A_551 = tpu.memref_slice %arg3[%dma_wait3A_549, %add3A, %dma_wait3A_550] : memref<26x32x100000xf32, #tpu.memory_space<hbm>> -> memref<1x1x100000xf32, #tpu.memory_space<hbm>>
    %dma_wait3A_552 = tpu.memref_squeeze %dma_wait3A_551 : memref<1x1x100000xf32, #tpu.memory_space<hbm>> -> memref<100000xf32, #tpu.memory_space<hbm>>
    %dma_wait3A_553 = arith.constant 0 : i32
    %dma_wait3A_554 = tpu.memref_slice %arg3[%dma_wait3A_549, %add3A, %dma_wait3A_553] : memref<26x32x100000xf32, #tpu.memory_space<hbm>> -> memref<1x1x100000xf32, #tpu.memory_space<hbm>>
    %dma_wait3A_555 = tpu.memref_squeeze %dma_wait3A_554 : memref<1x1x100000xf32, #tpu.memory_space<hbm>> -> memref<100000xf32, #tpu.memory_space<hbm>>
    tpu.wait_dma2 semaphore(%arg7 : memref<!tpu.dma_semaphore, #tpu.memory_space<semaphore_mem>>) src(%dma_wait3A_555 : memref<100000xf32, #tpu.memory_space<hbm>>) dst(%arg5 : memref<100000xf32, #tpu.memory_space<vmem>>)
    %parallel_loop3A_556 = arith.constant 0 : i32
    %parallel_loop3A_557 = arith.constant 16384 : i32
    %parallel_loop3A_558 = arith.constant 16 : i32
    scf.for %parallel_loop3A_829 = %parallel_loop3A_556 to %parallel_loop3A_557 step %parallel_loop3A_558  : i32 {
      %parallel_loop3A_830 = arith.index_cast %parallel_loop3A_829 : i32 to index
      %parallel_loop3A_831 = tpu.vector_load %arg6[%parallel_loop3A_830] {strides = array<i32>} : memref<16384xf32, #tpu.memory_space<vmem>>, vector<16xf32>,
      %parallel_loop3A_832 = vector.bitcast %parallel_loop3A_831 : vector<16xf32> to vector<16xi32>
      %parallel_loop3A_833 = tpu.vector_load_idx %arg5[%parallel_loop3A_832] : memref<100000xf32, #tpu.memory_space<vmem>>[vector<16xi32>], vector<16xf32>,
      %parallel_loop3A_834 = arith.index_cast %parallel_loop3A_829 : i32 to index
      %parallel_loop3A_835 = tpu.vector_load %arg6[%parallel_loop3A_834] {strides = array<i32>} : memref<16384xf32, #tpu.memory_space<vmem>>, vector<16xf32>,
      tpu.vector_store %arg6[%parallel_loop3A_834], %parallel_loop3A_833 {strides = array<i32>} : memref<16384xf32, #tpu.memory_space<vmem>>, vector<16xf32>,
    } {sc.loop_unroll_factor = 8 : i64, sc.parallel_access}
    %dma_start3A_559 = arith.constant 18 : i32
    %dma_start3A_560 = arith.constant 0 : i32
    %dma_start3A_561 = tpu.memref_slice %arg3[%dma_start3A_559, %add3A, %dma_start3A_560] : memref<26x32x100000xf32, #tpu.memory_space<hbm>> -> memref<1x1x100000xf32, #tpu.memory_space<hbm>>
    %dma_start3A_562 = tpu.memref_squeeze %dma_start3A_561 : memref<1x1x100000xf32, #tpu.memory_space<hbm>> -> memref<100000xf32, #tpu.memory_space<hbm>>
    %dma_start3A_563 = arith.constant 0 : i32
    %dma_start3A_564 = tpu.memref_slice %arg3[%dma_start3A_559, %add3A, %dma_start3A_563] : memref<26x32x100000xf32, #tpu.memory_space<hbm>> -> memref<1x1x100000xf32, #tpu.memory_space<hbm>>
    %dma_start3A_565 = tpu.memref_squeeze %dma_start3A_564 : memref<1x1x100000xf32, #tpu.memory_space<hbm>> -> memref<100000xf32, #tpu.memory_space<hbm>>
    tpu.enqueue_dma source(%dma_start3A_565 : memref<100000xf32, #tpu.memory_space<hbm>>) target(%arg5 : memref<100000xf32, #tpu.memory_space<vmem>>) target_semaphore(%arg7 : memref<!tpu.dma_semaphore, #tpu.memory_space<semaphore_mem>>)
    %dma_start3A_566 = arith.constant 17 : i32
    %dma_start3A_567 = arith.constant 0 : i32
    %dma_start3A_568 = tpu.memref_slice %arg4[%dma_start3A_566, %add3A, %dma_start3A_567] : memref<26x32x16384xf32, #tpu.memory_space<hbm>> -> memref<1x1x16384xf32, #tpu.memory_space<hbm>>
    %dma_start3A_569 = tpu.memref_squeeze %dma_start3A_568 : memref<1x1x16384xf32, #tpu.memory_space<hbm>> -> memref<16384xf32, #tpu.memory_space<hbm>>
    %dma_start3A_570 = arith.constant 0 : i32
    %dma_start3A_571 = tpu.memref_slice %arg4[%dma_start3A_566, %add3A, %dma_start3A_570] : memref<26x32x16384xf32, #tpu.memory_space<hbm>> -> memref<1x1x16384xf32, #tpu.memory_space<hbm>>
    %dma_start3A_572 = tpu.memref_squeeze %dma_start3A_571 : memref<1x1x16384xf32, #tpu.memory_space<hbm>> -> memref<16384xf32, #tpu.memory_space<hbm>>
    tpu.enqueue_dma source(%arg6 : memref<16384xf32, #tpu.memory_space<vmem>>) target(%dma_start3A_572 : memref<16384xf32, #tpu.memory_space<hbm>>) target_semaphore(%arg8 : memref<!tpu.dma_semaphore, #tpu.memory_space<semaphore_mem>>)
    %dma_wait3A_573 = arith.constant 17 : i32
    %dma_wait3A_574 = arith.constant 0 : i32
    %dma_wait3A_575 = tpu.memref_slice %arg4[%dma_wait3A_573, %add3A, %dma_wait3A_574] : memref<26x32x16384xf32, #tpu.memory_space<hbm>> -> memref<1x1x16384xf32, #tpu.memory_space<hbm>>
    %dma_wait3A_576 = tpu.memref_squeeze %dma_wait3A_575 : memref<1x1x16384xf32, #tpu.memory_space<hbm>> -> memref<16384xf32, #tpu.memory_space<hbm>>
    %dma_wait3A_577 = arith.constant 0 : i32
    %dma_wait3A_578 = tpu.memref_slice %arg4[%dma_wait3A_573, %add3A, %dma_wait3A_577] : memref<26x32x16384xf32, #tpu.memory_space<hbm>> -> memref<1x1x16384xf32, #tpu.memory_space<hbm>>
    %dma_wait3A_579 = tpu.memref_squeeze %dma_wait3A_578 : memref<1x1x16384xf32, #tpu.memory_space<hbm>> -> memref<16384xf32, #tpu.memory_space<hbm>>
    tpu.wait_dma2 semaphore(%arg8 : memref<!tpu.dma_semaphore, #tpu.memory_space<semaphore_mem>>) src(%arg6 : memref<16384xf32, #tpu.memory_space<vmem>>) dst(%dma_wait3A_579 : memref<16384xf32, #tpu.memory_space<hbm>>)
    %run_scoped3A_580 = arith.constant 18 : i32
    "tpu.region"() ({
      %run_scoped3A_829 = tpu.sem_alloc : memref<!tpu.dma_semaphore, #tpu.memory_space<semaphore_mem>>
      %dma_start3A_830 = arith.constant 0 : i32
      %dma_start3A_831 = tpu.memref_slice %arg2[%run_scoped3A_580, %dma_start3A_830] : memref<26x16384xf32, #tpu.memory_space<hbm>> -> memref<1x16384xf32, #tpu.memory_space<hbm>>
      %dma_start3A_832 = tpu.memref_squeeze %dma_start3A_831 : memref<1x16384xf32, #tpu.memory_space<hbm>> -> memref<16384xf32, #tpu.memory_space<hbm>>
      %dma_start3A_833 = arith.constant 0 : i32
      %dma_start3A_834 = tpu.memref_slice %arg2[%run_scoped3A_580, %dma_start3A_833] : memref<26x16384xf32, #tpu.memory_space<hbm>> -> memref<1x16384xf32, #tpu.memory_space<hbm>>
      %dma_start3A_835 = tpu.memref_squeeze %dma_start3A_834 : memref<1x16384xf32, #tpu.memory_space<hbm>> -> memref<16384xf32, #tpu.memory_space<hbm>>
      tpu.enqueue_dma source(%dma_start3A_835 : memref<16384xf32, #tpu.memory_space<hbm>>) target(%arg6 : memref<16384xf32, #tpu.memory_space<vmem>>) target_semaphore(%run_scoped3A_829 : memref<!tpu.dma_semaphore, #tpu.memory_space<semaphore_mem>>)
      %dma_wait3A_836 = arith.constant 0 : i32
      %dma_wait3A_837 = tpu.memref_slice %arg2[%run_scoped3A_580, %dma_wait3A_836] : memref<26x16384xf32, #tpu.memory_space<hbm>> -> memref<1x16384xf32, #tpu.memory_space<hbm>>
      %dma_wait3A_838 = tpu.memref_squeeze %dma_wait3A_837 : memref<1x16384xf32, #tpu.memory_space<hbm>> -> memref<16384xf32, #tpu.memory_space<hbm>>
      %dma_wait3A_839 = arith.constant 0 : i32
      %dma_wait3A_840 = tpu.memref_slice %arg2[%run_scoped3A_580, %dma_wait3A_839] : memref<26x16384xf32, #tpu.memory_space<hbm>> -> memref<1x16384xf32, #tpu.memory_space<hbm>>
      %dma_wait3A_841 = tpu.memref_squeeze %dma_wait3A_840 : memref<1x16384xf32, #tpu.memory_space<hbm>> -> memref<16384xf32, #tpu.memory_space<hbm>>
      tpu.wait_dma2 semaphore(%run_scoped3A_829 : memref<!tpu.dma_semaphore, #tpu.memory_space<semaphore_mem>>) src(%dma_wait3A_841 : memref<16384xf32, #tpu.memory_space<hbm>>) dst(%arg6 : memref<16384xf32, #tpu.memory_space<vmem>>)
      tpu.yield
    }) : () -> ()
    %dma_wait3A_581 = arith.constant 18 : i32
    %dma_wait3A_582 = arith.constant 0 : i32
    %dma_wait3A_583 = tpu.memref_slice %arg3[%dma_wait3A_581, %add3A, %dma_wait3A_582] : memref<26x32x100000xf32, #tpu.memory_space<hbm>> -> memref<1x1x100000xf32, #tpu.memory_space<hbm>>
    %dma_wait3A_584 = tpu.memref_squeeze %dma_wait3A_583 : memref<1x1x100000xf32, #tpu.memory_space<hbm>> -> memref<100000xf32, #tpu.memory_space<hbm>>
    %dma_wait3A_585 = arith.constant 0 : i32
    %dma_wait3A_586 = tpu.memref_slice %arg3[%dma_wait3A_581, %add3A, %dma_wait3A_585] : memref<26x32x100000xf32, #tpu.memory_space<hbm>> -> memref<1x1x100000xf32, #tpu.memory_space<hbm>>
    %dma_wait3A_587 = tpu.memref_squeeze %dma_wait3A_586 : memref<1x1x100000xf32, #tpu.memory_space<hbm>> -> memref<100000xf32, #tpu.memory_space<hbm>>
    tpu.wait_dma2 semaphore(%arg7 : memref<!tpu.dma_semaphore, #tpu.memory_space<semaphore_mem>>) src(%dma_wait3A_587 : memref<100000xf32, #tpu.memory_space<hbm>>) dst(%arg5 : memref<100000xf32, #tpu.memory_space<vmem>>)
    %parallel_loop3A_588 = arith.constant 0 : i32
    %parallel_loop3A_589 = arith.constant 16384 : i32
    %parallel_loop3A_590 = arith.constant 16 : i32
    scf.for %parallel_loop3A_829 = %parallel_loop3A_588 to %parallel_loop3A_589 step %parallel_loop3A_590  : i32 {
      %parallel_loop3A_830 = arith.index_cast %parallel_loop3A_829 : i32 to index
      %parallel_loop3A_831 = tpu.vector_load %arg6[%parallel_loop3A_830] {strides = array<i32>} : memref<16384xf32, #tpu.memory_space<vmem>>, vector<16xf32>,
      %parallel_loop3A_832 = vector.bitcast %parallel_loop3A_831 : vector<16xf32> to vector<16xi32>
      %parallel_loop3A_833 = tpu.vector_load_idx %arg5[%parallel_loop3A_832] : memref<100000xf32, #tpu.memory_space<vmem>>[vector<16xi32>], vector<16xf32>,
      %parallel_loop3A_834 = arith.index_cast %parallel_loop3A_829 : i32 to index
      %parallel_loop3A_835 = tpu.vector_load %arg6[%parallel_loop3A_834] {strides = array<i32>} : memref<16384xf32, #tpu.memory_space<vmem>>, vector<16xf32>,
      tpu.vector_store %arg6[%parallel_loop3A_834], %parallel_loop3A_833 {strides = array<i32>} : memref<16384xf32, #tpu.memory_space<vmem>>, vector<16xf32>,
    } {sc.loop_unroll_factor = 8 : i64, sc.parallel_access}
    %dma_start3A_591 = arith.constant 19 : i32
    %dma_start3A_592 = arith.constant 0 : i32
    %dma_start3A_593 = tpu.memref_slice %arg3[%dma_start3A_591, %add3A, %dma_start3A_592] : memref<26x32x100000xf32, #tpu.memory_space<hbm>> -> memref<1x1x100000xf32, #tpu.memory_space<hbm>>
    %dma_start3A_594 = tpu.memref_squeeze %dma_start3A_593 : memref<1x1x100000xf32, #tpu.memory_space<hbm>> -> memref<100000xf32, #tpu.memory_space<hbm>>
    %dma_start3A_595 = arith.constant 0 : i32
    %dma_start3A_596 = tpu.memref_slice %arg3[%dma_start3A_591, %add3A, %dma_start3A_595] : memref<26x32x100000xf32, #tpu.memory_space<hbm>> -> memref<1x1x100000xf32, #tpu.memory_space<hbm>>
    %dma_start3A_597 = tpu.memref_squeeze %dma_start3A_596 : memref<1x1x100000xf32, #tpu.memory_space<hbm>> -> memref<100000xf32, #tpu.memory_space<hbm>>
    tpu.enqueue_dma source(%dma_start3A_597 : memref<100000xf32, #tpu.memory_space<hbm>>) target(%arg5 : memref<100000xf32, #tpu.memory_space<vmem>>) target_semaphore(%arg7 : memref<!tpu.dma_semaphore, #tpu.memory_space<semaphore_mem>>)
    %dma_start3A_598 = arith.constant 18 : i32
    %dma_start3A_599 = arith.constant 0 : i32
    %dma_start3A_600 = tpu.memref_slice %arg4[%dma_start3A_598, %add3A, %dma_start3A_599] : memref<26x32x16384xf32, #tpu.memory_space<hbm>> -> memref<1x1x16384xf32, #tpu.memory_space<hbm>>
    %dma_start3A_601 = tpu.memref_squeeze %dma_start3A_600 : memref<1x1x16384xf32, #tpu.memory_space<hbm>> -> memref<16384xf32, #tpu.memory_space<hbm>>
    %dma_start3A_602 = arith.constant 0 : i32
    %dma_start3A_603 = tpu.memref_slice %arg4[%dma_start3A_598, %add3A, %dma_start3A_602] : memref<26x32x16384xf32, #tpu.memory_space<hbm>> -> memref<1x1x16384xf32, #tpu.memory_space<hbm>>
    %dma_start3A_604 = tpu.memref_squeeze %dma_start3A_603 : memref<1x1x16384xf32, #tpu.memory_space<hbm>> -> memref<16384xf32, #tpu.memory_space<hbm>>
    tpu.enqueue_dma source(%arg6 : memref<16384xf32, #tpu.memory_space<vmem>>) target(%dma_start3A_604 : memref<16384xf32, #tpu.memory_space<hbm>>) target_semaphore(%arg8 : memref<!tpu.dma_semaphore, #tpu.memory_space<semaphore_mem>>)
    %dma_wait3A_605 = arith.constant 18 : i32
    %dma_wait3A_606 = arith.constant 0 : i32
    %dma_wait3A_607 = tpu.memref_slice %arg4[%dma_wait3A_605, %add3A, %dma_wait3A_606] : memref<26x32x16384xf32, #tpu.memory_space<hbm>> -> memref<1x1x16384xf32, #tpu.memory_space<hbm>>
    %dma_wait3A_608 = tpu.memref_squeeze %dma_wait3A_607 : memref<1x1x16384xf32, #tpu.memory_space<hbm>> -> memref<16384xf32, #tpu.memory_space<hbm>>
    %dma_wait3A_609 = arith.constant 0 : i32
    %dma_wait3A_610 = tpu.memref_slice %arg4[%dma_wait3A_605, %add3A, %dma_wait3A_609] : memref<26x32x16384xf32, #tpu.memory_space<hbm>> -> memref<1x1x16384xf32, #tpu.memory_space<hbm>>
    %dma_wait3A_611 = tpu.memref_squeeze %dma_wait3A_610 : memref<1x1x16384xf32, #tpu.memory_space<hbm>> -> memref<16384xf32, #tpu.memory_space<hbm>>
    tpu.wait_dma2 semaphore(%arg8 : memref<!tpu.dma_semaphore, #tpu.memory_space<semaphore_mem>>) src(%arg6 : memref<16384xf32, #tpu.memory_space<vmem>>) dst(%dma_wait3A_611 : memref<16384xf32, #tpu.memory_space<hbm>>)
    %run_scoped3A_612 = arith.constant 19 : i32
    "tpu.region"() ({
      %run_scoped3A_829 = tpu.sem_alloc : memref<!tpu.dma_semaphore, #tpu.memory_space<semaphore_mem>>
      %dma_start3A_830 = arith.constant 0 : i32
      %dma_start3A_831 = tpu.memref_slice %arg2[%run_scoped3A_612, %dma_start3A_830] : memref<26x16384xf32, #tpu.memory_space<hbm>> -> memref<1x16384xf32, #tpu.memory_space<hbm>>
      %dma_start3A_832 = tpu.memref_squeeze %dma_start3A_831 : memref<1x16384xf32, #tpu.memory_space<hbm>> -> memref<16384xf32, #tpu.memory_space<hbm>>
      %dma_start3A_833 = arith.constant 0 : i32
      %dma_start3A_834 = tpu.memref_slice %arg2[%run_scoped3A_612, %dma_start3A_833] : memref<26x16384xf32, #tpu.memory_space<hbm>> -> memref<1x16384xf32, #tpu.memory_space<hbm>>
      %dma_start3A_835 = tpu.memref_squeeze %dma_start3A_834 : memref<1x16384xf32, #tpu.memory_space<hbm>> -> memref<16384xf32, #tpu.memory_space<hbm>>
      tpu.enqueue_dma source(%dma_start3A_835 : memref<16384xf32, #tpu.memory_space<hbm>>) target(%arg6 : memref<16384xf32, #tpu.memory_space<vmem>>) target_semaphore(%run_scoped3A_829 : memref<!tpu.dma_semaphore, #tpu.memory_space<semaphore_mem>>)
      %dma_wait3A_836 = arith.constant 0 : i32
      %dma_wait3A_837 = tpu.memref_slice %arg2[%run_scoped3A_612, %dma_wait3A_836] : memref<26x16384xf32, #tpu.memory_space<hbm>> -> memref<1x16384xf32, #tpu.memory_space<hbm>>
      %dma_wait3A_838 = tpu.memref_squeeze %dma_wait3A_837 : memref<1x16384xf32, #tpu.memory_space<hbm>> -> memref<16384xf32, #tpu.memory_space<hbm>>
      %dma_wait3A_839 = arith.constant 0 : i32
      %dma_wait3A_840 = tpu.memref_slice %arg2[%run_scoped3A_612, %dma_wait3A_839] : memref<26x16384xf32, #tpu.memory_space<hbm>> -> memref<1x16384xf32, #tpu.memory_space<hbm>>
      %dma_wait3A_841 = tpu.memref_squeeze %dma_wait3A_840 : memref<1x16384xf32, #tpu.memory_space<hbm>> -> memref<16384xf32, #tpu.memory_space<hbm>>
      tpu.wait_dma2 semaphore(%run_scoped3A_829 : memref<!tpu.dma_semaphore, #tpu.memory_space<semaphore_mem>>) src(%dma_wait3A_841 : memref<16384xf32, #tpu.memory_space<hbm>>) dst(%arg6 : memref<16384xf32, #tpu.memory_space<vmem>>)
      tpu.yield
    }) : () -> ()
    %dma_wait3A_613 = arith.constant 19 : i32
    %dma_wait3A_614 = arith.constant 0 : i32
    %dma_wait3A_615 = tpu.memref_slice %arg3[%dma_wait3A_613, %add3A, %dma_wait3A_614] : memref<26x32x100000xf32, #tpu.memory_space<hbm>> -> memref<1x1x100000xf32, #tpu.memory_space<hbm>>
    %dma_wait3A_616 = tpu.memref_squeeze %dma_wait3A_615 : memref<1x1x100000xf32, #tpu.memory_space<hbm>> -> memref<100000xf32, #tpu.memory_space<hbm>>
    %dma_wait3A_617 = arith.constant 0 : i32
    %dma_wait3A_618 = tpu.memref_slice %arg3[%dma_wait3A_613, %add3A, %dma_wait3A_617] : memref<26x32x100000xf32, #tpu.memory_space<hbm>> -> memref<1x1x100000xf32, #tpu.memory_space<hbm>>
    %dma_wait3A_619 = tpu.memref_squeeze %dma_wait3A_618 : memref<1x1x100000xf32, #tpu.memory_space<hbm>> -> memref<100000xf32, #tpu.memory_space<hbm>>
    tpu.wait_dma2 semaphore(%arg7 : memref<!tpu.dma_semaphore, #tpu.memory_space<semaphore_mem>>) src(%dma_wait3A_619 : memref<100000xf32, #tpu.memory_space<hbm>>) dst(%arg5 : memref<100000xf32, #tpu.memory_space<vmem>>)
    %parallel_loop3A_620 = arith.constant 0 : i32
    %parallel_loop3A_621 = arith.constant 16384 : i32
    %parallel_loop3A_622 = arith.constant 16 : i32
    scf.for %parallel_loop3A_829 = %parallel_loop3A_620 to %parallel_loop3A_621 step %parallel_loop3A_622  : i32 {
      %parallel_loop3A_830 = arith.index_cast %parallel_loop3A_829 : i32 to index
      %parallel_loop3A_831 = tpu.vector_load %arg6[%parallel_loop3A_830] {strides = array<i32>} : memref<16384xf32, #tpu.memory_space<vmem>>, vector<16xf32>,
      %parallel_loop3A_832 = vector.bitcast %parallel_loop3A_831 : vector<16xf32> to vector<16xi32>
      %parallel_loop3A_833 = tpu.vector_load_idx %arg5[%parallel_loop3A_832] : memref<100000xf32, #tpu.memory_space<vmem>>[vector<16xi32>], vector<16xf32>,
      %parallel_loop3A_834 = arith.index_cast %parallel_loop3A_829 : i32 to index
      %parallel_loop3A_835 = tpu.vector_load %arg6[%parallel_loop3A_834] {strides = array<i32>} : memref<16384xf32, #tpu.memory_space<vmem>>, vector<16xf32>,
      tpu.vector_store %arg6[%parallel_loop3A_834], %parallel_loop3A_833 {strides = array<i32>} : memref<16384xf32, #tpu.memory_space<vmem>>, vector<16xf32>,
    } {sc.loop_unroll_factor = 8 : i64, sc.parallel_access}
    %dma_start3A_623 = arith.constant 20 : i32
    %dma_start3A_624 = arith.constant 0 : i32
    %dma_start3A_625 = tpu.memref_slice %arg3[%dma_start3A_623, %add3A, %dma_start3A_624] : memref<26x32x100000xf32, #tpu.memory_space<hbm>> -> memref<1x1x100000xf32, #tpu.memory_space<hbm>>
    %dma_start3A_626 = tpu.memref_squeeze %dma_start3A_625 : memref<1x1x100000xf32, #tpu.memory_space<hbm>> -> memref<100000xf32, #tpu.memory_space<hbm>>
    %dma_start3A_627 = arith.constant 0 : i32
    %dma_start3A_628 = tpu.memref_slice %arg3[%dma_start3A_623, %add3A, %dma_start3A_627] : memref<26x32x100000xf32, #tpu.memory_space<hbm>> -> memref<1x1x100000xf32, #tpu.memory_space<hbm>>
    %dma_start3A_629 = tpu.memref_squeeze %dma_start3A_628 : memref<1x1x100000xf32, #tpu.memory_space<hbm>> -> memref<100000xf32, #tpu.memory_space<hbm>>
    tpu.enqueue_dma source(%dma_start3A_629 : memref<100000xf32, #tpu.memory_space<hbm>>) target(%arg5 : memref<100000xf32, #tpu.memory_space<vmem>>) target_semaphore(%arg7 : memref<!tpu.dma_semaphore, #tpu.memory_space<semaphore_mem>>)
    %dma_start3A_630 = arith.constant 19 : i32
    %dma_start3A_631 = arith.constant 0 : i32
    %dma_start3A_632 = tpu.memref_slice %arg4[%dma_start3A_630, %add3A, %dma_start3A_631] : memref<26x32x16384xf32, #tpu.memory_space<hbm>> -> memref<1x1x16384xf32, #tpu.memory_space<hbm>>
    %dma_start3A_633 = tpu.memref_squeeze %dma_start3A_632 : memref<1x1x16384xf32, #tpu.memory_space<hbm>> -> memref<16384xf32, #tpu.memory_space<hbm>>
    %dma_start3A_634 = arith.constant 0 : i32
    %dma_start3A_635 = tpu.memref_slice %arg4[%dma_start3A_630, %add3A, %dma_start3A_634] : memref<26x32x16384xf32, #tpu.memory_space<hbm>> -> memref<1x1x16384xf32, #tpu.memory_space<hbm>>
    %dma_start3A_636 = tpu.memref_squeeze %dma_start3A_635 : memref<1x1x16384xf32, #tpu.memory_space<hbm>> -> memref<16384xf32, #tpu.memory_space<hbm>>
    tpu.enqueue_dma source(%arg6 : memref<16384xf32, #tpu.memory_space<vmem>>) target(%dma_start3A_636 : memref<16384xf32, #tpu.memory_space<hbm>>) target_semaphore(%arg8 : memref<!tpu.dma_semaphore, #tpu.memory_space<semaphore_mem>>)
    %dma_wait3A_637 = arith.constant 19 : i32
    %dma_wait3A_638 = arith.constant 0 : i32
    %dma_wait3A_639 = tpu.memref_slice %arg4[%dma_wait3A_637, %add3A, %dma_wait3A_638] : memref<26x32x16384xf32, #tpu.memory_space<hbm>> -> memref<1x1x16384xf32, #tpu.memory_space<hbm>>
    %dma_wait3A_640 = tpu.memref_squeeze %dma_wait3A_639 : memref<1x1x16384xf32, #tpu.memory_space<hbm>> -> memref<16384xf32, #tpu.memory_space<hbm>>
    %dma_wait3A_641 = arith.constant 0 : i32
    %dma_wait3A_642 = tpu.memref_slice %arg4[%dma_wait3A_637, %add3A, %dma_wait3A_641] : memref<26x32x16384xf32, #tpu.memory_space<hbm>> -> memref<1x1x16384xf32, #tpu.memory_space<hbm>>
    %dma_wait3A_643 = tpu.memref_squeeze %dma_wait3A_642 : memref<1x1x16384xf32, #tpu.memory_space<hbm>> -> memref<16384xf32, #tpu.memory_space<hbm>>
    tpu.wait_dma2 semaphore(%arg8 : memref<!tpu.dma_semaphore, #tpu.memory_space<semaphore_mem>>) src(%arg6 : memref<16384xf32, #tpu.memory_space<vmem>>) dst(%dma_wait3A_643 : memref<16384xf32, #tpu.memory_space<hbm>>)
    %run_scoped3A_644 = arith.constant 20 : i32
    "tpu.region"() ({
      %run_scoped3A_829 = tpu.sem_alloc : memref<!tpu.dma_semaphore, #tpu.memory_space<semaphore_mem>>
      %dma_start3A_830 = arith.constant 0 : i32
      %dma_start3A_831 = tpu.memref_slice %arg2[%run_scoped3A_644, %dma_start3A_830] : memref<26x16384xf32, #tpu.memory_space<hbm>> -> memref<1x16384xf32, #tpu.memory_space<hbm>>
      %dma_start3A_832 = tpu.memref_squeeze %dma_start3A_831 : memref<1x16384xf32, #tpu.memory_space<hbm>> -> memref<16384xf32, #tpu.memory_space<hbm>>
      %dma_start3A_833 = arith.constant 0 : i32
      %dma_start3A_834 = tpu.memref_slice %arg2[%run_scoped3A_644, %dma_start3A_833] : memref<26x16384xf32, #tpu.memory_space<hbm>> -> memref<1x16384xf32, #tpu.memory_space<hbm>>
      %dma_start3A_835 = tpu.memref_squeeze %dma_start3A_834 : memref<1x16384xf32, #tpu.memory_space<hbm>> -> memref<16384xf32, #tpu.memory_space<hbm>>
      tpu.enqueue_dma source(%dma_start3A_835 : memref<16384xf32, #tpu.memory_space<hbm>>) target(%arg6 : memref<16384xf32, #tpu.memory_space<vmem>>) target_semaphore(%run_scoped3A_829 : memref<!tpu.dma_semaphore, #tpu.memory_space<semaphore_mem>>)
      %dma_wait3A_836 = arith.constant 0 : i32
      %dma_wait3A_837 = tpu.memref_slice %arg2[%run_scoped3A_644, %dma_wait3A_836] : memref<26x16384xf32, #tpu.memory_space<hbm>> -> memref<1x16384xf32, #tpu.memory_space<hbm>>
      %dma_wait3A_838 = tpu.memref_squeeze %dma_wait3A_837 : memref<1x16384xf32, #tpu.memory_space<hbm>> -> memref<16384xf32, #tpu.memory_space<hbm>>
      %dma_wait3A_839 = arith.constant 0 : i32
      %dma_wait3A_840 = tpu.memref_slice %arg2[%run_scoped3A_644, %dma_wait3A_839] : memref<26x16384xf32, #tpu.memory_space<hbm>> -> memref<1x16384xf32, #tpu.memory_space<hbm>>
      %dma_wait3A_841 = tpu.memref_squeeze %dma_wait3A_840 : memref<1x16384xf32, #tpu.memory_space<hbm>> -> memref<16384xf32, #tpu.memory_space<hbm>>
      tpu.wait_dma2 semaphore(%run_scoped3A_829 : memref<!tpu.dma_semaphore, #tpu.memory_space<semaphore_mem>>) src(%dma_wait3A_841 : memref<16384xf32, #tpu.memory_space<hbm>>) dst(%arg6 : memref<16384xf32, #tpu.memory_space<vmem>>)
      tpu.yield
    }) : () -> ()
    %dma_wait3A_645 = arith.constant 20 : i32
    %dma_wait3A_646 = arith.constant 0 : i32
    %dma_wait3A_647 = tpu.memref_slice %arg3[%dma_wait3A_645, %add3A, %dma_wait3A_646] : memref<26x32x100000xf32, #tpu.memory_space<hbm>> -> memref<1x1x100000xf32, #tpu.memory_space<hbm>>
    %dma_wait3A_648 = tpu.memref_squeeze %dma_wait3A_647 : memref<1x1x100000xf32, #tpu.memory_space<hbm>> -> memref<100000xf32, #tpu.memory_space<hbm>>
    %dma_wait3A_649 = arith.constant 0 : i32
    %dma_wait3A_650 = tpu.memref_slice %arg3[%dma_wait3A_645, %add3A, %dma_wait3A_649] : memref<26x32x100000xf32, #tpu.memory_space<hbm>> -> memref<1x1x100000xf32, #tpu.memory_space<hbm>>
    %dma_wait3A_651 = tpu.memref_squeeze %dma_wait3A_650 : memref<1x1x100000xf32, #tpu.memory_space<hbm>> -> memref<100000xf32, #tpu.memory_space<hbm>>
    tpu.wait_dma2 semaphore(%arg7 : memref<!tpu.dma_semaphore, #tpu.memory_space<semaphore_mem>>) src(%dma_wait3A_651 : memref<100000xf32, #tpu.memory_space<hbm>>) dst(%arg5 : memref<100000xf32, #tpu.memory_space<vmem>>)
    %parallel_loop3A_652 = arith.constant 0 : i32
    %parallel_loop3A_653 = arith.constant 16384 : i32
    %parallel_loop3A_654 = arith.constant 16 : i32
    scf.for %parallel_loop3A_829 = %parallel_loop3A_652 to %parallel_loop3A_653 step %parallel_loop3A_654  : i32 {
      %parallel_loop3A_830 = arith.index_cast %parallel_loop3A_829 : i32 to index
      %parallel_loop3A_831 = tpu.vector_load %arg6[%parallel_loop3A_830] {strides = array<i32>} : memref<16384xf32, #tpu.memory_space<vmem>>, vector<16xf32>,
      %parallel_loop3A_832 = vector.bitcast %parallel_loop3A_831 : vector<16xf32> to vector<16xi32>
      %parallel_loop3A_833 = tpu.vector_load_idx %arg5[%parallel_loop3A_832] : memref<100000xf32, #tpu.memory_space<vmem>>[vector<16xi32>], vector<16xf32>,
      %parallel_loop3A_834 = arith.index_cast %parallel_loop3A_829 : i32 to index
      %parallel_loop3A_835 = tpu.vector_load %arg6[%parallel_loop3A_834] {strides = array<i32>} : memref<16384xf32, #tpu.memory_space<vmem>>, vector<16xf32>,
      tpu.vector_store %arg6[%parallel_loop3A_834], %parallel_loop3A_833 {strides = array<i32>} : memref<16384xf32, #tpu.memory_space<vmem>>, vector<16xf32>,
    } {sc.loop_unroll_factor = 8 : i64, sc.parallel_access}
    %dma_start3A_655 = arith.constant 21 : i32
    %dma_start3A_656 = arith.constant 0 : i32
    %dma_start3A_657 = tpu.memref_slice %arg3[%dma_start3A_655, %add3A, %dma_start3A_656] : memref<26x32x100000xf32, #tpu.memory_space<hbm>> -> memref<1x1x100000xf32, #tpu.memory_space<hbm>>
    %dma_start3A_658 = tpu.memref_squeeze %dma_start3A_657 : memref<1x1x100000xf32, #tpu.memory_space<hbm>> -> memref<100000xf32, #tpu.memory_space<hbm>>
    %dma_start3A_659 = arith.constant 0 : i32
    %dma_start3A_660 = tpu.memref_slice %arg3[%dma_start3A_655, %add3A, %dma_start3A_659] : memref<26x32x100000xf32, #tpu.memory_space<hbm>> -> memref<1x1x100000xf32, #tpu.memory_space<hbm>>
    %dma_start3A_661 = tpu.memref_squeeze %dma_start3A_660 : memref<1x1x100000xf32, #tpu.memory_space<hbm>> -> memref<100000xf32, #tpu.memory_space<hbm>>
    tpu.enqueue_dma source(%dma_start3A_661 : memref<100000xf32, #tpu.memory_space<hbm>>) target(%arg5 : memref<100000xf32, #tpu.memory_space<vmem>>) target_semaphore(%arg7 : memref<!tpu.dma_semaphore, #tpu.memory_space<semaphore_mem>>)
    %dma_start3A_662 = arith.constant 20 : i32
    %dma_start3A_663 = arith.constant 0 : i32
    %dma_start3A_664 = tpu.memref_slice %arg4[%dma_start3A_662, %add3A, %dma_start3A_663] : memref<26x32x16384xf32, #tpu.memory_space<hbm>> -> memref<1x1x16384xf32, #tpu.memory_space<hbm>>
    %dma_start3A_665 = tpu.memref_squeeze %dma_start3A_664 : memref<1x1x16384xf32, #tpu.memory_space<hbm>> -> memref<16384xf32, #tpu.memory_space<hbm>>
    %dma_start3A_666 = arith.constant 0 : i32
    %dma_start3A_667 = tpu.memref_slice %arg4[%dma_start3A_662, %add3A, %dma_start3A_666] : memref<26x32x16384xf32, #tpu.memory_space<hbm>> -> memref<1x1x16384xf32, #tpu.memory_space<hbm>>
    %dma_start3A_668 = tpu.memref_squeeze %dma_start3A_667 : memref<1x1x16384xf32, #tpu.memory_space<hbm>> -> memref<16384xf32, #tpu.memory_space<hbm>>
    tpu.enqueue_dma source(%arg6 : memref<16384xf32, #tpu.memory_space<vmem>>) target(%dma_start3A_668 : memref<16384xf32, #tpu.memory_space<hbm>>) target_semaphore(%arg8 : memref<!tpu.dma_semaphore, #tpu.memory_space<semaphore_mem>>)
    %dma_wait3A_669 = arith.constant 20 : i32
    %dma_wait3A_670 = arith.constant 0 : i32
    %dma_wait3A_671 = tpu.memref_slice %arg4[%dma_wait3A_669, %add3A, %dma_wait3A_670] : memref<26x32x16384xf32, #tpu.memory_space<hbm>> -> memref<1x1x16384xf32, #tpu.memory_space<hbm>>
    %dma_wait3A_672 = tpu.memref_squeeze %dma_wait3A_671 : memref<1x1x16384xf32, #tpu.memory_space<hbm>> -> memref<16384xf32, #tpu.memory_space<hbm>>
    %dma_wait3A_673 = arith.constant 0 : i32
    %dma_wait3A_674 = tpu.memref_slice %arg4[%dma_wait3A_669, %add3A, %dma_wait3A_673] : memref<26x32x16384xf32, #tpu.memory_space<hbm>> -> memref<1x1x16384xf32, #tpu.memory_space<hbm>>
    %dma_wait3A_675 = tpu.memref_squeeze %dma_wait3A_674 : memref<1x1x16384xf32, #tpu.memory_space<hbm>> -> memref<16384xf32, #tpu.memory_space<hbm>>
    tpu.wait_dma2 semaphore(%arg8 : memref<!tpu.dma_semaphore, #tpu.memory_space<semaphore_mem>>) src(%arg6 : memref<16384xf32, #tpu.memory_space<vmem>>) dst(%dma_wait3A_675 : memref<16384xf32, #tpu.memory_space<hbm>>)
    %run_scoped3A_676 = arith.constant 21 : i32
    "tpu.region"() ({
      %run_scoped3A_829 = tpu.sem_alloc : memref<!tpu.dma_semaphore, #tpu.memory_space<semaphore_mem>>
      %dma_start3A_830 = arith.constant 0 : i32
      %dma_start3A_831 = tpu.memref_slice %arg2[%run_scoped3A_676, %dma_start3A_830] : memref<26x16384xf32, #tpu.memory_space<hbm>> -> memref<1x16384xf32, #tpu.memory_space<hbm>>
      %dma_start3A_832 = tpu.memref_squeeze %dma_start3A_831 : memref<1x16384xf32, #tpu.memory_space<hbm>> -> memref<16384xf32, #tpu.memory_space<hbm>>
      %dma_start3A_833 = arith.constant 0 : i32
      %dma_start3A_834 = tpu.memref_slice %arg2[%run_scoped3A_676, %dma_start3A_833] : memref<26x16384xf32, #tpu.memory_space<hbm>> -> memref<1x16384xf32, #tpu.memory_space<hbm>>
      %dma_start3A_835 = tpu.memref_squeeze %dma_start3A_834 : memref<1x16384xf32, #tpu.memory_space<hbm>> -> memref<16384xf32, #tpu.memory_space<hbm>>
      tpu.enqueue_dma source(%dma_start3A_835 : memref<16384xf32, #tpu.memory_space<hbm>>) target(%arg6 : memref<16384xf32, #tpu.memory_space<vmem>>) target_semaphore(%run_scoped3A_829 : memref<!tpu.dma_semaphore, #tpu.memory_space<semaphore_mem>>)
      %dma_wait3A_836 = arith.constant 0 : i32
      %dma_wait3A_837 = tpu.memref_slice %arg2[%run_scoped3A_676, %dma_wait3A_836] : memref<26x16384xf32, #tpu.memory_space<hbm>> -> memref<1x16384xf32, #tpu.memory_space<hbm>>
      %dma_wait3A_838 = tpu.memref_squeeze %dma_wait3A_837 : memref<1x16384xf32, #tpu.memory_space<hbm>> -> memref<16384xf32, #tpu.memory_space<hbm>>
      %dma_wait3A_839 = arith.constant 0 : i32
      %dma_wait3A_840 = tpu.memref_slice %arg2[%run_scoped3A_676, %dma_wait3A_839] : memref<26x16384xf32, #tpu.memory_space<hbm>> -> memref<1x16384xf32, #tpu.memory_space<hbm>>
      %dma_wait3A_841 = tpu.memref_squeeze %dma_wait3A_840 : memref<1x16384xf32, #tpu.memory_space<hbm>> -> memref<16384xf32, #tpu.memory_space<hbm>>
      tpu.wait_dma2 semaphore(%run_scoped3A_829 : memref<!tpu.dma_semaphore, #tpu.memory_space<semaphore_mem>>) src(%dma_wait3A_841 : memref<16384xf32, #tpu.memory_space<hbm>>) dst(%arg6 : memref<16384xf32, #tpu.memory_space<vmem>>)
      tpu.yield
    }) : () -> ()
    %dma_wait3A_677 = arith.constant 21 : i32
    %dma_wait3A_678 = arith.constant 0 : i32
    %dma_wait3A_679 = tpu.memref_slice %arg3[%dma_wait3A_677, %add3A, %dma_wait3A_678] : memref<26x32x100000xf32, #tpu.memory_space<hbm>> -> memref<1x1x100000xf32, #tpu.memory_space<hbm>>
    %dma_wait3A_680 = tpu.memref_squeeze %dma_wait3A_679 : memref<1x1x100000xf32, #tpu.memory_space<hbm>> -> memref<100000xf32, #tpu.memory_space<hbm>>
    %dma_wait3A_681 = arith.constant 0 : i32
    %dma_wait3A_682 = tpu.memref_slice %arg3[%dma_wait3A_677, %add3A, %dma_wait3A_681] : memref<26x32x100000xf32, #tpu.memory_space<hbm>> -> memref<1x1x100000xf32, #tpu.memory_space<hbm>>
    %dma_wait3A_683 = tpu.memref_squeeze %dma_wait3A_682 : memref<1x1x100000xf32, #tpu.memory_space<hbm>> -> memref<100000xf32, #tpu.memory_space<hbm>>
    tpu.wait_dma2 semaphore(%arg7 : memref<!tpu.dma_semaphore, #tpu.memory_space<semaphore_mem>>) src(%dma_wait3A_683 : memref<100000xf32, #tpu.memory_space<hbm>>) dst(%arg5 : memref<100000xf32, #tpu.memory_space<vmem>>)
    %parallel_loop3A_684 = arith.constant 0 : i32
    %parallel_loop3A_685 = arith.constant 16384 : i32
    %parallel_loop3A_686 = arith.constant 16 : i32
    scf.for %parallel_loop3A_829 = %parallel_loop3A_684 to %parallel_loop3A_685 step %parallel_loop3A_686  : i32 {
      %parallel_loop3A_830 = arith.index_cast %parallel_loop3A_829 : i32 to index
      %parallel_loop3A_831 = tpu.vector_load %arg6[%parallel_loop3A_830] {strides = array<i32>} : memref<16384xf32, #tpu.memory_space<vmem>>, vector<16xf32>,
      %parallel_loop3A_832 = vector.bitcast %parallel_loop3A_831 : vector<16xf32> to vector<16xi32>
      %parallel_loop3A_833 = tpu.vector_load_idx %arg5[%parallel_loop3A_832] : memref<100000xf32, #tpu.memory_space<vmem>>[vector<16xi32>], vector<16xf32>,
      %parallel_loop3A_834 = arith.index_cast %parallel_loop3A_829 : i32 to index
      %parallel_loop3A_835 = tpu.vector_load %arg6[%parallel_loop3A_834] {strides = array<i32>} : memref<16384xf32, #tpu.memory_space<vmem>>, vector<16xf32>,
      tpu.vector_store %arg6[%parallel_loop3A_834], %parallel_loop3A_833 {strides = array<i32>} : memref<16384xf32, #tpu.memory_space<vmem>>, vector<16xf32>,
    } {sc.loop_unroll_factor = 8 : i64, sc.parallel_access}
    %dma_start3A_687 = arith.constant 22 : i32
    %dma_start3A_688 = arith.constant 0 : i32
    %dma_start3A_689 = tpu.memref_slice %arg3[%dma_start3A_687, %add3A, %dma_start3A_688] : memref<26x32x100000xf32, #tpu.memory_space<hbm>> -> memref<1x1x100000xf32, #tpu.memory_space<hbm>>
    %dma_start3A_690 = tpu.memref_squeeze %dma_start3A_689 : memref<1x1x100000xf32, #tpu.memory_space<hbm>> -> memref<100000xf32, #tpu.memory_space<hbm>>
    %dma_start3A_691 = arith.constant 0 : i32
    %dma_start3A_692 = tpu.memref_slice %arg3[%dma_start3A_687, %add3A, %dma_start3A_691] : memref<26x32x100000xf32, #tpu.memory_space<hbm>> -> memref<1x1x100000xf32, #tpu.memory_space<hbm>>
    %dma_start3A_693 = tpu.memref_squeeze %dma_start3A_692 : memref<1x1x100000xf32, #tpu.memory_space<hbm>> -> memref<100000xf32, #tpu.memory_space<hbm>>
    tpu.enqueue_dma source(%dma_start3A_693 : memref<100000xf32, #tpu.memory_space<hbm>>) target(%arg5 : memref<100000xf32, #tpu.memory_space<vmem>>) target_semaphore(%arg7 : memref<!tpu.dma_semaphore, #tpu.memory_space<semaphore_mem>>)
    %dma_start3A_694 = arith.constant 21 : i32
    %dma_start3A_695 = arith.constant 0 : i32
    %dma_start3A_696 = tpu.memref_slice %arg4[%dma_start3A_694, %add3A, %dma_start3A_695] : memref<26x32x16384xf32, #tpu.memory_space<hbm>> -> memref<1x1x16384xf32, #tpu.memory_space<hbm>>
    %dma_start3A_697 = tpu.memref_squeeze %dma_start3A_696 : memref<1x1x16384xf32, #tpu.memory_space<hbm>> -> memref<16384xf32, #tpu.memory_space<hbm>>
    %dma_start3A_698 = arith.constant 0 : i32
    %dma_start3A_699 = tpu.memref_slice %arg4[%dma_start3A_694, %add3A, %dma_start3A_698] : memref<26x32x16384xf32, #tpu.memory_space<hbm>> -> memref<1x1x16384xf32, #tpu.memory_space<hbm>>
    %dma_start3A_700 = tpu.memref_squeeze %dma_start3A_699 : memref<1x1x16384xf32, #tpu.memory_space<hbm>> -> memref<16384xf32, #tpu.memory_space<hbm>>
    tpu.enqueue_dma source(%arg6 : memref<16384xf32, #tpu.memory_space<vmem>>) target(%dma_start3A_700 : memref<16384xf32, #tpu.memory_space<hbm>>) target_semaphore(%arg8 : memref<!tpu.dma_semaphore, #tpu.memory_space<semaphore_mem>>)
    %dma_wait3A_701 = arith.constant 21 : i32
    %dma_wait3A_702 = arith.constant 0 : i32
    %dma_wait3A_703 = tpu.memref_slice %arg4[%dma_wait3A_701, %add3A, %dma_wait3A_702] : memref<26x32x16384xf32, #tpu.memory_space<hbm>> -> memref<1x1x16384xf32, #tpu.memory_space<hbm>>
    %dma_wait3A_704 = tpu.memref_squeeze %dma_wait3A_703 : memref<1x1x16384xf32, #tpu.memory_space<hbm>> -> memref<16384xf32, #tpu.memory_space<hbm>>
    %dma_wait3A_705 = arith.constant 0 : i32
    %dma_wait3A_706 = tpu.memref_slice %arg4[%dma_wait3A_701, %add3A, %dma_wait3A_705] : memref<26x32x16384xf32, #tpu.memory_space<hbm>> -> memref<1x1x16384xf32, #tpu.memory_space<hbm>>
    %dma_wait3A_707 = tpu.memref_squeeze %dma_wait3A_706 : memref<1x1x16384xf32, #tpu.memory_space<hbm>> -> memref<16384xf32, #tpu.memory_space<hbm>>
    tpu.wait_dma2 semaphore(%arg8 : memref<!tpu.dma_semaphore, #tpu.memory_space<semaphore_mem>>) src(%arg6 : memref<16384xf32, #tpu.memory_space<vmem>>) dst(%dma_wait3A_707 : memref<16384xf32, #tpu.memory_space<hbm>>)
    %run_scoped3A_708 = arith.constant 22 : i32
    "tpu.region"() ({
      %run_scoped3A_829 = tpu.sem_alloc : memref<!tpu.dma_semaphore, #tpu.memory_space<semaphore_mem>>
      %dma_start3A_830 = arith.constant 0 : i32
      %dma_start3A_831 = tpu.memref_slice %arg2[%run_scoped3A_708, %dma_start3A_830] : memref<26x16384xf32, #tpu.memory_space<hbm>> -> memref<1x16384xf32, #tpu.memory_space<hbm>>
      %dma_start3A_832 = tpu.memref_squeeze %dma_start3A_831 : memref<1x16384xf32, #tpu.memory_space<hbm>> -> memref<16384xf32, #tpu.memory_space<hbm>>
      %dma_start3A_833 = arith.constant 0 : i32
      %dma_start3A_834 = tpu.memref_slice %arg2[%run_scoped3A_708, %dma_start3A_833] : memref<26x16384xf32, #tpu.memory_space<hbm>> -> memref<1x16384xf32, #tpu.memory_space<hbm>>
      %dma_start3A_835 = tpu.memref_squeeze %dma_start3A_834 : memref<1x16384xf32, #tpu.memory_space<hbm>> -> memref<16384xf32, #tpu.memory_space<hbm>>
      tpu.enqueue_dma source(%dma_start3A_835 : memref<16384xf32, #tpu.memory_space<hbm>>) target(%arg6 : memref<16384xf32, #tpu.memory_space<vmem>>) target_semaphore(%run_scoped3A_829 : memref<!tpu.dma_semaphore, #tpu.memory_space<semaphore_mem>>)
      %dma_wait3A_836 = arith.constant 0 : i32
      %dma_wait3A_837 = tpu.memref_slice %arg2[%run_scoped3A_708, %dma_wait3A_836] : memref<26x16384xf32, #tpu.memory_space<hbm>> -> memref<1x16384xf32, #tpu.memory_space<hbm>>
      %dma_wait3A_838 = tpu.memref_squeeze %dma_wait3A_837 : memref<1x16384xf32, #tpu.memory_space<hbm>> -> memref<16384xf32, #tpu.memory_space<hbm>>
      %dma_wait3A_839 = arith.constant 0 : i32
      %dma_wait3A_840 = tpu.memref_slice %arg2[%run_scoped3A_708, %dma_wait3A_839] : memref<26x16384xf32, #tpu.memory_space<hbm>> -> memref<1x16384xf32, #tpu.memory_space<hbm>>
      %dma_wait3A_841 = tpu.memref_squeeze %dma_wait3A_840 : memref<1x16384xf32, #tpu.memory_space<hbm>> -> memref<16384xf32, #tpu.memory_space<hbm>>
      tpu.wait_dma2 semaphore(%run_scoped3A_829 : memref<!tpu.dma_semaphore, #tpu.memory_space<semaphore_mem>>) src(%dma_wait3A_841 : memref<16384xf32, #tpu.memory_space<hbm>>) dst(%arg6 : memref<16384xf32, #tpu.memory_space<vmem>>)
      tpu.yield
    }) : () -> ()
    %dma_wait3A_709 = arith.constant 22 : i32
    %dma_wait3A_710 = arith.constant 0 : i32
    %dma_wait3A_711 = tpu.memref_slice %arg3[%dma_wait3A_709, %add3A, %dma_wait3A_710] : memref<26x32x100000xf32, #tpu.memory_space<hbm>> -> memref<1x1x100000xf32, #tpu.memory_space<hbm>>
    %dma_wait3A_712 = tpu.memref_squeeze %dma_wait3A_711 : memref<1x1x100000xf32, #tpu.memory_space<hbm>> -> memref<100000xf32, #tpu.memory_space<hbm>>
    %dma_wait3A_713 = arith.constant 0 : i32
    %dma_wait3A_714 = tpu.memref_slice %arg3[%dma_wait3A_709, %add3A, %dma_wait3A_713] : memref<26x32x100000xf32, #tpu.memory_space<hbm>> -> memref<1x1x100000xf32, #tpu.memory_space<hbm>>
    %dma_wait3A_715 = tpu.memref_squeeze %dma_wait3A_714 : memref<1x1x100000xf32, #tpu.memory_space<hbm>> -> memref<100000xf32, #tpu.memory_space<hbm>>
    tpu.wait_dma2 semaphore(%arg7 : memref<!tpu.dma_semaphore, #tpu.memory_space<semaphore_mem>>) src(%dma_wait3A_715 : memref<100000xf32, #tpu.memory_space<hbm>>) dst(%arg5 : memref<100000xf32, #tpu.memory_space<vmem>>)
    %parallel_loop3A_716 = arith.constant 0 : i32
    %parallel_loop3A_717 = arith.constant 16384 : i32
    %parallel_loop3A_718 = arith.constant 16 : i32
    scf.for %parallel_loop3A_829 = %parallel_loop3A_716 to %parallel_loop3A_717 step %parallel_loop3A_718  : i32 {
      %parallel_loop3A_830 = arith.index_cast %parallel_loop3A_829 : i32 to index
      %parallel_loop3A_831 = tpu.vector_load %arg6[%parallel_loop3A_830] {strides = array<i32>} : memref<16384xf32, #tpu.memory_space<vmem>>, vector<16xf32>,
      %parallel_loop3A_832 = vector.bitcast %parallel_loop3A_831 : vector<16xf32> to vector<16xi32>
      %parallel_loop3A_833 = tpu.vector_load_idx %arg5[%parallel_loop3A_832] : memref<100000xf32, #tpu.memory_space<vmem>>[vector<16xi32>], vector<16xf32>,
      %parallel_loop3A_834 = arith.index_cast %parallel_loop3A_829 : i32 to index
      %parallel_loop3A_835 = tpu.vector_load %arg6[%parallel_loop3A_834] {strides = array<i32>} : memref<16384xf32, #tpu.memory_space<vmem>>, vector<16xf32>,
      tpu.vector_store %arg6[%parallel_loop3A_834], %parallel_loop3A_833 {strides = array<i32>} : memref<16384xf32, #tpu.memory_space<vmem>>, vector<16xf32>,
    } {sc.loop_unroll_factor = 8 : i64, sc.parallel_access}
    %dma_start3A_719 = arith.constant 23 : i32
    %dma_start3A_720 = arith.constant 0 : i32
    %dma_start3A_721 = tpu.memref_slice %arg3[%dma_start3A_719, %add3A, %dma_start3A_720] : memref<26x32x100000xf32, #tpu.memory_space<hbm>> -> memref<1x1x100000xf32, #tpu.memory_space<hbm>>
    %dma_start3A_722 = tpu.memref_squeeze %dma_start3A_721 : memref<1x1x100000xf32, #tpu.memory_space<hbm>> -> memref<100000xf32, #tpu.memory_space<hbm>>
    %dma_start3A_723 = arith.constant 0 : i32
    %dma_start3A_724 = tpu.memref_slice %arg3[%dma_start3A_719, %add3A, %dma_start3A_723] : memref<26x32x100000xf32, #tpu.memory_space<hbm>> -> memref<1x1x100000xf32, #tpu.memory_space<hbm>>
    %dma_start3A_725 = tpu.memref_squeeze %dma_start3A_724 : memref<1x1x100000xf32, #tpu.memory_space<hbm>> -> memref<100000xf32, #tpu.memory_space<hbm>>
    tpu.enqueue_dma source(%dma_start3A_725 : memref<100000xf32, #tpu.memory_space<hbm>>) target(%arg5 : memref<100000xf32, #tpu.memory_space<vmem>>) target_semaphore(%arg7 : memref<!tpu.dma_semaphore, #tpu.memory_space<semaphore_mem>>)
    %dma_start3A_726 = arith.constant 22 : i32
    %dma_start3A_727 = arith.constant 0 : i32
    %dma_start3A_728 = tpu.memref_slice %arg4[%dma_start3A_726, %add3A, %dma_start3A_727] : memref<26x32x16384xf32, #tpu.memory_space<hbm>> -> memref<1x1x16384xf32, #tpu.memory_space<hbm>>
    %dma_start3A_729 = tpu.memref_squeeze %dma_start3A_728 : memref<1x1x16384xf32, #tpu.memory_space<hbm>> -> memref<16384xf32, #tpu.memory_space<hbm>>
    %dma_start3A_730 = arith.constant 0 : i32
    %dma_start3A_731 = tpu.memref_slice %arg4[%dma_start3A_726, %add3A, %dma_start3A_730] : memref<26x32x16384xf32, #tpu.memory_space<hbm>> -> memref<1x1x16384xf32, #tpu.memory_space<hbm>>
    %dma_start3A_732 = tpu.memref_squeeze %dma_start3A_731 : memref<1x1x16384xf32, #tpu.memory_space<hbm>> -> memref<16384xf32, #tpu.memory_space<hbm>>
    tpu.enqueue_dma source(%arg6 : memref<16384xf32, #tpu.memory_space<vmem>>) target(%dma_start3A_732 : memref<16384xf32, #tpu.memory_space<hbm>>) target_semaphore(%arg8 : memref<!tpu.dma_semaphore, #tpu.memory_space<semaphore_mem>>)
    %dma_wait3A_733 = arith.constant 22 : i32
    %dma_wait3A_734 = arith.constant 0 : i32
    %dma_wait3A_735 = tpu.memref_slice %arg4[%dma_wait3A_733, %add3A, %dma_wait3A_734] : memref<26x32x16384xf32, #tpu.memory_space<hbm>> -> memref<1x1x16384xf32, #tpu.memory_space<hbm>>
    %dma_wait3A_736 = tpu.memref_squeeze %dma_wait3A_735 : memref<1x1x16384xf32, #tpu.memory_space<hbm>> -> memref<16384xf32, #tpu.memory_space<hbm>>
    %dma_wait3A_737 = arith.constant 0 : i32
    %dma_wait3A_738 = tpu.memref_slice %arg4[%dma_wait3A_733, %add3A, %dma_wait3A_737] : memref<26x32x16384xf32, #tpu.memory_space<hbm>> -> memref<1x1x16384xf32, #tpu.memory_space<hbm>>
    %dma_wait3A_739 = tpu.memref_squeeze %dma_wait3A_738 : memref<1x1x16384xf32, #tpu.memory_space<hbm>> -> memref<16384xf32, #tpu.memory_space<hbm>>
    tpu.wait_dma2 semaphore(%arg8 : memref<!tpu.dma_semaphore, #tpu.memory_space<semaphore_mem>>) src(%arg6 : memref<16384xf32, #tpu.memory_space<vmem>>) dst(%dma_wait3A_739 : memref<16384xf32, #tpu.memory_space<hbm>>)
    %run_scoped3A_740 = arith.constant 23 : i32
    "tpu.region"() ({
      %run_scoped3A_829 = tpu.sem_alloc : memref<!tpu.dma_semaphore, #tpu.memory_space<semaphore_mem>>
      %dma_start3A_830 = arith.constant 0 : i32
      %dma_start3A_831 = tpu.memref_slice %arg2[%run_scoped3A_740, %dma_start3A_830] : memref<26x16384xf32, #tpu.memory_space<hbm>> -> memref<1x16384xf32, #tpu.memory_space<hbm>>
      %dma_start3A_832 = tpu.memref_squeeze %dma_start3A_831 : memref<1x16384xf32, #tpu.memory_space<hbm>> -> memref<16384xf32, #tpu.memory_space<hbm>>
      %dma_start3A_833 = arith.constant 0 : i32
      %dma_start3A_834 = tpu.memref_slice %arg2[%run_scoped3A_740, %dma_start3A_833] : memref<26x16384xf32, #tpu.memory_space<hbm>> -> memref<1x16384xf32, #tpu.memory_space<hbm>>
      %dma_start3A_835 = tpu.memref_squeeze %dma_start3A_834 : memref<1x16384xf32, #tpu.memory_space<hbm>> -> memref<16384xf32, #tpu.memory_space<hbm>>
      tpu.enqueue_dma source(%dma_start3A_835 : memref<16384xf32, #tpu.memory_space<hbm>>) target(%arg6 : memref<16384xf32, #tpu.memory_space<vmem>>) target_semaphore(%run_scoped3A_829 : memref<!tpu.dma_semaphore, #tpu.memory_space<semaphore_mem>>)
      %dma_wait3A_836 = arith.constant 0 : i32
      %dma_wait3A_837 = tpu.memref_slice %arg2[%run_scoped3A_740, %dma_wait3A_836] : memref<26x16384xf32, #tpu.memory_space<hbm>> -> memref<1x16384xf32, #tpu.memory_space<hbm>>
      %dma_wait3A_838 = tpu.memref_squeeze %dma_wait3A_837 : memref<1x16384xf32, #tpu.memory_space<hbm>> -> memref<16384xf32, #tpu.memory_space<hbm>>
      %dma_wait3A_839 = arith.constant 0 : i32
      %dma_wait3A_840 = tpu.memref_slice %arg2[%run_scoped3A_740, %dma_wait3A_839] : memref<26x16384xf32, #tpu.memory_space<hbm>> -> memref<1x16384xf32, #tpu.memory_space<hbm>>
      %dma_wait3A_841 = tpu.memref_squeeze %dma_wait3A_840 : memref<1x16384xf32, #tpu.memory_space<hbm>> -> memref<16384xf32, #tpu.memory_space<hbm>>
      tpu.wait_dma2 semaphore(%run_scoped3A_829 : memref<!tpu.dma_semaphore, #tpu.memory_space<semaphore_mem>>) src(%dma_wait3A_841 : memref<16384xf32, #tpu.memory_space<hbm>>) dst(%arg6 : memref<16384xf32, #tpu.memory_space<vmem>>)
      tpu.yield
    }) : () -> ()
    %dma_wait3A_741 = arith.constant 23 : i32
    %dma_wait3A_742 = arith.constant 0 : i32
    %dma_wait3A_743 = tpu.memref_slice %arg3[%dma_wait3A_741, %add3A, %dma_wait3A_742] : memref<26x32x100000xf32, #tpu.memory_space<hbm>> -> memref<1x1x100000xf32, #tpu.memory_space<hbm>>
    %dma_wait3A_744 = tpu.memref_squeeze %dma_wait3A_743 : memref<1x1x100000xf32, #tpu.memory_space<hbm>> -> memref<100000xf32, #tpu.memory_space<hbm>>
    %dma_wait3A_745 = arith.constant 0 : i32
    %dma_wait3A_746 = tpu.memref_slice %arg3[%dma_wait3A_741, %add3A, %dma_wait3A_745] : memref<26x32x100000xf32, #tpu.memory_space<hbm>> -> memref<1x1x100000xf32, #tpu.memory_space<hbm>>
    %dma_wait3A_747 = tpu.memref_squeeze %dma_wait3A_746 : memref<1x1x100000xf32, #tpu.memory_space<hbm>> -> memref<100000xf32, #tpu.memory_space<hbm>>
    tpu.wait_dma2 semaphore(%arg7 : memref<!tpu.dma_semaphore, #tpu.memory_space<semaphore_mem>>) src(%dma_wait3A_747 : memref<100000xf32, #tpu.memory_space<hbm>>) dst(%arg5 : memref<100000xf32, #tpu.memory_space<vmem>>)
    %parallel_loop3A_748 = arith.constant 0 : i32
    %parallel_loop3A_749 = arith.constant 16384 : i32
    %parallel_loop3A_750 = arith.constant 16 : i32
    scf.for %parallel_loop3A_829 = %parallel_loop3A_748 to %parallel_loop3A_749 step %parallel_loop3A_750  : i32 {
      %parallel_loop3A_830 = arith.index_cast %parallel_loop3A_829 : i32 to index
      %parallel_loop3A_831 = tpu.vector_load %arg6[%parallel_loop3A_830] {strides = array<i32>} : memref<16384xf32, #tpu.memory_space<vmem>>, vector<16xf32>,
      %parallel_loop3A_832 = vector.bitcast %parallel_loop3A_831 : vector<16xf32> to vector<16xi32>
      %parallel_loop3A_833 = tpu.vector_load_idx %arg5[%parallel_loop3A_832] : memref<100000xf32, #tpu.memory_space<vmem>>[vector<16xi32>], vector<16xf32>,
      %parallel_loop3A_834 = arith.index_cast %parallel_loop3A_829 : i32 to index
      %parallel_loop3A_835 = tpu.vector_load %arg6[%parallel_loop3A_834] {strides = array<i32>} : memref<16384xf32, #tpu.memory_space<vmem>>, vector<16xf32>,
      tpu.vector_store %arg6[%parallel_loop3A_834], %parallel_loop3A_833 {strides = array<i32>} : memref<16384xf32, #tpu.memory_space<vmem>>, vector<16xf32>,
    } {sc.loop_unroll_factor = 8 : i64, sc.parallel_access}
    %dma_start3A_751 = arith.constant 24 : i32
    %dma_start3A_752 = arith.constant 0 : i32
    %dma_start3A_753 = tpu.memref_slice %arg3[%dma_start3A_751, %add3A, %dma_start3A_752] : memref<26x32x100000xf32, #tpu.memory_space<hbm>> -> memref<1x1x100000xf32, #tpu.memory_space<hbm>>
    %dma_start3A_754 = tpu.memref_squeeze %dma_start3A_753 : memref<1x1x100000xf32, #tpu.memory_space<hbm>> -> memref<100000xf32, #tpu.memory_space<hbm>>
    %dma_start3A_755 = arith.constant 0 : i32
    %dma_start3A_756 = tpu.memref_slice %arg3[%dma_start3A_751, %add3A, %dma_start3A_755] : memref<26x32x100000xf32, #tpu.memory_space<hbm>> -> memref<1x1x100000xf32, #tpu.memory_space<hbm>>
    %dma_start3A_757 = tpu.memref_squeeze %dma_start3A_756 : memref<1x1x100000xf32, #tpu.memory_space<hbm>> -> memref<100000xf32, #tpu.memory_space<hbm>>
    tpu.enqueue_dma source(%dma_start3A_757 : memref<100000xf32, #tpu.memory_space<hbm>>) target(%arg5 : memref<100000xf32, #tpu.memory_space<vmem>>) target_semaphore(%arg7 : memref<!tpu.dma_semaphore, #tpu.memory_space<semaphore_mem>>)
    %dma_start3A_758 = arith.constant 23 : i32
    %dma_start3A_759 = arith.constant 0 : i32
    %dma_start3A_760 = tpu.memref_slice %arg4[%dma_start3A_758, %add3A, %dma_start3A_759] : memref<26x32x16384xf32, #tpu.memory_space<hbm>> -> memref<1x1x16384xf32, #tpu.memory_space<hbm>>
    %dma_start3A_761 = tpu.memref_squeeze %dma_start3A_760 : memref<1x1x16384xf32, #tpu.memory_space<hbm>> -> memref<16384xf32, #tpu.memory_space<hbm>>
    %dma_start3A_762 = arith.constant 0 : i32
    %dma_start3A_763 = tpu.memref_slice %arg4[%dma_start3A_758, %add3A, %dma_start3A_762] : memref<26x32x16384xf32, #tpu.memory_space<hbm>> -> memref<1x1x16384xf32, #tpu.memory_space<hbm>>
    %dma_start3A_764 = tpu.memref_squeeze %dma_start3A_763 : memref<1x1x16384xf32, #tpu.memory_space<hbm>> -> memref<16384xf32, #tpu.memory_space<hbm>>
    tpu.enqueue_dma source(%arg6 : memref<16384xf32, #tpu.memory_space<vmem>>) target(%dma_start3A_764 : memref<16384xf32, #tpu.memory_space<hbm>>) target_semaphore(%arg8 : memref<!tpu.dma_semaphore, #tpu.memory_space<semaphore_mem>>)
    %dma_wait3A_765 = arith.constant 23 : i32
    %dma_wait3A_766 = arith.constant 0 : i32
    %dma_wait3A_767 = tpu.memref_slice %arg4[%dma_wait3A_765, %add3A, %dma_wait3A_766] : memref<26x32x16384xf32, #tpu.memory_space<hbm>> -> memref<1x1x16384xf32, #tpu.memory_space<hbm>>
    %dma_wait3A_768 = tpu.memref_squeeze %dma_wait3A_767 : memref<1x1x16384xf32, #tpu.memory_space<hbm>> -> memref<16384xf32, #tpu.memory_space<hbm>>
    %dma_wait3A_769 = arith.constant 0 : i32
    %dma_wait3A_770 = tpu.memref_slice %arg4[%dma_wait3A_765, %add3A, %dma_wait3A_769] : memref<26x32x16384xf32, #tpu.memory_space<hbm>> -> memref<1x1x16384xf32, #tpu.memory_space<hbm>>
    %dma_wait3A_771 = tpu.memref_squeeze %dma_wait3A_770 : memref<1x1x16384xf32, #tpu.memory_space<hbm>> -> memref<16384xf32, #tpu.memory_space<hbm>>
    tpu.wait_dma2 semaphore(%arg8 : memref<!tpu.dma_semaphore, #tpu.memory_space<semaphore_mem>>) src(%arg6 : memref<16384xf32, #tpu.memory_space<vmem>>) dst(%dma_wait3A_771 : memref<16384xf32, #tpu.memory_space<hbm>>)
    %run_scoped3A_772 = arith.constant 24 : i32
    "tpu.region"() ({
      %run_scoped3A_829 = tpu.sem_alloc : memref<!tpu.dma_semaphore, #tpu.memory_space<semaphore_mem>>
      %dma_start3A_830 = arith.constant 0 : i32
      %dma_start3A_831 = tpu.memref_slice %arg2[%run_scoped3A_772, %dma_start3A_830] : memref<26x16384xf32, #tpu.memory_space<hbm>> -> memref<1x16384xf32, #tpu.memory_space<hbm>>
      %dma_start3A_832 = tpu.memref_squeeze %dma_start3A_831 : memref<1x16384xf32, #tpu.memory_space<hbm>> -> memref<16384xf32, #tpu.memory_space<hbm>>
      %dma_start3A_833 = arith.constant 0 : i32
      %dma_start3A_834 = tpu.memref_slice %arg2[%run_scoped3A_772, %dma_start3A_833] : memref<26x16384xf32, #tpu.memory_space<hbm>> -> memref<1x16384xf32, #tpu.memory_space<hbm>>
      %dma_start3A_835 = tpu.memref_squeeze %dma_start3A_834 : memref<1x16384xf32, #tpu.memory_space<hbm>> -> memref<16384xf32, #tpu.memory_space<hbm>>
      tpu.enqueue_dma source(%dma_start3A_835 : memref<16384xf32, #tpu.memory_space<hbm>>) target(%arg6 : memref<16384xf32, #tpu.memory_space<vmem>>) target_semaphore(%run_scoped3A_829 : memref<!tpu.dma_semaphore, #tpu.memory_space<semaphore_mem>>)
      %dma_wait3A_836 = arith.constant 0 : i32
      %dma_wait3A_837 = tpu.memref_slice %arg2[%run_scoped3A_772, %dma_wait3A_836] : memref<26x16384xf32, #tpu.memory_space<hbm>> -> memref<1x16384xf32, #tpu.memory_space<hbm>>
      %dma_wait3A_838 = tpu.memref_squeeze %dma_wait3A_837 : memref<1x16384xf32, #tpu.memory_space<hbm>> -> memref<16384xf32, #tpu.memory_space<hbm>>
      %dma_wait3A_839 = arith.constant 0 : i32
      %dma_wait3A_840 = tpu.memref_slice %arg2[%run_scoped3A_772, %dma_wait3A_839] : memref<26x16384xf32, #tpu.memory_space<hbm>> -> memref<1x16384xf32, #tpu.memory_space<hbm>>
      %dma_wait3A_841 = tpu.memref_squeeze %dma_wait3A_840 : memref<1x16384xf32, #tpu.memory_space<hbm>> -> memref<16384xf32, #tpu.memory_space<hbm>>
      tpu.wait_dma2 semaphore(%run_scoped3A_829 : memref<!tpu.dma_semaphore, #tpu.memory_space<semaphore_mem>>) src(%dma_wait3A_841 : memref<16384xf32, #tpu.memory_space<hbm>>) dst(%arg6 : memref<16384xf32, #tpu.memory_space<vmem>>)
      tpu.yield
    }) : () -> ()
    %dma_wait3A_773 = arith.constant 24 : i32
    %dma_wait3A_774 = arith.constant 0 : i32
    %dma_wait3A_775 = tpu.memref_slice %arg3[%dma_wait3A_773, %add3A, %dma_wait3A_774] : memref<26x32x100000xf32, #tpu.memory_space<hbm>> -> memref<1x1x100000xf32, #tpu.memory_space<hbm>>
    %dma_wait3A_776 = tpu.memref_squeeze %dma_wait3A_775 : memref<1x1x100000xf32, #tpu.memory_space<hbm>> -> memref<100000xf32, #tpu.memory_space<hbm>>
    %dma_wait3A_777 = arith.constant 0 : i32
    %dma_wait3A_778 = tpu.memref_slice %arg3[%dma_wait3A_773, %add3A, %dma_wait3A_777] : memref<26x32x100000xf32, #tpu.memory_space<hbm>> -> memref<1x1x100000xf32, #tpu.memory_space<hbm>>
    %dma_wait3A_779 = tpu.memref_squeeze %dma_wait3A_778 : memref<1x1x100000xf32, #tpu.memory_space<hbm>> -> memref<100000xf32, #tpu.memory_space<hbm>>
    tpu.wait_dma2 semaphore(%arg7 : memref<!tpu.dma_semaphore, #tpu.memory_space<semaphore_mem>>) src(%dma_wait3A_779 : memref<100000xf32, #tpu.memory_space<hbm>>) dst(%arg5 : memref<100000xf32, #tpu.memory_space<vmem>>)
    %parallel_loop3A_780 = arith.constant 0 : i32
    %parallel_loop3A_781 = arith.constant 16384 : i32
    %parallel_loop3A_782 = arith.constant 16 : i32
    scf.for %parallel_loop3A_829 = %parallel_loop3A_780 to %parallel_loop3A_781 step %parallel_loop3A_782  : i32 {
      %parallel_loop3A_830 = arith.index_cast %parallel_loop3A_829 : i32 to index
      %parallel_loop3A_831 = tpu.vector_load %arg6[%parallel_loop3A_830] {strides = array<i32>} : memref<16384xf32, #tpu.memory_space<vmem>>, vector<16xf32>,
      %parallel_loop3A_832 = vector.bitcast %parallel_loop3A_831 : vector<16xf32> to vector<16xi32>
      %parallel_loop3A_833 = tpu.vector_load_idx %arg5[%parallel_loop3A_832] : memref<100000xf32, #tpu.memory_space<vmem>>[vector<16xi32>], vector<16xf32>,
      %parallel_loop3A_834 = arith.index_cast %parallel_loop3A_829 : i32 to index
      %parallel_loop3A_835 = tpu.vector_load %arg6[%parallel_loop3A_834] {strides = array<i32>} : memref<16384xf32, #tpu.memory_space<vmem>>, vector<16xf32>,
      tpu.vector_store %arg6[%parallel_loop3A_834], %parallel_loop3A_833 {strides = array<i32>} : memref<16384xf32, #tpu.memory_space<vmem>>, vector<16xf32>,
    } {sc.loop_unroll_factor = 8 : i64, sc.parallel_access}
    %dma_start3A_783 = arith.constant 25 : i32
    %dma_start3A_784 = arith.constant 0 : i32
    %dma_start3A_785 = tpu.memref_slice %arg3[%dma_start3A_783, %add3A, %dma_start3A_784] : memref<26x32x100000xf32, #tpu.memory_space<hbm>> -> memref<1x1x100000xf32, #tpu.memory_space<hbm>>
    %dma_start3A_786 = tpu.memref_squeeze %dma_start3A_785 : memref<1x1x100000xf32, #tpu.memory_space<hbm>> -> memref<100000xf32, #tpu.memory_space<hbm>>
    %dma_start3A_787 = arith.constant 0 : i32
    %dma_start3A_788 = tpu.memref_slice %arg3[%dma_start3A_783, %add3A, %dma_start3A_787] : memref<26x32x100000xf32, #tpu.memory_space<hbm>> -> memref<1x1x100000xf32, #tpu.memory_space<hbm>>
    %dma_start3A_789 = tpu.memref_squeeze %dma_start3A_788 : memref<1x1x100000xf32, #tpu.memory_space<hbm>> -> memref<100000xf32, #tpu.memory_space<hbm>>
    tpu.enqueue_dma source(%dma_start3A_789 : memref<100000xf32, #tpu.memory_space<hbm>>) target(%arg5 : memref<100000xf32, #tpu.memory_space<vmem>>) target_semaphore(%arg7 : memref<!tpu.dma_semaphore, #tpu.memory_space<semaphore_mem>>)
    %dma_start3A_790 = arith.constant 24 : i32
    %dma_start3A_791 = arith.constant 0 : i32
    %dma_start3A_792 = tpu.memref_slice %arg4[%dma_start3A_790, %add3A, %dma_start3A_791] : memref<26x32x16384xf32, #tpu.memory_space<hbm>> -> memref<1x1x16384xf32, #tpu.memory_space<hbm>>
    %dma_start3A_793 = tpu.memref_squeeze %dma_start3A_792 : memref<1x1x16384xf32, #tpu.memory_space<hbm>> -> memref<16384xf32, #tpu.memory_space<hbm>>
    %dma_start3A_794 = arith.constant 0 : i32
    %dma_start3A_795 = tpu.memref_slice %arg4[%dma_start3A_790, %add3A, %dma_start3A_794] : memref<26x32x16384xf32, #tpu.memory_space<hbm>> -> memref<1x1x16384xf32, #tpu.memory_space<hbm>>
    %dma_start3A_796 = tpu.memref_squeeze %dma_start3A_795 : memref<1x1x16384xf32, #tpu.memory_space<hbm>> -> memref<16384xf32, #tpu.memory_space<hbm>>
    tpu.enqueue_dma source(%arg6 : memref<16384xf32, #tpu.memory_space<vmem>>) target(%dma_start3A_796 : memref<16384xf32, #tpu.memory_space<hbm>>) target_semaphore(%arg8 : memref<!tpu.dma_semaphore, #tpu.memory_space<semaphore_mem>>)
    %dma_wait3A_797 = arith.constant 24 : i32
    %dma_wait3A_798 = arith.constant 0 : i32
    %dma_wait3A_799 = tpu.memref_slice %arg4[%dma_wait3A_797, %add3A, %dma_wait3A_798] : memref<26x32x16384xf32, #tpu.memory_space<hbm>> -> memref<1x1x16384xf32, #tpu.memory_space<hbm>>
    %dma_wait3A_800 = tpu.memref_squeeze %dma_wait3A_799 : memref<1x1x16384xf32, #tpu.memory_space<hbm>> -> memref<16384xf32, #tpu.memory_space<hbm>>
    %dma_wait3A_801 = arith.constant 0 : i32
    %dma_wait3A_802 = tpu.memref_slice %arg4[%dma_wait3A_797, %add3A, %dma_wait3A_801] : memref<26x32x16384xf32, #tpu.memory_space<hbm>> -> memref<1x1x16384xf32, #tpu.memory_space<hbm>>
    %dma_wait3A_803 = tpu.memref_squeeze %dma_wait3A_802 : memref<1x1x16384xf32, #tpu.memory_space<hbm>> -> memref<16384xf32, #tpu.memory_space<hbm>>
    tpu.wait_dma2 semaphore(%arg8 : memref<!tpu.dma_semaphore, #tpu.memory_space<semaphore_mem>>) src(%arg6 : memref<16384xf32, #tpu.memory_space<vmem>>) dst(%dma_wait3A_803 : memref<16384xf32, #tpu.memory_space<hbm>>)
    %run_scoped3A_804 = arith.constant 25 : i32
    "tpu.region"() ({
      %run_scoped3A_829 = tpu.sem_alloc : memref<!tpu.dma_semaphore, #tpu.memory_space<semaphore_mem>>
      %dma_start3A_830 = arith.constant 0 : i32
      %dma_start3A_831 = tpu.memref_slice %arg2[%run_scoped3A_804, %dma_start3A_830] : memref<26x16384xf32, #tpu.memory_space<hbm>> -> memref<1x16384xf32, #tpu.memory_space<hbm>>
      %dma_start3A_832 = tpu.memref_squeeze %dma_start3A_831 : memref<1x16384xf32, #tpu.memory_space<hbm>> -> memref<16384xf32, #tpu.memory_space<hbm>>
      %dma_start3A_833 = arith.constant 0 : i32
      %dma_start3A_834 = tpu.memref_slice %arg2[%run_scoped3A_804, %dma_start3A_833] : memref<26x16384xf32, #tpu.memory_space<hbm>> -> memref<1x16384xf32, #tpu.memory_space<hbm>>
      %dma_start3A_835 = tpu.memref_squeeze %dma_start3A_834 : memref<1x16384xf32, #tpu.memory_space<hbm>> -> memref<16384xf32, #tpu.memory_space<hbm>>
      tpu.enqueue_dma source(%dma_start3A_835 : memref<16384xf32, #tpu.memory_space<hbm>>) target(%arg6 : memref<16384xf32, #tpu.memory_space<vmem>>) target_semaphore(%run_scoped3A_829 : memref<!tpu.dma_semaphore, #tpu.memory_space<semaphore_mem>>)
      %dma_wait3A_836 = arith.constant 0 : i32
      %dma_wait3A_837 = tpu.memref_slice %arg2[%run_scoped3A_804, %dma_wait3A_836] : memref<26x16384xf32, #tpu.memory_space<hbm>> -> memref<1x16384xf32, #tpu.memory_space<hbm>>
      %dma_wait3A_838 = tpu.memref_squeeze %dma_wait3A_837 : memref<1x16384xf32, #tpu.memory_space<hbm>> -> memref<16384xf32, #tpu.memory_space<hbm>>
      %dma_wait3A_839 = arith.constant 0 : i32
      %dma_wait3A_840 = tpu.memref_slice %arg2[%run_scoped3A_804, %dma_wait3A_839] : memref<26x16384xf32, #tpu.memory_space<hbm>> -> memref<1x16384xf32, #tpu.memory_space<hbm>>
      %dma_wait3A_841 = tpu.memref_squeeze %dma_wait3A_840 : memref<1x16384xf32, #tpu.memory_space<hbm>> -> memref<16384xf32, #tpu.memory_space<hbm>>
      tpu.wait_dma2 semaphore(%run_scoped3A_829 : memref<!tpu.dma_semaphore, #tpu.memory_space<semaphore_mem>>) src(%dma_wait3A_841 : memref<16384xf32, #tpu.memory_space<hbm>>) dst(%arg6 : memref<16384xf32, #tpu.memory_space<vmem>>)
      tpu.yield
    }) : () -> ()
    %dma_wait3A_805 = arith.constant 25 : i32
    %dma_wait3A_806 = arith.constant 0 : i32
    %dma_wait3A_807 = tpu.memref_slice %arg3[%dma_wait3A_805, %add3A, %dma_wait3A_806] : memref<26x32x100000xf32, #tpu.memory_space<hbm>> -> memref<1x1x100000xf32, #tpu.memory_space<hbm>>
    %dma_wait3A_808 = tpu.memref_squeeze %dma_wait3A_807 : memref<1x1x100000xf32, #tpu.memory_space<hbm>> -> memref<100000xf32, #tpu.memory_space<hbm>>
    %dma_wait3A_809 = arith.constant 0 : i32
    %dma_wait3A_810 = tpu.memref_slice %arg3[%dma_wait3A_805, %add3A, %dma_wait3A_809] : memref<26x32x100000xf32, #tpu.memory_space<hbm>> -> memref<1x1x100000xf32, #tpu.memory_space<hbm>>
    %dma_wait3A_811 = tpu.memref_squeeze %dma_wait3A_810 : memref<1x1x100000xf32, #tpu.memory_space<hbm>> -> memref<100000xf32, #tpu.memory_space<hbm>>
    tpu.wait_dma2 semaphore(%arg7 : memref<!tpu.dma_semaphore, #tpu.memory_space<semaphore_mem>>) src(%dma_wait3A_811 : memref<100000xf32, #tpu.memory_space<hbm>>) dst(%arg5 : memref<100000xf32, #tpu.memory_space<vmem>>)
    %parallel_loop3A_812 = arith.constant 0 : i32
    %parallel_loop3A_813 = arith.constant 16384 : i32
    %parallel_loop3A_814 = arith.constant 16 : i32
    scf.for %parallel_loop3A_829 = %parallel_loop3A_812 to %parallel_loop3A_813 step %parallel_loop3A_814  : i32 {
      %parallel_loop3A_830 = arith.index_cast %parallel_loop3A_829 : i32 to index
      %parallel_loop3A_831 = tpu.vector_load %arg6[%parallel_loop3A_830] {strides = array<i32>} : memref<16384xf32, #tpu.memory_space<vmem>>, vector<16xf32>,
      %parallel_loop3A_832 = vector.bitcast %parallel_loop3A_831 : vector<16xf32> to vector<16xi32>
      %parallel_loop3A_833 = tpu.vector_load_idx %arg5[%parallel_loop3A_832] : memref<100000xf32, #tpu.memory_space<vmem>>[vector<16xi32>], vector<16xf32>,
      %parallel_loop3A_834 = arith.index_cast %parallel_loop3A_829 : i32 to index
      %parallel_loop3A_835 = tpu.vector_load %arg6[%parallel_loop3A_834] {strides = array<i32>} : memref<16384xf32, #tpu.memory_space<vmem>>, vector<16xf32>,
      tpu.vector_store %arg6[%parallel_loop3A_834], %parallel_loop3A_833 {strides = array<i32>} : memref<16384xf32, #tpu.memory_space<vmem>>, vector<16xf32>,
    } {sc.loop_unroll_factor = 8 : i64, sc.parallel_access}
    %dma_start3A_815 = arith.constant 25 : i32
    %dma_start3A_816 = arith.constant 0 : i32
    %dma_start3A_817 = tpu.memref_slice %arg4[%dma_start3A_815, %add3A, %dma_start3A_816] : memref<26x32x16384xf32, #tpu.memory_space<hbm>> -> memref<1x1x16384xf32, #tpu.memory_space<hbm>>
    %dma_start3A_818 = tpu.memref_squeeze %dma_start3A_817 : memref<1x1x16384xf32, #tpu.memory_space<hbm>> -> memref<16384xf32, #tpu.memory_space<hbm>>
    %dma_start3A_819 = arith.constant 0 : i32
    %dma_start3A_820 = tpu.memref_slice %arg4[%dma_start3A_815, %add3A, %dma_start3A_819] : memref<26x32x16384xf32, #tpu.memory_space<hbm>> -> memref<1x1x16384xf32, #tpu.memory_space<hbm>>
    %dma_start3A_821 = tpu.memref_squeeze %dma_start3A_820 : memref<1x1x16384xf32, #tpu.memory_space<hbm>> -> memref<16384xf32, #tpu.memory_space<hbm>>
    tpu.enqueue_dma source(%arg6 : memref<16384xf32, #tpu.memory_space<vmem>>) target(%dma_start3A_821 : memref<16384xf32, #tpu.memory_space<hbm>>) target_semaphore(%arg8 : memref<!tpu.dma_semaphore, #tpu.memory_space<semaphore_mem>>)
    %dma_wait3A_822 = arith.constant 25 : i32
    %dma_wait3A_823 = arith.constant 0 : i32
    %dma_wait3A_824 = tpu.memref_slice %arg4[%dma_wait3A_822, %add3A, %dma_wait3A_823] : memref<26x32x16384xf32, #tpu.memory_space<hbm>> -> memref<1x1x16384xf32, #tpu.memory_space<hbm>>
    %dma_wait3A_825 = tpu.memref_squeeze %dma_wait3A_824 : memref<1x1x16384xf32, #tpu.memory_space<hbm>> -> memref<16384xf32, #tpu.memory_space<hbm>>
    %dma_wait3A_826 = arith.constant 0 : i32
    %dma_wait3A_827 = tpu.memref_slice %arg4[%dma_wait3A_822, %add3A, %dma_wait3A_826] : memref<26x32x16384xf32, #tpu.memory_space<hbm>> -> memref<1x1x16384xf32, #tpu.memory_space<hbm>>
    %dma_wait3A_828 = tpu.memref_squeeze %dma_wait3A_827 : memref<1x1x16384xf32, #tpu.memory_space<hbm>> -> memref<16384xf32, #tpu.memory_space<hbm>>
    tpu.wait_dma2 semaphore(%arg8 : memref<!tpu.dma_semaphore, #tpu.memory_space<semaphore_mem>>) src(%arg6 : memref<16384xf32, #tpu.memory_space<vmem>>) dst(%dma_wait3A_828 : memref<16384xf32, #tpu.memory_space<hbm>>)
    return
  }
}

</mosaic_0001>

<sc_bundles>
// kernel: kernel.3.cloned.1.call-start
scs
__scs_entry_jumppad:
0x0: {  	(pc) =	sbr.rel $0x88, $3  }
0x1: {  	(tag) =	ssettag $0x0;
	lr =	simm.s32 $0x1  }
0x2: {  	[smem:$0x3F9F] =	sst lr;
	_ =	strace $0xD0000000  }
0x3: {  	_ = 	snop  }
0x4: {  	_ = 	snop  }
0x5: {  	_ = 	snop  }
0x6: {  	_ = 	snop  }
0x7: {  	_ = 	snop  }
__scs_overlays_trampoline_lowered:
0x8: {  	[smem:$0x3FAE] =	sst s0  }
0x9: {  	[smem:$0x3FAF] =	sst s1  }
0xa: {  	[smem:$0x3FB0] =	sst s2  }
0xb: {  	[smem:$0x3FB1] =	sst s3  }
0xc: {  	[smem:$0x3FB2] =	sst s4  }
0xd: {  	[smem:$0x3FB3] =	sst s5  }
0xe: {  	[smem:$0x3FB4] =	sst s6  }
0xf: {  	[smem:$0x3FB5] =	sst s7  }
0x10: {  	[smem:$0x3FB6] =	sst s8  }
0x11: {  	[smem:$0x3FB7] =	sst s9;
	s0 =	simm.s32 @!p0 $0x0  }
0x12: {  	s1 =	sld [smem:$0x3F9D];
	s0 =	simm.s32 @p0 $0x1  }
0x13: {  	[smem:$0x3FB8] =	sst s0;
	s0 =	simm.s32 @!p1 $0x0  }
0x14: {  	s2 =	sld [smem:$0x3F9C];
	s0 =	simm.s32 @p1 $0x1  }
0x15: {  	[smem:$0x3FB9] =	sst s0;
	s0 =	simm.s32 @!p2 $0x0  }
0x16: {  	s3 =	sld [smem:$0x3FDB];
	s0 =	simm.s32 @p2 $0x1  }
0x17: {  	s4 =	simm.s32 $0x1BF5;
	[smem:$0x3FBB] =	sst s0  }
0x18: {  	s0 =	sld [smem:$0x3F9E];
	_ =	swait.ge [sflag:s4], $0x0  }
0x19: {  	s7 =	sld [smem:$0x3F9F]  }
0x1a: {  	s8 =	sadd.s32 $0xFFFFE003, lr  }
0x1b: {  	s9 =	sadd.s32 $0xFFFFFEF7, lr;
	s5 =	simm.s32 $0xFFFFFFFF;
	p2 =	slt.u32 s8, $0xFFFFF086  }
0x1c: {  	p1 =	slt.u32 s9, $0xF7A;
	s5 =	simm.s32 @!p2 $0x0  }
0x1d: {  	s5 =	simm.s32 @p1 $0x1;
	p0 =	seq.s32 s7, s2  }
0x1e: {  	s7 =	smul.u32 @!p0 $0xF7A, s2;
	p2 =	seq.s32 @!p0 s5, $0x0  }
0x1f: {  	s9 =	smul.u32 $0xF7A, s1;
	s8 =	simm.s32 @!p0 $0x1BF5;
	p2 =	por !p2, p0  }
0x20: {  	[sflag:s8] =	ssyncset.s32 @!p0 $0xFFFFF086;
	s6 =	sadd.s32 @!p0 s3, s7;
	s7 =	simm.s32 @!p0 $0x108  }
0x21: {  	s3 =	sadd.s32 s3, s9;
	s6 =	sadd.s32 @!p0 $0x88, s6;
	s7 =	simm.s32 @p2 $0x1082  }
0x22: {  	[simem:s7], [sflag:s8] =	dma.local @!p0 [hbm:s6], $0xF7A  }
0x23: {  	s9 =	sor.u32 $0xD0000000, s2;
	s6 =	simm.s32 $0x108;
	_ =	swait.ge @!p0 [sflag:s8], $0x0  }
0x24: {  	s3 =	sadd.s32 $0x88, s3;
	s6 =	simm.s32 @!p1 $0x1082;
	[sflag:s4] =	ssyncset.s32 $0xFFFFF086  }
0x25: {  	[simem:s6], [sflag:s4] =	dma.local [hbm:s3], $0xF7A  }
0x26: {  	[smem:$0x3F9F] =	sst s1;
	(tag) =	ssettag s2;
	_ =	strace s9  }
0x27: {  	s1 =	sld [smem:$0x3FAF]  }
0x28: {  	s2 =	sld [smem:$0x3FB0]  }
0x29: {  	s4 =	sld [smem:$0x3FB2]  }
0x2a: {  	p0 =	seq.s32 s5, $0x0;
	s5 =	sld [smem:$0x3FB3]  }
0x2b: {  	s6 =	sld [smem:$0x3FB4]  }
0x2c: {  	s7 =	sld [smem:$0x3FB5]  }
0x2d: {  	s3 =	simm.s32 $0x108;
	s8 =	sld [smem:$0x3FB6]  }
0x2e: {  	s3 =	simm.s32 @!p0 $0x1082;
	s9 =	sld [smem:$0x3FB7]  }
0x2f: {  	lr =	sadd.s32 s0, s3;
	s0 =	sld [smem:$0x3FAE]  }
0x30: {  	s3 =	sld [smem:$0x3FB1]  }
0x31: {  	[smem:$0x3FBA] =	sst s10  }
0x32: {  	s10 =	sld [smem:$0x3FB8];
	_ =	sdelay $0x3  }
0x33: {  	p0 =	seq.s32 s10, $0x1;
	s10 =	sld [smem:$0x3FBA];
	_ =	sdelay $0x3  }
0x34: {  	[smem:$0x3FBA] =	sst s10  }
0x35: {  	s10 =	sld [smem:$0x3FB9];
	_ =	sdelay $0x3  }
0x36: {  	p1 =	seq.s32 s10, $0x1;
	s10 =	sld [smem:$0x3FBA];
	_ =	sdelay $0x3  }
0x37: {  	[smem:$0x3FBA] =	sst s10  }
0x38: {  	s10 =	sld [smem:$0x3FBB]  }
0x39: {  	_ = 	snop;
	(pc) =	sbr.ind lr, $3  }
0x3a: {  	_ = 	snop  }
0x3b: {  	_ = 	snop  }
0x3c: {  	p2 =	seq.s32 s10, $0x1;
	s10 =	sld [smem:$0x3FBA]  }
0x3d: {  	_ =	shalt  }
0x3e: {  	_ =	shalt  }
0x3f: {  	_ =	shalt  }
0x40: {  	_ =	shalt  }
0x41: {  	_ =	shalt  }
0x42: {  	_ =	shalt  }
0x43: {  	_ =	shalt  }
0x44: {  	_ =	shalt  }
0x45: {  	_ =	shalt  }
0x46: {  	_ =	shalt  }
0x47: {  	_ =	shalt  }
0x48: {  	_ =	shalt  }
0x49: {  	_ =	shalt  }
0x4a: {  	_ =	shalt  }
0x4b: {  	_ =	shalt  }
0x4c: {  	_ =	shalt  }
0x4d: {  	_ =	shalt  }
0x4e: {  	_ =	shalt  }
0x4f: {  	_ =	shalt  }
0x50: {  	_ =	shalt  }
0x51: {  	_ =	shalt  }
0x52: {  	_ =	shalt  }
0x53: {  	_ =	shalt  }
0x54: {  	_ =	shalt  }
0x55: {  	_ =	shalt  }
0x56: {  	_ =	shalt  }
0x57: {  	_ =	shalt  }
0x58: {  	_ =	shalt  }
0x59: {  	_ =	shalt  }
0x5a: {  	_ =	shalt  }
0x5b: {  	_ =	shalt  }
0x5c: {  	_ =	shalt  }
0x5d: {  	_ =	shalt  }
0x5e: {  	_ =	shalt  }
0x5f: {  	_ =	shalt  }
0x60: {  	_ =	shalt  }
0x61: {  	_ =	shalt  }
0x62: {  	_ =	shalt  }
0x63: {  	_ =	shalt  }
0x64: {  	_ =	shalt  }
0x65: {  	_ =	shalt  }
0x66: {  	_ =	shalt  }
0x67: {  	_ =	shalt  }
0x68: {  	_ =	shalt  }
0x69: {  	_ =	shalt  }
0x6a: {  	_ =	shalt  }
0x6b: {  	_ =	shalt  }
0x6c: {  	_ =	shalt  }
0x6d: {  	_ =	shalt  }
0x6e: {  	_ =	shalt  }
0x6f: {  	_ =	shalt  }
0x70: {  	_ =	shalt  }
0x71: {  	_ =	shalt  }
0x72: {  	_ =	shalt  }
0x73: {  	_ =	shalt  }
0x74: {  	_ =	shalt  }
0x75: {  	_ =	shalt  }
0x76: {  	_ =	shalt  }
0x77: {  	_ =	shalt  }
0x78: {  	_ =	shalt  }
0x79: {  	_ =	shalt  }
0x7a: {  	_ =	shalt  }
0x7b: {  	_ =	shalt  }
0x7c: {  	_ =	shalt  }
0x7d: {  	_ =	shalt  }
0x7e: {  	_ =	shalt  }
0x7f: {  	_ =	shalt  }
0x80: {  	_ =	shalt  }
0x81: {  	_ =	shalt  }
0x82: {  	_ =	shalt  }
0x83: {  	_ =	shalt  }
0x84: {  	_ =	shalt  }
0x85: {  	_ =	shalt  }
0x86: {  	_ =	shalt  }
0x87: {  	_ =	shalt  }
.Lfunc_end0:
.L_simem_size_0:
called_computation_lowered:
.L_overlay_start_0:
0x88: {  	s2 =	sld [smem:$0x3FD9]  }
0x89: {  	s3 =	sld [smem:$0x3FFE];
	_ =	sdelay $0x1  }
0x8a: {  	s1 =	srdreg.scid  }
0x8b: {  	s0 =	sand.u32 $0x1, s1  }
0x8c: {  	s17 =	sshll.u32 s0, $0xA;
	s2 =	sadd.s32 s3, s2  }
0x8d: {  	s2 =	sadd.s32 s2, s17  }
0x8e: {  	[smem:$0x3FC6] =	sst s2  }
0x8f: {  	_ = 	snop  }
0x90: {  	s2 =	sld [smem:$0x3FC8]  }
0x91: {  	s18 =	sld [smem:$0x3FD0];
	(tm) =	ssettm $0x1  }
0x92: {  	s4 =	sld [smem:$0x3FFB];
	_ =	sdelay $0x3  }
0x93: {  	_ =	strace s4  }
0x94: {  	s4 =	sld [smem:$0x3FFC];
	_ =	sdelay $0x3  }
0x95: {  	_ =	strace s4  }
0x96: {  	s4 =	sld [smem:$0x3FFD];
	_ =	sdelay $0x3  }
0x97: {  	_ =	strace s4  }
0x98: {  	_ =	strace $0x8FFFFFFF  }
0x99: {  	s19 =	sld [smem:$0x3FDB];
	_ =	sdelay $0x1  }
0x9a: {  	s5 =	simm.s32 $_scs_section_size  }
0x9b: {  	s6 =	simm.s32 $_size__tile_overlayer_lowered;
	s7 =	simm.s32 $_tile_overlayer_lowered  }
0x9c: {  	s22 =	simm.s32 $0x1BFF;
	s21 =	sshll.u32 s7, $0x1;
	s4 =	sadd.s32 s5, s19  }
0x9d: {  	s8 =	simm.s32 $0x0;
	s20 =	sshll.u32 s6, $0x1;
	s6 =	sadd.s32 s21, s4  }
0x9e: {  	[timem:s8], [sflag:s22] =	dma.local [hbm:s6], s20  }
0x9f: {  	_ =	swait.ge [sflag:s22], s20  }
0xa0: {  	s5 =	ssub.s32 $0x0, s20;
	[sflag:s22] =	ssyncset.done $0x0  }
0xa1: {  	[sflag:s22] =	ssyncadd.s32 s5;
	_ =	sdelay $0x1  }
0xa2: {  	s23 =	simm.s32 $0x1B8B  }
0xa3: {  	_ =	swait.ge [sflag:s23], $0x1  }
0xa4: {  	[sflag:s23] =	ssyncset.done $0x0  }
0xa5: {  	s25 =	simm.s32 $0x1B8E;
	s24 =	sld [smem:$0x3FFE];
	[sflag:s23] =	ssyncadd.s32 $0xFFFFFFFF  }
0xa6: {  	s26 =	simm.s32 $execute0_lowered;
	[smem:$0x3FD2] =	sst s25  }
0xa7: {  	s6 =	sshll.u32 s26, $0x1;
	_ =	strace $0x80000046;
	[dreg:$0x1] =	wrdreg $0xFFFFFFFF  }
0xa8: {  	s28 =	simm.s32 $_size_execute0_lowered;
	s4 =	sadd.s32 s4, s6;
	[dreg:$0x0] =	wrdreg $0x0  }
0xa9: {  	s6 =	sshll.u32 s28, $0x1;
	[dreg:$0x2] =	wrdreg s4  }
0xaa: {  	[dreg:$0x3] =	wrdreg s6  }
0xab: {  	[dreg:$0x4] =	wrdreg $0xC0  }
0xac: {  	_ =	task [dreg:s8], $0x5FFFF  }
0xad: {  	[dreg:$0x1] =	wrdreg $0xFFFFFFFF  }
0xae: {  	[dreg:$0x0] =	wrdreg $0x60  }
0xaf: {  	[dreg:$0x2] =	wrdreg s24  }
0xb0: {  	[dreg:$0x3] =	wrdreg s2  }
0xb1: {  	[dreg:$0x4] =	wrdreg s18  }
0xb2: {  	[dreg:$0x5] =	wrdreg $0x9  }
0xb3: {  	_ =	task.clear_ibuf [dreg:s8], $0x6FFFF;
	_ =	strace $0x90000046  }
0xb4: {  	s29 =	simm.s32 $0x9;
	_ =	strace $0x80000048  }
0xb5: {  	_ =	swait.ge [sflag:s29], $0x1  }
0xb6: {  	[sflag:s29] =	ssyncadd.s32 $0xFFFFFFFF  }
0xb7: {  	_ =	strace $0x90000048  }
0xb8: {  	_ =	sfence  }
0xb9: {  	s30 =	sld [smem:$0x0];
	_ =	sdelay $0x2  }
0xba: {  	s31 =	sshll.u32 s1, $0xD;
	s1 =	sshrl.u32 s1, $0x2  }
0xbb: {  	s3 =	sand.u32 $0x4000, s31;
	s1 =	sadd.s32 s1, s30  }
0xbc: {  	s0 =	sor.u32 s3, s0;
	s1 =	sshll.u32 s1, $0x11  }
0xbd: {  	s0 =	sor.u32 s1, s0  }
0xbe: {  	s0 =	sadd.s32 $0x8F2B, s0  }
0xbf: {  	[sflag:s0] =	ssyncadd.remote.s32 $0x1  }
0xc0: {  	_ =	sfence.sel $0xFFFF  }
0xc1: {  	[dreg:$0x0] =	wrdreg $0xFFFFFFFF;
	(pc) =	sbr.abs _section_cstart, $3  }
0xc2: {  	[dreg:$0x1] =	wrdreg $0xFFFFFFFF  }
0xc3: {  	_ =	task.clear_ibuf [dreg:s8], $0x2FFFF;
	_ =	strace $0x9FFFFFFF  }
0xc4: {  	(tm) =	ssettm $0x7FFFFFFF  }
0xc5: {  	_ =	shalt  }
tec
execute0_lowered:
.L_overlay_start_1:
0x0: {  	(tag) =	ssettag $0x1  }
0x1: {  	s0 =	srdreg.scid  }
0x2: {  	s0 =	sand.u32 $0x1, s0  }
0x3: {  	s2 =	stileid.u32;
	s1 =	sshll.u32 s0, $0x4  }
0x4: {  	s28 =	simm.s32 $0x0;
	s1 =	sor.u32 s2, s1  }
0x5: {  	s21 =	sshll.u32 s2, $0x7;
	s0 =	ssub.s32 $0x2, s0;
	s4 =	sshrl.u32 s1, $0x3  }
0x6: {  	s5 =	sand.u32 $0x380, s21;
	s6 =	sshrl.u32 s0, $0x1;
	s3 =	smul.u32 $0xC3800, s4  }
0x7: {  	s2 =	rddreg [dreg:$0x1];
	s1 =	simm.s32 $0x0;
	s20 =	ssub.s32 s0, s6  }
0x8: {  	[smem:$0x7FF] =	sst s1;
	s4 =	sshll.u32 s4, $0x11;
	s3 =	sor.u32 s5, s3  }
0x9: {  	s24 =	sor.u32 s5, s4;
	s22 =	sadd.s32 $0x30E000, s3;
	s23 =	sshrl.u32 s3, $0x3  }
0xa: {  	s25 =	sadd.s32 $0x61C000, s3;
	s26 =	sadd.s32 $0x92A000, s3;
	s29 =	sadd.s32 $0xC38000, s3  }
0xb: {  	s7 =	sadd.s32 $0x1562000, s3;
	s10 =	sadd.s32 $0x1870000, s3;
	s11 =	sadd.s32 $0x1B7E000, s3  }
0xc: {  	s12 =	sadd.s32 $0x1E8C000, s3;
	s15 =	sadd.s32 $0x219A000, s3;
	s16 =	sadd.s32 $0x24A8000, s3  }
0xd: {  	s17 =	sadd.s32 $0x27B6000, s3;
	s21 =	sadd.s32 $0x2AC4000, s3;
	s0 =	sshrl.u32 s22, $0x3  }
0xe: {  	s6 =	sadd.s32 s2, s23;
	s4 =	sshrl.u32 s25, $0x3;
	s5 =	sshrl.u32 s26, $0x3  }
0xf: {  	s31 =	sshrl.u32 s29, $0x3;
	s9 =	sshrl.u32 s7, $0x3;
	s14 =	sshrl.u32 s12, $0x3  }
0x10: {  	s19 =	sshrl.u32 s17, $0x3;
	s22 =	sadd.s32 $0x2DD2000, s3;
	s23 =	sadd.s32 $0x30E0000, s3  }
0x11: {  	s26 =	sadd.s32 $0x33EE000, s3;
	s29 =	sadd.s32 $0x36FC000, s3;
	s7 =	sadd.s32 $0x4026000, s3  }
0x12: {  	s12 =	sadd.s32 $0x4950000, s3;
	[dreg:$0x4] =	wrdreg s6;
	s0 =	sadd.s32 s2, s0  }
0x13: {  	s4 =	sadd.s32 s2, s4;
	s30 =	sadd.s32 s2, s5;
	[dreg:$0x5] =	wrdreg s0  }
0x14: {  	s5 =	sadd.s32 $0xF46000, s3;
	s6 =	sadd.s32 $0x1254000, s3;
	[dreg:$0x6] =	wrdreg s4  }
0x15: {  	s25 =	sshrl.u32 s23, $0x3;
	[dreg:$0x7] =	wrdreg s30;
	s4 =	sadd.s32 s2, s31  }
0x16: {  	s0 =	sshrl.u32 s24, $0x3;
	s30 =	sadd.s32 $0x3A0A000, s3;
	[dreg:$0x8] =	wrdreg s4  }
0x17: {  	s4 =	sshrl.u32 s5, $0x3;
	s5 =	sshrl.u32 s6, $0x3;
	s6 =	sadd.s32 $0x3D18000, s3  }
0x18: {  	s23 =	sor.u32 $0x70000, s0;
	s4 =	sadd.s32 s2, s4;
	s8 =	sadd.s32 s2, s5  }
0x19: {  	s5 =	sshrl.u32 s11, $0x3;
	s11 =	sadd.s32 $0x4642000, s3;
	[dreg:$0x9] =	wrdreg s4  }
0x1a: {  	[dreg:$0xa] =	wrdreg s8;
	s4 =	sadd.s32 s2, s9;
	s13 =	sadd.s32 s2, s5  }
0x1b: {  	s5 =	sshrl.u32 s16, $0x3;
	s8 =	sadd.s32 $0x4334000, s3;
	s3 =	sadd.s32 $0x4C5E000, s3  }
0x1c: {  	s16 =	sor.u32 $0x30000, s0;
	[dreg:$0xb] =	wrdreg s4;
	s4 =	sshrl.u32 s10, $0x3  }
0x1d: {  	[dreg:$0xd] =	wrdreg s13;
	s18 =	sadd.s32 s2, s5;
	s4 =	sadd.s32 s2, s4  }
0x1e: {  	s5 =	sshrl.u32 s22, $0x3;
	[dreg:$0xc] =	wrdreg s4;
	s4 =	sadd.s32 s2, s14  }
0x1f: {  	s10 =	sshrl.u32 s8, $0x3;
	[dreg:$0xe] =	wrdreg s4;
	s4 =	sshrl.u32 s15, $0x3  }
0x20: {  	s3 =	sshrl.u32 s3, $0x3;
	[dreg:$0x10] =	wrdreg s18;
	s4 =	sadd.s32 s2, s4  }
0x21: {  	s24 =	sadd.s32 s2, s5;
	[dreg:$0xf] =	wrdreg s4;
	s4 =	sadd.s32 s2, s19  }
0x22: {  	s5 =	sshrl.u32 s29, $0x3;
	[dreg:$0x11] =	wrdreg s4;
	s4 =	sshrl.u32 s21, $0x3  }
0x23: {  	s18 =	sor.u32 $0x40000, s0;
	[dreg:$0x13] =	wrdreg s24;
	s4 =	sadd.s32 s2, s4  }
0x24: {  	s29 =	sor.u32 $0xA0000, s0;
	[dreg:$0x12] =	wrdreg s4;
	s4 =	sadd.s32 s2, s25  }
0x25: {  	s31 =	sadd.s32 s2, s5;
	[dreg:$0x14] =	wrdreg s4;
	s4 =	sshrl.u32 s26, $0x3  }
0x26: {  	s5 =	sshrl.u32 s30, $0x3;
	[dreg:$0x16] =	wrdreg s31;
	s4 =	sadd.s32 s2, s4  }
0x27: {  	[dreg:$0x15] =	wrdreg s4;
	s4 =	sadd.s32 s2, s5;
	s5 =	sshrl.u32 s7, $0x3  }
0x28: {  	[dreg:$0x17] =	wrdreg s4;
	s4 =	sshrl.u32 s6, $0x3;
	s9 =	sadd.s32 s2, s5  }
0x29: {  	s14 =	sor.u32 $0x10000, s0;
	s4 =	sadd.s32 s2, s4;
	[dreg:$0x19] =	wrdreg s9  }
0x2a: {  	s5 =	sshrl.u32 s12, $0x3;
	[dreg:$0x18] =	wrdreg s4;
	s4 =	sadd.s32 s2, s10  }
0x2b: {  	s13 =	sadd.s32 s2, s5;
	[dreg:$0x1a] =	wrdreg s4;
	s4 =	sshrl.u32 s11, $0x3  }
0x2c: {  	[dreg:$0x1c] =	wrdreg s13;
	s4 =	sadd.s32 s2, s4;
	s2 =	sadd.s32 s2, s3  }
0x2d: {  	s24 =	sor.u32 $0x80000, s0;
	s30 =	sor.u32 $0xB0000, s0;
	[dreg:$0x1d] =	wrdreg s2  }
0x2e: {  	s15 =	sor.u32 $0x20000, s0;
	s31 =	sor.u32 $0xC0000, s0;
	s2 =	rddreg [dreg:$0x2]  }
0x2f: {  	s19 =	sor.u32 $0x50000, s0;
	[dreg:$0x1b] =	wrdreg s4;
	s3 =	sadd.s32 s2, s14  }
0x30: {  	s21 =	sor.u32 $0x60000, s0;
	s17 =	sadd.s32 s2, s16;
	[dreg:$0x1e] =	wrdreg s3  }
0x31: {  	s25 =	sor.u32 $0x90000, s0;
	s22 =	sadd.s32 s2, s21;
	[smem:$0x7DF] =	sst s17  }
0x32: {  	s7 =	sor.u32 $0xF0000, s0;
	s26 =	sadd.s32 s2, s25;
	[smem:$0x7E2] =	sst s22  }
0x33: {  	s6 =	sor.u32 $0xE0000, s0;
	s4 =	sadd.s32 s2, s31;
	[smem:$0x7E5] =	sst s26  }
0x34: {  	s11 =	sor.u32 $0x120000, s0;
	s8 =	sadd.s32 s2, s7;
	[smem:$0x7E8] =	sst s4  }
0x35: {  	s5 =	sor.u32 $0xD0000, s0;
	s12 =	sadd.s32 s2, s11;
	[smem:$0x7EB] =	sst s8  }
0x36: {  	s9 =	sor.u32 $0x100000, s0;
	s3 =	sadd.s32 s2, s15;
	[smem:$0x7EE] =	sst s12  }
0x37: {  	s10 =	sor.u32 $0x110000, s0;
	s22 =	sadd.s32 s2, s0;
	[dreg:$0x1f] =	wrdreg s3  }
0x38: {  	s15 =	sor.u32 $0x150000, s0;
	s3 =	sadd.s32 s2, s18;
	[smem:$0x7F5] =	sst s22  }
0x39: {  	s13 =	sor.u32 $0x130000, s0;
	s16 =	sadd.s32 s2, s15;
	[smem:$0x7E0] =	sst s3  }
0x3a: {  	s14 =	sor.u32 $0x140000, s0;
	s3 =	sadd.s32 s2, s19;
	[smem:$0x7F1] =	sst s16  }
0x3b: {  	s17 =	sor.u32 $0x160000, s0;
	s19 =	sor.u32 $0x180000, s0;
	[smem:$0x7E1] =	sst s3  }
0x3c: {  	s3 =	sadd.s32 s2, s23;
	s21 =	sadd.s32 s2, s19;
	s19 =	rddreg [dreg:$0x0]  }
0x3d: {  	s18 =	sor.u32 $0x170000, s0;
	s0 =	sor.u32 $0x190000, s0;
	[smem:$0x7E3] =	sst s3  }
0x3e: {  	s20 =	smax.u32 s20, $0x1;
	s0 =	sadd.s32 s2, s0;
	[smem:$0x7F4] =	sst s21  }
0x3f: {  	s22 =	simm.s32 $0x400;
	s3 =	sadd.s32 s2, s24;
	[smem:$0x7F6] =	sst s0  }
0x40: {  	s23 =	sadd.s32 $0x400, s19;
	s24 =	sadd.s32 $0x410, s19;
	s25 =	sadd.s32 $0x420, s19  }
0x41: {  	s26 =	sadd.s32 $0x430, s19;
	[smem:$0x7E4] =	sst s3;
	s3 =	sadd.s32 s2, s29  }
0x42: {  	s31 =	sadd.s32 $0x460, s19;
	[smem:$0x7E6] =	sst s3;
	s3 =	sadd.s32 s2, s30  }
0x43: {  	s0 =	sadd.s32 $0x470, s19;
	[smem:$0x7E7] =	sst s3;
	s3 =	sadd.s32 s2, s5  }
0x44: {  	s4 =	sadd.s32 $0x4420, s19;
	[smem:$0x7E9] =	sst s3;
	s3 =	sadd.s32 s2, s6  }
0x45: {  	s7 =	sadd.s32 $0x4450, s19;
	[smem:$0x7EA] =	sst s3;
	s3 =	sadd.s32 s2, s9  }
0x46: {  	s8 =	sadd.s32 $0x4460, s19;
	[smem:$0x7EC] =	sst s3;
	s3 =	sadd.s32 s2, s10  }
0x47: {  	s11 =	sadd.s32 $0x8410, s19;
	[smem:$0x7ED] =	sst s3;
	s3 =	sadd.s32 s2, s13  }
0x48: {  	s12 =	sadd.s32 $0x8420, s19;
	[smem:$0x7EF] =	sst s3;
	s3 =	sadd.s32 s2, s14  }
0x49: {  	s15 =	sadd.s32 $0x8450, s19;
	[smem:$0x7F0] =	sst s3;
	s3 =	sadd.s32 s2, s17  }
0x4a: {  	s16 =	sadd.s32 $0x8460, s19;
	[smem:$0x7F2] =	sst s3;
	s3 =	sadd.s32 s2, s18  }
0x4b: {  	s21 =	simm.s32 $0x80;
	s29 =	sadd.s32 $0x440, s19;
	[smem:$0x7F3] =	sst s3  }
0x4c: {  	s30 =	sadd.s32 $0x450, s19;
	_ =	strace $0x80000047;
	[smem:$0x7F7] =	sst s23  }
0x4d: {  	s5 =	sadd.s32 $0x4430, s19;
	s6 =	sadd.s32 $0x4440, s19;
	[smem:$0x7F8] =	sst s24  }
0x4e: {  	s9 =	sadd.s32 $0x4470, s19;
	s10 =	sadd.s32 $0x8400, s19;
	[smem:$0x7F9] =	sst s25  }
0x4f: {  	s13 =	sadd.s32 $0x8430, s19;
	s14 =	sadd.s32 $0x8440, s19;
	[smem:$0x7FA] =	sst s26  }
0x50: {  	s17 =	sadd.s32 $0x8470, s19;
	s2 =	sadd.s32 $0x4400, s19;
	[smem:$0x7FB] =	sst s29  }
0x51: {  	s18 =	sadd.s32 $0xC400, s19;
	s3 =	sadd.s32 $0x4410, s19;
	[smem:$0x7FC] =	sst s30  }
0x52: {  	s19 =	sadd.s32 $0xC410, s19;
	[smem:$0x7FD] =	sst s31;
	s23 =	simm.s32 $0x18700  }
0x53: {  	s24 =	simm.s32 $0x3;
	s25 =	simm.s32 $0x1;
	s26 =	simm.s32 $0x2  }
.LBB2_1:
0x54: {  	s29 =	rddreg [dreg:$0x4]  }
0x55: {  	[tilespmem:s1], [sflag:$0x1] =	stream.strided.gather [hbm4b:s29+s21], $0x18700, s22, s21, $0x38;
	[tilespmem:$0x1C700] =	vst v63  }
0x56: {  	s29 =	sld [smem:$0x7F7];
	_ =	sdelay $0x2  }
0x57: {  	[tilespmem:s23], [sflag:$0x3] =	stream.strided.gather [hbm4b:s29+s21], $0x4000, s22, s21, $0x38;
	[tilespmem:$0x1C700] =	vst v63  }
0x58: {  	_ =	swait.ge [sflag:s24], $0x4000  }
0x59: {  	[sflag:s24] =	ssyncset.done $0x0  }
0x5a: {  	[sflag:s24] =	ssyncadd.s32 $0xFFFFC000  }
0x5b: {  	_ =	swait.ge [sflag:s25], $0x18700  }
0x5c: {  	[sflag:s25] =	ssyncset.done $0x0  }
0x5d: {  	s29 =	simm.s32 $0x18740;
	[sflag:s25] =	ssyncadd.s32 $0xFFFE7900  }
0x5e: {  	v0 =	vld [tilespmem:s29+$0x30]  }
0x5f: {  	v1 =	vld [tilespmem:s29+$0xFFFFFFD0]  }
0x60: {  	v2 =	vld [tilespmem:s29+$0xFFFFFFE0]  }
0x61: {  	v3 =	vld [tilespmem:s29+$0xFFFFFFF0]  }
0x62: {  	v6 =	vld [tilespmem:s29+$0x0]  }
0x63: {  	v7 =	vld [tilespmem:s29+$0x10]  }
0x64: {  	v8 =	vld [tilespmem:s29+$0x20]  }
0x65: {  	v9 =	vld [tilespmem:s29+$0xFFFFFFC0]  }
0x66: {  	v10 =	vld.idx.msk [tilespmem:v0+s1+$0x0], $0xffff  }
0x67: {  	v11 =	vld.idx.msk [tilespmem:v1+s1+$0x0], $0xffff  }
0x68: {  	v5 =	vld.idx.msk [tilespmem:v2+s1+$0x0], $0xffff  }
0x69: {  	v4 =	vld.idx.msk [tilespmem:v3+s1+$0x0], $0xffff  }
0x6a: {  	v2 =	vld.idx.msk [tilespmem:v6+s1+$0x0], $0xffff  }
0x6b: {  	v1 =	vld.idx.msk [tilespmem:v7+s1+$0x0], $0xffff  }
0x6c: {  	v0 =	vld.idx.msk [tilespmem:v8+s1+$0x0], $0xffff;
	[tilespmem:s29+$0x30] =	vst v10  }
0x6d: {  	s30 =	simm.s32 $0x0;
	s31 =	simm.s32 $0x187C0;
	v3 =	vld.idx.msk [tilespmem:v9+s1+$0x0], $0xffff;
	[tilespmem:s29+$0xFFFFFFD0] =	vst v11  }
.LBB2_2:
0x6e: {  	v6 =	vld [tilespmem:s31+$0x30];
	s30 =	sadd.s32 $0x80, s30;
	[tilespmem:s29+$0xFFFFFFE0] =	vst v5  }
0x6f: {  	v5 =	vld [tilespmem:s31+$0xFFFFFFD0];
	p0 =	slt.u32 s30, $0x3F80;
	[tilespmem:s29+$0xFFFFFFF0] =	vst v4  }
0x70: {  	v4 =	vld [tilespmem:s31+$0xFFFFFFE0];
	[tilespmem:s29+$0x0] =	vst v2  }
0x71: {  	v2 =	vld [tilespmem:s31+$0xFFFFFFF0];
	[tilespmem:s29+$0x10] =	vst v1  }
0x72: {  	v1 =	vld [tilespmem:s31+$0x0];
	[tilespmem:s29+$0x20] =	vst v0  }
0x73: {  	v0 =	vld [tilespmem:s31+$0x10];
	[tilespmem:s29+$0xFFFFFFC0] =	vst v3;
	s29 =	smov.u32 s31  }
0x74: {  	v3 =	vld [tilespmem:s31+$0x20]  }
0x75: {  	v7 =	vld [tilespmem:s31+$0xFFFFFFC0]  }
0x76: {  	v6 =	vld.idx.msk [tilespmem:v6+s1+$0x0], $0xffff  }
0x77: {  	v8 =	vld.idx.msk [tilespmem:v5+s1+$0x0], $0xffff  }
0x78: {  	v5 =	vld.idx.msk [tilespmem:v4+s1+$0x0], $0xffff  }
.Ltmp0:
0x79: {  	v4 =	vld.idx.msk [tilespmem:v2+s1+$0x0], $0xffff;
	(pc) =	sbr.rel @p0 .LBB2_2-.Ltmp0, $4  }
0x7a: {  	v2 =	vld.idx.msk [tilespmem:v1+s1+$0x0], $0xffff  }
0x7b: {  	v1 =	vld.idx.msk [tilespmem:v0+s1+$0x0], $0xffff  }
0x7c: {  	v0 =	vld.idx.msk [tilespmem:v3+s1+$0x0], $0xffff;
	[tilespmem:s31+$0x30] =	vst v6  }
0x7d: {  	s31 =	sadd.s32 $0x80, s31;
	v3 =	vld.idx.msk [tilespmem:v7+s1+$0x0], $0xffff;
	[tilespmem:s29+$0xFFFFFFD0] =	vst v8  }
0x7e: {  	[tilespmem:s29+$0xFFFFFFE0] =	vst v5  }
0x7f: {  	[tilespmem:s29+$0xFFFFFFF0] =	vst v4  }
0x80: {  	[tilespmem:s29+$0x0] =	vst v2  }
0x81: {  	[tilespmem:s29+$0x10] =	vst v1  }
0x82: {  	[tilespmem:s29+$0x20] =	vst v0  }
0x83: {  	[tilespmem:s29+$0xFFFFFFC0] =	vst v3  }
0x84: {  	s29 =	rddreg [dreg:$0x5]  }
0x85: {  	[tilespmem:s1], [sflag:$0x1] =	stream.strided.gather [hbm4b:s29+s21], $0x18700, s22, s21, $0x38;
	[tilespmem:$0x1C700] =	vst v63  }
0x86: {  	s29 =	sld [smem:$0x7F5];
	_ =	sdelay $0x2  }
0x87: {  	[hbm4b:s29+s21] =	stream.strided.scatter [tilespmem:s23], [sflag:$0x2], $0x4000, s22, s21, $0x38;
	[tilespmem:$0x1C700] =	vst v63  }
0x88: {  	_ =	swait.ge [sflag:s26], $0x4000  }
0x89: {  	s29 =	sld [smem:$0x7F8]  }
0x8a: {  	[sflag:s26] =	ssyncset.done $0x0  }
0x8b: {  	[sflag:s26] =	ssyncadd.s32 $0xFFFFC000  }
0x8c: {  	[tilespmem:s23], [sflag:$0x3] =	stream.strided.gather [hbm4b:s29+s21], $0x4000, s22, s21, $0x38;
	[tilespmem:$0x1C700] =	vst v63  }
0x8d: {  	_ =	swait.ge [sflag:s24], $0x4000  }
0x8e: {  	[sflag:s24] =	ssyncset.done $0x0  }
0x8f: {  	[sflag:s24] =	ssyncadd.s32 $0xFFFFC000  }
0x90: {  	_ =	swait.ge [sflag:s25], $0x18700  }
0x91: {  	[sflag:s25] =	ssyncset.done $0x0  }
0x92: {  	s29 =	simm.s32 $0x18740;
	[sflag:s25] =	ssyncadd.s32 $0xFFFE7900  }
0x93: {  	v0 =	vld [tilespmem:s29+$0x30]  }
0x94: {  	v1 =	vld [tilespmem:s29+$0xFFFFFFD0]  }
0x95: {  	v2 =	vld [tilespmem:s29+$0xFFFFFFE0]  }
0x96: {  	v3 =	vld [tilespmem:s29+$0xFFFFFFF0]  }
0x97: {  	v6 =	vld [tilespmem:s29+$0x0]  }
0x98: {  	v7 =	vld [tilespmem:s29+$0x10]  }
0x99: {  	v8 =	vld [tilespmem:s29+$0x20]  }
0x9a: {  	v9 =	vld [tilespmem:s29+$0xFFFFFFC0]  }
0x9b: {  	v10 =	vld.idx.msk [tilespmem:v0+s1+$0x0], $0xffff  }
0x9c: {  	v11 =	vld.idx.msk [tilespmem:v1+s1+$0x0], $0xffff  }
0x9d: {  	v5 =	vld.idx.msk [tilespmem:v2+s1+$0x0], $0xffff  }
0x9e: {  	v4 =	vld.idx.msk [tilespmem:v3+s1+$0x0], $0xffff  }
0x9f: {  	v2 =	vld.idx.msk [tilespmem:v6+s1+$0x0], $0xffff  }
0xa0: {  	v1 =	vld.idx.msk [tilespmem:v7+s1+$0x0], $0xffff  }
0xa1: {  	v0 =	vld.idx.msk [tilespmem:v8+s1+$0x0], $0xffff;
	[tilespmem:s29+$0x30] =	vst v10  }
0xa2: {  	s30 =	simm.s32 $0x0;
	s31 =	simm.s32 $0x187C0;
	v3 =	vld.idx.msk [tilespmem:v9+s1+$0x0], $0xffff;
	[tilespmem:s29+$0xFFFFFFD0] =	vst v11  }
.LBB2_4:
0xa3: {  	v6 =	vld [tilespmem:s31+$0x30];
	s30 =	sadd.s32 $0x80, s30;
	[tilespmem:s29+$0xFFFFFFE0] =	vst v5  }
0xa4: {  	v5 =	vld [tilespmem:s31+$0xFFFFFFD0];
	p0 =	slt.u32 s30, $0x3F80;
	[tilespmem:s29+$0xFFFFFFF0] =	vst v4  }
0xa5: {  	v4 =	vld [tilespmem:s31+$0xFFFFFFE0];
	[tilespmem:s29+$0x0] =	vst v2  }
0xa6: {  	v2 =	vld [tilespmem:s31+$0xFFFFFFF0];
	[tilespmem:s29+$0x10] =	vst v1  }
0xa7: {  	v1 =	vld [tilespmem:s31+$0x0];
	[tilespmem:s29+$0x20] =	vst v0  }
0xa8: {  	v0 =	vld [tilespmem:s31+$0x10];
	[tilespmem:s29+$0xFFFFFFC0] =	vst v3;
	s29 =	smov.u32 s31  }
0xa9: {  	v3 =	vld [tilespmem:s31+$0x20]  }
0xaa: {  	v7 =	vld [tilespmem:s31+$0xFFFFFFC0]  }
0xab: {  	v6 =	vld.idx.msk [tilespmem:v6+s1+$0x0], $0xffff  }
0xac: {  	v8 =	vld.idx.msk [tilespmem:v5+s1+$0x0], $0xffff  }
0xad: {  	v5 =	vld.idx.msk [tilespmem:v4+s1+$0x0], $0xffff  }
.Ltmp1:
0xae: {  	v4 =	vld.idx.msk [tilespmem:v2+s1+$0x0], $0xffff;
	(pc) =	sbr.rel @p0 .LBB2_4-.Ltmp1, $4  }
0xaf: {  	v2 =	vld.idx.msk [tilespmem:v1+s1+$0x0], $0xffff  }
0xb0: {  	v1 =	vld.idx.msk [tilespmem:v0+s1+$0x0], $0xffff  }
0xb1: {  	v0 =	vld.idx.msk [tilespmem:v3+s1+$0x0], $0xffff;
	[tilespmem:s31+$0x30] =	vst v6  }
0xb2: {  	s31 =	sadd.s32 $0x80, s31;
	v3 =	vld.idx.msk [tilespmem:v7+s1+$0x0], $0xffff;
	[tilespmem:s29+$0xFFFFFFD0] =	vst v8  }
0xb3: {  	[tilespmem:s29+$0xFFFFFFE0] =	vst v5  }
0xb4: {  	[tilespmem:s29+$0xFFFFFFF0] =	vst v4  }
0xb5: {  	[tilespmem:s29+$0x0] =	vst v2  }
0xb6: {  	[tilespmem:s29+$0x10] =	vst v1  }
0xb7: {  	[tilespmem:s29+$0x20] =	vst v0  }
0xb8: {  	[tilespmem:s29+$0xFFFFFFC0] =	vst v3  }
0xb9: {  	s29 =	rddreg [dreg:$0x6]  }
0xba: {  	[tilespmem:s1], [sflag:$0x1] =	stream.strided.gather [hbm4b:s29+s21], $0x18700, s22, s21, $0x38;
	[tilespmem:$0x1C700] =	vst v63  }
0xbb: {  	s29 =	rddreg [dreg:$0x1e]  }
0xbc: {  	[hbm4b:s29+s21] =	stream.strided.scatter [tilespmem:s23], [sflag:$0x2], $0x4000, s22, s21, $0x38;
	[tilespmem:$0x1C700] =	vst v63  }
0xbd: {  	_ =	swait.ge [sflag:s26], $0x4000  }
0xbe: {  	s29 =	sld [smem:$0x7F9]  }
0xbf: {  	[sflag:s26] =	ssyncset.done $0x0  }
0xc0: {  	[sflag:s26] =	ssyncadd.s32 $0xFFFFC000  }
0xc1: {  	[tilespmem:s23], [sflag:$0x3] =	stream.strided.gather [hbm4b:s29+s21], $0x4000, s22, s21, $0x38;
	[tilespmem:$0x1C700] =	vst v63  }
0xc2: {  	_ =	swait.ge [sflag:s24], $0x4000  }
0xc3: {  	[sflag:s24] =	ssyncset.done $0x0  }
0xc4: {  	[sflag:s24] =	ssyncadd.s32 $0xFFFFC000  }
0xc5: {  	_ =	swait.ge [sflag:s25], $0x18700  }
0xc6: {  	[sflag:s25] =	ssyncset.done $0x0  }
0xc7: {  	s29 =	simm.s32 $0x18740;
	[sflag:s25] =	ssyncadd.s32 $0xFFFE7900  }
0xc8: {  	v0 =	vld [tilespmem:s29+$0x30]  }
0xc9: {  	v1 =	vld [tilespmem:s29+$0xFFFFFFD0]  }
0xca: {  	v2 =	vld [tilespmem:s29+$0xFFFFFFE0]  }
0xcb: {  	v3 =	vld [tilespmem:s29+$0xFFFFFFF0]  }
0xcc: {  	v6 =	vld [tilespmem:s29+$0x0]  }
0xcd: {  	v7 =	vld [tilespmem:s29+$0x10]  }
0xce: {  	v8 =	vld [tilespmem:s29+$0x20]  }
0xcf: {  	v9 =	vld [tilespmem:s29+$0xFFFFFFC0]  }
0xd0: {  	v10 =	vld.idx.msk [tilespmem:v0+s1+$0x0], $0xffff  }
0xd1: {  	v11 =	vld.idx.msk [tilespmem:v1+s1+$0x0], $0xffff  }
0xd2: {  	v5 =	vld.idx.msk [tilespmem:v2+s1+$0x0], $0xffff  }
0xd3: {  	v4 =	vld.idx.msk [tilespmem:v3+s1+$0x0], $0xffff  }
0xd4: {  	v2 =	vld.idx.msk [tilespmem:v6+s1+$0x0], $0xffff  }
0xd5: {  	v1 =	vld.idx.msk [tilespmem:v7+s1+$0x0], $0xffff  }
0xd6: {  	v0 =	vld.idx.msk [tilespmem:v8+s1+$0x0], $0xffff;
	[tilespmem:s29+$0x30] =	vst v10  }
0xd7: {  	s30 =	simm.s32 $0x0;
	s31 =	simm.s32 $0x187C0;
	v3 =	vld.idx.msk [tilespmem:v9+s1+$0x0], $0xffff;
	[tilespmem:s29+$0xFFFFFFD0] =	vst v11  }
.LBB2_6:
0xd8: {  	v6 =	vld [tilespmem:s31+$0x30];
	s30 =	sadd.s32 $0x80, s30;
	[tilespmem:s29+$0xFFFFFFE0] =	vst v5  }
0xd9: {  	v5 =	vld [tilespmem:s31+$0xFFFFFFD0];
	p0 =	slt.u32 s30, $0x3F80;
	[tilespmem:s29+$0xFFFFFFF0] =	vst v4  }
0xda: {  	v4 =	vld [tilespmem:s31+$0xFFFFFFE0];
	[tilespmem:s29+$0x0] =	vst v2  }
0xdb: {  	v2 =	vld [tilespmem:s31+$0xFFFFFFF0];
	[tilespmem:s29+$0x10] =	vst v1  }
0xdc: {  	v1 =	vld [tilespmem:s31+$0x0];
	[tilespmem:s29+$0x20] =	vst v0  }
0xdd: {  	v0 =	vld [tilespmem:s31+$0x10];
	[tilespmem:s29+$0xFFFFFFC0] =	vst v3;
	s29 =	smov.u32 s31  }
0xde: {  	v3 =	vld [tilespmem:s31+$0x20]  }
0xdf: {  	v7 =	vld [tilespmem:s31+$0xFFFFFFC0]  }
0xe0: {  	v6 =	vld.idx.msk [tilespmem:v6+s1+$0x0], $0xffff  }
0xe1: {  	v8 =	vld.idx.msk [tilespmem:v5+s1+$0x0], $0xffff  }
0xe2: {  	v5 =	vld.idx.msk [tilespmem:v4+s1+$0x0], $0xffff  }
.Ltmp2:
0xe3: {  	v4 =	vld.idx.msk [tilespmem:v2+s1+$0x0], $0xffff;
	(pc) =	sbr.rel @p0 .LBB2_6-.Ltmp2, $4  }
0xe4: {  	v2 =	vld.idx.msk [tilespmem:v1+s1+$0x0], $0xffff  }
0xe5: {  	v1 =	vld.idx.msk [tilespmem:v0+s1+$0x0], $0xffff  }
0xe6: {  	v0 =	vld.idx.msk [tilespmem:v3+s1+$0x0], $0xffff;
	[tilespmem:s31+$0x30] =	vst v6  }
0xe7: {  	s31 =	sadd.s32 $0x80, s31;
	v3 =	vld.idx.msk [tilespmem:v7+s1+$0x0], $0xffff;
	[tilespmem:s29+$0xFFFFFFD0] =	vst v8  }
0xe8: {  	[tilespmem:s29+$0xFFFFFFE0] =	vst v5  }
0xe9: {  	[tilespmem:s29+$0xFFFFFFF0] =	vst v4  }
0xea: {  	[tilespmem:s29+$0x0] =	vst v2  }
0xeb: {  	[tilespmem:s29+$0x10] =	vst v1  }
0xec: {  	[tilespmem:s29+$0x20] =	vst v0  }
0xed: {  	[tilespmem:s29+$0xFFFFFFC0] =	vst v3  }
0xee: {  	s29 =	rddreg [dreg:$0x7]  }
0xef: {  	[tilespmem:s1], [sflag:$0x1] =	stream.strided.gather [hbm4b:s29+s21], $0x18700, s22, s21, $0x38;
	[tilespmem:$0x1C700] =	vst v63  }
0xf0: {  	s29 =	rddreg [dreg:$0x1f]  }
0xf1: {  	[hbm4b:s29+s21] =	stream.strided.scatter [tilespmem:s23], [sflag:$0x2], $0x4000, s22, s21, $0x38;
	[tilespmem:$0x1C700] =	vst v63  }
0xf2: {  	_ =	swait.ge [sflag:s26], $0x4000  }
0xf3: {  	s29 =	sld [smem:$0x7FA]  }
0xf4: {  	[sflag:s26] =	ssyncset.done $0x0  }
0xf5: {  	[sflag:s26] =	ssyncadd.s32 $0xFFFFC000  }
0xf6: {  	[tilespmem:s23], [sflag:$0x3] =	stream.strided.gather [hbm4b:s29+s21], $0x4000, s22, s21, $0x38;
	[tilespmem:$0x1C700] =	vst v63  }
0xf7: {  	_ =	swait.ge [sflag:s24], $0x4000  }
0xf8: {  	[sflag:s24] =	ssyncset.done $0x0  }
0xf9: {  	[sflag:s24] =	ssyncadd.s32 $0xFFFFC000  }
0xfa: {  	_ =	swait.ge [sflag:s25], $0x18700  }
0xfb: {  	[sflag:s25] =	ssyncset.done $0x0  }
0xfc: {  	s29 =	simm.s32 $0x18740;
	[sflag:s25] =	ssyncadd.s32 $0xFFFE7900  }
0xfd: {  	v0 =	vld [tilespmem:s29+$0x30]  }
0xfe: {  	v1 =	vld [tilespmem:s29+$0xFFFFFFD0]  }
0xff: {  	v2 =	vld [tilespmem:s29+$0xFFFFFFE0]  }
0x100: {  	v3 =	vld [tilespmem:s29+$0xFFFFFFF0]  }
0x101: {  	v6 =	vld [tilespmem:s29+$0x0]  }
0x102: {  	v7 =	vld [tilespmem:s29+$0x10]  }
0x103: {  	v8 =	vld [tilespmem:s29+$0x20]  }
0x104: {  	v9 =	vld [tilespmem:s29+$0xFFFFFFC0]  }
0x105: {  	v10 =	vld.idx.msk [tilespmem:v0+s1+$0x0], $0xffff  }
0x106: {  	v11 =	vld.idx.msk [tilespmem:v1+s1+$0x0], $0xffff  }
0x107: {  	v5 =	vld.idx.msk [tilespmem:v2+s1+$0x0], $0xffff  }
0x108: {  	v4 =	vld.idx.msk [tilespmem:v3+s1+$0x0], $0xffff  }
0x109: {  	v2 =	vld.idx.msk [tilespmem:v6+s1+$0x0], $0xffff  }
0x10a: {  	v1 =	vld.idx.msk [tilespmem:v7+s1+$0x0], $0xffff  }
0x10b: {  	v0 =	vld.idx.msk [tilespmem:v8+s1+$0x0], $0xffff;
	[tilespmem:s29+$0x30] =	vst v10  }
0x10c: {  	s30 =	simm.s32 $0x0;
	s31 =	simm.s32 $0x187C0;
	v3 =	vld.idx.msk [tilespmem:v9+s1+$0x0], $0xffff;
	[tilespmem:s29+$0xFFFFFFD0] =	vst v11  }
.LBB2_8:
0x10d: {  	v6 =	vld [tilespmem:s31+$0x30];
	s30 =	sadd.s32 $0x80, s30;
	[tilespmem:s29+$0xFFFFFFE0] =	vst v5  }
0x10e: {  	v5 =	vld [tilespmem:s31+$0xFFFFFFD0];
	p0 =	slt.u32 s30, $0x3F80;
	[tilespmem:s29+$0xFFFFFFF0] =	vst v4  }
0x10f: {  	v4 =	vld [tilespmem:s31+$0xFFFFFFE0];
	[tilespmem:s29+$0x0] =	vst v2  }
0x110: {  	v2 =	vld [tilespmem:s31+$0xFFFFFFF0];
	[tilespmem:s29+$0x10] =	vst v1  }
0x111: {  	v1 =	vld [tilespmem:s31+$0x0];
	[tilespmem:s29+$0x20] =	vst v0  }
0x112: {  	v0 =	vld [tilespmem:s31+$0x10];
	[tilespmem:s29+$0xFFFFFFC0] =	vst v3;
	s29 =	smov.u32 s31  }
0x113: {  	v3 =	vld [tilespmem:s31+$0x20]  }
0x114: {  	v7 =	vld [tilespmem:s31+$0xFFFFFFC0]  }
0x115: {  	v6 =	vld.idx.msk [tilespmem:v6+s1+$0x0], $0xffff  }
0x116: {  	v8 =	vld.idx.msk [tilespmem:v5+s1+$0x0], $0xffff  }
0x117: {  	v5 =	vld.idx.msk [tilespmem:v4+s1+$0x0], $0xffff  }
.Ltmp3:
0x118: {  	v4 =	vld.idx.msk [tilespmem:v2+s1+$0x0], $0xffff;
	(pc) =	sbr.rel @p0 .LBB2_8-.Ltmp3, $4  }
0x119: {  	v2 =	vld.idx.msk [tilespmem:v1+s1+$0x0], $0xffff  }
0x11a: {  	v1 =	vld.idx.msk [tilespmem:v0+s1+$0x0], $0xffff  }
0x11b: {  	v0 =	vld.idx.msk [tilespmem:v3+s1+$0x0], $0xffff;
	[tilespmem:s31+$0x30] =	vst v6  }
0x11c: {  	s31 =	sadd.s32 $0x80, s31;
	v3 =	vld.idx.msk [tilespmem:v7+s1+$0x0], $0xffff;
	[tilespmem:s29+$0xFFFFFFD0] =	vst v8  }
0x11d: {  	[tilespmem:s29+$0xFFFFFFE0] =	vst v5  }
0x11e: {  	[tilespmem:s29+$0xFFFFFFF0] =	vst v4  }
0x11f: {  	[tilespmem:s29+$0x0] =	vst v2  }
0x120: {  	[tilespmem:s29+$0x10] =	vst v1  }
0x121: {  	[tilespmem:s29+$0x20] =	vst v0  }
0x122: {  	[tilespmem:s29+$0xFFFFFFC0] =	vst v3  }
0x123: {  	s29 =	rddreg [dreg:$0x8]  }
0x124: {  	[tilespmem:s1], [sflag:$0x1] =	stream.strided.gather [hbm4b:s29+s21], $0x18700, s22, s21, $0x38;
	[tilespmem:$0x1C700] =	vst v63  }
0x125: {  	s29 =	sld [smem:$0x7DF];
	_ =	sdelay $0x2  }
0x126: {  	[hbm4b:s29+s21] =	stream.strided.scatter [tilespmem:s23], [sflag:$0x2], $0x4000, s22, s21, $0x38;
	[tilespmem:$0x1C700] =	vst v63  }
0x127: {  	_ =	swait.ge [sflag:s26], $0x4000  }
0x128: {  	s29 =	sld [smem:$0x7FB]  }
0x129: {  	[sflag:s26] =	ssyncset.done $0x0  }
0x12a: {  	[sflag:s26] =	ssyncadd.s32 $0xFFFFC000  }
0x12b: {  	[tilespmem:s23], [sflag:$0x3] =	stream.strided.gather [hbm4b:s29+s21], $0x4000, s22, s21, $0x38;
	[tilespmem:$0x1C700] =	vst v63  }
0x12c: {  	_ =	swait.ge [sflag:s24], $0x4000  }
0x12d: {  	[sflag:s24] =	ssyncset.done $0x0  }
0x12e: {  	[sflag:s24] =	ssyncadd.s32 $0xFFFFC000  }
0x12f: {  	_ =	swait.ge [sflag:s25], $0x18700  }
0x130: {  	[sflag:s25] =	ssyncset.done $0x0  }
0x131: {  	s29 =	simm.s32 $0x18740;
	[sflag:s25] =	ssyncadd.s32 $0xFFFE7900  }
0x132: {  	v0 =	vld [tilespmem:s29+$0x30]  }
0x133: {  	v1 =	vld [tilespmem:s29+$0xFFFFFFD0]  }
0x134: {  	v2 =	vld [tilespmem:s29+$0xFFFFFFE0]  }
0x135: {  	v3 =	vld [tilespmem:s29+$0xFFFFFFF0]  }
0x136: {  	v6 =	vld [tilespmem:s29+$0x0]  }
0x137: {  	v7 =	vld [tilespmem:s29+$0x10]  }
0x138: {  	v8 =	vld [tilespmem:s29+$0x20]  }
0x139: {  	v9 =	vld [tilespmem:s29+$0xFFFFFFC0]  }
0x13a: {  	v10 =	vld.idx.msk [tilespmem:v0+s1+$0x0], $0xffff  }
0x13b: {  	v11 =	vld.idx.msk [tilespmem:v1+s1+$0x0], $0xffff  }
0x13c: {  	v5 =	vld.idx.msk [tilespmem:v2+s1+$0x0], $0xffff  }
0x13d: {  	v4 =	vld.idx.msk [tilespmem:v3+s1+$0x0], $0xffff  }
0x13e: {  	v2 =	vld.idx.msk [tilespmem:v6+s1+$0x0], $0xffff  }
0x13f: {  	v1 =	vld.idx.msk [tilespmem:v7+s1+$0x0], $0xffff  }
0x140: {  	v0 =	vld.idx.msk [tilespmem:v8+s1+$0x0], $0xffff;
	[tilespmem:s29+$0x30] =	vst v10  }
0x141: {  	s30 =	simm.s32 $0x0;
	s31 =	simm.s32 $0x187C0;
	v3 =	vld.idx.msk [tilespmem:v9+s1+$0x0], $0xffff;
	[tilespmem:s29+$0xFFFFFFD0] =	vst v11  }
.LBB2_10:
0x142: {  	v6 =	vld [tilespmem:s31+$0x30];
	s30 =	sadd.s32 $0x80, s30;
	[tilespmem:s29+$0xFFFFFFE0] =	vst v5  }
0x143: {  	v5 =	vld [tilespmem:s31+$0xFFFFFFD0];
	p0 =	slt.u32 s30, $0x3F80;
	[tilespmem:s29+$0xFFFFFFF0] =	vst v4  }
0x144: {  	v4 =	vld [tilespmem:s31+$0xFFFFFFE0];
	[tilespmem:s29+$0x0] =	vst v2  }
0x145: {  	v2 =	vld [tilespmem:s31+$0xFFFFFFF0];
	[tilespmem:s29+$0x10] =	vst v1  }
0x146: {  	v1 =	vld [tilespmem:s31+$0x0];
	[tilespmem:s29+$0x20] =	vst v0  }
0x147: {  	v0 =	vld [tilespmem:s31+$0x10];
	[tilespmem:s29+$0xFFFFFFC0] =	vst v3;
	s29 =	smov.u32 s31  }
0x148: {  	v3 =	vld [tilespmem:s31+$0x20]  }
0x149: {  	v7 =	vld [tilespmem:s31+$0xFFFFFFC0]  }
0x14a: {  	v6 =	vld.idx.msk [tilespmem:v6+s1+$0x0], $0xffff  }
0x14b: {  	v8 =	vld.idx.msk [tilespmem:v5+s1+$0x0], $0xffff  }
0x14c: {  	v5 =	vld.idx.msk [tilespmem:v4+s1+$0x0], $0xffff  }
.Ltmp4:
0x14d: {  	v4 =	vld.idx.msk [tilespmem:v2+s1+$0x0], $0xffff;
	(pc) =	sbr.rel @p0 .LBB2_10-.Ltmp4, $4  }
0x14e: {  	v2 =	vld.idx.msk [tilespmem:v1+s1+$0x0], $0xffff  }
0x14f: {  	v1 =	vld.idx.msk [tilespmem:v0+s1+$0x0], $0xffff  }
0x150: {  	v0 =	vld.idx.msk [tilespmem:v3+s1+$0x0], $0xffff;
	[tilespmem:s31+$0x30] =	vst v6  }
0x151: {  	s31 =	sadd.s32 $0x80, s31;
	v3 =	vld.idx.msk [tilespmem:v7+s1+$0x0], $0xffff;
	[tilespmem:s29+$0xFFFFFFD0] =	vst v8  }
0x152: {  	[tilespmem:s29+$0xFFFFFFE0] =	vst v5  }
0x153: {  	[tilespmem:s29+$0xFFFFFFF0] =	vst v4  }
0x154: {  	[tilespmem:s29+$0x0] =	vst v2  }
0x155: {  	[tilespmem:s29+$0x10] =	vst v1  }
0x156: {  	[tilespmem:s29+$0x20] =	vst v0  }
0x157: {  	[tilespmem:s29+$0xFFFFFFC0] =	vst v3  }
0x158: {  	s29 =	rddreg [dreg:$0x9]  }
0x159: {  	[tilespmem:s1], [sflag:$0x1] =	stream.strided.gather [hbm4b:s29+s21], $0x18700, s22, s21, $0x38;
	[tilespmem:$0x1C700] =	vst v63  }
0x15a: {  	s29 =	sld [smem:$0x7E0];
	_ =	sdelay $0x2  }
0x15b: {  	[hbm4b:s29+s21] =	stream.strided.scatter [tilespmem:s23], [sflag:$0x2], $0x4000, s22, s21, $0x38;
	[tilespmem:$0x1C700] =	vst v63  }
0x15c: {  	_ =	swait.ge [sflag:s26], $0x4000  }
0x15d: {  	s29 =	sld [smem:$0x7FC]  }
0x15e: {  	[sflag:s26] =	ssyncset.done $0x0  }
0x15f: {  	[sflag:s26] =	ssyncadd.s32 $0xFFFFC000  }
0x160: {  	[tilespmem:s23], [sflag:$0x3] =	stream.strided.gather [hbm4b:s29+s21], $0x4000, s22, s21, $0x38;
	[tilespmem:$0x1C700] =	vst v63  }
0x161: {  	_ =	swait.ge [sflag:s24], $0x4000  }
0x162: {  	[sflag:s24] =	ssyncset.done $0x0  }
0x163: {  	[sflag:s24] =	ssyncadd.s32 $0xFFFFC000  }
0x164: {  	_ =	swait.ge [sflag:s25], $0x18700  }
0x165: {  	[sflag:s25] =	ssyncset.done $0x0  }
0x166: {  	s29 =	simm.s32 $0x18740;
	[sflag:s25] =	ssyncadd.s32 $0xFFFE7900  }
0x167: {  	v0 =	vld [tilespmem:s29+$0x30]  }
0x168: {  	v1 =	vld [tilespmem:s29+$0xFFFFFFD0]  }
0x169: {  	v2 =	vld [tilespmem:s29+$0xFFFFFFE0]  }
0x16a: {  	v3 =	vld [tilespmem:s29+$0xFFFFFFF0]  }
0x16b: {  	v6 =	vld [tilespmem:s29+$0x0]  }
0x16c: {  	v7 =	vld [tilespmem:s29+$0x10]  }
0x16d: {  	v8 =	vld [tilespmem:s29+$0x20]  }
0x16e: {  	v9 =	vld [tilespmem:s29+$0xFFFFFFC0]  }
0x16f: {  	v10 =	vld.idx.msk [tilespmem:v0+s1+$0x0], $0xffff  }
0x170: {  	v11 =	vld.idx.msk [tilespmem:v1+s1+$0x0], $0xffff  }
0x171: {  	v5 =	vld.idx.msk [tilespmem:v2+s1+$0x0], $0xffff  }
0x172: {  	v4 =	vld.idx.msk [tilespmem:v3+s1+$0x0], $0xffff  }
0x173: {  	v2 =	vld.idx.msk [tilespmem:v6+s1+$0x0], $0xffff  }
0x174: {  	v1 =	vld.idx.msk [tilespmem:v7+s1+$0x0], $0xffff  }
0x175: {  	v0 =	vld.idx.msk [tilespmem:v8+s1+$0x0], $0xffff;
	[tilespmem:s29+$0x30] =	vst v10  }
0x176: {  	s30 =	simm.s32 $0x0;
	s31 =	simm.s32 $0x187C0;
	v3 =	vld.idx.msk [tilespmem:v9+s1+$0x0], $0xffff;
	[tilespmem:s29+$0xFFFFFFD0] =	vst v11  }
.LBB2_12:
0x177: {  	v6 =	vld [tilespmem:s31+$0x30];
	s30 =	sadd.s32 $0x80, s30;
	[tilespmem:s29+$0xFFFFFFE0] =	vst v5  }
0x178: {  	v5 =	vld [tilespmem:s31+$0xFFFFFFD0];
	p0 =	slt.u32 s30, $0x3F80;
	[tilespmem:s29+$0xFFFFFFF0] =	vst v4  }
0x179: {  	v4 =	vld [tilespmem:s31+$0xFFFFFFE0];
	[tilespmem:s29+$0x0] =	vst v2  }
0x17a: {  	v2 =	vld [tilespmem:s31+$0xFFFFFFF0];
	[tilespmem:s29+$0x10] =	vst v1  }
0x17b: {  	v1 =	vld [tilespmem:s31+$0x0];
	[tilespmem:s29+$0x20] =	vst v0  }
0x17c: {  	v0 =	vld [tilespmem:s31+$0x10];
	[tilespmem:s29+$0xFFFFFFC0] =	vst v3;
	s29 =	smov.u32 s31  }
0x17d: {  	v3 =	vld [tilespmem:s31+$0x20]  }
0x17e: {  	v7 =	vld [tilespmem:s31+$0xFFFFFFC0]  }
0x17f: {  	v6 =	vld.idx.msk [tilespmem:v6+s1+$0x0], $0xffff  }
0x180: {  	v8 =	vld.idx.msk [tilespmem:v5+s1+$0x0], $0xffff  }
0x181: {  	v5 =	vld.idx.msk [tilespmem:v4+s1+$0x0], $0xffff  }
.Ltmp5:
0x182: {  	v4 =	vld.idx.msk [tilespmem:v2+s1+$0x0], $0xffff;
	(pc) =	sbr.rel @p0 .LBB2_12-.Ltmp5, $4  }
0x183: {  	v2 =	vld.idx.msk [tilespmem:v1+s1+$0x0], $0xffff  }
0x184: {  	v1 =	vld.idx.msk [tilespmem:v0+s1+$0x0], $0xffff  }
0x185: {  	v0 =	vld.idx.msk [tilespmem:v3+s1+$0x0], $0xffff;
	[tilespmem:s31+$0x30] =	vst v6  }
0x186: {  	s31 =	sadd.s32 $0x80, s31;
	v3 =	vld.idx.msk [tilespmem:v7+s1+$0x0], $0xffff;
	[tilespmem:s29+$0xFFFFFFD0] =	vst v8  }
0x187: {  	[tilespmem:s29+$0xFFFFFFE0] =	vst v5  }
0x188: {  	[tilespmem:s29+$0xFFFFFFF0] =	vst v4  }
0x189: {  	[tilespmem:s29+$0x0] =	vst v2  }
0x18a: {  	[tilespmem:s29+$0x10] =	vst v1  }
0x18b: {  	[tilespmem:s29+$0x20] =	vst v0  }
0x18c: {  	[tilespmem:s29+$0xFFFFFFC0] =	vst v3  }
0x18d: {  	s29 =	rddreg [dreg:$0xa]  }
0x18e: {  	[tilespmem:s1], [sflag:$0x1] =	stream.strided.gather [hbm4b:s29+s21], $0x18700, s22, s21, $0x38;
	[tilespmem:$0x1C700] =	vst v63  }
0x18f: {  	s29 =	sld [smem:$0x7E1];
	_ =	sdelay $0x2  }
0x190: {  	[hbm4b:s29+s21] =	stream.strided.scatter [tilespmem:s23], [sflag:$0x2], $0x4000, s22, s21, $0x38;
	[tilespmem:$0x1C700] =	vst v63  }
0x191: {  	_ =	swait.ge [sflag:s26], $0x4000  }
0x192: {  	s29 =	sld [smem:$0x7FD]  }
0x193: {  	[sflag:s26] =	ssyncset.done $0x0  }
0x194: {  	[sflag:s26] =	ssyncadd.s32 $0xFFFFC000  }
0x195: {  	[tilespmem:s23], [sflag:$0x3] =	stream.strided.gather [hbm4b:s29+s21], $0x4000, s22, s21, $0x38;
	[tilespmem:$0x1C700] =	vst v63  }
0x196: {  	_ =	swait.ge [sflag:s24], $0x4000  }
0x197: {  	[sflag:s24] =	ssyncset.done $0x0  }
0x198: {  	[sflag:s24] =	ssyncadd.s32 $0xFFFFC000  }
0x199: {  	_ =	swait.ge [sflag:s25], $0x18700  }
0x19a: {  	[sflag:s25] =	ssyncset.done $0x0  }
0x19b: {  	s29 =	simm.s32 $0x18740;
	[sflag:s25] =	ssyncadd.s32 $0xFFFE7900  }
0x19c: {  	v0 =	vld [tilespmem:s29+$0x30]  }
0x19d: {  	v1 =	vld [tilespmem:s29+$0xFFFFFFD0]  }
0x19e: {  	v2 =	vld [tilespmem:s29+$0xFFFFFFE0]  }
0x19f: {  	v3 =	vld [tilespmem:s29+$0xFFFFFFF0]  }
0x1a0: {  	v6 =	vld [tilespmem:s29+$0x0]  }
0x1a1: {  	v7 =	vld [tilespmem:s29+$0x10]  }
0x1a2: {  	v8 =	vld [tilespmem:s29+$0x20]  }
0x1a3: {  	v9 =	vld [tilespmem:s29+$0xFFFFFFC0]  }
0x1a4: {  	v10 =	vld.idx.msk [tilespmem:v0+s1+$0x0], $0xffff  }
0x1a5: {  	v11 =	vld.idx.msk [tilespmem:v1+s1+$0x0], $0xffff  }
0x1a6: {  	v5 =	vld.idx.msk [tilespmem:v2+s1+$0x0], $0xffff  }
0x1a7: {  	v4 =	vld.idx.msk [tilespmem:v3+s1+$0x0], $0xffff  }
0x1a8: {  	v2 =	vld.idx.msk [tilespmem:v6+s1+$0x0], $0xffff  }
0x1a9: {  	v1 =	vld.idx.msk [tilespmem:v7+s1+$0x0], $0xffff  }
0x1aa: {  	v0 =	vld.idx.msk [tilespmem:v8+s1+$0x0], $0xffff;
	[tilespmem:s29+$0x30] =	vst v10  }
0x1ab: {  	s30 =	simm.s32 $0x0;
	s31 =	simm.s32 $0x187C0;
	v3 =	vld.idx.msk [tilespmem:v9+s1+$0x0], $0xffff;
	[tilespmem:s29+$0xFFFFFFD0] =	vst v11  }
.LBB2_14:
0x1ac: {  	v6 =	vld [tilespmem:s31+$0x30];
	s30 =	sadd.s32 $0x80, s30;
	[tilespmem:s29+$0xFFFFFFE0] =	vst v5  }
0x1ad: {  	v5 =	vld [tilespmem:s31+$0xFFFFFFD0];
	p0 =	slt.u32 s30, $0x3F80;
	[tilespmem:s29+$0xFFFFFFF0] =	vst v4  }
0x1ae: {  	v4 =	vld [tilespmem:s31+$0xFFFFFFE0];
	[tilespmem:s29+$0x0] =	vst v2  }
0x1af: {  	v2 =	vld [tilespmem:s31+$0xFFFFFFF0];
	[tilespmem:s29+$0x10] =	vst v1  }
0x1b0: {  	v1 =	vld [tilespmem:s31+$0x0];
	[tilespmem:s29+$0x20] =	vst v0  }
0x1b1: {  	v0 =	vld [tilespmem:s31+$0x10];
	[tilespmem:s29+$0xFFFFFFC0] =	vst v3;
	s29 =	smov.u32 s31  }
0x1b2: {  	v3 =	vld [tilespmem:s31+$0x20]  }
0x1b3: {  	v7 =	vld [tilespmem:s31+$0xFFFFFFC0]  }
0x1b4: {  	v6 =	vld.idx.msk [tilespmem:v6+s1+$0x0], $0xffff  }
0x1b5: {  	v8 =	vld.idx.msk [tilespmem:v5+s1+$0x0], $0xffff  }
0x1b6: {  	v5 =	vld.idx.msk [tilespmem:v4+s1+$0x0], $0xffff  }
.Ltmp6:
0x1b7: {  	v4 =	vld.idx.msk [tilespmem:v2+s1+$0x0], $0xffff;
	(pc) =	sbr.rel @p0 .LBB2_14-.Ltmp6, $4  }
0x1b8: {  	v2 =	vld.idx.msk [tilespmem:v1+s1+$0x0], $0xffff  }
0x1b9: {  	v1 =	vld.idx.msk [tilespmem:v0+s1+$0x0], $0xffff  }
0x1ba: {  	v0 =	vld.idx.msk [tilespmem:v3+s1+$0x0], $0xffff;
	[tilespmem:s31+$0x30] =	vst v6  }
0x1bb: {  	s31 =	sadd.s32 $0x80, s31;
	v3 =	vld.idx.msk [tilespmem:v7+s1+$0x0], $0xffff;
	[tilespmem:s29+$0xFFFFFFD0] =	vst v8  }
0x1bc: {  	[tilespmem:s29+$0xFFFFFFE0] =	vst v5  }
0x1bd: {  	[tilespmem:s29+$0xFFFFFFF0] =	vst v4  }
0x1be: {  	[tilespmem:s29+$0x0] =	vst v2  }
0x1bf: {  	[tilespmem:s29+$0x10] =	vst v1  }
0x1c0: {  	[tilespmem:s29+$0x20] =	vst v0  }
0x1c1: {  	[tilespmem:s29+$0xFFFFFFC0] =	vst v3  }
0x1c2: {  	s29 =	rddreg [dreg:$0xb]  }
0x1c3: {  	[tilespmem:s1], [sflag:$0x1] =	stream.strided.gather [hbm4b:s29+s21], $0x18700, s22, s21, $0x38;
	[tilespmem:$0x1C700] =	vst v63  }
0x1c4: {  	s29 =	sld [smem:$0x7E2];
	_ =	sdelay $0x2  }
0x1c5: {  	[hbm4b:s29+s21] =	stream.strided.scatter [tilespmem:s23], [sflag:$0x2], $0x4000, s22, s21, $0x38;
	[tilespmem:$0x1C700] =	vst v63  }
0x1c6: {  	_ =	swait.ge [sflag:s26], $0x4000  }
0x1c7: {  	[sflag:s26] =	ssyncset.done $0x0  }
0x1c8: {  	[sflag:s26] =	ssyncadd.s32 $0xFFFFC000  }
0x1c9: {  	[tilespmem:s23], [sflag:$0x3] =	stream.strided.gather [hbm4b:s0+s21], $0x4000, s22, s21, $0x38;
	[tilespmem:$0x1C700] =	vst v63  }
0x1ca: {  	_ =	swait.ge [sflag:s24], $0x4000  }
0x1cb: {  	[sflag:s24] =	ssyncset.done $0x0  }
0x1cc: {  	[sflag:s24] =	ssyncadd.s32 $0xFFFFC000  }
0x1cd: {  	_ =	swait.ge [sflag:s25], $0x18700  }
0x1ce: {  	[sflag:s25] =	ssyncset.done $0x0  }
0x1cf: {  	s29 =	simm.s32 $0x18740;
	[sflag:s25] =	ssyncadd.s32 $0xFFFE7900  }
0x1d0: {  	v0 =	vld [tilespmem:s29+$0x30]  }
0x1d1: {  	v1 =	vld [tilespmem:s29+$0xFFFFFFD0]  }
0x1d2: {  	v2 =	vld [tilespmem:s29+$0xFFFFFFE0]  }
0x1d3: {  	v3 =	vld [tilespmem:s29+$0xFFFFFFF0]  }
0x1d4: {  	v6 =	vld [tilespmem:s29+$0x0]  }
0x1d5: {  	v7 =	vld [tilespmem:s29+$0x10]  }
0x1d6: {  	v8 =	vld [tilespmem:s29+$0x20]  }
0x1d7: {  	v9 =	vld [tilespmem:s29+$0xFFFFFFC0]  }
0x1d8: {  	v10 =	vld.idx.msk [tilespmem:v0+s1+$0x0], $0xffff  }
0x1d9: {  	v11 =	vld.idx.msk [tilespmem:v1+s1+$0x0], $0xffff  }
0x1da: {  	v5 =	vld.idx.msk [tilespmem:v2+s1+$0x0], $0xffff  }
0x1db: {  	v4 =	vld.idx.msk [tilespmem:v3+s1+$0x0], $0xffff  }
0x1dc: {  	v2 =	vld.idx.msk [tilespmem:v6+s1+$0x0], $0xffff  }
0x1dd: {  	v1 =	vld.idx.msk [tilespmem:v7+s1+$0x0], $0xffff  }
0x1de: {  	v0 =	vld.idx.msk [tilespmem:v8+s1+$0x0], $0xffff;
	[tilespmem:s29+$0x30] =	vst v10  }
0x1df: {  	s30 =	simm.s32 $0x0;
	s31 =	simm.s32 $0x187C0;
	v3 =	vld.idx.msk [tilespmem:v9+s1+$0x0], $0xffff;
	[tilespmem:s29+$0xFFFFFFD0] =	vst v11  }
.LBB2_16:
0x1e0: {  	v6 =	vld [tilespmem:s31+$0x30];
	s30 =	sadd.s32 $0x80, s30;
	[tilespmem:s29+$0xFFFFFFE0] =	vst v5  }
0x1e1: {  	v5 =	vld [tilespmem:s31+$0xFFFFFFD0];
	p0 =	slt.u32 s30, $0x3F80;
	[tilespmem:s29+$0xFFFFFFF0] =	vst v4  }
0x1e2: {  	v4 =	vld [tilespmem:s31+$0xFFFFFFE0];
	[tilespmem:s29+$0x0] =	vst v2  }
0x1e3: {  	v2 =	vld [tilespmem:s31+$0xFFFFFFF0];
	[tilespmem:s29+$0x10] =	vst v1  }
0x1e4: {  	v1 =	vld [tilespmem:s31+$0x0];
	[tilespmem:s29+$0x20] =	vst v0  }
0x1e5: {  	v0 =	vld [tilespmem:s31+$0x10];
	[tilespmem:s29+$0xFFFFFFC0] =	vst v3;
	s29 =	smov.u32 s31  }
0x1e6: {  	v3 =	vld [tilespmem:s31+$0x20]  }
0x1e7: {  	v7 =	vld [tilespmem:s31+$0xFFFFFFC0]  }
0x1e8: {  	v6 =	vld.idx.msk [tilespmem:v6+s1+$0x0], $0xffff  }
0x1e9: {  	v8 =	vld.idx.msk [tilespmem:v5+s1+$0x0], $0xffff  }
0x1ea: {  	v5 =	vld.idx.msk [tilespmem:v4+s1+$0x0], $0xffff  }
.Ltmp7:
0x1eb: {  	v4 =	vld.idx.msk [tilespmem:v2+s1+$0x0], $0xffff;
	(pc) =	sbr.rel @p0 .LBB2_16-.Ltmp7, $4  }
0x1ec: {  	v2 =	vld.idx.msk [tilespmem:v1+s1+$0x0], $0xffff  }
0x1ed: {  	v1 =	vld.idx.msk [tilespmem:v0+s1+$0x0], $0xffff  }
0x1ee: {  	v0 =	vld.idx.msk [tilespmem:v3+s1+$0x0], $0xffff;
	[tilespmem:s31+$0x30] =	vst v6  }
0x1ef: {  	s31 =	sadd.s32 $0x80, s31;
	v3 =	vld.idx.msk [tilespmem:v7+s1+$0x0], $0xffff;
	[tilespmem:s29+$0xFFFFFFD0] =	vst v8  }
0x1f0: {  	[tilespmem:s29+$0xFFFFFFE0] =	vst v5  }
0x1f1: {  	[tilespmem:s29+$0xFFFFFFF0] =	vst v4  }
0x1f2: {  	[tilespmem:s29+$0x0] =	vst v2  }
0x1f3: {  	[tilespmem:s29+$0x10] =	vst v1  }
0x1f4: {  	[tilespmem:s29+$0x20] =	vst v0  }
0x1f5: {  	[tilespmem:s29+$0xFFFFFFC0] =	vst v3  }
0x1f6: {  	s29 =	rddreg [dreg:$0xc]  }
0x1f7: {  	[tilespmem:s1], [sflag:$0x1] =	stream.strided.gather [hbm4b:s29+s21], $0x18700, s22, s21, $0x38;
	[tilespmem:$0x1C700] =	vst v63  }
0x1f8: {  	s29 =	sld [smem:$0x7E3];
	_ =	sdelay $0x2  }
0x1f9: {  	[hbm4b:s29+s21] =	stream.strided.scatter [tilespmem:s23], [sflag:$0x2], $0x4000, s22, s21, $0x38;
	[tilespmem:$0x1C700] =	vst v63  }
0x1fa: {  	_ =	swait.ge [sflag:s26], $0x4000  }
0x1fb: {  	[sflag:s26] =	ssyncset.done $0x0  }
0x1fc: {  	[sflag:s26] =	ssyncadd.s32 $0xFFFFC000  }
0x1fd: {  	[tilespmem:s23], [sflag:$0x3] =	stream.strided.gather [hbm4b:s2+s21], $0x4000, s22, s21, $0x38;
	[tilespmem:$0x1C700] =	vst v63  }
0x1fe: {  	_ =	swait.ge [sflag:s24], $0x4000  }
0x1ff: {  	[sflag:s24] =	ssyncset.done $0x0  }
0x200: {  	[sflag:s24] =	ssyncadd.s32 $0xFFFFC000  }
0x201: {  	_ =	swait.ge [sflag:s25], $0x18700  }
0x202: {  	[sflag:s25] =	ssyncset.done $0x0  }
0x203: {  	s29 =	simm.s32 $0x18740;
	[sflag:s25] =	ssyncadd.s32 $0xFFFE7900  }
0x204: {  	v0 =	vld [tilespmem:s29+$0x30]  }
0x205: {  	v1 =	vld [tilespmem:s29+$0xFFFFFFD0]  }
0x206: {  	v2 =	vld [tilespmem:s29+$0xFFFFFFE0]  }
0x207: {  	v3 =	vld [tilespmem:s29+$0xFFFFFFF0]  }
0x208: {  	v6 =	vld [tilespmem:s29+$0x0]  }
0x209: {  	v7 =	vld [tilespmem:s29+$0x10]  }
0x20a: {  	v8 =	vld [tilespmem:s29+$0x20]  }
0x20b: {  	v9 =	vld [tilespmem:s29+$0xFFFFFFC0]  }
0x20c: {  	v10 =	vld.idx.msk [tilespmem:v0+s1+$0x0], $0xffff  }
0x20d: {  	v11 =	vld.idx.msk [tilespmem:v1+s1+$0x0], $0xffff  }
0x20e: {  	v5 =	vld.idx.msk [tilespmem:v2+s1+$0x0], $0xffff  }
0x20f: {  	v4 =	vld.idx.msk [tilespmem:v3+s1+$0x0], $0xffff  }
0x210: {  	v2 =	vld.idx.msk [tilespmem:v6+s1+$0x0], $0xffff  }
0x211: {  	v1 =	vld.idx.msk [tilespmem:v7+s1+$0x0], $0xffff  }
0x212: {  	v0 =	vld.idx.msk [tilespmem:v8+s1+$0x0], $0xffff;
	[tilespmem:s29+$0x30] =	vst v10  }
0x213: {  	s30 =	simm.s32 $0x0;
	s31 =	simm.s32 $0x187C0;
	v3 =	vld.idx.msk [tilespmem:v9+s1+$0x0], $0xffff;
	[tilespmem:s29+$0xFFFFFFD0] =	vst v11  }
.LBB2_18:
0x214: {  	v6 =	vld [tilespmem:s31+$0x30];
	s30 =	sadd.s32 $0x80, s30;
	[tilespmem:s29+$0xFFFFFFE0] =	vst v5  }
0x215: {  	v5 =	vld [tilespmem:s31+$0xFFFFFFD0];
	p0 =	slt.u32 s30, $0x3F80;
	[tilespmem:s29+$0xFFFFFFF0] =	vst v4  }
0x216: {  	v4 =	vld [tilespmem:s31+$0xFFFFFFE0];
	[tilespmem:s29+$0x0] =	vst v2  }
0x217: {  	v2 =	vld [tilespmem:s31+$0xFFFFFFF0];
	[tilespmem:s29+$0x10] =	vst v1  }
0x218: {  	v1 =	vld [tilespmem:s31+$0x0];
	[tilespmem:s29+$0x20] =	vst v0  }
0x219: {  	v0 =	vld [tilespmem:s31+$0x10];
	[tilespmem:s29+$0xFFFFFFC0] =	vst v3;
	s29 =	smov.u32 s31  }
0x21a: {  	v3 =	vld [tilespmem:s31+$0x20]  }
0x21b: {  	v7 =	vld [tilespmem:s31+$0xFFFFFFC0]  }
0x21c: {  	v6 =	vld.idx.msk [tilespmem:v6+s1+$0x0], $0xffff  }
0x21d: {  	v8 =	vld.idx.msk [tilespmem:v5+s1+$0x0], $0xffff  }
0x21e: {  	v5 =	vld.idx.msk [tilespmem:v4+s1+$0x0], $0xffff  }
.Ltmp8:
0x21f: {  	v4 =	vld.idx.msk [tilespmem:v2+s1+$0x0], $0xffff;
	(pc) =	sbr.rel @p0 .LBB2_18-.Ltmp8, $4  }
0x220: {  	v2 =	vld.idx.msk [tilespmem:v1+s1+$0x0], $0xffff  }
0x221: {  	v1 =	vld.idx.msk [tilespmem:v0+s1+$0x0], $0xffff  }
0x222: {  	v0 =	vld.idx.msk [tilespmem:v3+s1+$0x0], $0xffff;
	[tilespmem:s31+$0x30] =	vst v6  }
0x223: {  	s31 =	sadd.s32 $0x80, s31;
	v3 =	vld.idx.msk [tilespmem:v7+s1+$0x0], $0xffff;
	[tilespmem:s29+$0xFFFFFFD0] =	vst v8  }
0x224: {  	[tilespmem:s29+$0xFFFFFFE0] =	vst v5  }
0x225: {  	[tilespmem:s29+$0xFFFFFFF0] =	vst v4  }
0x226: {  	[tilespmem:s29+$0x0] =	vst v2  }
0x227: {  	[tilespmem:s29+$0x10] =	vst v1  }
0x228: {  	[tilespmem:s29+$0x20] =	vst v0  }
0x229: {  	[tilespmem:s29+$0xFFFFFFC0] =	vst v3  }
0x22a: {  	s29 =	rddreg [dreg:$0xd]  }
0x22b: {  	[tilespmem:s1], [sflag:$0x1] =	stream.strided.gather [hbm4b:s29+s21], $0x18700, s22, s21, $0x38;
	[tilespmem:$0x1C700] =	vst v63  }
0x22c: {  	s29 =	sld [smem:$0x7E4];
	_ =	sdelay $0x2  }
0x22d: {  	[hbm4b:s29+s21] =	stream.strided.scatter [tilespmem:s23], [sflag:$0x2], $0x4000, s22, s21, $0x38;
	[tilespmem:$0x1C700] =	vst v63  }
0x22e: {  	_ =	swait.ge [sflag:s26], $0x4000  }
0x22f: {  	[sflag:s26] =	ssyncset.done $0x0  }
0x230: {  	[sflag:s26] =	ssyncadd.s32 $0xFFFFC000  }
0x231: {  	[tilespmem:s23], [sflag:$0x3] =	stream.strided.gather [hbm4b:s3+s21], $0x4000, s22, s21, $0x38;
	[tilespmem:$0x1C700] =	vst v63  }
0x232: {  	_ =	swait.ge [sflag:s24], $0x4000  }
0x233: {  	[sflag:s24] =	ssyncset.done $0x0  }
0x234: {  	[sflag:s24] =	ssyncadd.s32 $0xFFFFC000  }
0x235: {  	_ =	swait.ge [sflag:s25], $0x18700  }
0x236: {  	[sflag:s25] =	ssyncset.done $0x0  }
0x237: {  	s29 =	simm.s32 $0x18740;
	[sflag:s25] =	ssyncadd.s32 $0xFFFE7900  }
0x238: {  	v0 =	vld [tilespmem:s29+$0x30]  }
0x239: {  	v1 =	vld [tilespmem:s29+$0xFFFFFFD0]  }
0x23a: {  	v2 =	vld [tilespmem:s29+$0xFFFFFFE0]  }
0x23b: {  	v3 =	vld [tilespmem:s29+$0xFFFFFFF0]  }
0x23c: {  	v6 =	vld [tilespmem:s29+$0x0]  }
0x23d: {  	v7 =	vld [tilespmem:s29+$0x10]  }
0x23e: {  	v8 =	vld [tilespmem:s29+$0x20]  }
0x23f: {  	v9 =	vld [tilespmem:s29+$0xFFFFFFC0]  }
0x240: {  	v10 =	vld.idx.msk [tilespmem:v0+s1+$0x0], $0xffff  }
0x241: {  	v11 =	vld.idx.msk [tilespmem:v1+s1+$0x0], $0xffff  }
0x242: {  	v5 =	vld.idx.msk [tilespmem:v2+s1+$0x0], $0xffff  }
0x243: {  	v4 =	vld.idx.msk [tilespmem:v3+s1+$0x0], $0xffff  }
0x244: {  	v2 =	vld.idx.msk [tilespmem:v6+s1+$0x0], $0xffff  }
0x245: {  	v1 =	vld.idx.msk [tilespmem:v7+s1+$0x0], $0xffff  }
0x246: {  	v0 =	vld.idx.msk [tilespmem:v8+s1+$0x0], $0xffff;
	[tilespmem:s29+$0x30] =	vst v10  }
0x247: {  	s30 =	simm.s32 $0x0;
	s31 =	simm.s32 $0x187C0;
	v3 =	vld.idx.msk [tilespmem:v9+s1+$0x0], $0xffff;
	[tilespmem:s29+$0xFFFFFFD0] =	vst v11  }
.LBB2_20:
0x248: {  	v6 =	vld [tilespmem:s31+$0x30];
	s30 =	sadd.s32 $0x80, s30;
	[tilespmem:s29+$0xFFFFFFE0] =	vst v5  }
0x249: {  	v5 =	vld [tilespmem:s31+$0xFFFFFFD0];
	p0 =	slt.u32 s30, $0x3F80;
	[tilespmem:s29+$0xFFFFFFF0] =	vst v4  }
0x24a: {  	v4 =	vld [tilespmem:s31+$0xFFFFFFE0];
	[tilespmem:s29+$0x0] =	vst v2  }
0x24b: {  	v2 =	vld [tilespmem:s31+$0xFFFFFFF0];
	[tilespmem:s29+$0x10] =	vst v1  }
0x24c: {  	v1 =	vld [tilespmem:s31+$0x0];
	[tilespmem:s29+$0x20] =	vst v0  }
0x24d: {  	v0 =	vld [tilespmem:s31+$0x10];
	[tilespmem:s29+$0xFFFFFFC0] =	vst v3;
	s29 =	smov.u32 s31  }
0x24e: {  	v3 =	vld [tilespmem:s31+$0x20]  }
0x24f: {  	v7 =	vld [tilespmem:s31+$0xFFFFFFC0]  }
0x250: {  	v6 =	vld.idx.msk [tilespmem:v6+s1+$0x0], $0xffff  }
0x251: {  	v8 =	vld.idx.msk [tilespmem:v5+s1+$0x0], $0xffff  }
0x252: {  	v5 =	vld.idx.msk [tilespmem:v4+s1+$0x0], $0xffff  }
.Ltmp9:
0x253: {  	v4 =	vld.idx.msk [tilespmem:v2+s1+$0x0], $0xffff;
	(pc) =	sbr.rel @p0 .LBB2_20-.Ltmp9, $4  }
0x254: {  	v2 =	vld.idx.msk [tilespmem:v1+s1+$0x0], $0xffff  }
0x255: {  	v1 =	vld.idx.msk [tilespmem:v0+s1+$0x0], $0xffff  }
0x256: {  	v0 =	vld.idx.msk [tilespmem:v3+s1+$0x0], $0xffff;
	[tilespmem:s31+$0x30] =	vst v6  }
0x257: {  	s31 =	sadd.s32 $0x80, s31;
	v3 =	vld.idx.msk [tilespmem:v7+s1+$0x0], $0xffff;
	[tilespmem:s29+$0xFFFFFFD0] =	vst v8  }
0x258: {  	[tilespmem:s29+$0xFFFFFFE0] =	vst v5  }
0x259: {  	[tilespmem:s29+$0xFFFFFFF0] =	vst v4  }
0x25a: {  	[tilespmem:s29+$0x0] =	vst v2  }
0x25b: {  	[tilespmem:s29+$0x10] =	vst v1  }
0x25c: {  	[tilespmem:s29+$0x20] =	vst v0  }
0x25d: {  	[tilespmem:s29+$0xFFFFFFC0] =	vst v3  }
0x25e: {  	s29 =	rddreg [dreg:$0xe]  }
0x25f: {  	[tilespmem:s1], [sflag:$0x1] =	stream.strided.gather [hbm4b:s29+s21], $0x18700, s22, s21, $0x38;
	[tilespmem:$0x1C700] =	vst v63  }
0x260: {  	s29 =	sld [smem:$0x7E5];
	_ =	sdelay $0x2  }
0x261: {  	[hbm4b:s29+s21] =	stream.strided.scatter [tilespmem:s23], [sflag:$0x2], $0x4000, s22, s21, $0x38;
	[tilespmem:$0x1C700] =	vst v63  }
0x262: {  	_ =	swait.ge [sflag:s26], $0x4000  }
0x263: {  	[sflag:s26] =	ssyncset.done $0x0  }
0x264: {  	[sflag:s26] =	ssyncadd.s32 $0xFFFFC000  }
0x265: {  	[tilespmem:s23], [sflag:$0x3] =	stream.strided.gather [hbm4b:s4+s21], $0x4000, s22, s21, $0x38;
	[tilespmem:$0x1C700] =	vst v63  }
0x266: {  	_ =	swait.ge [sflag:s24], $0x4000  }
0x267: {  	[sflag:s24] =	ssyncset.done $0x0  }
0x268: {  	[sflag:s24] =	ssyncadd.s32 $0xFFFFC000  }
0x269: {  	_ =	swait.ge [sflag:s25], $0x18700  }
0x26a: {  	[sflag:s25] =	ssyncset.done $0x0  }
0x26b: {  	s29 =	simm.s32 $0x18740;
	[sflag:s25] =	ssyncadd.s32 $0xFFFE7900  }
0x26c: {  	v0 =	vld [tilespmem:s29+$0x30]  }
0x26d: {  	v1 =	vld [tilespmem:s29+$0xFFFFFFD0]  }
0x26e: {  	v2 =	vld [tilespmem:s29+$0xFFFFFFE0]  }
0x26f: {  	v3 =	vld [tilespmem:s29+$0xFFFFFFF0]  }
0x270: {  	v6 =	vld [tilespmem:s29+$0x0]  }
0x271: {  	v7 =	vld [tilespmem:s29+$0x10]  }
0x272: {  	v8 =	vld [tilespmem:s29+$0x20]  }
0x273: {  	v9 =	vld [tilespmem:s29+$0xFFFFFFC0]  }
0x274: {  	v10 =	vld.idx.msk [tilespmem:v0+s1+$0x0], $0xffff  }
0x275: {  	v11 =	vld.idx.msk [tilespmem:v1+s1+$0x0], $0xffff  }
0x276: {  	v5 =	vld.idx.msk [tilespmem:v2+s1+$0x0], $0xffff  }
0x277: {  	v4 =	vld.idx.msk [tilespmem:v3+s1+$0x0], $0xffff  }
0x278: {  	v2 =	vld.idx.msk [tilespmem:v6+s1+$0x0], $0xffff  }
0x279: {  	v1 =	vld.idx.msk [tilespmem:v7+s1+$0x0], $0xffff  }
0x27a: {  	v0 =	vld.idx.msk [tilespmem:v8+s1+$0x0], $0xffff;
	[tilespmem:s29+$0x30] =	vst v10  }
0x27b: {  	s30 =	simm.s32 $0x0;
	s31 =	simm.s32 $0x187C0;
	v3 =	vld.idx.msk [tilespmem:v9+s1+$0x0], $0xffff;
	[tilespmem:s29+$0xFFFFFFD0] =	vst v11  }
.LBB2_22:
0x27c: {  	v6 =	vld [tilespmem:s31+$0x30];
	s30 =	sadd.s32 $0x80, s30;
	[tilespmem:s29+$0xFFFFFFE0] =	vst v5  }
0x27d: {  	v5 =	vld [tilespmem:s31+$0xFFFFFFD0];
	p0 =	slt.u32 s30, $0x3F80;
	[tilespmem:s29+$0xFFFFFFF0] =	vst v4  }
0x27e: {  	v4 =	vld [tilespmem:s31+$0xFFFFFFE0];
	[tilespmem:s29+$0x0] =	vst v2  }
0x27f: {  	v2 =	vld [tilespmem:s31+$0xFFFFFFF0];
	[tilespmem:s29+$0x10] =	vst v1  }
0x280: {  	v1 =	vld [tilespmem:s31+$0x0];
	[tilespmem:s29+$0x20] =	vst v0  }
0x281: {  	v0 =	vld [tilespmem:s31+$0x10];
	[tilespmem:s29+$0xFFFFFFC0] =	vst v3;
	s29 =	smov.u32 s31  }
0x282: {  	v3 =	vld [tilespmem:s31+$0x20]  }
0x283: {  	v7 =	vld [tilespmem:s31+$0xFFFFFFC0]  }
0x284: {  	v6 =	vld.idx.msk [tilespmem:v6+s1+$0x0], $0xffff  }
0x285: {  	v8 =	vld.idx.msk [tilespmem:v5+s1+$0x0], $0xffff  }
0x286: {  	v5 =	vld.idx.msk [tilespmem:v4+s1+$0x0], $0xffff  }
.Ltmp10:
0x287: {  	v4 =	vld.idx.msk [tilespmem:v2+s1+$0x0], $0xffff;
	(pc) =	sbr.rel @p0 .LBB2_22-.Ltmp10, $4  }
0x288: {  	v2 =	vld.idx.msk [tilespmem:v1+s1+$0x0], $0xffff  }
0x289: {  	v1 =	vld.idx.msk [tilespmem:v0+s1+$0x0], $0xffff  }
0x28a: {  	v0 =	vld.idx.msk [tilespmem:v3+s1+$0x0], $0xffff;
	[tilespmem:s31+$0x30] =	vst v6  }
0x28b: {  	s31 =	sadd.s32 $0x80, s31;
	v3 =	vld.idx.msk [tilespmem:v7+s1+$0x0], $0xffff;
	[tilespmem:s29+$0xFFFFFFD0] =	vst v8  }
0x28c: {  	[tilespmem:s29+$0xFFFFFFE0] =	vst v5  }
0x28d: {  	[tilespmem:s29+$0xFFFFFFF0] =	vst v4  }
0x28e: {  	[tilespmem:s29+$0x0] =	vst v2  }
0x28f: {  	[tilespmem:s29+$0x10] =	vst v1  }
0x290: {  	[tilespmem:s29+$0x20] =	vst v0  }
0x291: {  	[tilespmem:s29+$0xFFFFFFC0] =	vst v3  }
0x292: {  	s29 =	rddreg [dreg:$0xf]  }
0x293: {  	[tilespmem:s1], [sflag:$0x1] =	stream.strided.gather [hbm4b:s29+s21], $0x18700, s22, s21, $0x38;
	[tilespmem:$0x1C700] =	vst v63  }
0x294: {  	s29 =	sld [smem:$0x7E6];
	_ =	sdelay $0x2  }
0x295: {  	[hbm4b:s29+s21] =	stream.strided.scatter [tilespmem:s23], [sflag:$0x2], $0x4000, s22, s21, $0x38;
	[tilespmem:$0x1C700] =	vst v63  }
0x296: {  	_ =	swait.ge [sflag:s26], $0x4000  }
0x297: {  	[sflag:s26] =	ssyncset.done $0x0  }
0x298: {  	[sflag:s26] =	ssyncadd.s32 $0xFFFFC000  }
0x299: {  	[tilespmem:s23], [sflag:$0x3] =	stream.strided.gather [hbm4b:s5+s21], $0x4000, s22, s21, $0x38;
	[tilespmem:$0x1C700] =	vst v63  }
0x29a: {  	_ =	swait.ge [sflag:s24], $0x4000  }
0x29b: {  	[sflag:s24] =	ssyncset.done $0x0  }
0x29c: {  	[sflag:s24] =	ssyncadd.s32 $0xFFFFC000  }
0x29d: {  	_ =	swait.ge [sflag:s25], $0x18700  }
0x29e: {  	[sflag:s25] =	ssyncset.done $0x0  }
0x29f: {  	s29 =	simm.s32 $0x18740;
	[sflag:s25] =	ssyncadd.s32 $0xFFFE7900  }
0x2a0: {  	v0 =	vld [tilespmem:s29+$0x30]  }
0x2a1: {  	v1 =	vld [tilespmem:s29+$0xFFFFFFD0]  }
0x2a2: {  	v2 =	vld [tilespmem:s29+$0xFFFFFFE0]  }
0x2a3: {  	v3 =	vld [tilespmem:s29+$0xFFFFFFF0]  }
0x2a4: {  	v6 =	vld [tilespmem:s29+$0x0]  }
0x2a5: {  	v7 =	vld [tilespmem:s29+$0x10]  }
0x2a6: {  	v8 =	vld [tilespmem:s29+$0x20]  }
0x2a7: {  	v9 =	vld [tilespmem:s29+$0xFFFFFFC0]  }
0x2a8: {  	v10 =	vld.idx.msk [tilespmem:v0+s1+$0x0], $0xffff  }
0x2a9: {  	v11 =	vld.idx.msk [tilespmem:v1+s1+$0x0], $0xffff  }
0x2aa: {  	v5 =	vld.idx.msk [tilespmem:v2+s1+$0x0], $0xffff  }
0x2ab: {  	v4 =	vld.idx.msk [tilespmem:v3+s1+$0x0], $0xffff  }
0x2ac: {  	v2 =	vld.idx.msk [tilespmem:v6+s1+$0x0], $0xffff  }
0x2ad: {  	v1 =	vld.idx.msk [tilespmem:v7+s1+$0x0], $0xffff  }
0x2ae: {  	v0 =	vld.idx.msk [tilespmem:v8+s1+$0x0], $0xffff;
	[tilespmem:s29+$0x30] =	vst v10  }
0x2af: {  	s30 =	simm.s32 $0x0;
	s31 =	simm.s32 $0x187C0;
	v3 =	vld.idx.msk [tilespmem:v9+s1+$0x0], $0xffff;
	[tilespmem:s29+$0xFFFFFFD0] =	vst v11  }
.LBB2_24:
0x2b0: {  	v6 =	vld [tilespmem:s31+$0x30];
	s30 =	sadd.s32 $0x80, s30;
	[tilespmem:s29+$0xFFFFFFE0] =	vst v5  }
0x2b1: {  	v5 =	vld [tilespmem:s31+$0xFFFFFFD0];
	p0 =	slt.u32 s30, $0x3F80;
	[tilespmem:s29+$0xFFFFFFF0] =	vst v4  }
0x2b2: {  	v4 =	vld [tilespmem:s31+$0xFFFFFFE0];
	[tilespmem:s29+$0x0] =	vst v2  }
0x2b3: {  	v2 =	vld [tilespmem:s31+$0xFFFFFFF0];
	[tilespmem:s29+$0x10] =	vst v1  }
0x2b4: {  	v1 =	vld [tilespmem:s31+$0x0];
	[tilespmem:s29+$0x20] =	vst v0  }
0x2b5: {  	v0 =	vld [tilespmem:s31+$0x10];
	[tilespmem:s29+$0xFFFFFFC0] =	vst v3;
	s29 =	smov.u32 s31  }
0x2b6: {  	v3 =	vld [tilespmem:s31+$0x20]  }
0x2b7: {  	v7 =	vld [tilespmem:s31+$0xFFFFFFC0]  }
0x2b8: {  	v6 =	vld.idx.msk [tilespmem:v6+s1+$0x0], $0xffff  }
0x2b9: {  	v8 =	vld.idx.msk [tilespmem:v5+s1+$0x0], $0xffff  }
0x2ba: {  	v5 =	vld.idx.msk [tilespmem:v4+s1+$0x0], $0xffff  }
.Ltmp11:
0x2bb: {  	v4 =	vld.idx.msk [tilespmem:v2+s1+$0x0], $0xffff;
	(pc) =	sbr.rel @p0 .LBB2_24-.Ltmp11, $4  }
0x2bc: {  	v2 =	vld.idx.msk [tilespmem:v1+s1+$0x0], $0xffff  }
0x2bd: {  	v1 =	vld.idx.msk [tilespmem:v0+s1+$0x0], $0xffff  }
0x2be: {  	v0 =	vld.idx.msk [tilespmem:v3+s1+$0x0], $0xffff;
	[tilespmem:s31+$0x30] =	vst v6  }
0x2bf: {  	s31 =	sadd.s32 $0x80, s31;
	v3 =	vld.idx.msk [tilespmem:v7+s1+$0x0], $0xffff;
	[tilespmem:s29+$0xFFFFFFD0] =	vst v8  }
0x2c0: {  	[tilespmem:s29+$0xFFFFFFE0] =	vst v5  }
0x2c1: {  	[tilespmem:s29+$0xFFFFFFF0] =	vst v4  }
0x2c2: {  	[tilespmem:s29+$0x0] =	vst v2  }
0x2c3: {  	[tilespmem:s29+$0x10] =	vst v1  }
0x2c4: {  	[tilespmem:s29+$0x20] =	vst v0  }
0x2c5: {  	[tilespmem:s29+$0xFFFFFFC0] =	vst v3  }
0x2c6: {  	s29 =	rddreg [dreg:$0x10]  }
0x2c7: {  	[tilespmem:s1], [sflag:$0x1] =	stream.strided.gather [hbm4b:s29+s21], $0x18700, s22, s21, $0x38;
	[tilespmem:$0x1C700] =	vst v63  }
0x2c8: {  	s29 =	sld [smem:$0x7E7];
	_ =	sdelay $0x2  }
0x2c9: {  	[hbm4b:s29+s21] =	stream.strided.scatter [tilespmem:s23], [sflag:$0x2], $0x4000, s22, s21, $0x38;
	[tilespmem:$0x1C700] =	vst v63  }
0x2ca: {  	_ =	swait.ge [sflag:s26], $0x4000  }
0x2cb: {  	[sflag:s26] =	ssyncset.done $0x0  }
0x2cc: {  	[sflag:s26] =	ssyncadd.s32 $0xFFFFC000  }
0x2cd: {  	[tilespmem:s23], [sflag:$0x3] =	stream.strided.gather [hbm4b:s6+s21], $0x4000, s22, s21, $0x38;
	[tilespmem:$0x1C700] =	vst v63  }
0x2ce: {  	_ =	swait.ge [sflag:s24], $0x4000  }
0x2cf: {  	[sflag:s24] =	ssyncset.done $0x0  }
0x2d0: {  	[sflag:s24] =	ssyncadd.s32 $0xFFFFC000  }
0x2d1: {  	_ =	swait.ge [sflag:s25], $0x18700  }
0x2d2: {  	[sflag:s25] =	ssyncset.done $0x0  }
0x2d3: {  	s29 =	simm.s32 $0x18740;
	[sflag:s25] =	ssyncadd.s32 $0xFFFE7900  }
0x2d4: {  	v0 =	vld [tilespmem:s29+$0x30]  }
0x2d5: {  	v1 =	vld [tilespmem:s29+$0xFFFFFFD0]  }
0x2d6: {  	v2 =	vld [tilespmem:s29+$0xFFFFFFE0]  }
0x2d7: {  	v3 =	vld [tilespmem:s29+$0xFFFFFFF0]  }
0x2d8: {  	v6 =	vld [tilespmem:s29+$0x0]  }
0x2d9: {  	v7 =	vld [tilespmem:s29+$0x10]  }
0x2da: {  	v8 =	vld [tilespmem:s29+$0x20]  }
0x2db: {  	v9 =	vld [tilespmem:s29+$0xFFFFFFC0]  }
0x2dc: {  	v10 =	vld.idx.msk [tilespmem:v0+s1+$0x0], $0xffff  }
0x2dd: {  	v11 =	vld.idx.msk [tilespmem:v1+s1+$0x0], $0xffff  }
0x2de: {  	v5 =	vld.idx.msk [tilespmem:v2+s1+$0x0], $0xffff  }
0x2df: {  	v4 =	vld.idx.msk [tilespmem:v3+s1+$0x0], $0xffff  }
0x2e0: {  	v2 =	vld.idx.msk [tilespmem:v6+s1+$0x0], $0xffff  }
0x2e1: {  	v1 =	vld.idx.msk [tilespmem:v7+s1+$0x0], $0xffff  }
0x2e2: {  	v0 =	vld.idx.msk [tilespmem:v8+s1+$0x0], $0xffff;
	[tilespmem:s29+$0x30] =	vst v10  }
0x2e3: {  	s30 =	simm.s32 $0x0;
	s31 =	simm.s32 $0x187C0;
	v3 =	vld.idx.msk [tilespmem:v9+s1+$0x0], $0xffff;
	[tilespmem:s29+$0xFFFFFFD0] =	vst v11  }
.LBB2_26:
0x2e4: {  	v6 =	vld [tilespmem:s31+$0x30];
	s30 =	sadd.s32 $0x80, s30;
	[tilespmem:s29+$0xFFFFFFE0] =	vst v5  }
0x2e5: {  	v5 =	vld [tilespmem:s31+$0xFFFFFFD0];
	p0 =	slt.u32 s30, $0x3F80;
	[tilespmem:s29+$0xFFFFFFF0] =	vst v4  }
0x2e6: {  	v4 =	vld [tilespmem:s31+$0xFFFFFFE0];
	[tilespmem:s29+$0x0] =	vst v2  }
0x2e7: {  	v2 =	vld [tilespmem:s31+$0xFFFFFFF0];
	[tilespmem:s29+$0x10] =	vst v1  }
0x2e8: {  	v1 =	vld [tilespmem:s31+$0x0];
	[tilespmem:s29+$0x20] =	vst v0  }
0x2e9: {  	v0 =	vld [tilespmem:s31+$0x10];
	[tilespmem:s29+$0xFFFFFFC0] =	vst v3;
	s29 =	smov.u32 s31  }
0x2ea: {  	v3 =	vld [tilespmem:s31+$0x20]  }
0x2eb: {  	v7 =	vld [tilespmem:s31+$0xFFFFFFC0]  }
0x2ec: {  	v6 =	vld.idx.msk [tilespmem:v6+s1+$0x0], $0xffff  }
0x2ed: {  	v8 =	vld.idx.msk [tilespmem:v5+s1+$0x0], $0xffff  }
0x2ee: {  	v5 =	vld.idx.msk [tilespmem:v4+s1+$0x0], $0xffff  }
.Ltmp12:
0x2ef: {  	v4 =	vld.idx.msk [tilespmem:v2+s1+$0x0], $0xffff;
	(pc) =	sbr.rel @p0 .LBB2_26-.Ltmp12, $4  }
0x2f0: {  	v2 =	vld.idx.msk [tilespmem:v1+s1+$0x0], $0xffff  }
0x2f1: {  	v1 =	vld.idx.msk [tilespmem:v0+s1+$0x0], $0xffff  }
0x2f2: {  	v0 =	vld.idx.msk [tilespmem:v3+s1+$0x0], $0xffff;
	[tilespmem:s31+$0x30] =	vst v6  }
0x2f3: {  	s31 =	sadd.s32 $0x80, s31;
	v3 =	vld.idx.msk [tilespmem:v7+s1+$0x0], $0xffff;
	[tilespmem:s29+$0xFFFFFFD0] =	vst v8  }
0x2f4: {  	[tilespmem:s29+$0xFFFFFFE0] =	vst v5  }
0x2f5: {  	[tilespmem:s29+$0xFFFFFFF0] =	vst v4  }
0x2f6: {  	[tilespmem:s29+$0x0] =	vst v2  }
0x2f7: {  	[tilespmem:s29+$0x10] =	vst v1  }
0x2f8: {  	[tilespmem:s29+$0x20] =	vst v0  }
0x2f9: {  	[tilespmem:s29+$0xFFFFFFC0] =	vst v3  }
0x2fa: {  	s29 =	rddreg [dreg:$0x11]  }
0x2fb: {  	[tilespmem:s1], [sflag:$0x1] =	stream.strided.gather [hbm4b:s29+s21], $0x18700, s22, s21, $0x38;
	[tilespmem:$0x1C700] =	vst v63  }
0x2fc: {  	s29 =	sld [smem:$0x7E8];
	_ =	sdelay $0x2  }
0x2fd: {  	[hbm4b:s29+s21] =	stream.strided.scatter [tilespmem:s23], [sflag:$0x2], $0x4000, s22, s21, $0x38;
	[tilespmem:$0x1C700] =	vst v63  }
0x2fe: {  	_ =	swait.ge [sflag:s26], $0x4000  }
0x2ff: {  	[sflag:s26] =	ssyncset.done $0x0  }
0x300: {  	[sflag:s26] =	ssyncadd.s32 $0xFFFFC000  }
0x301: {  	[tilespmem:s23], [sflag:$0x3] =	stream.strided.gather [hbm4b:s7+s21], $0x4000, s22, s21, $0x38;
	[tilespmem:$0x1C700] =	vst v63  }
0x302: {  	_ =	swait.ge [sflag:s24], $0x4000  }
0x303: {  	[sflag:s24] =	ssyncset.done $0x0  }
0x304: {  	[sflag:s24] =	ssyncadd.s32 $0xFFFFC000  }
0x305: {  	_ =	swait.ge [sflag:s25], $0x18700  }
0x306: {  	[sflag:s25] =	ssyncset.done $0x0  }
0x307: {  	s29 =	simm.s32 $0x18740;
	[sflag:s25] =	ssyncadd.s32 $0xFFFE7900  }
0x308: {  	v0 =	vld [tilespmem:s29+$0x30]  }
0x309: {  	v1 =	vld [tilespmem:s29+$0xFFFFFFD0]  }
0x30a: {  	v2 =	vld [tilespmem:s29+$0xFFFFFFE0]  }
0x30b: {  	v3 =	vld [tilespmem:s29+$0xFFFFFFF0]  }
0x30c: {  	v6 =	vld [tilespmem:s29+$0x0]  }
0x30d: {  	v7 =	vld [tilespmem:s29+$0x10]  }
0x30e: {  	v8 =	vld [tilespmem:s29+$0x20]  }
0x30f: {  	v9 =	vld [tilespmem:s29+$0xFFFFFFC0]  }
0x310: {  	v10 =	vld.idx.msk [tilespmem:v0+s1+$0x0], $0xffff  }
0x311: {  	v11 =	vld.idx.msk [tilespmem:v1+s1+$0x0], $0xffff  }
0x312: {  	v5 =	vld.idx.msk [tilespmem:v2+s1+$0x0], $0xffff  }
0x313: {  	v4 =	vld.idx.msk [tilespmem:v3+s1+$0x0], $0xffff  }
0x314: {  	v2 =	vld.idx.msk [tilespmem:v6+s1+$0x0], $0xffff  }
0x315: {  	v1 =	vld.idx.msk [tilespmem:v7+s1+$0x0], $0xffff  }
0x316: {  	v0 =	vld.idx.msk [tilespmem:v8+s1+$0x0], $0xffff;
	[tilespmem:s29+$0x30] =	vst v10  }
0x317: {  	s30 =	simm.s32 $0x0;
	s31 =	simm.s32 $0x187C0;
	v3 =	vld.idx.msk [tilespmem:v9+s1+$0x0], $0xffff;
	[tilespmem:s29+$0xFFFFFFD0] =	vst v11  }
.LBB2_28:
0x318: {  	v6 =	vld [tilespmem:s31+$0x30];
	s30 =	sadd.s32 $0x80, s30;
	[tilespmem:s29+$0xFFFFFFE0] =	vst v5  }
0x319: {  	v5 =	vld [tilespmem:s31+$0xFFFFFFD0];
	p0 =	slt.u32 s30, $0x3F80;
	[tilespmem:s29+$0xFFFFFFF0] =	vst v4  }
0x31a: {  	v4 =	vld [tilespmem:s31+$0xFFFFFFE0];
	[tilespmem:s29+$0x0] =	vst v2  }
0x31b: {  	v2 =	vld [tilespmem:s31+$0xFFFFFFF0];
	[tilespmem:s29+$0x10] =	vst v1  }
0x31c: {  	v1 =	vld [tilespmem:s31+$0x0];
	[tilespmem:s29+$0x20] =	vst v0  }
0x31d: {  	v0 =	vld [tilespmem:s31+$0x10];
	[tilespmem:s29+$0xFFFFFFC0] =	vst v3;
	s29 =	smov.u32 s31  }
0x31e: {  	v3 =	vld [tilespmem:s31+$0x20]  }
0x31f: {  	v7 =	vld [tilespmem:s31+$0xFFFFFFC0]  }
0x320: {  	v6 =	vld.idx.msk [tilespmem:v6+s1+$0x0], $0xffff  }
0x321: {  	v8 =	vld.idx.msk [tilespmem:v5+s1+$0x0], $0xffff  }
0x322: {  	v5 =	vld.idx.msk [tilespmem:v4+s1+$0x0], $0xffff  }
.Ltmp13:
0x323: {  	v4 =	vld.idx.msk [tilespmem:v2+s1+$0x0], $0xffff;
	(pc) =	sbr.rel @p0 .LBB2_28-.Ltmp13, $4  }
0x324: {  	v2 =	vld.idx.msk [tilespmem:v1+s1+$0x0], $0xffff  }
0x325: {  	v1 =	vld.idx.msk [tilespmem:v0+s1+$0x0], $0xffff  }
0x326: {  	v0 =	vld.idx.msk [tilespmem:v3+s1+$0x0], $0xffff;
	[tilespmem:s31+$0x30] =	vst v6  }
0x327: {  	s31 =	sadd.s32 $0x80, s31;
	v3 =	vld.idx.msk [tilespmem:v7+s1+$0x0], $0xffff;
	[tilespmem:s29+$0xFFFFFFD0] =	vst v8  }
0x328: {  	[tilespmem:s29+$0xFFFFFFE0] =	vst v5  }
0x329: {  	[tilespmem:s29+$0xFFFFFFF0] =	vst v4  }
0x32a: {  	[tilespmem:s29+$0x0] =	vst v2  }
0x32b: {  	[tilespmem:s29+$0x10] =	vst v1  }
0x32c: {  	[tilespmem:s29+$0x20] =	vst v0  }
0x32d: {  	[tilespmem:s29+$0xFFFFFFC0] =	vst v3  }
0x32e: {  	s29 =	rddreg [dreg:$0x12]  }
0x32f: {  	[tilespmem:s1], [sflag:$0x1] =	stream.strided.gather [hbm4b:s29+s21], $0x18700, s22, s21, $0x38;
	[tilespmem:$0x1C700] =	vst v63  }
0x330: {  	s29 =	sld [smem:$0x7E9];
	_ =	sdelay $0x2  }
0x331: {  	[hbm4b:s29+s21] =	stream.strided.scatter [tilespmem:s23], [sflag:$0x2], $0x4000, s22, s21, $0x38;
	[tilespmem:$0x1C700] =	vst v63  }
0x332: {  	_ =	swait.ge [sflag:s26], $0x4000  }
0x333: {  	[sflag:s26] =	ssyncset.done $0x0  }
0x334: {  	[sflag:s26] =	ssyncadd.s32 $0xFFFFC000  }
0x335: {  	[tilespmem:s23], [sflag:$0x3] =	stream.strided.gather [hbm4b:s8+s21], $0x4000, s22, s21, $0x38;
	[tilespmem:$0x1C700] =	vst v63  }
0x336: {  	_ =	swait.ge [sflag:s24], $0x4000  }
0x337: {  	[sflag:s24] =	ssyncset.done $0x0  }
0x338: {  	[sflag:s24] =	ssyncadd.s32 $0xFFFFC000  }
0x339: {  	_ =	swait.ge [sflag:s25], $0x18700  }
0x33a: {  	[sflag:s25] =	ssyncset.done $0x0  }
0x33b: {  	s29 =	simm.s32 $0x18740;
	[sflag:s25] =	ssyncadd.s32 $0xFFFE7900  }
0x33c: {  	v0 =	vld [tilespmem:s29+$0x30]  }
0x33d: {  	v1 =	vld [tilespmem:s29+$0xFFFFFFD0]  }
0x33e: {  	v2 =	vld [tilespmem:s29+$0xFFFFFFE0]  }
0x33f: {  	v3 =	vld [tilespmem:s29+$0xFFFFFFF0]  }
0x340: {  	v6 =	vld [tilespmem:s29+$0x0]  }
0x341: {  	v7 =	vld [tilespmem:s29+$0x10]  }
0x342: {  	v8 =	vld [tilespmem:s29+$0x20]  }
0x343: {  	v9 =	vld [tilespmem:s29+$0xFFFFFFC0]  }
0x344: {  	v10 =	vld.idx.msk [tilespmem:v0+s1+$0x0], $0xffff  }
0x345: {  	v11 =	vld.idx.msk [tilespmem:v1+s1+$0x0], $0xffff  }
0x346: {  	v5 =	vld.idx.msk [tilespmem:v2+s1+$0x0], $0xffff  }
0x347: {  	v4 =	vld.idx.msk [tilespmem:v3+s1+$0x0], $0xffff  }
0x348: {  	v2 =	vld.idx.msk [tilespmem:v6+s1+$0x0], $0xffff  }
0x349: {  	v1 =	vld.idx.msk [tilespmem:v7+s1+$0x0], $0xffff  }
0x34a: {  	v0 =	vld.idx.msk [tilespmem:v8+s1+$0x0], $0xffff;
	[tilespmem:s29+$0x30] =	vst v10  }
0x34b: {  	s30 =	simm.s32 $0x0;
	s31 =	simm.s32 $0x187C0;
	v3 =	vld.idx.msk [tilespmem:v9+s1+$0x0], $0xffff;
	[tilespmem:s29+$0xFFFFFFD0] =	vst v11  }
.LBB2_30:
0x34c: {  	v6 =	vld [tilespmem:s31+$0x30];
	s30 =	sadd.s32 $0x80, s30;
	[tilespmem:s29+$0xFFFFFFE0] =	vst v5  }
0x34d: {  	v5 =	vld [tilespmem:s31+$0xFFFFFFD0];
	p0 =	slt.u32 s30, $0x3F80;
	[tilespmem:s29+$0xFFFFFFF0] =	vst v4  }
0x34e: {  	v4 =	vld [tilespmem:s31+$0xFFFFFFE0];
	[tilespmem:s29+$0x0] =	vst v2  }
0x34f: {  	v2 =	vld [tilespmem:s31+$0xFFFFFFF0];
	[tilespmem:s29+$0x10] =	vst v1  }
0x350: {  	v1 =	vld [tilespmem:s31+$0x0];
	[tilespmem:s29+$0x20] =	vst v0  }
0x351: {  	v0 =	vld [tilespmem:s31+$0x10];
	[tilespmem:s29+$0xFFFFFFC0] =	vst v3;
	s29 =	smov.u32 s31  }
0x352: {  	v3 =	vld [tilespmem:s31+$0x20]  }
0x353: {  	v7 =	vld [tilespmem:s31+$0xFFFFFFC0]  }
0x354: {  	v6 =	vld.idx.msk [tilespmem:v6+s1+$0x0], $0xffff  }
0x355: {  	v8 =	vld.idx.msk [tilespmem:v5+s1+$0x0], $0xffff  }
0x356: {  	v5 =	vld.idx.msk [tilespmem:v4+s1+$0x0], $0xffff  }
.Ltmp14:
0x357: {  	v4 =	vld.idx.msk [tilespmem:v2+s1+$0x0], $0xffff;
	(pc) =	sbr.rel @p0 .LBB2_30-.Ltmp14, $4  }
0x358: {  	v2 =	vld.idx.msk [tilespmem:v1+s1+$0x0], $0xffff  }
0x359: {  	v1 =	vld.idx.msk [tilespmem:v0+s1+$0x0], $0xffff  }
0x35a: {  	v0 =	vld.idx.msk [tilespmem:v3+s1+$0x0], $0xffff;
	[tilespmem:s31+$0x30] =	vst v6  }
0x35b: {  	s31 =	sadd.s32 $0x80, s31;
	v3 =	vld.idx.msk [tilespmem:v7+s1+$0x0], $0xffff;
	[tilespmem:s29+$0xFFFFFFD0] =	vst v8  }
0x35c: {  	[tilespmem:s29+$0xFFFFFFE0] =	vst v5  }
0x35d: {  	[tilespmem:s29+$0xFFFFFFF0] =	vst v4  }
0x35e: {  	[tilespmem:s29+$0x0] =	vst v2  }
0x35f: {  	[tilespmem:s29+$0x10] =	vst v1  }
0x360: {  	[tilespmem:s29+$0x20] =	vst v0  }
0x361: {  	[tilespmem:s29+$0xFFFFFFC0] =	vst v3  }
0x362: {  	s29 =	rddreg [dreg:$0x13]  }
0x363: {  	[tilespmem:s1], [sflag:$0x1] =	stream.strided.gather [hbm4b:s29+s21], $0x18700, s22, s21, $0x38;
	[tilespmem:$0x1C700] =	vst v63  }
0x364: {  	s29 =	sld [smem:$0x7EA];
	_ =	sdelay $0x2  }
0x365: {  	[hbm4b:s29+s21] =	stream.strided.scatter [tilespmem:s23], [sflag:$0x2], $0x4000, s22, s21, $0x38;
	[tilespmem:$0x1C700] =	vst v63  }
0x366: {  	_ =	swait.ge [sflag:s26], $0x4000  }
0x367: {  	[sflag:s26] =	ssyncset.done $0x0  }
0x368: {  	[sflag:s26] =	ssyncadd.s32 $0xFFFFC000  }
0x369: {  	[tilespmem:s23], [sflag:$0x3] =	stream.strided.gather [hbm4b:s9+s21], $0x4000, s22, s21, $0x38;
	[tilespmem:$0x1C700] =	vst v63  }
0x36a: {  	_ =	swait.ge [sflag:s24], $0x4000  }
0x36b: {  	[sflag:s24] =	ssyncset.done $0x0  }
0x36c: {  	[sflag:s24] =	ssyncadd.s32 $0xFFFFC000  }
0x36d: {  	_ =	swait.ge [sflag:s25], $0x18700  }
0x36e: {  	[sflag:s25] =	ssyncset.done $0x0  }
0x36f: {  	s29 =	simm.s32 $0x18740;
	[sflag:s25] =	ssyncadd.s32 $0xFFFE7900  }
0x370: {  	v0 =	vld [tilespmem:s29+$0x30]  }
0x371: {  	v1 =	vld [tilespmem:s29+$0xFFFFFFD0]  }
0x372: {  	v2 =	vld [tilespmem:s29+$0xFFFFFFE0]  }
0x373: {  	v3 =	vld [tilespmem:s29+$0xFFFFFFF0]  }
0x374: {  	v6 =	vld [tilespmem:s29+$0x0]  }
0x375: {  	v7 =	vld [tilespmem:s29+$0x10]  }
0x376: {  	v8 =	vld [tilespmem:s29+$0x20]  }
0x377: {  	v9 =	vld [tilespmem:s29+$0xFFFFFFC0]  }
0x378: {  	v10 =	vld.idx.msk [tilespmem:v0+s1+$0x0], $0xffff  }
0x379: {  	v11 =	vld.idx.msk [tilespmem:v1+s1+$0x0], $0xffff  }
0x37a: {  	v5 =	vld.idx.msk [tilespmem:v2+s1+$0x0], $0xffff  }
0x37b: {  	v4 =	vld.idx.msk [tilespmem:v3+s1+$0x0], $0xffff  }
0x37c: {  	v2 =	vld.idx.msk [tilespmem:v6+s1+$0x0], $0xffff  }
0x37d: {  	v1 =	vld.idx.msk [tilespmem:v7+s1+$0x0], $0xffff  }
0x37e: {  	v0 =	vld.idx.msk [tilespmem:v8+s1+$0x0], $0xffff;
	[tilespmem:s29+$0x30] =	vst v10  }
0x37f: {  	s30 =	simm.s32 $0x0;
	s31 =	simm.s32 $0x187C0;
	v3 =	vld.idx.msk [tilespmem:v9+s1+$0x0], $0xffff;
	[tilespmem:s29+$0xFFFFFFD0] =	vst v11  }
.LBB2_32:
0x380: {  	v6 =	vld [tilespmem:s31+$0x30];
	s30 =	sadd.s32 $0x80, s30;
	[tilespmem:s29+$0xFFFFFFE0] =	vst v5  }
0x381: {  	v5 =	vld [tilespmem:s31+$0xFFFFFFD0];
	p0 =	slt.u32 s30, $0x3F80;
	[tilespmem:s29+$0xFFFFFFF0] =	vst v4  }
0x382: {  	v4 =	vld [tilespmem:s31+$0xFFFFFFE0];
	[tilespmem:s29+$0x0] =	vst v2  }
0x383: {  	v2 =	vld [tilespmem:s31+$0xFFFFFFF0];
	[tilespmem:s29+$0x10] =	vst v1  }
0x384: {  	v1 =	vld [tilespmem:s31+$0x0];
	[tilespmem:s29+$0x20] =	vst v0  }
0x385: {  	v0 =	vld [tilespmem:s31+$0x10];
	[tilespmem:s29+$0xFFFFFFC0] =	vst v3;
	s29 =	smov.u32 s31  }
0x386: {  	v3 =	vld [tilespmem:s31+$0x20]  }
0x387: {  	v7 =	vld [tilespmem:s31+$0xFFFFFFC0]  }
0x388: {  	v6 =	vld.idx.msk [tilespmem:v6+s1+$0x0], $0xffff  }
0x389: {  	v8 =	vld.idx.msk [tilespmem:v5+s1+$0x0], $0xffff  }
0x38a: {  	v5 =	vld.idx.msk [tilespmem:v4+s1+$0x0], $0xffff  }
.Ltmp15:
0x38b: {  	v4 =	vld.idx.msk [tilespmem:v2+s1+$0x0], $0xffff;
	(pc) =	sbr.rel @p0 .LBB2_32-.Ltmp15, $4  }
0x38c: {  	v2 =	vld.idx.msk [tilespmem:v1+s1+$0x0], $0xffff  }
0x38d: {  	v1 =	vld.idx.msk [tilespmem:v0+s1+$0x0], $0xffff  }
0x38e: {  	v0 =	vld.idx.msk [tilespmem:v3+s1+$0x0], $0xffff;
	[tilespmem:s31+$0x30] =	vst v6  }
0x38f: {  	s31 =	sadd.s32 $0x80, s31;
	v3 =	vld.idx.msk [tilespmem:v7+s1+$0x0], $0xffff;
	[tilespmem:s29+$0xFFFFFFD0] =	vst v8  }
0x390: {  	[tilespmem:s29+$0xFFFFFFE0] =	vst v5  }
0x391: {  	[tilespmem:s29+$0xFFFFFFF0] =	vst v4  }
0x392: {  	[tilespmem:s29+$0x0] =	vst v2  }
0x393: {  	[tilespmem:s29+$0x10] =	vst v1  }
0x394: {  	[tilespmem:s29+$0x20] =	vst v0  }
0x395: {  	[tilespmem:s29+$0xFFFFFFC0] =	vst v3  }
0x396: {  	s29 =	rddreg [dreg:$0x14]  }
0x397: {  	[tilespmem:s1], [sflag:$0x1] =	stream.strided.gather [hbm4b:s29+s21], $0x18700, s22, s21, $0x38;
	[tilespmem:$0x1C700] =	vst v63  }
0x398: {  	s29 =	sld [smem:$0x7EB];
	_ =	sdelay $0x2  }
0x399: {  	[hbm4b:s29+s21] =	stream.strided.scatter [tilespmem:s23], [sflag:$0x2], $0x4000, s22, s21, $0x38;
	[tilespmem:$0x1C700] =	vst v63  }
0x39a: {  	_ =	swait.ge [sflag:s26], $0x4000  }
0x39b: {  	[sflag:s26] =	ssyncset.done $0x0  }
0x39c: {  	[sflag:s26] =	ssyncadd.s32 $0xFFFFC000  }
0x39d: {  	[tilespmem:s23], [sflag:$0x3] =	stream.strided.gather [hbm4b:s10+s21], $0x4000, s22, s21, $0x38;
	[tilespmem:$0x1C700] =	vst v63  }
0x39e: {  	_ =	swait.ge [sflag:s24], $0x4000  }
0x39f: {  	[sflag:s24] =	ssyncset.done $0x0  }
0x3a0: {  	[sflag:s24] =	ssyncadd.s32 $0xFFFFC000  }
0x3a1: {  	_ =	swait.ge [sflag:s25], $0x18700  }
0x3a2: {  	[sflag:s25] =	ssyncset.done $0x0  }
0x3a3: {  	s29 =	simm.s32 $0x18740;
	[sflag:s25] =	ssyncadd.s32 $0xFFFE7900  }
0x3a4: {  	v0 =	vld [tilespmem:s29+$0x30]  }
0x3a5: {  	v1 =	vld [tilespmem:s29+$0xFFFFFFD0]  }
0x3a6: {  	v2 =	vld [tilespmem:s29+$0xFFFFFFE0]  }
0x3a7: {  	v3 =	vld [tilespmem:s29+$0xFFFFFFF0]  }
0x3a8: {  	v6 =	vld [tilespmem:s29+$0x0]  }
0x3a9: {  	v7 =	vld [tilespmem:s29+$0x10]  }
0x3aa: {  	v8 =	vld [tilespmem:s29+$0x20]  }
0x3ab: {  	v9 =	vld [tilespmem:s29+$0xFFFFFFC0]  }
0x3ac: {  	v10 =	vld.idx.msk [tilespmem:v0+s1+$0x0], $0xffff  }
0x3ad: {  	v11 =	vld.idx.msk [tilespmem:v1+s1+$0x0], $0xffff  }
0x3ae: {  	v5 =	vld.idx.msk [tilespmem:v2+s1+$0x0], $0xffff  }
0x3af: {  	v4 =	vld.idx.msk [tilespmem:v3+s1+$0x0], $0xffff  }
0x3b0: {  	v2 =	vld.idx.msk [tilespmem:v6+s1+$0x0], $0xffff  }
0x3b1: {  	v1 =	vld.idx.msk [tilespmem:v7+s1+$0x0], $0xffff  }
0x3b2: {  	v0 =	vld.idx.msk [tilespmem:v8+s1+$0x0], $0xffff;
	[tilespmem:s29+$0x30] =	vst v10  }
0x3b3: {  	s30 =	simm.s32 $0x0;
	s31 =	simm.s32 $0x187C0;
	v3 =	vld.idx.msk [tilespmem:v9+s1+$0x0], $0xffff;
	[tilespmem:s29+$0xFFFFFFD0] =	vst v11  }
.LBB2_34:
0x3b4: {  	v6 =	vld [tilespmem:s31+$0x30];
	s30 =	sadd.s32 $0x80, s30;
	[tilespmem:s29+$0xFFFFFFE0] =	vst v5  }
0x3b5: {  	v5 =	vld [tilespmem:s31+$0xFFFFFFD0];
	p0 =	slt.u32 s30, $0x3F80;
	[tilespmem:s29+$0xFFFFFFF0] =	vst v4  }
0x3b6: {  	v4 =	vld [tilespmem:s31+$0xFFFFFFE0];
	[tilespmem:s29+$0x0] =	vst v2  }
0x3b7: {  	v2 =	vld [tilespmem:s31+$0xFFFFFFF0];
	[tilespmem:s29+$0x10] =	vst v1  }
0x3b8: {  	v1 =	vld [tilespmem:s31+$0x0];
	[tilespmem:s29+$0x20] =	vst v0  }
0x3b9: {  	v0 =	vld [tilespmem:s31+$0x10];
	[tilespmem:s29+$0xFFFFFFC0] =	vst v3;
	s29 =	smov.u32 s31  }
0x3ba: {  	v3 =	vld [tilespmem:s31+$0x20]  }
0x3bb: {  	v7 =	vld [tilespmem:s31+$0xFFFFFFC0]  }
0x3bc: {  	v6 =	vld.idx.msk [tilespmem:v6+s1+$0x0], $0xffff  }
0x3bd: {  	v8 =	vld.idx.msk [tilespmem:v5+s1+$0x0], $0xffff  }
0x3be: {  	v5 =	vld.idx.msk [tilespmem:v4+s1+$0x0], $0xffff  }
.Ltmp16:
0x3bf: {  	v4 =	vld.idx.msk [tilespmem:v2+s1+$0x0], $0xffff;
	(pc) =	sbr.rel @p0 .LBB2_34-.Ltmp16, $4  }
0x3c0: {  	v2 =	vld.idx.msk [tilespmem:v1+s1+$0x0], $0xffff  }
0x3c1: {  	v1 =	vld.idx.msk [tilespmem:v0+s1+$0x0], $0xffff  }
0x3c2: {  	v0 =	vld.idx.msk [tilespmem:v3+s1+$0x0], $0xffff;
	[tilespmem:s31+$0x30] =	vst v6  }
0x3c3: {  	s31 =	sadd.s32 $0x80, s31;
	v3 =	vld.idx.msk [tilespmem:v7+s1+$0x0], $0xffff;
	[tilespmem:s29+$0xFFFFFFD0] =	vst v8  }
0x3c4: {  	[tilespmem:s29+$0xFFFFFFE0] =	vst v5  }
0x3c5: {  	[tilespmem:s29+$0xFFFFFFF0] =	vst v4  }
0x3c6: {  	[tilespmem:s29+$0x0] =	vst v2  }
0x3c7: {  	[tilespmem:s29+$0x10] =	vst v1  }
0x3c8: {  	[tilespmem:s29+$0x20] =	vst v0  }
0x3c9: {  	[tilespmem:s29+$0xFFFFFFC0] =	vst v3  }
0x3ca: {  	s29 =	rddreg [dreg:$0x15]  }
0x3cb: {  	[tilespmem:s1], [sflag:$0x1] =	stream.strided.gather [hbm4b:s29+s21], $0x18700, s22, s21, $0x38;
	[tilespmem:$0x1C700] =	vst v63  }
0x3cc: {  	s29 =	sld [smem:$0x7EC];
	_ =	sdelay $0x2  }
0x3cd: {  	[hbm4b:s29+s21] =	stream.strided.scatter [tilespmem:s23], [sflag:$0x2], $0x4000, s22, s21, $0x38;
	[tilespmem:$0x1C700] =	vst v63  }
0x3ce: {  	_ =	swait.ge [sflag:s26], $0x4000  }
0x3cf: {  	[sflag:s26] =	ssyncset.done $0x0  }
0x3d0: {  	[sflag:s26] =	ssyncadd.s32 $0xFFFFC000  }
0x3d1: {  	[tilespmem:s23], [sflag:$0x3] =	stream.strided.gather [hbm4b:s11+s21], $0x4000, s22, s21, $0x38;
	[tilespmem:$0x1C700] =	vst v63  }
0x3d2: {  	_ =	swait.ge [sflag:s24], $0x4000  }
0x3d3: {  	[sflag:s24] =	ssyncset.done $0x0  }
0x3d4: {  	[sflag:s24] =	ssyncadd.s32 $0xFFFFC000  }
0x3d5: {  	_ =	swait.ge [sflag:s25], $0x18700  }
0x3d6: {  	[sflag:s25] =	ssyncset.done $0x0  }
0x3d7: {  	s29 =	simm.s32 $0x18740;
	[sflag:s25] =	ssyncadd.s32 $0xFFFE7900  }
0x3d8: {  	v0 =	vld [tilespmem:s29+$0x30]  }
0x3d9: {  	v1 =	vld [tilespmem:s29+$0xFFFFFFD0]  }
0x3da: {  	v2 =	vld [tilespmem:s29+$0xFFFFFFE0]  }
0x3db: {  	v3 =	vld [tilespmem:s29+$0xFFFFFFF0]  }
0x3dc: {  	v6 =	vld [tilespmem:s29+$0x0]  }
0x3dd: {  	v7 =	vld [tilespmem:s29+$0x10]  }
0x3de: {  	v8 =	vld [tilespmem:s29+$0x20]  }
0x3df: {  	v9 =	vld [tilespmem:s29+$0xFFFFFFC0]  }
0x3e0: {  	v10 =	vld.idx.msk [tilespmem:v0+s1+$0x0], $0xffff  }
0x3e1: {  	v11 =	vld.idx.msk [tilespmem:v1+s1+$0x0], $0xffff  }
0x3e2: {  	v5 =	vld.idx.msk [tilespmem:v2+s1+$0x0], $0xffff  }
0x3e3: {  	v4 =	vld.idx.msk [tilespmem:v3+s1+$0x0], $0xffff  }
0x3e4: {  	v2 =	vld.idx.msk [tilespmem:v6+s1+$0x0], $0xffff  }
0x3e5: {  	v1 =	vld.idx.msk [tilespmem:v7+s1+$0x0], $0xffff  }
0x3e6: {  	v0 =	vld.idx.msk [tilespmem:v8+s1+$0x0], $0xffff;
	[tilespmem:s29+$0x30] =	vst v10  }
0x3e7: {  	s30 =	simm.s32 $0x0;
	s31 =	simm.s32 $0x187C0;
	v3 =	vld.idx.msk [tilespmem:v9+s1+$0x0], $0xffff;
	[tilespmem:s29+$0xFFFFFFD0] =	vst v11  }
.LBB2_36:
0x3e8: {  	v6 =	vld [tilespmem:s31+$0x30];
	s30 =	sadd.s32 $0x80, s30;
	[tilespmem:s29+$0xFFFFFFE0] =	vst v5  }
0x3e9: {  	v5 =	vld [tilespmem:s31+$0xFFFFFFD0];
	p0 =	slt.u32 s30, $0x3F80;
	[tilespmem:s29+$0xFFFFFFF0] =	vst v4  }
0x3ea: {  	v4 =	vld [tilespmem:s31+$0xFFFFFFE0];
	[tilespmem:s29+$0x0] =	vst v2  }
0x3eb: {  	v2 =	vld [tilespmem:s31+$0xFFFFFFF0];
	[tilespmem:s29+$0x10] =	vst v1  }
0x3ec: {  	v1 =	vld [tilespmem:s31+$0x0];
	[tilespmem:s29+$0x20] =	vst v0  }
0x3ed: {  	v0 =	vld [tilespmem:s31+$0x10];
	[tilespmem:s29+$0xFFFFFFC0] =	vst v3;
	s29 =	smov.u32 s31  }
0x3ee: {  	v3 =	vld [tilespmem:s31+$0x20]  }
0x3ef: {  	v7 =	vld [tilespmem:s31+$0xFFFFFFC0]  }
0x3f0: {  	v6 =	vld.idx.msk [tilespmem:v6+s1+$0x0], $0xffff  }
0x3f1: {  	v8 =	vld.idx.msk [tilespmem:v5+s1+$0x0], $0xffff  }
0x3f2: {  	v5 =	vld.idx.msk [tilespmem:v4+s1+$0x0], $0xffff  }
.Ltmp17:
0x3f3: {  	v4 =	vld.idx.msk [tilespmem:v2+s1+$0x0], $0xffff;
	(pc) =	sbr.rel @p0 .LBB2_36-.Ltmp17, $4  }
0x3f4: {  	v2 =	vld.idx.msk [tilespmem:v1+s1+$0x0], $0xffff  }
0x3f5: {  	v1 =	vld.idx.msk [tilespmem:v0+s1+$0x0], $0xffff  }
0x3f6: {  	v0 =	vld.idx.msk [tilespmem:v3+s1+$0x0], $0xffff;
	[tilespmem:s31+$0x30] =	vst v6  }
0x3f7: {  	s31 =	sadd.s32 $0x80, s31;
	v3 =	vld.idx.msk [tilespmem:v7+s1+$0x0], $0xffff;
	[tilespmem:s29+$0xFFFFFFD0] =	vst v8  }
0x3f8: {  	[tilespmem:s29+$0xFFFFFFE0] =	vst v5  }
0x3f9: {  	[tilespmem:s29+$0xFFFFFFF0] =	vst v4  }
0x3fa: {  	[tilespmem:s29+$0x0] =	vst v2  }
0x3fb: {  	[tilespmem:s29+$0x10] =	vst v1  }
0x3fc: {  	[tilespmem:s29+$0x20] =	vst v0  }
0x3fd: {  	[tilespmem:s29+$0xFFFFFFC0] =	vst v3  }
0x3fe: {  	s29 =	rddreg [dreg:$0x16]  }
0x3ff: {  	[tilespmem:s1], [sflag:$0x1] =	stream.strided.gather [hbm4b:s29+s21], $0x18700, s22, s21, $0x38;
	[tilespmem:$0x1C700] =	vst v63  }
0x400: {  	s29 =	sld [smem:$0x7ED];
	_ =	sdelay $0x2  }
0x401: {  	[hbm4b:s29+s21] =	stream.strided.scatter [tilespmem:s23], [sflag:$0x2], $0x4000, s22, s21, $0x38;
	[tilespmem:$0x1C700] =	vst v63  }
0x402: {  	_ =	swait.ge [sflag:s26], $0x4000  }
0x403: {  	[sflag:s26] =	ssyncset.done $0x0  }
0x404: {  	[sflag:s26] =	ssyncadd.s32 $0xFFFFC000  }
0x405: {  	[tilespmem:s23], [sflag:$0x3] =	stream.strided.gather [hbm4b:s12+s21], $0x4000, s22, s21, $0x38;
	[tilespmem:$0x1C700] =	vst v63  }
0x406: {  	_ =	swait.ge [sflag:s24], $0x4000  }
0x407: {  	[sflag:s24] =	ssyncset.done $0x0  }
0x408: {  	[sflag:s24] =	ssyncadd.s32 $0xFFFFC000  }
0x409: {  	_ =	swait.ge [sflag:s25], $0x18700  }
0x40a: {  	[sflag:s25] =	ssyncset.done $0x0  }
0x40b: {  	s29 =	simm.s32 $0x18740;
	[sflag:s25] =	ssyncadd.s32 $0xFFFE7900  }
0x40c: {  	v0 =	vld [tilespmem:s29+$0x30]  }
0x40d: {  	v1 =	vld [tilespmem:s29+$0xFFFFFFD0]  }
0x40e: {  	v2 =	vld [tilespmem:s29+$0xFFFFFFE0]  }
0x40f: {  	v3 =	vld [tilespmem:s29+$0xFFFFFFF0]  }
0x410: {  	v6 =	vld [tilespmem:s29+$0x0]  }
0x411: {  	v7 =	vld [tilespmem:s29+$0x10]  }
0x412: {  	v8 =	vld [tilespmem:s29+$0x20]  }
0x413: {  	v9 =	vld [tilespmem:s29+$0xFFFFFFC0]  }
0x414: {  	v10 =	vld.idx.msk [tilespmem:v0+s1+$0x0], $0xffff  }
0x415: {  	v11 =	vld.idx.msk [tilespmem:v1+s1+$0x0], $0xffff  }
0x416: {  	v5 =	vld.idx.msk [tilespmem:v2+s1+$0x0], $0xffff  }
0x417: {  	v4 =	vld.idx.msk [tilespmem:v3+s1+$0x0], $0xffff  }
0x418: {  	v2 =	vld.idx.msk [tilespmem:v6+s1+$0x0], $0xffff  }
0x419: {  	v1 =	vld.idx.msk [tilespmem:v7+s1+$0x0], $0xffff  }
0x41a: {  	v0 =	vld.idx.msk [tilespmem:v8+s1+$0x0], $0xffff;
	[tilespmem:s29+$0x30] =	vst v10  }
0x41b: {  	s30 =	simm.s32 $0x0;
	s31 =	simm.s32 $0x187C0;
	v3 =	vld.idx.msk [tilespmem:v9+s1+$0x0], $0xffff;
	[tilespmem:s29+$0xFFFFFFD0] =	vst v11  }
.LBB2_38:
0x41c: {  	v6 =	vld [tilespmem:s31+$0x30];
	s30 =	sadd.s32 $0x80, s30;
	[tilespmem:s29+$0xFFFFFFE0] =	vst v5  }
0x41d: {  	v5 =	vld [tilespmem:s31+$0xFFFFFFD0];
	p0 =	slt.u32 s30, $0x3F80;
	[tilespmem:s29+$0xFFFFFFF0] =	vst v4  }
0x41e: {  	v4 =	vld [tilespmem:s31+$0xFFFFFFE0];
	[tilespmem:s29+$0x0] =	vst v2  }
0x41f: {  	v2 =	vld [tilespmem:s31+$0xFFFFFFF0];
	[tilespmem:s29+$0x10] =	vst v1  }
0x420: {  	v1 =	vld [tilespmem:s31+$0x0];
	[tilespmem:s29+$0x20] =	vst v0  }
0x421: {  	v0 =	vld [tilespmem:s31+$0x10];
	[tilespmem:s29+$0xFFFFFFC0] =	vst v3;
	s29 =	smov.u32 s31  }
0x422: {  	v3 =	vld [tilespmem:s31+$0x20]  }
0x423: {  	v7 =	vld [tilespmem:s31+$0xFFFFFFC0]  }
0x424: {  	v6 =	vld.idx.msk [tilespmem:v6+s1+$0x0], $0xffff  }
0x425: {  	v8 =	vld.idx.msk [tilespmem:v5+s1+$0x0], $0xffff  }
0x426: {  	v5 =	vld.idx.msk [tilespmem:v4+s1+$0x0], $0xffff  }
.Ltmp18:
0x427: {  	v4 =	vld.idx.msk [tilespmem:v2+s1+$0x0], $0xffff;
	(pc) =	sbr.rel @p0 .LBB2_38-.Ltmp18, $4  }
0x428: {  	v2 =	vld.idx.msk [tilespmem:v1+s1+$0x0], $0xffff  }
0x429: {  	v1 =	vld.idx.msk [tilespmem:v0+s1+$0x0], $0xffff  }
0x42a: {  	v0 =	vld.idx.msk [tilespmem:v3+s1+$0x0], $0xffff;
	[tilespmem:s31+$0x30] =	vst v6  }
0x42b: {  	s31 =	sadd.s32 $0x80, s31;
	v3 =	vld.idx.msk [tilespmem:v7+s1+$0x0], $0xffff;
	[tilespmem:s29+$0xFFFFFFD0] =	vst v8  }
0x42c: {  	[tilespmem:s29+$0xFFFFFFE0] =	vst v5  }
0x42d: {  	[tilespmem:s29+$0xFFFFFFF0] =	vst v4  }
0x42e: {  	[tilespmem:s29+$0x0] =	vst v2  }
0x42f: {  	[tilespmem:s29+$0x10] =	vst v1  }
0x430: {  	[tilespmem:s29+$0x20] =	vst v0  }
0x431: {  	[tilespmem:s29+$0xFFFFFFC0] =	vst v3  }
0x432: {  	s29 =	rddreg [dreg:$0x17]  }
0x433: {  	[tilespmem:s1], [sflag:$0x1] =	stream.strided.gather [hbm4b:s29+s21], $0x18700, s22, s21, $0x38;
	[tilespmem:$0x1C700] =	vst v63  }
0x434: {  	s29 =	sld [smem:$0x7EE];
	_ =	sdelay $0x2  }
0x435: {  	[hbm4b:s29+s21] =	stream.strided.scatter [tilespmem:s23], [sflag:$0x2], $0x4000, s22, s21, $0x38;
	[tilespmem:$0x1C700] =	vst v63  }
0x436: {  	_ =	swait.ge [sflag:s26], $0x4000  }
0x437: {  	[sflag:s26] =	ssyncset.done $0x0  }
0x438: {  	[sflag:s26] =	ssyncadd.s32 $0xFFFFC000  }
0x439: {  	[tilespmem:s23], [sflag:$0x3] =	stream.strided.gather [hbm4b:s13+s21], $0x4000, s22, s21, $0x38;
	[tilespmem:$0x1C700] =	vst v63  }
0x43a: {  	_ =	swait.ge [sflag:s24], $0x4000  }
0x43b: {  	[sflag:s24] =	ssyncset.done $0x0  }
0x43c: {  	[sflag:s24] =	ssyncadd.s32 $0xFFFFC000  }
0x43d: {  	_ =	swait.ge [sflag:s25], $0x18700  }
0x43e: {  	[sflag:s25] =	ssyncset.done $0x0  }
0x43f: {  	s29 =	simm.s32 $0x18740;
	[sflag:s25] =	ssyncadd.s32 $0xFFFE7900  }
0x440: {  	v0 =	vld [tilespmem:s29+$0x30]  }
0x441: {  	v1 =	vld [tilespmem:s29+$0xFFFFFFD0]  }
0x442: {  	v2 =	vld [tilespmem:s29+$0xFFFFFFE0]  }
0x443: {  	v3 =	vld [tilespmem:s29+$0xFFFFFFF0]  }
0x444: {  	v6 =	vld [tilespmem:s29+$0x0]  }
0x445: {  	v7 =	vld [tilespmem:s29+$0x10]  }
0x446: {  	v8 =	vld [tilespmem:s29+$0x20]  }
0x447: {  	v9 =	vld [tilespmem:s29+$0xFFFFFFC0]  }
0x448: {  	v10 =	vld.idx.msk [tilespmem:v0+s1+$0x0], $0xffff  }
0x449: {  	v11 =	vld.idx.msk [tilespmem:v1+s1+$0x0], $0xffff  }
0x44a: {  	v5 =	vld.idx.msk [tilespmem:v2+s1+$0x0], $0xffff  }
0x44b: {  	v4 =	vld.idx.msk [tilespmem:v3+s1+$0x0], $0xffff  }
0x44c: {  	v2 =	vld.idx.msk [tilespmem:v6+s1+$0x0], $0xffff  }
0x44d: {  	v1 =	vld.idx.msk [tilespmem:v7+s1+$0x0], $0xffff  }
0x44e: {  	v0 =	vld.idx.msk [tilespmem:v8+s1+$0x0], $0xffff;
	[tilespmem:s29+$0x30] =	vst v10  }
0x44f: {  	s30 =	simm.s32 $0x0;
	s31 =	simm.s32 $0x187C0;
	v3 =	vld.idx.msk [tilespmem:v9+s1+$0x0], $0xffff;
	[tilespmem:s29+$0xFFFFFFD0] =	vst v11  }
.LBB2_40:
0x450: {  	v6 =	vld [tilespmem:s31+$0x30];
	s30 =	sadd.s32 $0x80, s30;
	[tilespmem:s29+$0xFFFFFFE0] =	vst v5  }
0x451: {  	v5 =	vld [tilespmem:s31+$0xFFFFFFD0];
	p0 =	slt.u32 s30, $0x3F80;
	[tilespmem:s29+$0xFFFFFFF0] =	vst v4  }
0x452: {  	v4 =	vld [tilespmem:s31+$0xFFFFFFE0];
	[tilespmem:s29+$0x0] =	vst v2  }
0x453: {  	v2 =	vld [tilespmem:s31+$0xFFFFFFF0];
	[tilespmem:s29+$0x10] =	vst v1  }
0x454: {  	v1 =	vld [tilespmem:s31+$0x0];
	[tilespmem:s29+$0x20] =	vst v0  }
0x455: {  	v0 =	vld [tilespmem:s31+$0x10];
	[tilespmem:s29+$0xFFFFFFC0] =	vst v3;
	s29 =	smov.u32 s31  }
0x456: {  	v3 =	vld [tilespmem:s31+$0x20]  }
0x457: {  	v7 =	vld [tilespmem:s31+$0xFFFFFFC0]  }
0x458: {  	v6 =	vld.idx.msk [tilespmem:v6+s1+$0x0], $0xffff  }
0x459: {  	v8 =	vld.idx.msk [tilespmem:v5+s1+$0x0], $0xffff  }
0x45a: {  	v5 =	vld.idx.msk [tilespmem:v4+s1+$0x0], $0xffff  }
.Ltmp19:
0x45b: {  	v4 =	vld.idx.msk [tilespmem:v2+s1+$0x0], $0xffff;
	(pc) =	sbr.rel @p0 .LBB2_40-.Ltmp19, $4  }
0x45c: {  	v2 =	vld.idx.msk [tilespmem:v1+s1+$0x0], $0xffff  }
0x45d: {  	v1 =	vld.idx.msk [tilespmem:v0+s1+$0x0], $0xffff  }
0x45e: {  	v0 =	vld.idx.msk [tilespmem:v3+s1+$0x0], $0xffff;
	[tilespmem:s31+$0x30] =	vst v6  }
0x45f: {  	s31 =	sadd.s32 $0x80, s31;
	v3 =	vld.idx.msk [tilespmem:v7+s1+$0x0], $0xffff;
	[tilespmem:s29+$0xFFFFFFD0] =	vst v8  }
0x460: {  	[tilespmem:s29+$0xFFFFFFE0] =	vst v5  }
0x461: {  	[tilespmem:s29+$0xFFFFFFF0] =	vst v4  }
0x462: {  	[tilespmem:s29+$0x0] =	vst v2  }
0x463: {  	[tilespmem:s29+$0x10] =	vst v1  }
0x464: {  	[tilespmem:s29+$0x20] =	vst v0  }
0x465: {  	[tilespmem:s29+$0xFFFFFFC0] =	vst v3  }
0x466: {  	s29 =	rddreg [dreg:$0x18]  }
0x467: {  	[tilespmem:s1], [sflag:$0x1] =	stream.strided.gather [hbm4b:s29+s21], $0x18700, s22, s21, $0x38;
	[tilespmem:$0x1C700] =	vst v63  }
0x468: {  	s29 =	sld [smem:$0x7EF];
	_ =	sdelay $0x2  }
0x469: {  	[hbm4b:s29+s21] =	stream.strided.scatter [tilespmem:s23], [sflag:$0x2], $0x4000, s22, s21, $0x38;
	[tilespmem:$0x1C700] =	vst v63  }
0x46a: {  	_ =	swait.ge [sflag:s26], $0x4000  }
0x46b: {  	[sflag:s26] =	ssyncset.done $0x0  }
0x46c: {  	[sflag:s26] =	ssyncadd.s32 $0xFFFFC000  }
0x46d: {  	[tilespmem:s23], [sflag:$0x3] =	stream.strided.gather [hbm4b:s14+s21], $0x4000, s22, s21, $0x38;
	[tilespmem:$0x1C700] =	vst v63  }
0x46e: {  	_ =	swait.ge [sflag:s24], $0x4000  }
0x46f: {  	[sflag:s24] =	ssyncset.done $0x0  }
0x470: {  	[sflag:s24] =	ssyncadd.s32 $0xFFFFC000  }
0x471: {  	_ =	swait.ge [sflag:s25], $0x18700  }
0x472: {  	[sflag:s25] =	ssyncset.done $0x0  }
0x473: {  	s29 =	simm.s32 $0x18740;
	[sflag:s25] =	ssyncadd.s32 $0xFFFE7900  }
0x474: {  	v0 =	vld [tilespmem:s29+$0x30]  }
0x475: {  	v1 =	vld [tilespmem:s29+$0xFFFFFFD0]  }
0x476: {  	v2 =	vld [tilespmem:s29+$0xFFFFFFE0]  }
0x477: {  	v3 =	vld [tilespmem:s29+$0xFFFFFFF0]  }
0x478: {  	v6 =	vld [tilespmem:s29+$0x0]  }
0x479: {  	v7 =	vld [tilespmem:s29+$0x10]  }
0x47a: {  	v8 =	vld [tilespmem:s29+$0x20]  }
0x47b: {  	v9 =	vld [tilespmem:s29+$0xFFFFFFC0]  }
0x47c: {  	v10 =	vld.idx.msk [tilespmem:v0+s1+$0x0], $0xffff  }
0x47d: {  	v11 =	vld.idx.msk [tilespmem:v1+s1+$0x0], $0xffff  }
0x47e: {  	v5 =	vld.idx.msk [tilespmem:v2+s1+$0x0], $0xffff  }
0x47f: {  	v4 =	vld.idx.msk [tilespmem:v3+s1+$0x0], $0xffff  }
0x480: {  	v2 =	vld.idx.msk [tilespmem:v6+s1+$0x0], $0xffff  }
0x481: {  	v1 =	vld.idx.msk [tilespmem:v7+s1+$0x0], $0xffff  }
0x482: {  	v0 =	vld.idx.msk [tilespmem:v8+s1+$0x0], $0xffff;
	[tilespmem:s29+$0x30] =	vst v10  }
0x483: {  	s30 =	simm.s32 $0x0;
	s31 =	simm.s32 $0x187C0;
	v3 =	vld.idx.msk [tilespmem:v9+s1+$0x0], $0xffff;
	[tilespmem:s29+$0xFFFFFFD0] =	vst v11  }
.LBB2_42:
0x484: {  	v6 =	vld [tilespmem:s31+$0x30];
	s30 =	sadd.s32 $0x80, s30;
	[tilespmem:s29+$0xFFFFFFE0] =	vst v5  }
0x485: {  	v5 =	vld [tilespmem:s31+$0xFFFFFFD0];
	p0 =	slt.u32 s30, $0x3F80;
	[tilespmem:s29+$0xFFFFFFF0] =	vst v4  }
0x486: {  	v4 =	vld [tilespmem:s31+$0xFFFFFFE0];
	[tilespmem:s29+$0x0] =	vst v2  }
0x487: {  	v2 =	vld [tilespmem:s31+$0xFFFFFFF0];
	[tilespmem:s29+$0x10] =	vst v1  }
0x488: {  	v1 =	vld [tilespmem:s31+$0x0];
	[tilespmem:s29+$0x20] =	vst v0  }
0x489: {  	v0 =	vld [tilespmem:s31+$0x10];
	[tilespmem:s29+$0xFFFFFFC0] =	vst v3;
	s29 =	smov.u32 s31  }
0x48a: {  	v3 =	vld [tilespmem:s31+$0x20]  }
0x48b: {  	v7 =	vld [tilespmem:s31+$0xFFFFFFC0]  }
0x48c: {  	v6 =	vld.idx.msk [tilespmem:v6+s1+$0x0], $0xffff  }
0x48d: {  	v8 =	vld.idx.msk [tilespmem:v5+s1+$0x0], $0xffff  }
0x48e: {  	v5 =	vld.idx.msk [tilespmem:v4+s1+$0x0], $0xffff  }
.Ltmp20:
0x48f: {  	v4 =	vld.idx.msk [tilespmem:v2+s1+$0x0], $0xffff;
	(pc) =	sbr.rel @p0 .LBB2_42-.Ltmp20, $4  }
0x490: {  	v2 =	vld.idx.msk [tilespmem:v1+s1+$0x0], $0xffff  }
0x491: {  	v1 =	vld.idx.msk [tilespmem:v0+s1+$0x0], $0xffff  }
0x492: {  	v0 =	vld.idx.msk [tilespmem:v3+s1+$0x0], $0xffff;
	[tilespmem:s31+$0x30] =	vst v6  }
0x493: {  	s31 =	sadd.s32 $0x80, s31;
	v3 =	vld.idx.msk [tilespmem:v7+s1+$0x0], $0xffff;
	[tilespmem:s29+$0xFFFFFFD0] =	vst v8  }
0x494: {  	[tilespmem:s29+$0xFFFFFFE0] =	vst v5  }
0x495: {  	[tilespmem:s29+$0xFFFFFFF0] =	vst v4  }
0x496: {  	[tilespmem:s29+$0x0] =	vst v2  }
0x497: {  	[tilespmem:s29+$0x10] =	vst v1  }
0x498: {  	[tilespmem:s29+$0x20] =	vst v0  }
0x499: {  	[tilespmem:s29+$0xFFFFFFC0] =	vst v3  }
0x49a: {  	s29 =	rddreg [dreg:$0x19]  }
0x49b: {  	[tilespmem:s1], [sflag:$0x1] =	stream.strided.gather [hbm4b:s29+s21], $0x18700, s22, s21, $0x38;
	[tilespmem:$0x1C700] =	vst v63  }
0x49c: {  	s29 =	sld [smem:$0x7F0];
	_ =	sdelay $0x2  }
0x49d: {  	[hbm4b:s29+s21] =	stream.strided.scatter [tilespmem:s23], [sflag:$0x2], $0x4000, s22, s21, $0x38;
	[tilespmem:$0x1C700] =	vst v63  }
0x49e: {  	_ =	swait.ge [sflag:s26], $0x4000  }
0x49f: {  	[sflag:s26] =	ssyncset.done $0x0  }
0x4a0: {  	[sflag:s26] =	ssyncadd.s32 $0xFFFFC000  }
0x4a1: {  	[tilespmem:s23], [sflag:$0x3] =	stream.strided.gather [hbm4b:s15+s21], $0x4000, s22, s21, $0x38;
	[tilespmem:$0x1C700] =	vst v63  }
0x4a2: {  	_ =	swait.ge [sflag:s24], $0x4000  }
0x4a3: {  	[sflag:s24] =	ssyncset.done $0x0  }
0x4a4: {  	[sflag:s24] =	ssyncadd.s32 $0xFFFFC000  }
0x4a5: {  	_ =	swait.ge [sflag:s25], $0x18700  }
0x4a6: {  	[sflag:s25] =	ssyncset.done $0x0  }
0x4a7: {  	s29 =	simm.s32 $0x18740;
	[sflag:s25] =	ssyncadd.s32 $0xFFFE7900  }
0x4a8: {  	v0 =	vld [tilespmem:s29+$0x30]  }
0x4a9: {  	v1 =	vld [tilespmem:s29+$0xFFFFFFD0]  }
0x4aa: {  	v2 =	vld [tilespmem:s29+$0xFFFFFFE0]  }
0x4ab: {  	v3 =	vld [tilespmem:s29+$0xFFFFFFF0]  }
0x4ac: {  	v6 =	vld [tilespmem:s29+$0x0]  }
0x4ad: {  	v7 =	vld [tilespmem:s29+$0x10]  }
0x4ae: {  	v8 =	vld [tilespmem:s29+$0x20]  }
0x4af: {  	v9 =	vld [tilespmem:s29+$0xFFFFFFC0]  }
0x4b0: {  	v10 =	vld.idx.msk [tilespmem:v0+s1+$0x0], $0xffff  }
0x4b1: {  	v11 =	vld.idx.msk [tilespmem:v1+s1+$0x0], $0xffff  }
0x4b2: {  	v5 =	vld.idx.msk [tilespmem:v2+s1+$0x0], $0xffff  }
0x4b3: {  	v4 =	vld.idx.msk [tilespmem:v3+s1+$0x0], $0xffff  }
0x4b4: {  	v2 =	vld.idx.msk [tilespmem:v6+s1+$0x0], $0xffff  }
0x4b5: {  	v1 =	vld.idx.msk [tilespmem:v7+s1+$0x0], $0xffff  }
0x4b6: {  	v0 =	vld.idx.msk [tilespmem:v8+s1+$0x0], $0xffff;
	[tilespmem:s29+$0x30] =	vst v10  }
0x4b7: {  	s30 =	simm.s32 $0x0;
	s31 =	simm.s32 $0x187C0;
	v3 =	vld.idx.msk [tilespmem:v9+s1+$0x0], $0xffff;
	[tilespmem:s29+$0xFFFFFFD0] =	vst v11  }
.LBB2_44:
0x4b8: {  	v6 =	vld [tilespmem:s31+$0x30];
	s30 =	sadd.s32 $0x80, s30;
	[tilespmem:s29+$0xFFFFFFE0] =	vst v5  }
0x4b9: {  	v5 =	vld [tilespmem:s31+$0xFFFFFFD0];
	p0 =	slt.u32 s30, $0x3F80;
	[tilespmem:s29+$0xFFFFFFF0] =	vst v4  }
0x4ba: {  	v4 =	vld [tilespmem:s31+$0xFFFFFFE0];
	[tilespmem:s29+$0x0] =	vst v2  }
0x4bb: {  	v2 =	vld [tilespmem:s31+$0xFFFFFFF0];
	[tilespmem:s29+$0x10] =	vst v1  }
0x4bc: {  	v1 =	vld [tilespmem:s31+$0x0];
	[tilespmem:s29+$0x20] =	vst v0  }
0x4bd: {  	v0 =	vld [tilespmem:s31+$0x10];
	[tilespmem:s29+$0xFFFFFFC0] =	vst v3;
	s29 =	smov.u32 s31  }
0x4be: {  	v3 =	vld [tilespmem:s31+$0x20]  }
0x4bf: {  	v7 =	vld [tilespmem:s31+$0xFFFFFFC0]  }
0x4c0: {  	v6 =	vld.idx.msk [tilespmem:v6+s1+$0x0], $0xffff  }
0x4c1: {  	v8 =	vld.idx.msk [tilespmem:v5+s1+$0x0], $0xffff  }
0x4c2: {  	v5 =	vld.idx.msk [tilespmem:v4+s1+$0x0], $0xffff  }
.Ltmp21:
0x4c3: {  	v4 =	vld.idx.msk [tilespmem:v2+s1+$0x0], $0xffff;
	(pc) =	sbr.rel @p0 .LBB2_44-.Ltmp21, $4  }
0x4c4: {  	v2 =	vld.idx.msk [tilespmem:v1+s1+$0x0], $0xffff  }
0x4c5: {  	v1 =	vld.idx.msk [tilespmem:v0+s1+$0x0], $0xffff  }
0x4c6: {  	v0 =	vld.idx.msk [tilespmem:v3+s1+$0x0], $0xffff;
	[tilespmem:s31+$0x30] =	vst v6  }
0x4c7: {  	s31 =	sadd.s32 $0x80, s31;
	v3 =	vld.idx.msk [tilespmem:v7+s1+$0x0], $0xffff;
	[tilespmem:s29+$0xFFFFFFD0] =	vst v8  }
0x4c8: {  	[tilespmem:s29+$0xFFFFFFE0] =	vst v5  }
0x4c9: {  	[tilespmem:s29+$0xFFFFFFF0] =	vst v4  }
0x4ca: {  	[tilespmem:s29+$0x0] =	vst v2  }
0x4cb: {  	[tilespmem:s29+$0x10] =	vst v1  }
0x4cc: {  	[tilespmem:s29+$0x20] =	vst v0  }
0x4cd: {  	[tilespmem:s29+$0xFFFFFFC0] =	vst v3  }
0x4ce: {  	s29 =	rddreg [dreg:$0x1a]  }
0x4cf: {  	[tilespmem:s1], [sflag:$0x1] =	stream.strided.gather [hbm4b:s29+s21], $0x18700, s22, s21, $0x38;
	[tilespmem:$0x1C700] =	vst v63  }
0x4d0: {  	s29 =	sld [smem:$0x7F1];
	_ =	sdelay $0x2  }
0x4d1: {  	[hbm4b:s29+s21] =	stream.strided.scatter [tilespmem:s23], [sflag:$0x2], $0x4000, s22, s21, $0x38;
	[tilespmem:$0x1C700] =	vst v63  }
0x4d2: {  	_ =	swait.ge [sflag:s26], $0x4000  }
0x4d3: {  	[sflag:s26] =	ssyncset.done $0x0  }
0x4d4: {  	[sflag:s26] =	ssyncadd.s32 $0xFFFFC000  }
0x4d5: {  	[tilespmem:s23], [sflag:$0x3] =	stream.strided.gather [hbm4b:s16+s21], $0x4000, s22, s21, $0x38;
	[tilespmem:$0x1C700] =	vst v63  }
0x4d6: {  	_ =	swait.ge [sflag:s24], $0x4000  }
0x4d7: {  	[sflag:s24] =	ssyncset.done $0x0  }
0x4d8: {  	[sflag:s24] =	ssyncadd.s32 $0xFFFFC000  }
0x4d9: {  	_ =	swait.ge [sflag:s25], $0x18700  }
0x4da: {  	[sflag:s25] =	ssyncset.done $0x0  }
0x4db: {  	s29 =	simm.s32 $0x18740;
	[sflag:s25] =	ssyncadd.s32 $0xFFFE7900  }
0x4dc: {  	v0 =	vld [tilespmem:s29+$0x30]  }
0x4dd: {  	v1 =	vld [tilespmem:s29+$0xFFFFFFD0]  }
0x4de: {  	v2 =	vld [tilespmem:s29+$0xFFFFFFE0]  }
0x4df: {  	v3 =	vld [tilespmem:s29+$0xFFFFFFF0]  }
0x4e0: {  	v6 =	vld [tilespmem:s29+$0x0]  }
0x4e1: {  	v7 =	vld [tilespmem:s29+$0x10]  }
0x4e2: {  	v8 =	vld [tilespmem:s29+$0x20]  }
0x4e3: {  	v9 =	vld [tilespmem:s29+$0xFFFFFFC0]  }
0x4e4: {  	v10 =	vld.idx.msk [tilespmem:v0+s1+$0x0], $0xffff  }
0x4e5: {  	v11 =	vld.idx.msk [tilespmem:v1+s1+$0x0], $0xffff  }
0x4e6: {  	v5 =	vld.idx.msk [tilespmem:v2+s1+$0x0], $0xffff  }
0x4e7: {  	v4 =	vld.idx.msk [tilespmem:v3+s1+$0x0], $0xffff  }
0x4e8: {  	v2 =	vld.idx.msk [tilespmem:v6+s1+$0x0], $0xffff  }
0x4e9: {  	v1 =	vld.idx.msk [tilespmem:v7+s1+$0x0], $0xffff  }
0x4ea: {  	v0 =	vld.idx.msk [tilespmem:v8+s1+$0x0], $0xffff;
	[tilespmem:s29+$0x30] =	vst v10  }
0x4eb: {  	s30 =	simm.s32 $0x0;
	s31 =	simm.s32 $0x187C0;
	v3 =	vld.idx.msk [tilespmem:v9+s1+$0x0], $0xffff;
	[tilespmem:s29+$0xFFFFFFD0] =	vst v11  }
.LBB2_46:
0x4ec: {  	v6 =	vld [tilespmem:s31+$0x30];
	s30 =	sadd.s32 $0x80, s30;
	[tilespmem:s29+$0xFFFFFFE0] =	vst v5  }
0x4ed: {  	v5 =	vld [tilespmem:s31+$0xFFFFFFD0];
	p0 =	slt.u32 s30, $0x3F80;
	[tilespmem:s29+$0xFFFFFFF0] =	vst v4  }
0x4ee: {  	v4 =	vld [tilespmem:s31+$0xFFFFFFE0];
	[tilespmem:s29+$0x0] =	vst v2  }
0x4ef: {  	v2 =	vld [tilespmem:s31+$0xFFFFFFF0];
	[tilespmem:s29+$0x10] =	vst v1  }
0x4f0: {  	v1 =	vld [tilespmem:s31+$0x0];
	[tilespmem:s29+$0x20] =	vst v0  }
0x4f1: {  	v0 =	vld [tilespmem:s31+$0x10];
	[tilespmem:s29+$0xFFFFFFC0] =	vst v3;
	s29 =	smov.u32 s31  }
0x4f2: {  	v3 =	vld [tilespmem:s31+$0x20]  }
0x4f3: {  	v7 =	vld [tilespmem:s31+$0xFFFFFFC0]  }
0x4f4: {  	v6 =	vld.idx.msk [tilespmem:v6+s1+$0x0], $0xffff  }
0x4f5: {  	v8 =	vld.idx.msk [tilespmem:v5+s1+$0x0], $0xffff  }
0x4f6: {  	v5 =	vld.idx.msk [tilespmem:v4+s1+$0x0], $0xffff  }
.Ltmp22:
0x4f7: {  	v4 =	vld.idx.msk [tilespmem:v2+s1+$0x0], $0xffff;
	(pc) =	sbr.rel @p0 .LBB2_46-.Ltmp22, $4  }
0x4f8: {  	v2 =	vld.idx.msk [tilespmem:v1+s1+$0x0], $0xffff  }
0x4f9: {  	v1 =	vld.idx.msk [tilespmem:v0+s1+$0x0], $0xffff  }
0x4fa: {  	v0 =	vld.idx.msk [tilespmem:v3+s1+$0x0], $0xffff;
	[tilespmem:s31+$0x30] =	vst v6  }
0x4fb: {  	s31 =	sadd.s32 $0x80, s31;
	v3 =	vld.idx.msk [tilespmem:v7+s1+$0x0], $0xffff;
	[tilespmem:s29+$0xFFFFFFD0] =	vst v8  }
0x4fc: {  	[tilespmem:s29+$0xFFFFFFE0] =	vst v5  }
0x4fd: {  	[tilespmem:s29+$0xFFFFFFF0] =	vst v4  }
0x4fe: {  	[tilespmem:s29+$0x0] =	vst v2  }
0x4ff: {  	[tilespmem:s29+$0x10] =	vst v1  }
0x500: {  	[tilespmem:s29+$0x20] =	vst v0  }
0x501: {  	[tilespmem:s29+$0xFFFFFFC0] =	vst v3  }
0x502: {  	s29 =	rddreg [dreg:$0x1b]  }
0x503: {  	[tilespmem:s1], [sflag:$0x1] =	stream.strided.gather [hbm4b:s29+s21], $0x18700, s22, s21, $0x38;
	[tilespmem:$0x1C700] =	vst v63  }
0x504: {  	s29 =	sld [smem:$0x7F2];
	_ =	sdelay $0x2  }
0x505: {  	[hbm4b:s29+s21] =	stream.strided.scatter [tilespmem:s23], [sflag:$0x2], $0x4000, s22, s21, $0x38;
	[tilespmem:$0x1C700] =	vst v63  }
0x506: {  	_ =	swait.ge [sflag:s26], $0x4000  }
0x507: {  	[sflag:s26] =	ssyncset.done $0x0  }
0x508: {  	[sflag:s26] =	ssyncadd.s32 $0xFFFFC000  }
0x509: {  	[tilespmem:s23], [sflag:$0x3] =	stream.strided.gather [hbm4b:s17+s21], $0x4000, s22, s21, $0x38;
	[tilespmem:$0x1C700] =	vst v63  }
0x50a: {  	_ =	swait.ge [sflag:s24], $0x4000  }
0x50b: {  	[sflag:s24] =	ssyncset.done $0x0  }
0x50c: {  	[sflag:s24] =	ssyncadd.s32 $0xFFFFC000  }
0x50d: {  	_ =	swait.ge [sflag:s25], $0x18700  }
0x50e: {  	[sflag:s25] =	ssyncset.done $0x0  }
0x50f: {  	s29 =	simm.s32 $0x18740;
	[sflag:s25] =	ssyncadd.s32 $0xFFFE7900  }
0x510: {  	v0 =	vld [tilespmem:s29+$0x30]  }
0x511: {  	v1 =	vld [tilespmem:s29+$0xFFFFFFD0]  }
0x512: {  	v2 =	vld [tilespmem:s29+$0xFFFFFFE0]  }
0x513: {  	v3 =	vld [tilespmem:s29+$0xFFFFFFF0]  }
0x514: {  	v6 =	vld [tilespmem:s29+$0x0]  }
0x515: {  	v7 =	vld [tilespmem:s29+$0x10]  }
0x516: {  	v8 =	vld [tilespmem:s29+$0x20]  }
0x517: {  	v9 =	vld [tilespmem:s29+$0xFFFFFFC0]  }
0x518: {  	v10 =	vld.idx.msk [tilespmem:v0+s1+$0x0], $0xffff  }
0x519: {  	v11 =	vld.idx.msk [tilespmem:v1+s1+$0x0], $0xffff  }
0x51a: {  	v5 =	vld.idx.msk [tilespmem:v2+s1+$0x0], $0xffff  }
0x51b: {  	v4 =	vld.idx.msk [tilespmem:v3+s1+$0x0], $0xffff  }
0x51c: {  	v2 =	vld.idx.msk [tilespmem:v6+s1+$0x0], $0xffff  }
0x51d: {  	v1 =	vld.idx.msk [tilespmem:v7+s1+$0x0], $0xffff  }
0x51e: {  	v0 =	vld.idx.msk [tilespmem:v8+s1+$0x0], $0xffff;
	[tilespmem:s29+$0x30] =	vst v10  }
0x51f: {  	s30 =	simm.s32 $0x0;
	s31 =	simm.s32 $0x187C0;
	v3 =	vld.idx.msk [tilespmem:v9+s1+$0x0], $0xffff;
	[tilespmem:s29+$0xFFFFFFD0] =	vst v11  }
.LBB2_48:
0x520: {  	v6 =	vld [tilespmem:s31+$0x30];
	s30 =	sadd.s32 $0x80, s30;
	[tilespmem:s29+$0xFFFFFFE0] =	vst v5  }
0x521: {  	v5 =	vld [tilespmem:s31+$0xFFFFFFD0];
	p0 =	slt.u32 s30, $0x3F80;
	[tilespmem:s29+$0xFFFFFFF0] =	vst v4  }
0x522: {  	v4 =	vld [tilespmem:s31+$0xFFFFFFE0];
	[tilespmem:s29+$0x0] =	vst v2  }
0x523: {  	v2 =	vld [tilespmem:s31+$0xFFFFFFF0];
	[tilespmem:s29+$0x10] =	vst v1  }
0x524: {  	v1 =	vld [tilespmem:s31+$0x0];
	[tilespmem:s29+$0x20] =	vst v0  }
0x525: {  	v0 =	vld [tilespmem:s31+$0x10];
	[tilespmem:s29+$0xFFFFFFC0] =	vst v3;
	s29 =	smov.u32 s31  }
0x526: {  	v3 =	vld [tilespmem:s31+$0x20]  }
0x527: {  	v7 =	vld [tilespmem:s31+$0xFFFFFFC0]  }
0x528: {  	v6 =	vld.idx.msk [tilespmem:v6+s1+$0x0], $0xffff  }
0x529: {  	v8 =	vld.idx.msk [tilespmem:v5+s1+$0x0], $0xffff  }
0x52a: {  	v5 =	vld.idx.msk [tilespmem:v4+s1+$0x0], $0xffff  }
.Ltmp23:
0x52b: {  	v4 =	vld.idx.msk [tilespmem:v2+s1+$0x0], $0xffff;
	(pc) =	sbr.rel @p0 .LBB2_48-.Ltmp23, $4  }
0x52c: {  	v2 =	vld.idx.msk [tilespmem:v1+s1+$0x0], $0xffff  }
0x52d: {  	v1 =	vld.idx.msk [tilespmem:v0+s1+$0x0], $0xffff  }
0x52e: {  	v0 =	vld.idx.msk [tilespmem:v3+s1+$0x0], $0xffff;
	[tilespmem:s31+$0x30] =	vst v6  }
0x52f: {  	s31 =	sadd.s32 $0x80, s31;
	v3 =	vld.idx.msk [tilespmem:v7+s1+$0x0], $0xffff;
	[tilespmem:s29+$0xFFFFFFD0] =	vst v8  }
0x530: {  	[tilespmem:s29+$0xFFFFFFE0] =	vst v5  }
0x531: {  	[tilespmem:s29+$0xFFFFFFF0] =	vst v4  }
0x532: {  	[tilespmem:s29+$0x0] =	vst v2  }
0x533: {  	[tilespmem:s29+$0x10] =	vst v1  }
0x534: {  	[tilespmem:s29+$0x20] =	vst v0  }
0x535: {  	[tilespmem:s29+$0xFFFFFFC0] =	vst v3  }
0x536: {  	s29 =	rddreg [dreg:$0x1c]  }
0x537: {  	[tilespmem:s1], [sflag:$0x1] =	stream.strided.gather [hbm4b:s29+s21], $0x18700, s22, s21, $0x38;
	[tilespmem:$0x1C700] =	vst v63  }
0x538: {  	s29 =	sld [smem:$0x7F3];
	_ =	sdelay $0x2  }
0x539: {  	[hbm4b:s29+s21] =	stream.strided.scatter [tilespmem:s23], [sflag:$0x2], $0x4000, s22, s21, $0x38;
	[tilespmem:$0x1C700] =	vst v63  }
0x53a: {  	_ =	swait.ge [sflag:s26], $0x4000  }
0x53b: {  	[sflag:s26] =	ssyncset.done $0x0  }
0x53c: {  	[sflag:s26] =	ssyncadd.s32 $0xFFFFC000  }
0x53d: {  	[tilespmem:s23], [sflag:$0x3] =	stream.strided.gather [hbm4b:s18+s21], $0x4000, s22, s21, $0x38;
	[tilespmem:$0x1C700] =	vst v63  }
0x53e: {  	_ =	swait.ge [sflag:s24], $0x4000  }
0x53f: {  	[sflag:s24] =	ssyncset.done $0x0  }
0x540: {  	[sflag:s24] =	ssyncadd.s32 $0xFFFFC000  }
0x541: {  	_ =	swait.ge [sflag:s25], $0x18700  }
0x542: {  	[sflag:s25] =	ssyncset.done $0x0  }
0x543: {  	s29 =	simm.s32 $0x18740;
	[sflag:s25] =	ssyncadd.s32 $0xFFFE7900  }
0x544: {  	v0 =	vld [tilespmem:s29+$0x30]  }
0x545: {  	v1 =	vld [tilespmem:s29+$0xFFFFFFD0]  }
0x546: {  	v2 =	vld [tilespmem:s29+$0xFFFFFFE0]  }
0x547: {  	v3 =	vld [tilespmem:s29+$0xFFFFFFF0]  }
0x548: {  	v6 =	vld [tilespmem:s29+$0x0]  }
0x549: {  	v7 =	vld [tilespmem:s29+$0x10]  }
0x54a: {  	v8 =	vld [tilespmem:s29+$0x20]  }
0x54b: {  	v9 =	vld [tilespmem:s29+$0xFFFFFFC0]  }
0x54c: {  	v10 =	vld.idx.msk [tilespmem:v0+s1+$0x0], $0xffff  }
0x54d: {  	v11 =	vld.idx.msk [tilespmem:v1+s1+$0x0], $0xffff  }
0x54e: {  	v5 =	vld.idx.msk [tilespmem:v2+s1+$0x0], $0xffff  }
0x54f: {  	v4 =	vld.idx.msk [tilespmem:v3+s1+$0x0], $0xffff  }
0x550: {  	v2 =	vld.idx.msk [tilespmem:v6+s1+$0x0], $0xffff  }
0x551: {  	v1 =	vld.idx.msk [tilespmem:v7+s1+$0x0], $0xffff  }
0x552: {  	v0 =	vld.idx.msk [tilespmem:v8+s1+$0x0], $0xffff;
	[tilespmem:s29+$0x30] =	vst v10  }
0x553: {  	s30 =	simm.s32 $0x0;
	s31 =	simm.s32 $0x187C0;
	v3 =	vld.idx.msk [tilespmem:v9+s1+$0x0], $0xffff;
	[tilespmem:s29+$0xFFFFFFD0] =	vst v11  }
.LBB2_50:
0x554: {  	v6 =	vld [tilespmem:s31+$0x30];
	s30 =	sadd.s32 $0x80, s30;
	[tilespmem:s29+$0xFFFFFFE0] =	vst v5  }
0x555: {  	v5 =	vld [tilespmem:s31+$0xFFFFFFD0];
	p0 =	slt.u32 s30, $0x3F80;
	[tilespmem:s29+$0xFFFFFFF0] =	vst v4  }
0x556: {  	v4 =	vld [tilespmem:s31+$0xFFFFFFE0];
	[tilespmem:s29+$0x0] =	vst v2  }
0x557: {  	v2 =	vld [tilespmem:s31+$0xFFFFFFF0];
	[tilespmem:s29+$0x10] =	vst v1  }
0x558: {  	v1 =	vld [tilespmem:s31+$0x0];
	[tilespmem:s29+$0x20] =	vst v0  }
0x559: {  	v0 =	vld [tilespmem:s31+$0x10];
	[tilespmem:s29+$0xFFFFFFC0] =	vst v3;
	s29 =	smov.u32 s31  }
0x55a: {  	v3 =	vld [tilespmem:s31+$0x20]  }
0x55b: {  	v7 =	vld [tilespmem:s31+$0xFFFFFFC0]  }
0x55c: {  	v6 =	vld.idx.msk [tilespmem:v6+s1+$0x0], $0xffff  }
0x55d: {  	v8 =	vld.idx.msk [tilespmem:v5+s1+$0x0], $0xffff  }
0x55e: {  	v5 =	vld.idx.msk [tilespmem:v4+s1+$0x0], $0xffff  }
.Ltmp24:
0x55f: {  	v4 =	vld.idx.msk [tilespmem:v2+s1+$0x0], $0xffff;
	(pc) =	sbr.rel @p0 .LBB2_50-.Ltmp24, $4  }
0x560: {  	v2 =	vld.idx.msk [tilespmem:v1+s1+$0x0], $0xffff  }
0x561: {  	v1 =	vld.idx.msk [tilespmem:v0+s1+$0x0], $0xffff  }
0x562: {  	v0 =	vld.idx.msk [tilespmem:v3+s1+$0x0], $0xffff;
	[tilespmem:s31+$0x30] =	vst v6  }
0x563: {  	s31 =	sadd.s32 $0x80, s31;
	v3 =	vld.idx.msk [tilespmem:v7+s1+$0x0], $0xffff;
	[tilespmem:s29+$0xFFFFFFD0] =	vst v8  }
0x564: {  	[tilespmem:s29+$0xFFFFFFE0] =	vst v5  }
0x565: {  	[tilespmem:s29+$0xFFFFFFF0] =	vst v4  }
0x566: {  	[tilespmem:s29+$0x0] =	vst v2  }
0x567: {  	[tilespmem:s29+$0x10] =	vst v1  }
0x568: {  	[tilespmem:s29+$0x20] =	vst v0  }
0x569: {  	[tilespmem:s29+$0xFFFFFFC0] =	vst v3  }
0x56a: {  	s29 =	rddreg [dreg:$0x1d]  }
0x56b: {  	[tilespmem:s1], [sflag:$0x1] =	stream.strided.gather [hbm4b:s29+s21], $0x18700, s22, s21, $0x38;
	[tilespmem:$0x1C700] =	vst v63  }
0x56c: {  	s29 =	sld [smem:$0x7F4];
	_ =	sdelay $0x2  }
0x56d: {  	[hbm4b:s29+s21] =	stream.strided.scatter [tilespmem:s23], [sflag:$0x2], $0x4000, s22, s21, $0x38;
	[tilespmem:$0x1C700] =	vst v63  }
0x56e: {  	_ =	swait.ge [sflag:s26], $0x4000  }
0x56f: {  	[sflag:s26] =	ssyncset.done $0x0  }
0x570: {  	[sflag:s26] =	ssyncadd.s32 $0xFFFFC000  }
0x571: {  	[tilespmem:s23], [sflag:$0x3] =	stream.strided.gather [hbm4b:s19+s21], $0x4000, s22, s21, $0x38;
	[tilespmem:$0x1C700] =	vst v63  }
0x572: {  	_ =	swait.ge [sflag:s24], $0x4000  }
0x573: {  	[sflag:s24] =	ssyncset.done $0x0  }
0x574: {  	[sflag:s24] =	ssyncadd.s32 $0xFFFFC000  }
0x575: {  	_ =	swait.ge [sflag:s25], $0x18700  }
0x576: {  	[sflag:s25] =	ssyncset.done $0x0  }
0x577: {  	s29 =	simm.s32 $0x18740;
	[sflag:s25] =	ssyncadd.s32 $0xFFFE7900  }
0x578: {  	v0 =	vld [tilespmem:s29+$0x30]  }
0x579: {  	v1 =	vld [tilespmem:s29+$0xFFFFFFD0]  }
0x57a: {  	v2 =	vld [tilespmem:s29+$0xFFFFFFE0]  }
0x57b: {  	v3 =	vld [tilespmem:s29+$0xFFFFFFF0]  }
0x57c: {  	v6 =	vld [tilespmem:s29+$0x0]  }
0x57d: {  	v7 =	vld [tilespmem:s29+$0x10]  }
0x57e: {  	v8 =	vld [tilespmem:s29+$0x20]  }
0x57f: {  	v9 =	vld [tilespmem:s29+$0xFFFFFFC0]  }
0x580: {  	v10 =	vld.idx.msk [tilespmem:v0+s1+$0x0], $0xffff  }
0x581: {  	v11 =	vld.idx.msk [tilespmem:v1+s1+$0x0], $0xffff  }
0x582: {  	v5 =	vld.idx.msk [tilespmem:v2+s1+$0x0], $0xffff  }
0x583: {  	v4 =	vld.idx.msk [tilespmem:v3+s1+$0x0], $0xffff  }
0x584: {  	v2 =	vld.idx.msk [tilespmem:v6+s1+$0x0], $0xffff  }
0x585: {  	v1 =	vld.idx.msk [tilespmem:v7+s1+$0x0], $0xffff  }
0x586: {  	v0 =	vld.idx.msk [tilespmem:v8+s1+$0x0], $0xffff;
	[tilespmem:s29+$0x30] =	vst v10  }
0x587: {  	s30 =	simm.s32 $0x0;
	s31 =	simm.s32 $0x187C0;
	v3 =	vld.idx.msk [tilespmem:v9+s1+$0x0], $0xffff;
	[tilespmem:s29+$0xFFFFFFD0] =	vst v11  }
.LBB2_52:
0x588: {  	v6 =	vld [tilespmem:s31+$0x30];
	s30 =	sadd.s32 $0x80, s30;
	[tilespmem:s29+$0xFFFFFFE0] =	vst v5  }
0x589: {  	v5 =	vld [tilespmem:s31+$0xFFFFFFD0];
	p0 =	slt.u32 s30, $0x3F80;
	[tilespmem:s29+$0xFFFFFFF0] =	vst v4  }
0x58a: {  	v4 =	vld [tilespmem:s31+$0xFFFFFFE0];
	[tilespmem:s29+$0x0] =	vst v2  }
0x58b: {  	v2 =	vld [tilespmem:s31+$0xFFFFFFF0];
	[tilespmem:s29+$0x10] =	vst v1  }
0x58c: {  	v1 =	vld [tilespmem:s31+$0x0];
	[tilespmem:s29+$0x20] =	vst v0  }
0x58d: {  	v0 =	vld [tilespmem:s31+$0x10];
	[tilespmem:s29+$0xFFFFFFC0] =	vst v3;
	s29 =	smov.u32 s31  }
0x58e: {  	v3 =	vld [tilespmem:s31+$0x20]  }
0x58f: {  	v7 =	vld [tilespmem:s31+$0xFFFFFFC0]  }
0x590: {  	v6 =	vld.idx.msk [tilespmem:v6+s1+$0x0], $0xffff  }
0x591: {  	v8 =	vld.idx.msk [tilespmem:v5+s1+$0x0], $0xffff  }
0x592: {  	v5 =	vld.idx.msk [tilespmem:v4+s1+$0x0], $0xffff  }
.Ltmp25:
0x593: {  	v4 =	vld.idx.msk [tilespmem:v2+s1+$0x0], $0xffff;
	(pc) =	sbr.rel @p0 .LBB2_52-.Ltmp25, $4  }
0x594: {  	v2 =	vld.idx.msk [tilespmem:v1+s1+$0x0], $0xffff  }
0x595: {  	v1 =	vld.idx.msk [tilespmem:v0+s1+$0x0], $0xffff  }
0x596: {  	v0 =	vld.idx.msk [tilespmem:v3+s1+$0x0], $0xffff;
	[tilespmem:s31+$0x30] =	vst v6  }
0x597: {  	s31 =	sadd.s32 $0x80, s31;
	v3 =	vld.idx.msk [tilespmem:v7+s1+$0x0], $0xffff;
	[tilespmem:s29+$0xFFFFFFD0] =	vst v8  }
0x598: {  	[tilespmem:s29+$0xFFFFFFE0] =	vst v5  }
0x599: {  	[tilespmem:s29+$0xFFFFFFF0] =	vst v4  }
0x59a: {  	[tilespmem:s29+$0x0] =	vst v2  }
0x59b: {  	[tilespmem:s29+$0x10] =	vst v1  }
0x59c: {  	[tilespmem:s29+$0x20] =	vst v0  }
0x59d: {  	[tilespmem:s29+$0xFFFFFFC0] =	vst v3  }
0x59e: {  	s28 =	sadd.s32 $0x1, s28;
	s29 =	sld [smem:$0x7F6]  }
0x59f: {  	p0 =	sne.s32 s28, s20  }
.Ltmp26:
0x5a0: {  	_ = 	snop;
	(pc) =	sbr.rel @p0 .LBB2_1-.Ltmp26, $4  }
0x5a1: {  	[hbm4b:s29+s21] =	stream.strided.scatter [tilespmem:s23], [sflag:$0x2], $0x4000, s22, s21, $0x38;
	[tilespmem:$0x1C700] =	vst v63  }
0x5a2: {  	_ =	swait.ge [sflag:s26], $0x4000  }
0x5a3: {  	[sflag:s26] =	ssyncset.done $0x0  }
0x5a4: {  	[sflag:s26] =	ssyncadd.s32 $0xFFFFC000  }
0x5a5: {  	_ =	sfence.sel $0x180000  }
0x5a6: {  	[bflag:$0x0] =	sbarrier.arrive $0xFFFF  }
0x5a7: {  	_ =	strace $0x90000047  }
0x5a8: {  	s0 =	stileid.u32;
	[bflag:$0x2] =	sbarrier.arrive $0xFFFF  }
0x5a9: {  	p0 =	sne.s32 s0, $0x0;
	s0 =	rddreg [dreg:$0x3]  }
0x5aa: {  	s0 =	sadd.s32 @!p0 $0x100000, s0  }
0x5ab: {  	[sflag:s0] =	ssyncadd.tile.s32 @!p0 $0x1;
	_ =	shalt  }
.Lfunc_end2:
_tile_overlayer_lowered:
.L_overlay_start_2:
0x5ac: {  	(tag) =	ssettag $0x2  }
0x5ad: {  	s0 =	rddreg [dreg:$0x0];
	s2 =	stileid.u32  }
0x5ae: {  	s1 =	rddreg [dreg:$0x1];
	p0 =	sne.s32 s2, $0x0  }
0x5af: {  	s3 =	rddreg [dreg:$0x2];
	[bflag:$0x3] =	sbarrier.arrive $0xFFFF;
	s2 =	simm.s32 @!p0 $0x1C03  }
0x5b0: {  	[timem:s3], [sflag:s2] =	dma.local @!p0 [hbm:s0], s1  }
0x5b1: {  	s0 =	simm.s32 @!p0 $0x3  }
0x5b2: {  	_ =	swait.ge @!p0 [sflag:s0], s1  }
0x5b3: {  	s1 =	ssub.s32 @!p0 $0x0, s1;
	[sflag:s0] =	ssyncset.done @!p0 $0x0  }
0x5b4: {  	[sflag:s0] =	ssyncadd.s32 @!p0 s1  }
0x5b5: {  	[bflag:$0x3] =	sbarrier.arrive $0xFFFF  }
0x5b6: {  	_ =	shalt  }

</sc_bundles>
